<compile_context>
chip_gen: v7x
topology: tpu7x:2x2x1
jax: 0.10.2.dev20260603
libtpu: 0.0.44.dev20260713+nightly
codegen_flags: <defaults>
</compile_context>

<pallas_src>
import functools

import jax
import jax.numpy as jnp
from jax import lax
from jax.experimental import pallas as pl
from jax.experimental.pallas import tpu as pltpu
from jax.experimental.pallas import tpu_sc as plsc

N = 10000
IN_CH = 128
HID = 64
OUT_CH = 64
HEADS = 2

N_PAD = 10016
E = 320000
E_TOT = E + N
NT = 32
CH = 128
CPT = 81
E_PAD = NT * CPT * CH
NSUB = 16
NCORE = 2
RPS = N_PAD // NSUB
W1ROW = HEADS * HID + 16
W2ROW = OUT_CH + 16
EPS = 1e-16


def _ind_block(h, asd, heads):
    lane = lax.broadcasted_iota(jnp.int32, (h.shape[0], 16), 1)
    ind = jnp.where(lane < heads, 1.0, 0.0).astype(jnp.float32)
    for hh in range(heads):
        ind = jnp.where(lane == heads + hh, asd[:, hh:hh + 1], ind)
    return ind


def _tc1_body(x_ref, w_ref, am_ref, h_ref, a_ref):
    h = jnp.dot(x_ref[...], w_ref[...], preferred_element_type=jnp.float32)
    asd = jnp.dot(h, am_ref[...], preferred_element_type=jnp.float32)
    h_ref[...] = jnp.concatenate([h, _ind_block(h, asd, HEADS)], axis=1)
    a_ref[...] = asd[:, HEADS:]


def _tc1(x_pad, W1, am1):
    B = 2504
    grid = (N_PAD // B,)
    return pl.pallas_call(
        _tc1_body,
        grid=grid,
        in_specs=[
            pl.BlockSpec((B, IN_CH), lambda i: (i, 0)),
            pl.BlockSpec((IN_CH, HEADS * HID), lambda i: (0, 0)),
            pl.BlockSpec((HEADS * HID, 4), lambda i: (0, 0)),
        ],
        out_specs=[
            pl.BlockSpec((B, W1ROW), lambda i: (i, 0)),
            pl.BlockSpec((B, HEADS), lambda i: (i, 0)),
        ],
        out_shape=[
            jax.ShapeDtypeStruct((N_PAD, W1ROW), jnp.float32),
            jax.ShapeDtypeStruct((N_PAD, HEADS), jnp.float32),
        ],
    )(x_pad, W1, am1)


def _tc2_body(p_ref, b1_ref, w2_ref, am2_ref, h_ref, a_ref):
    p = p_ref[0] + p_ref[1]
    den0 = p[:, 2 * HID:2 * HID + 1]
    den1 = p[:, 2 * HID + 1:2 * HID + 2]
    z0 = p[:, :HID] / (den0 + EPS)
    z1 = p[:, HID:2 * HID] / (den1 + EPS)
    z = jnp.concatenate([z0, z1], axis=1) + b1_ref[...]
    z = jnp.maximum(z, 0.0)
    h2 = jnp.dot(z, w2_ref[...], preferred_element_type=jnp.float32)
    asd = jnp.dot(h2, am2_ref[...], preferred_element_type=jnp.float32)
    h_ref[...] = jnp.concatenate([h2, _ind_block(h2, asd, 1)], axis=1)
    a_ref[...] = asd[:, 1:]


def _tc2(parts1, b1_2d, W2, am2):
    B = 2504
    grid = (N_PAD // B,)
    return pl.pallas_call(
        _tc2_body,
        grid=grid,
        in_specs=[
            pl.BlockSpec((NCORE, B, W1ROW), lambda i: (0, i, 0)),
            pl.BlockSpec((1, HEADS * HID), lambda i: (0, 0)),
            pl.BlockSpec((HEADS * HID, OUT_CH), lambda i: (0, 0)),
            pl.BlockSpec((OUT_CH, 2), lambda i: (0, 0)),
        ],
        out_specs=[
            pl.BlockSpec((B, W2ROW), lambda i: (i, 0)),
            pl.BlockSpec((B, 1), lambda i: (i, 0)),
        ],
        out_shape=[
            jax.ShapeDtypeStruct((N_PAD, W2ROW), jnp.float32),
            jax.ShapeDtypeStruct((N_PAD, 1), jnp.float32),
        ],
    )(parts1, b1_2d, W2, am2)


def _tc3_body(p_ref, b2_ref, o_ref):
    p = p_ref[0] + p_ref[1]
    den = p[:, OUT_CH:OUT_CH + 1]
    o_ref[...] = p[:, :OUT_CH] / (den + EPS) + b2_ref[...]


def _tc3(parts2, b2_2d):
    B = 2000
    grid = (N // B,)
    return pl.pallas_call(
        _tc3_body,
        grid=grid,
        in_specs=[
            pl.BlockSpec((NCORE, B, W2ROW), lambda i: (0, i, 0)),
            pl.BlockSpec((1, OUT_CH), lambda i: (0, 0)),
        ],
        out_specs=pl.BlockSpec((B, OUT_CH), lambda i: (i, 0)),
        out_shape=jax.ShapeDtypeStruct((N, OUT_CH), jnp.float32),
    )(parts2, b2_2d)


def _make_sc(rw, heads):
    nvr = rw // 16
    nfv = (rw - 16) // (heads * 16)
    mesh = plsc.VectorSubcoreMesh(core_axis_name="c", subcore_axis_name="s",
                                  num_cores=NCORE, num_subcores=NSUB)

    @functools.partial(
        pl.kernel,
        out_type=jax.ShapeDtypeStruct((NCORE, N_PAD, rw), jnp.float32),
        mesh=mesh,
        compiler_params=pltpu.CompilerParams(needs_layout_passes=False,
                                             use_tc_tiling_on_sc=False),
        scratch_types=[
            pltpu.VMEM((N_PAD * heads,), jnp.float32),
            pltpu.VMEM((CH, rw), jnp.float32),
            pltpu.VMEM((CH,), jnp.int32),
            pltpu.VMEM((CH,), jnp.int32),
            pltpu.VMEM_SHARED((N_PAD, rw), jnp.float32),
            pltpu.SemaphoreType.DMA,
        ],
    )
    def sc_kernel(h_hbm, a_hbm, src_hbm, dst_hbm, out_hbm,
                  a_v, rows_v, sidx_v, didx_v, acc_sh, sem):
        c = lax.axis_index("c")
        s = lax.axis_index("s")
        gwid = c * NSUB + s
        zero16 = jnp.zeros((16,), jnp.float32)

        def zrow(r, carry):
            for j in range(nvr):
                rows_v[r, pl.ds(j * 16, 16)] = zero16
            return carry
        lax.fori_loop(0, CH, zrow, 0)
        for k in range(RPS // CH):
            pltpu.sync_copy(rows_v,
                            acc_sh.at[pl.ds(s * RPS + k * CH, CH)])
        rem = RPS % CH
        if rem:
            pltpu.sync_copy(
                rows_v.at[pl.ds(0, rem)],
                acc_sh.at[pl.ds(s * RPS + (RPS // CH) * CH, rem)])
        pltpu.sync_copy(a_hbm, a_v)
        plsc.subcore_barrier()

        iota = lax.iota(jnp.int32, 16)
        masks = [jnp.where(iota == hh, 1.0, 0.0).astype(jnp.float32)
                 for hh in range(heads)]
        ebase = gwid * (CPT * CH)

        def chunk(g, carry):
            base = ebase + g * CH
            pltpu.sync_copy(src_hbm.at[pl.ds(base, CH)], sidx_v)
            pltpu.sync_copy(dst_hbm.at[pl.ds(base, CH)], didx_v)
            pltpu.async_copy(h_hbm.at[sidx_v], rows_v, sem).wait()

            def group(gi, carry2):
                erow = jnp.full((16,), gi * 16, jnp.int32) + iota
                dv = didx_v[pl.ds(gi * 16, 16)] * heads
                exs = []
                for hh in range(heads):
                    col = jnp.full((16,), rw - 16 + heads + hh, jnp.int32)
                    al = (plsc.load_gather(rows_v, [erow, col])
                          + plsc.load_gather(a_v, [dv + hh]))
                    al = jnp.where(al >= 0.0, al, 0.2 * al)
                    exs.append(jnp.exp(al))
                for l in range(16):
                    e = gi * 16 + l
                    wv = [jnp.full((16,), exs[hh][l], jnp.float32)
                          for hh in range(heads)]
                    for hh in range(heads):
                        for j in range(nfv):
                            sl = pl.ds((hh * nfv + j) * 16, 16)
                            rows_v[e, sl] = rows_v[e, sl] * wv[hh]
                    wind = wv[0] * masks[0]
                    for hh in range(1, heads):
                        wind = wind + wv[hh] * masks[hh]
                    sl = pl.ds(rw - 16, 16)
                    rows_v[e, sl] = rows_v[e, sl] * wind
                return carry2
            lax.fori_loop(0, CH // 16, group, 0)

            pltpu.sync_copy(rows_v, acc_sh.at[didx_v], add=True)
            return carry
        lax.fori_loop(0, CPT, chunk, 0)

        plsc.subcore_barrier()
        pltpu.sync_copy(acc_sh.at[pl.ds(s * RPS, RPS)],
                        out_hbm.at[c, pl.ds(s * RPS, RPS)])

    return sc_kernel


@functools.lru_cache(maxsize=None)
def _get_sc(rw, heads):
    return _make_sc(rw, heads)


def kernel(x, edge_index, W1, att_src1, att_dst1, b1,
           W2, att_src2, att_dst2, b2):
    x_pad = jnp.zeros((N_PAD, IN_CH), jnp.float32).at[:N].set(x)
    ar = jnp.arange(N, dtype=jnp.int32)
    padi = N + (jnp.arange(E_PAD - E_TOT, dtype=jnp.int32) % 16)
    src = jnp.concatenate([edge_index[0], ar, padi])
    dst = jnp.concatenate([edge_index[1], ar, padi])

    z64 = jnp.zeros((HID,), jnp.float32)
    am1 = jnp.stack([
        jnp.concatenate([att_src1[0], z64]),
        jnp.concatenate([z64, att_src1[1]]),
        jnp.concatenate([att_dst1[0], z64]),
        jnp.concatenate([z64, att_dst1[1]]),
    ], axis=1)
    am2 = jnp.stack([att_src2[0], att_dst2[0]], axis=1)

    h1, a1 = _tc1(x_pad, W1, am1)
    parts1 = _get_sc(W1ROW, HEADS)(h1, a1.reshape(-1), src, dst)
    h2, a2 = _tc2(parts1, b1.reshape(1, HEADS * HID), W2, am2)
    parts2 = _get_sc(W2ROW, 1)(h2, a2.reshape(-1), src, dst)
    return _tc3(parts2, b2.reshape(1, OUT_CH))

# --- scband reference (transcript-rebuilt; emitter-appended) ---
"""Pipeline reference for scband-gat-net-72060961292399 (READ-ONLY COPY).

The authoritative reference and input builder live on the scoring server;
editing this copy changes nothing except your own understanding.
"""

import jax, jax.numpy as jnp
import numpy as np

N = 10000
E = 320000
IN_CH = 128
HID = 64
OUT_CH = 64
HEADS = 2


def _gat_conv(x, src, dst, W, att_src, att_dst, bias, heads, out_ch, concat):
    n = x.shape[0]
    h = (x @ W).reshape(n, heads, out_ch)
    a_s = jnp.sum(h * att_src[None, :, :], axis=-1)  # [n, heads]
    a_d = jnp.sum(h * att_dst[None, :, :], axis=-1)  # [n, heads]
    alpha = a_s[src] + a_d[dst]                      # [e, heads]
    alpha = jnp.where(alpha >= 0, alpha, 0.2 * alpha)  # leaky_relu(0.2)
    amax = jax.ops.segment_max(alpha, dst, num_segments=n)
    ex = jnp.exp(alpha - amax[dst])
    den = jax.ops.segment_sum(ex, dst, num_segments=n)
    coef = ex / (den[dst] + 1e-16)
    out = jax.ops.segment_sum(h[src] * coef[:, :, None], dst, num_segments=n)
    if concat:
        out = out.reshape(n, heads * out_ch)
    else:
        out = jnp.mean(out, axis=1)
    return out + bias


def setup_inputs(seed: int = 0):
    key = jax.random.key(seed)
    ks = jax.random.split(key, 12)
    x = jax.random.normal(ks[0], (N, IN_CH), dtype=jnp.float32)
    edge_index = jax.random.randint(ks[1], (2, E), 0, N, dtype=jnp.int32)
    s1 = 1.0 / np.sqrt(IN_CH)
    W1 = jax.random.normal(ks[2], (IN_CH, HEADS * HID), dtype=jnp.float32) * s1
    att_src1 = jax.random.normal(ks[3], (HEADS, HID), dtype=jnp.float32) * s1
    att_dst1 = jax.random.normal(ks[4], (HEADS, HID), dtype=jnp.float32) * s1
    b1 = jnp.zeros((HEADS * HID,), dtype=jnp.float32)
    s2 = 1.0 / np.sqrt(HEADS * HID)
    W2 = jax.random.normal(ks[5], (HEADS * HID, OUT_CH), dtype=jnp.float32) * s2
    att_src2 = jax.random.normal(ks[6], (1, OUT_CH), dtype=jnp.float32) * s2
    att_dst2 = jax.random.normal(ks[7], (1, OUT_CH), dtype=jnp.float32) * s2
    b2 = jnp.zeros((OUT_CH,), dtype=jnp.float32)
    return {"x": x, "edge_index": edge_index, "W1": W1, "att_src1": att_src1,
            "att_dst1": att_dst1, "b1": b1, "W2": W2, "att_src2": att_src2,
            "att_dst2": att_dst2, "b2": b2}


def reference(x, edge_index, W1, att_src1, att_dst1, b1, W2, att_src2, att_dst2, b2):
    # GATConv (PyG semantics): add self-loops, per-dst softmax attention.
    ar = jnp.arange(N, dtype=edge_index.dtype)
    src = jnp.concatenate([edge_index[0], ar])
    dst = jnp.concatenate([edge_index[1], ar])
    h = _gat_conv(x, src, dst, W1, att_src1, att_dst1, b1, HEADS, HID, True)
    h = jax.nn.relu(h)
    # F.dropout is identity in eval mode (training=False)
    out = _gat_conv(h, src, dst, W2, att_src2, att_dst2, b2, 1, OUT_CH, True)
    return out

if __name__ == "__main__":
    import jax
    _d = setup_inputs()
    print(jax.jit(kernel)(*tuple(_d.values())))

</pallas_src>

<mosaic_0001>
#map = affine_map<(d0, d1) -> (0, 0)>
#map1 = affine_map<(d0, d1) -> (0)>
#map2 = affine_map<(d0, d1) -> (0, 0, 0)>
module attributes {stable_mosaic.version = 14 : i64} {
  func.func @sc_kernel(%arg0: i32, %arg1: i32, %arg2: memref<10016x144xf32, #tpu.memory_space<hbm>>, %arg3: memref<20032xf32, #tpu.memory_space<hbm>>, %arg4: memref<331776xi32, #tpu.memory_space<hbm>>, %arg5: memref<331776xi32, #tpu.memory_space<hbm>>, %arg6: memref<2x10016x144xf32, #tpu.memory_space<hbm>>, %arg7: memref<20032xf32, #tpu.memory_space<vmem>>, %arg8: memref<128x144xf32, #tpu.memory_space<vmem>>, %arg9: memref<128xi32, #tpu.memory_space<vmem>>, %arg10: memref<128xi32, #tpu.memory_space<vmem>>, %arg11: memref<10016x144xf32, #tpu.memory_space<vmem_shared>>, %arg12: memref<!tpu.dma_semaphore, #tpu.memory_space<semaphore_mem>>) attributes {dimension_semantics = [#tpu.dimension_semantics<core_parallel>, #tpu.dimension_semantics<subcore_parallel>], iteration_bounds = array<i64: 2, 16>, scalar_prefetch = 0 : i64, scratch_operands = 6 : i64, tpu.core_type = #tpu.core_type<sc_vector_subcore>, window_params = [{transform_indices = #map}, {transform_indices = #map1}, {transform_indices = #map1}, {transform_indices = #map1}, {transform_indices = #map2}]} {
    %mul3A = arith.constant 16 : i32
    %mul3A_0 = arith.muli %arg0, %mul3A : i32
    %add3A = arith.addi %mul3A_0, %arg1 : i32
    %broadcast_in_dim3A = arith.constant 0.000000e+00 : f32
    %broadcast_in_dim3A_1 = vector.broadcast %broadcast_in_dim3A : f32 to vector<16xf32>
    %scan3A = arith.constant 0 : i32
    %scan3A_2 = arith.constant 0 : i32
    %scan3A_3 = arith.constant 128 : i32
    %scan3A_4 = arith.addi %scan3A_2, %scan3A_3 : i32
    %scan3A_5 = arith.constant 1 : i32
    scf.for %scan3A_53 = %scan3A_2 to %scan3A_4 step %scan3A_5  : i32 {
      %swap3A = arith.index_cast %scan3A_53 : i32 to index
      %swap3A_54 = arith.constant 0 : index
      %swap3A_55 = tpu.vector_load %arg8[%swap3A, %swap3A_54] {strides = array<i32>} : memref<128x144xf32, #tpu.memory_space<vmem>>, vector<16xf32>,
      tpu.vector_store %arg8[%swap3A, %swap3A_54], %broadcast_in_dim3A_1 {strides = array<i32>} : memref<128x144xf32, #tpu.memory_space<vmem>>, vector<16xf32>,
      %swap3A_56 = arith.index_cast %scan3A_53 : i32 to index
      %swap3A_57 = arith.constant 16 : index
      %swap3A_58 = tpu.vector_load %arg8[%swap3A_56, %swap3A_57] {strides = array<i32>} : memref<128x144xf32, #tpu.memory_space<vmem>>, vector<16xf32>,
      tpu.vector_store %arg8[%swap3A_56, %swap3A_57], %broadcast_in_dim3A_1 {strides = array<i32>} : memref<128x144xf32, #tpu.memory_space<vmem>>, vector<16xf32>,
      %swap3A_59 = arith.index_cast %scan3A_53 : i32 to index
      %swap3A_60 = arith.constant 32 : index
      %swap3A_61 = tpu.vector_load %arg8[%swap3A_59, %swap3A_60] {strides = array<i32>} : memref<128x144xf32, #tpu.memory_space<vmem>>, vector<16xf32>,
      tpu.vector_store %arg8[%swap3A_59, %swap3A_60], %broadcast_in_dim3A_1 {strides = array<i32>} : memref<128x144xf32, #tpu.memory_space<vmem>>, vector<16xf32>,
      %swap3A_62 = arith.index_cast %scan3A_53 : i32 to index
      %swap3A_63 = arith.constant 48 : index
      %swap3A_64 = tpu.vector_load %arg8[%swap3A_62, %swap3A_63] {strides = array<i32>} : memref<128x144xf32, #tpu.memory_space<vmem>>, vector<16xf32>,
      tpu.vector_store %arg8[%swap3A_62, %swap3A_63], %broadcast_in_dim3A_1 {strides = array<i32>} : memref<128x144xf32, #tpu.memory_space<vmem>>, vector<16xf32>,
      %swap3A_65 = arith.index_cast %scan3A_53 : i32 to index
      %swap3A_66 = arith.constant 64 : index
      %swap3A_67 = tpu.vector_load %arg8[%swap3A_65, %swap3A_66] {strides = array<i32>} : memref<128x144xf32, #tpu.memory_space<vmem>>, vector<16xf32>,
      tpu.vector_store %arg8[%swap3A_65, %swap3A_66], %broadcast_in_dim3A_1 {strides = array<i32>} : memref<128x144xf32, #tpu.memory_space<vmem>>, vector<16xf32>,
      %swap3A_68 = arith.index_cast %scan3A_53 : i32 to index
      %swap3A_69 = arith.constant 80 : index
      %swap3A_70 = tpu.vector_load %arg8[%swap3A_68, %swap3A_69] {strides = array<i32>} : memref<128x144xf32, #tpu.memory_space<vmem>>, vector<16xf32>,
      tpu.vector_store %arg8[%swap3A_68, %swap3A_69], %broadcast_in_dim3A_1 {strides = array<i32>} : memref<128x144xf32, #tpu.memory_space<vmem>>, vector<16xf32>,
      %swap3A_71 = arith.index_cast %scan3A_53 : i32 to index
      %swap3A_72 = arith.constant 96 : index
      %swap3A_73 = tpu.vector_load %arg8[%swap3A_71, %swap3A_72] {strides = array<i32>} : memref<128x144xf32, #tpu.memory_space<vmem>>, vector<16xf32>,
      tpu.vector_store %arg8[%swap3A_71, %swap3A_72], %broadcast_in_dim3A_1 {strides = array<i32>} : memref<128x144xf32, #tpu.memory_space<vmem>>, vector<16xf32>,
      %swap3A_74 = arith.index_cast %scan3A_53 : i32 to index
      %swap3A_75 = arith.constant 112 : index
      %swap3A_76 = tpu.vector_load %arg8[%swap3A_74, %swap3A_75] {strides = array<i32>} : memref<128x144xf32, #tpu.memory_space<vmem>>, vector<16xf32>,
      tpu.vector_store %arg8[%swap3A_74, %swap3A_75], %broadcast_in_dim3A_1 {strides = array<i32>} : memref<128x144xf32, #tpu.memory_space<vmem>>, vector<16xf32>,
      %swap3A_77 = arith.index_cast %scan3A_53 : i32 to index
      %swap3A_78 = arith.constant 128 : index
      %swap3A_79 = tpu.vector_load %arg8[%swap3A_77, %swap3A_78] {strides = array<i32>} : memref<128x144xf32, #tpu.memory_space<vmem>>, vector<16xf32>,
      tpu.vector_store %arg8[%swap3A_77, %swap3A_78], %broadcast_in_dim3A_1 {strides = array<i32>} : memref<128x144xf32, #tpu.memory_space<vmem>>, vector<16xf32>,
    }
    %scan3A_6 = arith.constant 128 : i32
    %mul3A_7 = arith.constant 626 : i32
    %mul3A_8 = arith.muli %arg1, %mul3A_7 : i32
    %add3A_9 = arith.constant 0 : i32
    %add3A_10 = arith.addi %mul3A_8, %add3A_9 : i32
    "tpu.region"() ({
      %run_scoped3A = tpu.sem_alloc : memref<!tpu.dma_semaphore, #tpu.memory_space<semaphore_mem>>
      %dma_start3A = arith.constant 0 : i32
      %dma_start3A_53 = tpu.memref_slice %arg11[%add3A_10, %dma_start3A] : memref<10016x144xf32, #tpu.memory_space<vmem_shared>> -> memref<128x144xf32, #tpu.memory_space<vmem_shared>>
      %dma_start3A_54 = arith.constant 0 : i32
      %dma_start3A_55 = tpu.memref_slice %arg11[%add3A_10, %dma_start3A_54] : memref<10016x144xf32, #tpu.memory_space<vmem_shared>> -> memref<128x144xf32, #tpu.memory_space<vmem_shared>>
      tpu.enqueue_dma source(%arg8 : memref<128x144xf32, #tpu.memory_space<vmem>>) target(%dma_start3A_55 : memref<128x144xf32, #tpu.memory_space<vmem_shared>>) target_semaphore(%run_scoped3A : memref<!tpu.dma_semaphore, #tpu.memory_space<semaphore_mem>>)
      %dma_wait3A = arith.constant 0 : i32
      %dma_wait3A_56 = tpu.memref_slice %arg11[%add3A_10, %dma_wait3A] : memref<10016x144xf32, #tpu.memory_space<vmem_shared>> -> memref<128x144xf32, #tpu.memory_space<vmem_shared>>
      %dma_wait3A_57 = arith.constant 0 : i32
      %dma_wait3A_58 = tpu.memref_slice %arg11[%add3A_10, %dma_wait3A_57] : memref<10016x144xf32, #tpu.memory_space<vmem_shared>> -> memref<128x144xf32, #tpu.memory_space<vmem_shared>>
      tpu.wait_dma2 semaphore(%run_scoped3A : memref<!tpu.dma_semaphore, #tpu.memory_space<semaphore_mem>>) src(%arg8 : memref<128x144xf32, #tpu.memory_space<vmem>>) dst(%dma_wait3A_58 : memref<128x144xf32, #tpu.memory_space<vmem_shared>>)
      tpu.yield
    }) : () -> ()
    %mul3A_11 = arith.constant 626 : i32
    %mul3A_12 = arith.muli %arg1, %mul3A_11 : i32
    %add3A_13 = arith.constant 128 : i32
    %add3A_14 = arith.addi %mul3A_12, %add3A_13 : i32
    "tpu.region"() ({
      %run_scoped3A = tpu.sem_alloc : memref<!tpu.dma_semaphore, #tpu.memory_space<semaphore_mem>>
      %dma_start3A = arith.constant 0 : i32
      %dma_start3A_53 = tpu.memref_slice %arg11[%add3A_14, %dma_start3A] : memref<10016x144xf32, #tpu.memory_space<vmem_shared>> -> memref<128x144xf32, #tpu.memory_space<vmem_shared>>
      %dma_start3A_54 = arith.constant 0 : i32
      %dma_start3A_55 = tpu.memref_slice %arg11[%add3A_14, %dma_start3A_54] : memref<10016x144xf32, #tpu.memory_space<vmem_shared>> -> memref<128x144xf32, #tpu.memory_space<vmem_shared>>
      tpu.enqueue_dma source(%arg8 : memref<128x144xf32, #tpu.memory_space<vmem>>) target(%dma_start3A_55 : memref<128x144xf32, #tpu.memory_space<vmem_shared>>) target_semaphore(%run_scoped3A : memref<!tpu.dma_semaphore, #tpu.memory_space<semaphore_mem>>)
      %dma_wait3A = arith.constant 0 : i32
      %dma_wait3A_56 = tpu.memref_slice %arg11[%add3A_14, %dma_wait3A] : memref<10016x144xf32, #tpu.memory_space<vmem_shared>> -> memref<128x144xf32, #tpu.memory_space<vmem_shared>>
      %dma_wait3A_57 = arith.constant 0 : i32
      %dma_wait3A_58 = tpu.memref_slice %arg11[%add3A_14, %dma_wait3A_57] : memref<10016x144xf32, #tpu.memory_space<vmem_shared>> -> memref<128x144xf32, #tpu.memory_space<vmem_shared>>
      tpu.wait_dma2 semaphore(%run_scoped3A : memref<!tpu.dma_semaphore, #tpu.memory_space<semaphore_mem>>) src(%arg8 : memref<128x144xf32, #tpu.memory_space<vmem>>) dst(%dma_wait3A_58 : memref<128x144xf32, #tpu.memory_space<vmem_shared>>)
      tpu.yield
    }) : () -> ()
    %mul3A_15 = arith.constant 626 : i32
    %mul3A_16 = arith.muli %arg1, %mul3A_15 : i32
    %add3A_17 = arith.constant 256 : i32
    %add3A_18 = arith.addi %mul3A_16, %add3A_17 : i32
    "tpu.region"() ({
      %run_scoped3A = tpu.sem_alloc : memref<!tpu.dma_semaphore, #tpu.memory_space<semaphore_mem>>
      %dma_start3A = arith.constant 0 : i32
      %dma_start3A_53 = tpu.memref_slice %arg11[%add3A_18, %dma_start3A] : memref<10016x144xf32, #tpu.memory_space<vmem_shared>> -> memref<128x144xf32, #tpu.memory_space<vmem_shared>>
      %dma_start3A_54 = arith.constant 0 : i32
      %dma_start3A_55 = tpu.memref_slice %arg11[%add3A_18, %dma_start3A_54] : memref<10016x144xf32, #tpu.memory_space<vmem_shared>> -> memref<128x144xf32, #tpu.memory_space<vmem_shared>>
      tpu.enqueue_dma source(%arg8 : memref<128x144xf32, #tpu.memory_space<vmem>>) target(%dma_start3A_55 : memref<128x144xf32, #tpu.memory_space<vmem_shared>>) target_semaphore(%run_scoped3A : memref<!tpu.dma_semaphore, #tpu.memory_space<semaphore_mem>>)
      %dma_wait3A = arith.constant 0 : i32
      %dma_wait3A_56 = tpu.memref_slice %arg11[%add3A_18, %dma_wait3A] : memref<10016x144xf32, #tpu.memory_space<vmem_shared>> -> memref<128x144xf32, #tpu.memory_space<vmem_shared>>
      %dma_wait3A_57 = arith.constant 0 : i32
      %dma_wait3A_58 = tpu.memref_slice %arg11[%add3A_18, %dma_wait3A_57] : memref<10016x144xf32, #tpu.memory_space<vmem_shared>> -> memref<128x144xf32, #tpu.memory_space<vmem_shared>>
      tpu.wait_dma2 semaphore(%run_scoped3A : memref<!tpu.dma_semaphore, #tpu.memory_space<semaphore_mem>>) src(%arg8 : memref<128x144xf32, #tpu.memory_space<vmem>>) dst(%dma_wait3A_58 : memref<128x144xf32, #tpu.memory_space<vmem_shared>>)
      tpu.yield
    }) : () -> ()
    %mul3A_19 = arith.constant 626 : i32
    %mul3A_20 = arith.muli %arg1, %mul3A_19 : i32
    %add3A_21 = arith.constant 384 : i32
    %add3A_22 = arith.addi %mul3A_20, %add3A_21 : i32
    "tpu.region"() ({
      %run_scoped3A = tpu.sem_alloc : memref<!tpu.dma_semaphore, #tpu.memory_space<semaphore_mem>>
      %dma_start3A = arith.constant 0 : i32
      %dma_start3A_53 = tpu.memref_slice %arg11[%add3A_22, %dma_start3A] : memref<10016x144xf32, #tpu.memory_space<vmem_shared>> -> memref<128x144xf32, #tpu.memory_space<vmem_shared>>
      %dma_start3A_54 = arith.constant 0 : i32
      %dma_start3A_55 = tpu.memref_slice %arg11[%add3A_22, %dma_start3A_54] : memref<10016x144xf32, #tpu.memory_space<vmem_shared>> -> memref<128x144xf32, #tpu.memory_space<vmem_shared>>
      tpu.enqueue_dma source(%arg8 : memref<128x144xf32, #tpu.memory_space<vmem>>) target(%dma_start3A_55 : memref<128x144xf32, #tpu.memory_space<vmem_shared>>) target_semaphore(%run_scoped3A : memref<!tpu.dma_semaphore, #tpu.memory_space<semaphore_mem>>)
      %dma_wait3A = arith.constant 0 : i32
      %dma_wait3A_56 = tpu.memref_slice %arg11[%add3A_22, %dma_wait3A] : memref<10016x144xf32, #tpu.memory_space<vmem_shared>> -> memref<128x144xf32, #tpu.memory_space<vmem_shared>>
      %dma_wait3A_57 = arith.constant 0 : i32
      %dma_wait3A_58 = tpu.memref_slice %arg11[%add3A_22, %dma_wait3A_57] : memref<10016x144xf32, #tpu.memory_space<vmem_shared>> -> memref<128x144xf32, #tpu.memory_space<vmem_shared>>
      tpu.wait_dma2 semaphore(%run_scoped3A : memref<!tpu.dma_semaphore, #tpu.memory_space<semaphore_mem>>) src(%arg8 : memref<128x144xf32, #tpu.memory_space<vmem>>) dst(%dma_wait3A_58 : memref<128x144xf32, #tpu.memory_space<vmem_shared>>)
      tpu.yield
    }) : () -> ()
    %mul3A_23 = arith.constant 626 : i32
    %mul3A_24 = arith.muli %arg1, %mul3A_23 : i32
    %add3A_25 = arith.constant 512 : i32
    %add3A_26 = arith.addi %mul3A_24, %add3A_25 : i32
    "tpu.region"() ({
      %run_scoped3A = tpu.sem_alloc : memref<!tpu.dma_semaphore, #tpu.memory_space<semaphore_mem>>
      %dma_start3A = arith.constant 0 : i32
      %dma_start3A_53 = arith.constant 0 : i32
      %dma_start3A_54 = tpu.memref_slice %arg8[%dma_start3A, %dma_start3A_53] : memref<128x144xf32, #tpu.memory_space<vmem>> -> memref<114x144xf32, #tpu.memory_space<vmem>>
      %dma_start3A_55 = arith.constant 0 : i32
      %dma_start3A_56 = tpu.memref_slice %arg11[%add3A_26, %dma_start3A_55] : memref<10016x144xf32, #tpu.memory_space<vmem_shared>> -> memref<114x144xf32, #tpu.memory_space<vmem_shared>>
      %dma_start3A_57 = arith.constant 0 : i32
      %dma_start3A_58 = tpu.memref_slice %arg11[%add3A_26, %dma_start3A_57] : memref<10016x144xf32, #tpu.memory_space<vmem_shared>> -> memref<114x144xf32, #tpu.memory_space<vmem_shared>>
      %dma_start3A_59 = arith.constant 0 : i32
      %dma_start3A_60 = arith.constant 0 : i32
      %dma_start3A_61 = tpu.memref_slice %arg8[%dma_start3A_59, %dma_start3A_60] : memref<128x144xf32, #tpu.memory_space<vmem>> -> memref<114x144xf32, #tpu.memory_space<vmem>>
      tpu.enqueue_dma source(%dma_start3A_61 : memref<114x144xf32, #tpu.memory_space<vmem>>) target(%dma_start3A_58 : memref<114x144xf32, #tpu.memory_space<vmem_shared>>) target_semaphore(%run_scoped3A : memref<!tpu.dma_semaphore, #tpu.memory_space<semaphore_mem>>)
      %dma_wait3A = arith.constant 0 : i32
      %dma_wait3A_62 = arith.constant 0 : i32
      %dma_wait3A_63 = tpu.memref_slice %arg8[%dma_wait3A, %dma_wait3A_62] : memref<128x144xf32, #tpu.memory_space<vmem>> -> memref<114x144xf32, #tpu.memory_space<vmem>>
      %dma_wait3A_64 = arith.constant 0 : i32
      %dma_wait3A_65 = tpu.memref_slice %arg11[%add3A_26, %dma_wait3A_64] : memref<10016x144xf32, #tpu.memory_space<vmem_shared>> -> memref<114x144xf32, #tpu.memory_space<vmem_shared>>
      %dma_wait3A_66 = arith.constant 0 : i32
      %dma_wait3A_67 = tpu.memref_slice %arg11[%add3A_26, %dma_wait3A_66] : memref<10016x144xf32, #tpu.memory_space<vmem_shared>> -> memref<114x144xf32, #tpu.memory_space<vmem_shared>>
      %dma_wait3A_68 = arith.constant 0 : i32
      %dma_wait3A_69 = arith.constant 0 : i32
      %dma_wait3A_70 = tpu.memref_slice %arg8[%dma_wait3A_68, %dma_wait3A_69] : memref<128x144xf32, #tpu.memory_space<vmem>> -> memref<114x144xf32, #tpu.memory_space<vmem>>
      tpu.wait_dma2 semaphore(%run_scoped3A : memref<!tpu.dma_semaphore, #tpu.memory_space<semaphore_mem>>) src(%dma_wait3A_70 : memref<114x144xf32, #tpu.memory_space<vmem>>) dst(%dma_wait3A_67 : memref<114x144xf32, #tpu.memory_space<vmem_shared>>)
      tpu.yield
    }) : () -> ()
    "tpu.region"() ({
      %run_scoped3A = tpu.sem_alloc : memref<!tpu.dma_semaphore, #tpu.memory_space<semaphore_mem>>
      tpu.enqueue_dma source(%arg3 : memref<20032xf32, #tpu.memory_space<hbm>>) target(%arg7 : memref<20032xf32, #tpu.memory_space<vmem>>) target_semaphore(%run_scoped3A : memref<!tpu.dma_semaphore, #tpu.memory_space<semaphore_mem>>)
      tpu.wait_dma2 semaphore(%run_scoped3A : memref<!tpu.dma_semaphore, #tpu.memory_space<semaphore_mem>>) src(%arg3 : memref<20032xf32, #tpu.memory_space<hbm>>) dst(%arg7 : memref<20032xf32, #tpu.memory_space<vmem>>)
      tpu.yield
    }) : () -> ()
    %barrier3A = arith.constant 0 : index
    tpu.barrier barrier_id(%barrier3A)
    %iota3A = tpu.iota {dimensions = array<i32: 0>} : vector<16xi32>
    %eq3A = arith.constant 0 : i32
    %eq3A_27 = vector.broadcast %eq3A : i32 to vector<16xi32>
    %eq3A_28 = arith.cmpi eq, %iota3A, %eq3A_27 : vector<16xi32>
    %jit3A = arith.constant 1.000000e+00 : f32
    %jit3A_29 = arith.constant 0.000000e+00 : f32
    %broadcast_in_dim3A_30 = vector.broadcast %jit3A : f32 to vector<16xf32>
    %broadcast_in_dim3A_31 = vector.broadcast %jit3A_29 : f32 to vector<16xf32>
    %select_n3A = arith.select %eq3A_28, %broadcast_in_dim3A_30, %broadcast_in_dim3A_31 : vector<16xi1>, vector<16xf32>
    %eq3A_32 = arith.constant 1 : i32
    %eq3A_33 = vector.broadcast %eq3A_32 : i32 to vector<16xi32>
    %eq3A_34 = arith.cmpi eq, %iota3A, %eq3A_33 : vector<16xi32>
    %jit3A_35 = arith.constant 1.000000e+00 : f32
    %jit3A_36 = arith.constant 0.000000e+00 : f32
    %broadcast_in_dim3A_37 = vector.broadcast %jit3A_35 : f32 to vector<16xf32>
    %broadcast_in_dim3A_38 = vector.broadcast %jit3A_36 : f32 to vector<16xf32>
    %select_n3A_39 = arith.select %eq3A_34, %broadcast_in_dim3A_37, %broadcast_in_dim3A_38 : vector<16xi1>, vector<16xf32>
    %mul3A_40 = arith.constant 10368 : i32
    %mul3A_41 = arith.muli %add3A, %mul3A_40 : i32
    %scan3A_42 = arith.constant 0 : i32
    %scan3A_43 = arith.constant 0 : i32
    %scan3A_44 = arith.constant 81 : i32
    %scan3A_45 = arith.addi %scan3A_43, %scan3A_44 : i32
    %scan3A_46 = arith.constant 1 : i32
    scf.for %scan3A_53 = %scan3A_43 to %scan3A_45 step %scan3A_46  : i32 {
      %mul3A_54 = arith.constant 128 : i32
      %mul3A_55 = arith.muli %scan3A_53, %mul3A_54 : i32
      %add3A_56 = arith.addi %mul3A_41, %mul3A_55 : i32
      "tpu.region"() ({
        %run_scoped3A = tpu.sem_alloc : memref<!tpu.dma_semaphore, #tpu.memory_space<semaphore_mem>>
        %dma_start3A_67 = tpu.memref_slice %arg4[%add3A_56] : memref<331776xi32, #tpu.memory_space<hbm>> -> memref<128xi32, #tpu.memory_space<hbm>>
        %dma_start3A_68 = tpu.memref_slice %arg4[%add3A_56] : memref<331776xi32, #tpu.memory_space<hbm>> -> memref<128xi32, #tpu.memory_space<hbm>>
        tpu.enqueue_dma source(%dma_start3A_68 : memref<128xi32, #tpu.memory_space<hbm>>) target(%arg9 : memref<128xi32, #tpu.memory_space<vmem>>) target_semaphore(%run_scoped3A : memref<!tpu.dma_semaphore, #tpu.memory_space<semaphore_mem>>)
        %dma_wait3A_69 = tpu.memref_slice %arg4[%add3A_56] : memref<331776xi32, #tpu.memory_space<hbm>> -> memref<128xi32, #tpu.memory_space<hbm>>
        %dma_wait3A_70 = tpu.memref_slice %arg4[%add3A_56] : memref<331776xi32, #tpu.memory_space<hbm>> -> memref<128xi32, #tpu.memory_space<hbm>>
        tpu.wait_dma2 semaphore(%run_scoped3A : memref<!tpu.dma_semaphore, #tpu.memory_space<semaphore_mem>>) src(%dma_wait3A_70 : memref<128xi32, #tpu.memory_space<hbm>>) dst(%arg9 : memref<128xi32, #tpu.memory_space<vmem>>)
        tpu.yield
      }) : () -> ()
      "tpu.region"() ({
        %run_scoped3A = tpu.sem_alloc : memref<!tpu.dma_semaphore, #tpu.memory_space<semaphore_mem>>
        %dma_start3A_67 = tpu.memref_slice %arg5[%add3A_56] : memref<331776xi32, #tpu.memory_space<hbm>> -> memref<128xi32, #tpu.memory_space<hbm>>
        %dma_start3A_68 = tpu.memref_slice %arg5[%add3A_56] : memref<331776xi32, #tpu.memory_space<hbm>> -> memref<128xi32, #tpu.memory_space<hbm>>
        tpu.enqueue_dma source(%dma_start3A_68 : memref<128xi32, #tpu.memory_space<hbm>>) target(%arg10 : memref<128xi32, #tpu.memory_space<vmem>>) target_semaphore(%run_scoped3A : memref<!tpu.dma_semaphore, #tpu.memory_space<semaphore_mem>>)
        %dma_wait3A_69 = tpu.memref_slice %arg5[%add3A_56] : memref<331776xi32, #tpu.memory_space<hbm>> -> memref<128xi32, #tpu.memory_space<hbm>>
        %dma_wait3A_70 = tpu.memref_slice %arg5[%add3A_56] : memref<331776xi32, #tpu.memory_space<hbm>> -> memref<128xi32, #tpu.memory_space<hbm>>
        tpu.wait_dma2 semaphore(%run_scoped3A : memref<!tpu.dma_semaphore, #tpu.memory_space<semaphore_mem>>) src(%dma_wait3A_70 : memref<128xi32, #tpu.memory_space<hbm>>) dst(%arg10 : memref<128xi32, #tpu.memory_space<vmem>>)
        tpu.yield
      }) : () -> ()
      %dma_start3A = arith.constant 0 : i32
      %dma_start3A_57 = arith.constant 0 : i32
      %dma_start3A_58 = tpu.memref_slice %arg2[%dma_start3A, %dma_start3A_57] : memref<10016x144xf32, #tpu.memory_space<hbm>> -> memref<10016x144xf32, #tpu.memory_space<hbm>>
      tpu.enqueue_indirect_dma source(%dma_start3A_58 : memref<10016x144xf32, #tpu.memory_space<hbm>>) target(%arg8 : memref<128x144xf32, #tpu.memory_space<vmem>>) offsets(%arg9 : memref<128xi32, #tpu.memory_space<vmem>>) semaphore(%arg12 : memref<!tpu.dma_semaphore, #tpu.memory_space<semaphore_mem>>)
      %dma_wait3A = arith.constant 0 : i32
      %dma_wait3A_59 = arith.constant 0 : i32
      %dma_wait3A_60 = tpu.memref_slice %arg2[%dma_wait3A, %dma_wait3A_59] : memref<10016x144xf32, #tpu.memory_space<hbm>> -> memref<10016x144xf32, #tpu.memory_space<hbm>>
      tpu.wait_indirect_dma semaphore(%arg12 : memref<!tpu.dma_semaphore, #tpu.memory_space<semaphore_mem>>) src(%dma_wait3A_60 : memref<10016x144xf32, #tpu.memory_space<hbm>>) dst(%arg8 : memref<128x144xf32, #tpu.memory_space<vmem>>)
      %scan3A_61 = arith.constant 0 : i32
      %scan3A_62 = arith.constant 0 : i32
      %scan3A_63 = arith.constant 8 : i32
      %scan3A_64 = arith.addi %scan3A_62, %scan3A_63 : i32
      %scan3A_65 = arith.constant 1 : i32
      scf.for %scan3A_67 = %scan3A_62 to %scan3A_64 step %scan3A_65  : i32 {
        %mul3A_68 = arith.constant 16 : i32
        %mul3A_69 = arith.muli %scan3A_67, %mul3A_68 : i32
        %broadcast_in_dim3A_70 = vector.broadcast %mul3A_69 : i32 to vector<16xi32>
        %add3A_71 = arith.addi %broadcast_in_dim3A_70, %iota3A : vector<16xi32>
        %mul3A_72 = arith.constant 16 : i32
        %mul3A_73 = arith.muli %scan3A_67, %mul3A_72 : i32
        %get3A = arith.index_cast %mul3A_73 : i32 to index
        %get3A_74 = tpu.vector_load %arg10[%get3A] {strides = array<i32>} : memref<128xi32, #tpu.memory_space<vmem>>, vector<16xi32>,
        %mul3A_75 = arith.constant 2 : i32
        %mul3A_76 = vector.broadcast %mul3A_75 : i32 to vector<16xi32>
        %mul3A_77 = arith.muli %get3A_74, %mul3A_76 : vector<16xi32>
        %broadcast_in_dim3A_78 = arith.constant 130 : i32
        %broadcast_in_dim3A_79 = vector.broadcast %broadcast_in_dim3A_78 : i32 to vector<16xi32>
        %gather3A = tpu.vector_load_idx %arg8[%add3A_71, %broadcast_in_dim3A_79] : memref<128x144xf32, #tpu.memory_space<vmem>>[vector<16xi32>, vector<16xi32>], vector<16xf32>,
        %add3A_80 = arith.constant 0 : i32
        %add3A_81 = vector.broadcast %add3A_80 : i32 to vector<16xi32>
        %add3A_82 = arith.addi %mul3A_77, %add3A_81 : vector<16xi32>
        %gather3A_83 = tpu.vector_load_idx %arg7[%add3A_82] : memref<20032xf32, #tpu.memory_space<vmem>>[vector<16xi32>], vector<16xf32>,
        %add3A_84 = arith.addf %gather3A, %gather3A_83 : vector<16xf32>
        %ge3A = arith.constant 0.000000e+00 : f32
        %ge3A_85 = vector.broadcast %ge3A : f32 to vector<16xf32>
        %ge3A_86 = arith.cmpf oge, %add3A_84, %ge3A_85 : vector<16xf32>
        %mul3A_87 = arith.constant 2.000000e-01 : f32
        %mul3A_88 = vector.broadcast %mul3A_87 : f32 to vector<16xf32>
        %mul3A_89 = arith.mulf %mul3A_88, %add3A_84 : vector<16xf32>
        %select_n3A_90 = arith.select %ge3A_86, %add3A_84, %mul3A_89 : vector<16xi1>, vector<16xf32>
        %exp3A = math.exp %select_n3A_90 : vector<16xf32>
        %broadcast_in_dim3A_91 = arith.constant 131 : i32
        %broadcast_in_dim3A_92 = vector.broadcast %broadcast_in_dim3A_91 : i32 to vector<16xi32>
        %gather3A_93 = tpu.vector_load_idx %arg8[%add3A_71, %broadcast_in_dim3A_92] : memref<128x144xf32, #tpu.memory_space<vmem>>[vector<16xi32>, vector<16xi32>], vector<16xf32>,
        %add3A_94 = arith.constant 1 : i32
        %add3A_95 = vector.broadcast %add3A_94 : i32 to vector<16xi32>
        %add3A_96 = arith.addi %mul3A_77, %add3A_95 : vector<16xi32>
        %gather3A_97 = tpu.vector_load_idx %arg7[%add3A_96] : memref<20032xf32, #tpu.memory_space<vmem>>[vector<16xi32>], vector<16xf32>,
        %add3A_98 = arith.addf %gather3A_93, %gather3A_97 : vector<16xf32>
        %ge3A_99 = arith.constant 0.000000e+00 : f32
        %ge3A_100 = vector.broadcast %ge3A_99 : f32 to vector<16xf32>
        %ge3A_101 = arith.cmpf oge, %add3A_98, %ge3A_100 : vector<16xf32>
        %mul3A_102 = arith.constant 2.000000e-01 : f32
        %mul3A_103 = vector.broadcast %mul3A_102 : f32 to vector<16xf32>
        %mul3A_104 = arith.mulf %mul3A_103, %add3A_98 : vector<16xf32>
        %select_n3A_105 = arith.select %ge3A_101, %add3A_98, %mul3A_104 : vector<16xi1>, vector<16xf32>
        %exp3A_106 = math.exp %select_n3A_105 : vector<16xf32>
        %mul3A_107 = arith.constant 16 : i32
        %mul3A_108 = arith.muli %scan3A_67, %mul3A_107 : i32
        %add3A_109 = arith.constant 0 : i32
        %add3A_110 = arith.addi %mul3A_108, %add3A_109 : i32
        %slice3A = vector.extract_strided_slice %exp3A {offsets = [0], sizes = [1], strides = [1]} : vector<16xf32> to vector<1xf32>
        %squeeze3A = vector.extract %slice3A[0] : f32 from vector<1xf32>
        %broadcast_in_dim3A_111 = vector.broadcast %squeeze3A : f32 to vector<16xf32>
        %slice3A_112 = vector.extract_strided_slice %exp3A_106 {offsets = [0], sizes = [1], strides = [1]} : vector<16xf32> to vector<1xf32>
        %squeeze3A_113 = vector.extract %slice3A_112[0] : f32 from vector<1xf32>
        %broadcast_in_dim3A_114 = vector.broadcast %squeeze3A_113 : f32 to vector<16xf32>
        %get3A_115 = arith.index_cast %add3A_110 : i32 to index
        %get3A_116 = arith.constant 0 : index
        %get3A_117 = tpu.vector_load %arg8[%get3A_115, %get3A_116] {strides = array<i32>} : memref<128x144xf32, #tpu.memory_space<vmem>>, vector<16xf32>,
        %mul3A_118 = arith.mulf %get3A_117, %broadcast_in_dim3A_111 : vector<16xf32>
        %swap3A = arith.index_cast %add3A_110 : i32 to index
        %swap3A_119 = arith.constant 0 : index
        %swap3A_120 = tpu.vector_load %arg8[%swap3A, %swap3A_119] {strides = array<i32>} : memref<128x144xf32, #tpu.memory_space<vmem>>, vector<16xf32>,
        tpu.vector_store %arg8[%swap3A, %swap3A_119], %mul3A_118 {strides = array<i32>} : memref<128x144xf32, #tpu.memory_space<vmem>>, vector<16xf32>,
        %get3A_121 = arith.index_cast %add3A_110 : i32 to index
        %get3A_122 = arith.constant 16 : index
        %get3A_123 = tpu.vector_load %arg8[%get3A_121, %get3A_122] {strides = array<i32>} : memref<128x144xf32, #tpu.memory_space<vmem>>, vector<16xf32>,
        %mul3A_124 = arith.mulf %get3A_123, %broadcast_in_dim3A_111 : vector<16xf32>
        %swap3A_125 = arith.index_cast %add3A_110 : i32 to index
        %swap3A_126 = arith.constant 16 : index
        %swap3A_127 = tpu.vector_load %arg8[%swap3A_125, %swap3A_126] {strides = array<i32>} : memref<128x144xf32, #tpu.memory_space<vmem>>, vector<16xf32>,
        tpu.vector_store %arg8[%swap3A_125, %swap3A_126], %mul3A_124 {strides = array<i32>} : memref<128x144xf32, #tpu.memory_space<vmem>>, vector<16xf32>,
        %get3A_128 = arith.index_cast %add3A_110 : i32 to index
        %get3A_129 = arith.constant 32 : index
        %get3A_130 = tpu.vector_load %arg8[%get3A_128, %get3A_129] {strides = array<i32>} : memref<128x144xf32, #tpu.memory_space<vmem>>, vector<16xf32>,
        %mul3A_131 = arith.mulf %get3A_130, %broadcast_in_dim3A_111 : vector<16xf32>
        %swap3A_132 = arith.index_cast %add3A_110 : i32 to index
        %swap3A_133 = arith.constant 32 : index
        %swap3A_134 = tpu.vector_load %arg8[%swap3A_132, %swap3A_133] {strides = array<i32>} : memref<128x144xf32, #tpu.memory_space<vmem>>, vector<16xf32>,
        tpu.vector_store %arg8[%swap3A_132, %swap3A_133], %mul3A_131 {strides = array<i32>} : memref<128x144xf32, #tpu.memory_space<vmem>>, vector<16xf32>,
        %get3A_135 = arith.index_cast %add3A_110 : i32 to index
        %get3A_136 = arith.constant 48 : index
        %get3A_137 = tpu.vector_load %arg8[%get3A_135, %get3A_136] {strides = array<i32>} : memref<128x144xf32, #tpu.memory_space<vmem>>, vector<16xf32>,
        %mul3A_138 = arith.mulf %get3A_137, %broadcast_in_dim3A_111 : vector<16xf32>
        %swap3A_139 = arith.index_cast %add3A_110 : i32 to index
        %swap3A_140 = arith.constant 48 : index
        %swap3A_141 = tpu.vector_load %arg8[%swap3A_139, %swap3A_140] {strides = array<i32>} : memref<128x144xf32, #tpu.memory_space<vmem>>, vector<16xf32>,
        tpu.vector_store %arg8[%swap3A_139, %swap3A_140], %mul3A_138 {strides = array<i32>} : memref<128x144xf32, #tpu.memory_space<vmem>>, vector<16xf32>,
        %get3A_142 = arith.index_cast %add3A_110 : i32 to index
        %get3A_143 = arith.constant 64 : index
        %get3A_144 = tpu.vector_load %arg8[%get3A_142, %get3A_143] {strides = array<i32>} : memref<128x144xf32, #tpu.memory_space<vmem>>, vector<16xf32>,
        %mul3A_145 = arith.mulf %get3A_144, %broadcast_in_dim3A_114 : vector<16xf32>
        %swap3A_146 = arith.index_cast %add3A_110 : i32 to index
        %swap3A_147 = arith.constant 64 : index
        %swap3A_148 = tpu.vector_load %arg8[%swap3A_146, %swap3A_147] {strides = array<i32>} : memref<128x144xf32, #tpu.memory_space<vmem>>, vector<16xf32>,
        tpu.vector_store %arg8[%swap3A_146, %swap3A_147], %mul3A_145 {strides = array<i32>} : memref<128x144xf32, #tpu.memory_space<vmem>>, vector<16xf32>,
        %get3A_149 = arith.index_cast %add3A_110 : i32 to index
        %get3A_150 = arith.constant 80 : index
        %get3A_151 = tpu.vector_load %arg8[%get3A_149, %get3A_150] {strides = array<i32>} : memref<128x144xf32, #tpu.memory_space<vmem>>, vector<16xf32>,
        %mul3A_152 = arith.mulf %get3A_151, %broadcast_in_dim3A_114 : vector<16xf32>
        %swap3A_153 = arith.index_cast %add3A_110 : i32 to index
        %swap3A_154 = arith.constant 80 : index
        %swap3A_155 = tpu.vector_load %arg8[%swap3A_153, %swap3A_154] {strides = array<i32>} : memref<128x144xf32, #tpu.memory_space<vmem>>, vector<16xf32>,
        tpu.vector_store %arg8[%swap3A_153, %swap3A_154], %mul3A_152 {strides = array<i32>} : memref<128x144xf32, #tpu.memory_space<vmem>>, vector<16xf32>,
        %get3A_156 = arith.index_cast %add3A_110 : i32 to index
        %get3A_157 = arith.constant 96 : index
        %get3A_158 = tpu.vector_load %arg8[%get3A_156, %get3A_157] {strides = array<i32>} : memref<128x144xf32, #tpu.memory_space<vmem>>, vector<16xf32>,
        %mul3A_159 = arith.mulf %get3A_158, %broadcast_in_dim3A_114 : vector<16xf32>
        %swap3A_160 = arith.index_cast %add3A_110 : i32 to index
        %swap3A_161 = arith.constant 96 : index
        %swap3A_162 = tpu.vector_load %arg8[%swap3A_160, %swap3A_161] {strides = array<i32>} : memref<128x144xf32, #tpu.memory_space<vmem>>, vector<16xf32>,
        tpu.vector_store %arg8[%swap3A_160, %swap3A_161], %mul3A_159 {strides = array<i32>} : memref<128x144xf32, #tpu.memory_space<vmem>>, vector<16xf32>,
        %get3A_163 = arith.index_cast %add3A_110 : i32 to index
        %get3A_164 = arith.constant 112 : index
        %get3A_165 = tpu.vector_load %arg8[%get3A_163, %get3A_164] {strides = array<i32>} : memref<128x144xf32, #tpu.memory_space<vmem>>, vector<16xf32>,
        %mul3A_166 = arith.mulf %get3A_165, %broadcast_in_dim3A_114 : vector<16xf32>
        %swap3A_167 = arith.index_cast %add3A_110 : i32 to index
        %swap3A_168 = arith.constant 112 : index
        %swap3A_169 = tpu.vector_load %arg8[%swap3A_167, %swap3A_168] {strides = array<i32>} : memref<128x144xf32, #tpu.memory_space<vmem>>, vector<16xf32>,
        tpu.vector_store %arg8[%swap3A_167, %swap3A_168], %mul3A_166 {strides = array<i32>} : memref<128x144xf32, #tpu.memory_space<vmem>>, vector<16xf32>,
        %mul3A_170 = arith.mulf %broadcast_in_dim3A_111, %select_n3A : vector<16xf32>
        %mul3A_171 = arith.mulf %broadcast_in_dim3A_114, %select_n3A_39 : vector<16xf32>
        %add3A_172 = arith.addf %mul3A_170, %mul3A_171 : vector<16xf32>
        %get3A_173 = arith.index_cast %add3A_110 : i32 to index
        %get3A_174 = arith.constant 128 : index
        %get3A_175 = tpu.vector_load %arg8[%get3A_173, %get3A_174] {strides = array<i32>} : memref<128x144xf32, #tpu.memory_space<vmem>>, vector<16xf32>,
        %mul3A_176 = arith.mulf %get3A_175, %add3A_172 : vector<16xf32>
        %swap3A_177 = arith.index_cast %add3A_110 : i32 to index
        %swap3A_178 = arith.constant 128 : index
        %swap3A_179 = tpu.vector_load %arg8[%swap3A_177, %swap3A_178] {strides = array<i32>} : memref<128x144xf32, #tpu.memory_space<vmem>>, vector<16xf32>,
        tpu.vector_store %arg8[%swap3A_177, %swap3A_178], %mul3A_176 {strides = array<i32>} : memref<128x144xf32, #tpu.memory_space<vmem>>, vector<16xf32>,
        %mul3A_180 = arith.constant 16 : i32
        %mul3A_181 = arith.muli %scan3A_67, %mul3A_180 : i32
        %add3A_182 = arith.constant 1 : i32
        %add3A_183 = arith.addi %mul3A_181, %add3A_182 : i32
        %slice3A_184 = vector.extract_strided_slice %exp3A {offsets = [1], sizes = [1], strides = [1]} : vector<16xf32> to vector<1xf32>
        %squeeze3A_185 = vector.extract %slice3A_184[0] : f32 from vector<1xf32>
        %broadcast_in_dim3A_186 = vector.broadcast %squeeze3A_185 : f32 to vector<16xf32>
        %slice3A_187 = vector.extract_strided_slice %exp3A_106 {offsets = [1], sizes = [1], strides = [1]} : vector<16xf32> to vector<1xf32>
        %squeeze3A_188 = vector.extract %slice3A_187[0] : f32 from vector<1xf32>
        %broadcast_in_dim3A_189 = vector.broadcast %squeeze3A_188 : f32 to vector<16xf32>
        %get3A_190 = arith.index_cast %add3A_183 : i32 to index
        %get3A_191 = arith.constant 0 : index
        %get3A_192 = tpu.vector_load %arg8[%get3A_190, %get3A_191] {strides = array<i32>} : memref<128x144xf32, #tpu.memory_space<vmem>>, vector<16xf32>,
        %mul3A_193 = arith.mulf %get3A_192, %broadcast_in_dim3A_186 : vector<16xf32>
        %swap3A_194 = arith.index_cast %add3A_183 : i32 to index
        %swap3A_195 = arith.constant 0 : index
        %swap3A_196 = tpu.vector_load %arg8[%swap3A_194, %swap3A_195] {strides = array<i32>} : memref<128x144xf32, #tpu.memory_space<vmem>>, vector<16xf32>,
        tpu.vector_store %arg8[%swap3A_194, %swap3A_195], %mul3A_193 {strides = array<i32>} : memref<128x144xf32, #tpu.memory_space<vmem>>, vector<16xf32>,
        %get3A_197 = arith.index_cast %add3A_183 : i32 to index
        %get3A_198 = arith.constant 16 : index
        %get3A_199 = tpu.vector_load %arg8[%get3A_197, %get3A_198] {strides = array<i32>} : memref<128x144xf32, #tpu.memory_space<vmem>>, vector<16xf32>,
        %mul3A_200 = arith.mulf %get3A_199, %broadcast_in_dim3A_186 : vector<16xf32>
        %swap3A_201 = arith.index_cast %add3A_183 : i32 to index
        %swap3A_202 = arith.constant 16 : index
        %swap3A_203 = tpu.vector_load %arg8[%swap3A_201, %swap3A_202] {strides = array<i32>} : memref<128x144xf32, #tpu.memory_space<vmem>>, vector<16xf32>,
        tpu.vector_store %arg8[%swap3A_201, %swap3A_202], %mul3A_200 {strides = array<i32>} : memref<128x144xf32, #tpu.memory_space<vmem>>, vector<16xf32>,
        %get3A_204 = arith.index_cast %add3A_183 : i32 to index
        %get3A_205 = arith.constant 32 : index
        %get3A_206 = tpu.vector_load %arg8[%get3A_204, %get3A_205] {strides = array<i32>} : memref<128x144xf32, #tpu.memory_space<vmem>>, vector<16xf32>,
        %mul3A_207 = arith.mulf %get3A_206, %broadcast_in_dim3A_186 : vector<16xf32>
        %swap3A_208 = arith.index_cast %add3A_183 : i32 to index
        %swap3A_209 = arith.constant 32 : index
        %swap3A_210 = tpu.vector_load %arg8[%swap3A_208, %swap3A_209] {strides = array<i32>} : memref<128x144xf32, #tpu.memory_space<vmem>>, vector<16xf32>,
        tpu.vector_store %arg8[%swap3A_208, %swap3A_209], %mul3A_207 {strides = array<i32>} : memref<128x144xf32, #tpu.memory_space<vmem>>, vector<16xf32>,
        %get3A_211 = arith.index_cast %add3A_183 : i32 to index
        %get3A_212 = arith.constant 48 : index
        %get3A_213 = tpu.vector_load %arg8[%get3A_211, %get3A_212] {strides = array<i32>} : memref<128x144xf32, #tpu.memory_space<vmem>>, vector<16xf32>,
        %mul3A_214 = arith.mulf %get3A_213, %broadcast_in_dim3A_186 : vector<16xf32>
        %swap3A_215 = arith.index_cast %add3A_183 : i32 to index
        %swap3A_216 = arith.constant 48 : index
        %swap3A_217 = tpu.vector_load %arg8[%swap3A_215, %swap3A_216] {strides = array<i32>} : memref<128x144xf32, #tpu.memory_space<vmem>>, vector<16xf32>,
        tpu.vector_store %arg8[%swap3A_215, %swap3A_216], %mul3A_214 {strides = array<i32>} : memref<128x144xf32, #tpu.memory_space<vmem>>, vector<16xf32>,
        %get3A_218 = arith.index_cast %add3A_183 : i32 to index
        %get3A_219 = arith.constant 64 : index
        %get3A_220 = tpu.vector_load %arg8[%get3A_218, %get3A_219] {strides = array<i32>} : memref<128x144xf32, #tpu.memory_space<vmem>>, vector<16xf32>,
        %mul3A_221 = arith.mulf %get3A_220, %broadcast_in_dim3A_189 : vector<16xf32>
        %swap3A_222 = arith.index_cast %add3A_183 : i32 to index
        %swap3A_223 = arith.constant 64 : index
        %swap3A_224 = tpu.vector_load %arg8[%swap3A_222, %swap3A_223] {strides = array<i32>} : memref<128x144xf32, #tpu.memory_space<vmem>>, vector<16xf32>,
        tpu.vector_store %arg8[%swap3A_222, %swap3A_223], %mul3A_221 {strides = array<i32>} : memref<128x144xf32, #tpu.memory_space<vmem>>, vector<16xf32>,
        %get3A_225 = arith.index_cast %add3A_183 : i32 to index
        %get3A_226 = arith.constant 80 : index
        %get3A_227 = tpu.vector_load %arg8[%get3A_225, %get3A_226] {strides = array<i32>} : memref<128x144xf32, #tpu.memory_space<vmem>>, vector<16xf32>,
        %mul3A_228 = arith.mulf %get3A_227, %broadcast_in_dim3A_189 : vector<16xf32>
        %swap3A_229 = arith.index_cast %add3A_183 : i32 to index
        %swap3A_230 = arith.constant 80 : index
        %swap3A_231 = tpu.vector_load %arg8[%swap3A_229, %swap3A_230] {strides = array<i32>} : memref<128x144xf32, #tpu.memory_space<vmem>>, vector<16xf32>,
        tpu.vector_store %arg8[%swap3A_229, %swap3A_230], %mul3A_228 {strides = array<i32>} : memref<128x144xf32, #tpu.memory_space<vmem>>, vector<16xf32>,
        %get3A_232 = arith.index_cast %add3A_183 : i32 to index
        %get3A_233 = arith.constant 96 : index
        %get3A_234 = tpu.vector_load %arg8[%get3A_232, %get3A_233] {strides = array<i32>} : memref<128x144xf32, #tpu.memory_space<vmem>>, vector<16xf32>,
        %mul3A_235 = arith.mulf %get3A_234, %broadcast_in_dim3A_189 : vector<16xf32>
        %swap3A_236 = arith.index_cast %add3A_183 : i32 to index
        %swap3A_237 = arith.constant 96 : index
        %swap3A_238 = tpu.vector_load %arg8[%swap3A_236, %swap3A_237] {strides = array<i32>} : memref<128x144xf32, #tpu.memory_space<vmem>>, vector<16xf32>,
        tpu.vector_store %arg8[%swap3A_236, %swap3A_237], %mul3A_235 {strides = array<i32>} : memref<128x144xf32, #tpu.memory_space<vmem>>, vector<16xf32>,
        %get3A_239 = arith.index_cast %add3A_183 : i32 to index
        %get3A_240 = arith.constant 112 : index
        %get3A_241 = tpu.vector_load %arg8[%get3A_239, %get3A_240] {strides = array<i32>} : memref<128x144xf32, #tpu.memory_space<vmem>>, vector<16xf32>,
        %mul3A_242 = arith.mulf %get3A_241, %broadcast_in_dim3A_189 : vector<16xf32>
        %swap3A_243 = arith.index_cast %add3A_183 : i32 to index
        %swap3A_244 = arith.constant 112 : index
        %swap3A_245 = tpu.vector_load %arg8[%swap3A_243, %swap3A_244] {strides = array<i32>} : memref<128x144xf32, #tpu.memory_space<vmem>>, vector<16xf32>,
        tpu.vector_store %arg8[%swap3A_243, %swap3A_244], %mul3A_242 {strides = array<i32>} : memref<128x144xf32, #tpu.memory_space<vmem>>, vector<16xf32>,
        %mul3A_246 = arith.mulf %broadcast_in_dim3A_186, %select_n3A : vector<16xf32>
        %mul3A_247 = arith.mulf %broadcast_in_dim3A_189, %select_n3A_39 : vector<16xf32>
        %add3A_248 = arith.addf %mul3A_246, %mul3A_247 : vector<16xf32>
        %get3A_249 = arith.index_cast %add3A_183 : i32 to index
        %get3A_250 = arith.constant 128 : index
        %get3A_251 = tpu.vector_load %arg8[%get3A_249, %get3A_250] {strides = array<i32>} : memref<128x144xf32, #tpu.memory_space<vmem>>, vector<16xf32>,
        %mul3A_252 = arith.mulf %get3A_251, %add3A_248 : vector<16xf32>
        %swap3A_253 = arith.index_cast %add3A_183 : i32 to index
        %swap3A_254 = arith.constant 128 : index
        %swap3A_255 = tpu.vector_load %arg8[%swap3A_253, %swap3A_254] {strides = array<i32>} : memref<128x144xf32, #tpu.memory_space<vmem>>, vector<16xf32>,
        tpu.vector_store %arg8[%swap3A_253, %swap3A_254], %mul3A_252 {strides = array<i32>} : memref<128x144xf32, #tpu.memory_space<vmem>>, vector<16xf32>,
        %mul3A_256 = arith.constant 16 : i32
        %mul3A_257 = arith.muli %scan3A_67, %mul3A_256 : i32
        %add3A_258 = arith.constant 2 : i32
        %add3A_259 = arith.addi %mul3A_257, %add3A_258 : i32
        %slice3A_260 = vector.extract_strided_slice %exp3A {offsets = [2], sizes = [1], strides = [1]} : vector<16xf32> to vector<1xf32>
        %squeeze3A_261 = vector.extract %slice3A_260[0] : f32 from vector<1xf32>
        %broadcast_in_dim3A_262 = vector.broadcast %squeeze3A_261 : f32 to vector<16xf32>
        %slice3A_263 = vector.extract_strided_slice %exp3A_106 {offsets = [2], sizes = [1], strides = [1]} : vector<16xf32> to vector<1xf32>
        %squeeze3A_264 = vector.extract %slice3A_263[0] : f32 from vector<1xf32>
        %broadcast_in_dim3A_265 = vector.broadcast %squeeze3A_264 : f32 to vector<16xf32>
        %get3A_266 = arith.index_cast %add3A_259 : i32 to index
        %get3A_267 = arith.constant 0 : index
        %get3A_268 = tpu.vector_load %arg8[%get3A_266, %get3A_267] {strides = array<i32>} : memref<128x144xf32, #tpu.memory_space<vmem>>, vector<16xf32>,
        %mul3A_269 = arith.mulf %get3A_268, %broadcast_in_dim3A_262 : vector<16xf32>
        %swap3A_270 = arith.index_cast %add3A_259 : i32 to index
        %swap3A_271 = arith.constant 0 : index
        %swap3A_272 = tpu.vector_load %arg8[%swap3A_270, %swap3A_271] {strides = array<i32>} : memref<128x144xf32, #tpu.memory_space<vmem>>, vector<16xf32>,
        tpu.vector_store %arg8[%swap3A_270, %swap3A_271], %mul3A_269 {strides = array<i32>} : memref<128x144xf32, #tpu.memory_space<vmem>>, vector<16xf32>,
        %get3A_273 = arith.index_cast %add3A_259 : i32 to index
        %get3A_274 = arith.constant 16 : index
        %get3A_275 = tpu.vector_load %arg8[%get3A_273, %get3A_274] {strides = array<i32>} : memref<128x144xf32, #tpu.memory_space<vmem>>, vector<16xf32>,
        %mul3A_276 = arith.mulf %get3A_275, %broadcast_in_dim3A_262 : vector<16xf32>
        %swap3A_277 = arith.index_cast %add3A_259 : i32 to index
        %swap3A_278 = arith.constant 16 : index
        %swap3A_279 = tpu.vector_load %arg8[%swap3A_277, %swap3A_278] {strides = array<i32>} : memref<128x144xf32, #tpu.memory_space<vmem>>, vector<16xf32>,
        tpu.vector_store %arg8[%swap3A_277, %swap3A_278], %mul3A_276 {strides = array<i32>} : memref<128x144xf32, #tpu.memory_space<vmem>>, vector<16xf32>,
        %get3A_280 = arith.index_cast %add3A_259 : i32 to index
        %get3A_281 = arith.constant 32 : index
        %get3A_282 = tpu.vector_load %arg8[%get3A_280, %get3A_281] {strides = array<i32>} : memref<128x144xf32, #tpu.memory_space<vmem>>, vector<16xf32>,
        %mul3A_283 = arith.mulf %get3A_282, %broadcast_in_dim3A_262 : vector<16xf32>
        %swap3A_284 = arith.index_cast %add3A_259 : i32 to index
        %swap3A_285 = arith.constant 32 : index
        %swap3A_286 = tpu.vector_load %arg8[%swap3A_284, %swap3A_285] {strides = array<i32>} : memref<128x144xf32, #tpu.memory_space<vmem>>, vector<16xf32>,
        tpu.vector_store %arg8[%swap3A_284, %swap3A_285], %mul3A_283 {strides = array<i32>} : memref<128x144xf32, #tpu.memory_space<vmem>>, vector<16xf32>,
        %get3A_287 = arith.index_cast %add3A_259 : i32 to index
        %get3A_288 = arith.constant 48 : index
        %get3A_289 = tpu.vector_load %arg8[%get3A_287, %get3A_288] {strides = array<i32>} : memref<128x144xf32, #tpu.memory_space<vmem>>, vector<16xf32>,
        %mul3A_290 = arith.mulf %get3A_289, %broadcast_in_dim3A_262 : vector<16xf32>
        %swap3A_291 = arith.index_cast %add3A_259 : i32 to index
        %swap3A_292 = arith.constant 48 : index
        %swap3A_293 = tpu.vector_load %arg8[%swap3A_291, %swap3A_292] {strides = array<i32>} : memref<128x144xf32, #tpu.memory_space<vmem>>, vector<16xf32>,
        tpu.vector_store %arg8[%swap3A_291, %swap3A_292], %mul3A_290 {strides = array<i32>} : memref<128x144xf32, #tpu.memory_space<vmem>>, vector<16xf32>,
        %get3A_294 = arith.index_cast %add3A_259 : i32 to index
        %get3A_295 = arith.constant 64 : index
        %get3A_296 = tpu.vector_load %arg8[%get3A_294, %get3A_295] {strides = array<i32>} : memref<128x144xf32, #tpu.memory_space<vmem>>, vector<16xf32>,
        %mul3A_297 = arith.mulf %get3A_296, %broadcast_in_dim3A_265 : vector<16xf32>
        %swap3A_298 = arith.index_cast %add3A_259 : i32 to index
        %swap3A_299 = arith.constant 64 : index
        %swap3A_300 = tpu.vector_load %arg8[%swap3A_298, %swap3A_299] {strides = array<i32>} : memref<128x144xf32, #tpu.memory_space<vmem>>, vector<16xf32>,
        tpu.vector_store %arg8[%swap3A_298, %swap3A_299], %mul3A_297 {strides = array<i32>} : memref<128x144xf32, #tpu.memory_space<vmem>>, vector<16xf32>,
        %get3A_301 = arith.index_cast %add3A_259 : i32 to index
        %get3A_302 = arith.constant 80 : index
        %get3A_303 = tpu.vector_load %arg8[%get3A_301, %get3A_302] {strides = array<i32>} : memref<128x144xf32, #tpu.memory_space<vmem>>, vector<16xf32>,
        %mul3A_304 = arith.mulf %get3A_303, %broadcast_in_dim3A_265 : vector<16xf32>
        %swap3A_305 = arith.index_cast %add3A_259 : i32 to index
        %swap3A_306 = arith.constant 80 : index
        %swap3A_307 = tpu.vector_load %arg8[%swap3A_305, %swap3A_306] {strides = array<i32>} : memref<128x144xf32, #tpu.memory_space<vmem>>, vector<16xf32>,
        tpu.vector_store %arg8[%swap3A_305, %swap3A_306], %mul3A_304 {strides = array<i32>} : memref<128x144xf32, #tpu.memory_space<vmem>>, vector<16xf32>,
        %get3A_308 = arith.index_cast %add3A_259 : i32 to index
        %get3A_309 = arith.constant 96 : index
        %get3A_310 = tpu.vector_load %arg8[%get3A_308, %get3A_309] {strides = array<i32>} : memref<128x144xf32, #tpu.memory_space<vmem>>, vector<16xf32>,
        %mul3A_311 = arith.mulf %get3A_310, %broadcast_in_dim3A_265 : vector<16xf32>
        %swap3A_312 = arith.index_cast %add3A_259 : i32 to index
        %swap3A_313 = arith.constant 96 : index
        %swap3A_314 = tpu.vector_load %arg8[%swap3A_312, %swap3A_313] {strides = array<i32>} : memref<128x144xf32, #tpu.memory_space<vmem>>, vector<16xf32>,
        tpu.vector_store %arg8[%swap3A_312, %swap3A_313], %mul3A_311 {strides = array<i32>} : memref<128x144xf32, #tpu.memory_space<vmem>>, vector<16xf32>,
        %get3A_315 = arith.index_cast %add3A_259 : i32 to index
        %get3A_316 = arith.constant 112 : index
        %get3A_317 = tpu.vector_load %arg8[%get3A_315, %get3A_316] {strides = array<i32>} : memref<128x144xf32, #tpu.memory_space<vmem>>, vector<16xf32>,
        %mul3A_318 = arith.mulf %get3A_317, %broadcast_in_dim3A_265 : vector<16xf32>
        %swap3A_319 = arith.index_cast %add3A_259 : i32 to index
        %swap3A_320 = arith.constant 112 : index
        %swap3A_321 = tpu.vector_load %arg8[%swap3A_319, %swap3A_320] {strides = array<i32>} : memref<128x144xf32, #tpu.memory_space<vmem>>, vector<16xf32>,
        tpu.vector_store %arg8[%swap3A_319, %swap3A_320], %mul3A_318 {strides = array<i32>} : memref<128x144xf32, #tpu.memory_space<vmem>>, vector<16xf32>,
        %mul3A_322 = arith.mulf %broadcast_in_dim3A_262, %select_n3A : vector<16xf32>
        %mul3A_323 = arith.mulf %broadcast_in_dim3A_265, %select_n3A_39 : vector<16xf32>
        %add3A_324 = arith.addf %mul3A_322, %mul3A_323 : vector<16xf32>
        %get3A_325 = arith.index_cast %add3A_259 : i32 to index
        %get3A_326 = arith.constant 128 : index
        %get3A_327 = tpu.vector_load %arg8[%get3A_325, %get3A_326] {strides = array<i32>} : memref<128x144xf32, #tpu.memory_space<vmem>>, vector<16xf32>,
        %mul3A_328 = arith.mulf %get3A_327, %add3A_324 : vector<16xf32>
        %swap3A_329 = arith.index_cast %add3A_259 : i32 to index
        %swap3A_330 = arith.constant 128 : index
        %swap3A_331 = tpu.vector_load %arg8[%swap3A_329, %swap3A_330] {strides = array<i32>} : memref<128x144xf32, #tpu.memory_space<vmem>>, vector<16xf32>,
        tpu.vector_store %arg8[%swap3A_329, %swap3A_330], %mul3A_328 {strides = array<i32>} : memref<128x144xf32, #tpu.memory_space<vmem>>, vector<16xf32>,
        %mul3A_332 = arith.constant 16 : i32
        %mul3A_333 = arith.muli %scan3A_67, %mul3A_332 : i32
        %add3A_334 = arith.constant 3 : i32
        %add3A_335 = arith.addi %mul3A_333, %add3A_334 : i32
        %slice3A_336 = vector.extract_strided_slice %exp3A {offsets = [3], sizes = [1], strides = [1]} : vector<16xf32> to vector<1xf32>
        %squeeze3A_337 = vector.extract %slice3A_336[0] : f32 from vector<1xf32>
        %broadcast_in_dim3A_338 = vector.broadcast %squeeze3A_337 : f32 to vector<16xf32>
        %slice3A_339 = vector.extract_strided_slice %exp3A_106 {offsets = [3], sizes = [1], strides = [1]} : vector<16xf32> to vector<1xf32>
        %squeeze3A_340 = vector.extract %slice3A_339[0] : f32 from vector<1xf32>
        %broadcast_in_dim3A_341 = vector.broadcast %squeeze3A_340 : f32 to vector<16xf32>
        %get3A_342 = arith.index_cast %add3A_335 : i32 to index
        %get3A_343 = arith.constant 0 : index
        %get3A_344 = tpu.vector_load %arg8[%get3A_342, %get3A_343] {strides = array<i32>} : memref<128x144xf32, #tpu.memory_space<vmem>>, vector<16xf32>,
        %mul3A_345 = arith.mulf %get3A_344, %broadcast_in_dim3A_338 : vector<16xf32>
        %swap3A_346 = arith.index_cast %add3A_335 : i32 to index
        %swap3A_347 = arith.constant 0 : index
        %swap3A_348 = tpu.vector_load %arg8[%swap3A_346, %swap3A_347] {strides = array<i32>} : memref<128x144xf32, #tpu.memory_space<vmem>>, vector<16xf32>,
        tpu.vector_store %arg8[%swap3A_346, %swap3A_347], %mul3A_345 {strides = array<i32>} : memref<128x144xf32, #tpu.memory_space<vmem>>, vector<16xf32>,
        %get3A_349 = arith.index_cast %add3A_335 : i32 to index
        %get3A_350 = arith.constant 16 : index
        %get3A_351 = tpu.vector_load %arg8[%get3A_349, %get3A_350] {strides = array<i32>} : memref<128x144xf32, #tpu.memory_space<vmem>>, vector<16xf32>,
        %mul3A_352 = arith.mulf %get3A_351, %broadcast_in_dim3A_338 : vector<16xf32>
        %swap3A_353 = arith.index_cast %add3A_335 : i32 to index
        %swap3A_354 = arith.constant 16 : index
        %swap3A_355 = tpu.vector_load %arg8[%swap3A_353, %swap3A_354] {strides = array<i32>} : memref<128x144xf32, #tpu.memory_space<vmem>>, vector<16xf32>,
        tpu.vector_store %arg8[%swap3A_353, %swap3A_354], %mul3A_352 {strides = array<i32>} : memref<128x144xf32, #tpu.memory_space<vmem>>, vector<16xf32>,
        %get3A_356 = arith.index_cast %add3A_335 : i32 to index
        %get3A_357 = arith.constant 32 : index
        %get3A_358 = tpu.vector_load %arg8[%get3A_356, %get3A_357] {strides = array<i32>} : memref<128x144xf32, #tpu.memory_space<vmem>>, vector<16xf32>,
        %mul3A_359 = arith.mulf %get3A_358, %broadcast_in_dim3A_338 : vector<16xf32>
        %swap3A_360 = arith.index_cast %add3A_335 : i32 to index
        %swap3A_361 = arith.constant 32 : index
        %swap3A_362 = tpu.vector_load %arg8[%swap3A_360, %swap3A_361] {strides = array<i32>} : memref<128x144xf32, #tpu.memory_space<vmem>>, vector<16xf32>,
        tpu.vector_store %arg8[%swap3A_360, %swap3A_361], %mul3A_359 {strides = array<i32>} : memref<128x144xf32, #tpu.memory_space<vmem>>, vector<16xf32>,
        %get3A_363 = arith.index_cast %add3A_335 : i32 to index
        %get3A_364 = arith.constant 48 : index
        %get3A_365 = tpu.vector_load %arg8[%get3A_363, %get3A_364] {strides = array<i32>} : memref<128x144xf32, #tpu.memory_space<vmem>>, vector<16xf32>,
        %mul3A_366 = arith.mulf %get3A_365, %broadcast_in_dim3A_338 : vector<16xf32>
        %swap3A_367 = arith.index_cast %add3A_335 : i32 to index
        %swap3A_368 = arith.constant 48 : index
        %swap3A_369 = tpu.vector_load %arg8[%swap3A_367, %swap3A_368] {strides = array<i32>} : memref<128x144xf32, #tpu.memory_space<vmem>>, vector<16xf32>,
        tpu.vector_store %arg8[%swap3A_367, %swap3A_368], %mul3A_366 {strides = array<i32>} : memref<128x144xf32, #tpu.memory_space<vmem>>, vector<16xf32>,
        %get3A_370 = arith.index_cast %add3A_335 : i32 to index
        %get3A_371 = arith.constant 64 : index
        %get3A_372 = tpu.vector_load %arg8[%get3A_370, %get3A_371] {strides = array<i32>} : memref<128x144xf32, #tpu.memory_space<vmem>>, vector<16xf32>,
        %mul3A_373 = arith.mulf %get3A_372, %broadcast_in_dim3A_341 : vector<16xf32>
        %swap3A_374 = arith.index_cast %add3A_335 : i32 to index
        %swap3A_375 = arith.constant 64 : index
        %swap3A_376 = tpu.vector_load %arg8[%swap3A_374, %swap3A_375] {strides = array<i32>} : memref<128x144xf32, #tpu.memory_space<vmem>>, vector<16xf32>,
        tpu.vector_store %arg8[%swap3A_374, %swap3A_375], %mul3A_373 {strides = array<i32>} : memref<128x144xf32, #tpu.memory_space<vmem>>, vector<16xf32>,
        %get3A_377 = arith.index_cast %add3A_335 : i32 to index
        %get3A_378 = arith.constant 80 : index
        %get3A_379 = tpu.vector_load %arg8[%get3A_377, %get3A_378] {strides = array<i32>} : memref<128x144xf32, #tpu.memory_space<vmem>>, vector<16xf32>,
        %mul3A_380 = arith.mulf %get3A_379, %broadcast_in_dim3A_341 : vector<16xf32>
        %swap3A_381 = arith.index_cast %add3A_335 : i32 to index
        %swap3A_382 = arith.constant 80 : index
        %swap3A_383 = tpu.vector_load %arg8[%swap3A_381, %swap3A_382] {strides = array<i32>} : memref<128x144xf32, #tpu.memory_space<vmem>>, vector<16xf32>,
        tpu.vector_store %arg8[%swap3A_381, %swap3A_382], %mul3A_380 {strides = array<i32>} : memref<128x144xf32, #tpu.memory_space<vmem>>, vector<16xf32>,
        %get3A_384 = arith.index_cast %add3A_335 : i32 to index
        %get3A_385 = arith.constant 96 : index
        %get3A_386 = tpu.vector_load %arg8[%get3A_384, %get3A_385] {strides = array<i32>} : memref<128x144xf32, #tpu.memory_space<vmem>>, vector<16xf32>,
        %mul3A_387 = arith.mulf %get3A_386, %broadcast_in_dim3A_341 : vector<16xf32>
        %swap3A_388 = arith.index_cast %add3A_335 : i32 to index
        %swap3A_389 = arith.constant 96 : index
        %swap3A_390 = tpu.vector_load %arg8[%swap3A_388, %swap3A_389] {strides = array<i32>} : memref<128x144xf32, #tpu.memory_space<vmem>>, vector<16xf32>,
        tpu.vector_store %arg8[%swap3A_388, %swap3A_389], %mul3A_387 {strides = array<i32>} : memref<128x144xf32, #tpu.memory_space<vmem>>, vector<16xf32>,
        %get3A_391 = arith.index_cast %add3A_335 : i32 to index
        %get3A_392 = arith.constant 112 : index
        %get3A_393 = tpu.vector_load %arg8[%get3A_391, %get3A_392] {strides = array<i32>} : memref<128x144xf32, #tpu.memory_space<vmem>>, vector<16xf32>,
        %mul3A_394 = arith.mulf %get3A_393, %broadcast_in_dim3A_341 : vector<16xf32>
        %swap3A_395 = arith.index_cast %add3A_335 : i32 to index
        %swap3A_396 = arith.constant 112 : index
        %swap3A_397 = tpu.vector_load %arg8[%swap3A_395, %swap3A_396] {strides = array<i32>} : memref<128x144xf32, #tpu.memory_space<vmem>>, vector<16xf32>,
        tpu.vector_store %arg8[%swap3A_395, %swap3A_396], %mul3A_394 {strides = array<i32>} : memref<128x144xf32, #tpu.memory_space<vmem>>, vector<16xf32>,
        %mul3A_398 = arith.mulf %broadcast_in_dim3A_338, %select_n3A : vector<16xf32>
        %mul3A_399 = arith.mulf %broadcast_in_dim3A_341, %select_n3A_39 : vector<16xf32>
        %add3A_400 = arith.addf %mul3A_398, %mul3A_399 : vector<16xf32>
        %get3A_401 = arith.index_cast %add3A_335 : i32 to index
        %get3A_402 = arith.constant 128 : index
        %get3A_403 = tpu.vector_load %arg8[%get3A_401, %get3A_402] {strides = array<i32>} : memref<128x144xf32, #tpu.memory_space<vmem>>, vector<16xf32>,
        %mul3A_404 = arith.mulf %get3A_403, %add3A_400 : vector<16xf32>
        %swap3A_405 = arith.index_cast %add3A_335 : i32 to index
        %swap3A_406 = arith.constant 128 : index
        %swap3A_407 = tpu.vector_load %arg8[%swap3A_405, %swap3A_406] {strides = array<i32>} : memref<128x144xf32, #tpu.memory_space<vmem>>, vector<16xf32>,
        tpu.vector_store %arg8[%swap3A_405, %swap3A_406], %mul3A_404 {strides = array<i32>} : memref<128x144xf32, #tpu.memory_space<vmem>>, vector<16xf32>,
        %mul3A_408 = arith.constant 16 : i32
        %mul3A_409 = arith.muli %scan3A_67, %mul3A_408 : i32
        %add3A_410 = arith.constant 4 : i32
        %add3A_411 = arith.addi %mul3A_409, %add3A_410 : i32
        %slice3A_412 = vector.extract_strided_slice %exp3A {offsets = [4], sizes = [1], strides = [1]} : vector<16xf32> to vector<1xf32>
        %squeeze3A_413 = vector.extract %slice3A_412[0] : f32 from vector<1xf32>
        %broadcast_in_dim3A_414 = vector.broadcast %squeeze3A_413 : f32 to vector<16xf32>
        %slice3A_415 = vector.extract_strided_slice %exp3A_106 {offsets = [4], sizes = [1], strides = [1]} : vector<16xf32> to vector<1xf32>
        %squeeze3A_416 = vector.extract %slice3A_415[0] : f32 from vector<1xf32>
        %broadcast_in_dim3A_417 = vector.broadcast %squeeze3A_416 : f32 to vector<16xf32>
        %get3A_418 = arith.index_cast %add3A_411 : i32 to index
        %get3A_419 = arith.constant 0 : index
        %get3A_420 = tpu.vector_load %arg8[%get3A_418, %get3A_419] {strides = array<i32>} : memref<128x144xf32, #tpu.memory_space<vmem>>, vector<16xf32>,
        %mul3A_421 = arith.mulf %get3A_420, %broadcast_in_dim3A_414 : vector<16xf32>
        %swap3A_422 = arith.index_cast %add3A_411 : i32 to index
        %swap3A_423 = arith.constant 0 : index
        %swap3A_424 = tpu.vector_load %arg8[%swap3A_422, %swap3A_423] {strides = array<i32>} : memref<128x144xf32, #tpu.memory_space<vmem>>, vector<16xf32>,
        tpu.vector_store %arg8[%swap3A_422, %swap3A_423], %mul3A_421 {strides = array<i32>} : memref<128x144xf32, #tpu.memory_space<vmem>>, vector<16xf32>,
        %get3A_425 = arith.index_cast %add3A_411 : i32 to index
        %get3A_426 = arith.constant 16 : index
        %get3A_427 = tpu.vector_load %arg8[%get3A_425, %get3A_426] {strides = array<i32>} : memref<128x144xf32, #tpu.memory_space<vmem>>, vector<16xf32>,
        %mul3A_428 = arith.mulf %get3A_427, %broadcast_in_dim3A_414 : vector<16xf32>
        %swap3A_429 = arith.index_cast %add3A_411 : i32 to index
        %swap3A_430 = arith.constant 16 : index
        %swap3A_431 = tpu.vector_load %arg8[%swap3A_429, %swap3A_430] {strides = array<i32>} : memref<128x144xf32, #tpu.memory_space<vmem>>, vector<16xf32>,
        tpu.vector_store %arg8[%swap3A_429, %swap3A_430], %mul3A_428 {strides = array<i32>} : memref<128x144xf32, #tpu.memory_space<vmem>>, vector<16xf32>,
        %get3A_432 = arith.index_cast %add3A_411 : i32 to index
        %get3A_433 = arith.constant 32 : index
        %get3A_434 = tpu.vector_load %arg8[%get3A_432, %get3A_433] {strides = array<i32>} : memref<128x144xf32, #tpu.memory_space<vmem>>, vector<16xf32>,
        %mul3A_435 = arith.mulf %get3A_434, %broadcast_in_dim3A_414 : vector<16xf32>
        %swap3A_436 = arith.index_cast %add3A_411 : i32 to index
        %swap3A_437 = arith.constant 32 : index
        %swap3A_438 = tpu.vector_load %arg8[%swap3A_436, %swap3A_437] {strides = array<i32>} : memref<128x144xf32, #tpu.memory_space<vmem>>, vector<16xf32>,
        tpu.vector_store %arg8[%swap3A_436, %swap3A_437], %mul3A_435 {strides = array<i32>} : memref<128x144xf32, #tpu.memory_space<vmem>>, vector<16xf32>,
        %get3A_439 = arith.index_cast %add3A_411 : i32 to index
        %get3A_440 = arith.constant 48 : index
        %get3A_441 = tpu.vector_load %arg8[%get3A_439, %get3A_440] {strides = array<i32>} : memref<128x144xf32, #tpu.memory_space<vmem>>, vector<16xf32>,
        %mul3A_442 = arith.mulf %get3A_441, %broadcast_in_dim3A_414 : vector<16xf32>
        %swap3A_443 = arith.index_cast %add3A_411 : i32 to index
        %swap3A_444 = arith.constant 48 : index
        %swap3A_445 = tpu.vector_load %arg8[%swap3A_443, %swap3A_444] {strides = array<i32>} : memref<128x144xf32, #tpu.memory_space<vmem>>, vector<16xf32>,
        tpu.vector_store %arg8[%swap3A_443, %swap3A_444], %mul3A_442 {strides = array<i32>} : memref<128x144xf32, #tpu.memory_space<vmem>>, vector<16xf32>,
        %get3A_446 = arith.index_cast %add3A_411 : i32 to index
        %get3A_447 = arith.constant 64 : index
        %get3A_448 = tpu.vector_load %arg8[%get3A_446, %get3A_447] {strides = array<i32>} : memref<128x144xf32, #tpu.memory_space<vmem>>, vector<16xf32>,
        %mul3A_449 = arith.mulf %get3A_448, %broadcast_in_dim3A_417 : vector<16xf32>
        %swap3A_450 = arith.index_cast %add3A_411 : i32 to index
        %swap3A_451 = arith.constant 64 : index
        %swap3A_452 = tpu.vector_load %arg8[%swap3A_450, %swap3A_451] {strides = array<i32>} : memref<128x144xf32, #tpu.memory_space<vmem>>, vector<16xf32>,
        tpu.vector_store %arg8[%swap3A_450, %swap3A_451], %mul3A_449 {strides = array<i32>} : memref<128x144xf32, #tpu.memory_space<vmem>>, vector<16xf32>,
        %get3A_453 = arith.index_cast %add3A_411 : i32 to index
        %get3A_454 = arith.constant 80 : index
        %get3A_455 = tpu.vector_load %arg8[%get3A_453, %get3A_454] {strides = array<i32>} : memref<128x144xf32, #tpu.memory_space<vmem>>, vector<16xf32>,
        %mul3A_456 = arith.mulf %get3A_455, %broadcast_in_dim3A_417 : vector<16xf32>
        %swap3A_457 = arith.index_cast %add3A_411 : i32 to index
        %swap3A_458 = arith.constant 80 : index
        %swap3A_459 = tpu.vector_load %arg8[%swap3A_457, %swap3A_458] {strides = array<i32>} : memref<128x144xf32, #tpu.memory_space<vmem>>, vector<16xf32>,
        tpu.vector_store %arg8[%swap3A_457, %swap3A_458], %mul3A_456 {strides = array<i32>} : memref<128x144xf32, #tpu.memory_space<vmem>>, vector<16xf32>,
        %get3A_460 = arith.index_cast %add3A_411 : i32 to index
        %get3A_461 = arith.constant 96 : index
        %get3A_462 = tpu.vector_load %arg8[%get3A_460, %get3A_461] {strides = array<i32>} : memref<128x144xf32, #tpu.memory_space<vmem>>, vector<16xf32>,
        %mul3A_463 = arith.mulf %get3A_462, %broadcast_in_dim3A_417 : vector<16xf32>
        %swap3A_464 = arith.index_cast %add3A_411 : i32 to index
        %swap3A_465 = arith.constant 96 : index
        %swap3A_466 = tpu.vector_load %arg8[%swap3A_464, %swap3A_465] {strides = array<i32>} : memref<128x144xf32, #tpu.memory_space<vmem>>, vector<16xf32>,
        tpu.vector_store %arg8[%swap3A_464, %swap3A_465], %mul3A_463 {strides = array<i32>} : memref<128x144xf32, #tpu.memory_space<vmem>>, vector<16xf32>,
        %get3A_467 = arith.index_cast %add3A_411 : i32 to index
        %get3A_468 = arith.constant 112 : index
        %get3A_469 = tpu.vector_load %arg8[%get3A_467, %get3A_468] {strides = array<i32>} : memref<128x144xf32, #tpu.memory_space<vmem>>, vector<16xf32>,
        %mul3A_470 = arith.mulf %get3A_469, %broadcast_in_dim3A_417 : vector<16xf32>
        %swap3A_471 = arith.index_cast %add3A_411 : i32 to index
        %swap3A_472 = arith.constant 112 : index
        %swap3A_473 = tpu.vector_load %arg8[%swap3A_471, %swap3A_472] {strides = array<i32>} : memref<128x144xf32, #tpu.memory_space<vmem>>, vector<16xf32>,
        tpu.vector_store %arg8[%swap3A_471, %swap3A_472], %mul3A_470 {strides = array<i32>} : memref<128x144xf32, #tpu.memory_space<vmem>>, vector<16xf32>,
        %mul3A_474 = arith.mulf %broadcast_in_dim3A_414, %select_n3A : vector<16xf32>
        %mul3A_475 = arith.mulf %broadcast_in_dim3A_417, %select_n3A_39 : vector<16xf32>
        %add3A_476 = arith.addf %mul3A_474, %mul3A_475 : vector<16xf32>
        %get3A_477 = arith.index_cast %add3A_411 : i32 to index
        %get3A_478 = arith.constant 128 : index
        %get3A_479 = tpu.vector_load %arg8[%get3A_477, %get3A_478] {strides = array<i32>} : memref<128x144xf32, #tpu.memory_space<vmem>>, vector<16xf32>,
        %mul3A_480 = arith.mulf %get3A_479, %add3A_476 : vector<16xf32>
        %swap3A_481 = arith.index_cast %add3A_411 : i32 to index
        %swap3A_482 = arith.constant 128 : index
        %swap3A_483 = tpu.vector_load %arg8[%swap3A_481, %swap3A_482] {strides = array<i32>} : memref<128x144xf32, #tpu.memory_space<vmem>>, vector<16xf32>,
        tpu.vector_store %arg8[%swap3A_481, %swap3A_482], %mul3A_480 {strides = array<i32>} : memref<128x144xf32, #tpu.memory_space<vmem>>, vector<16xf32>,
        %mul3A_484 = arith.constant 16 : i32
        %mul3A_485 = arith.muli %scan3A_67, %mul3A_484 : i32
        %add3A_486 = arith.constant 5 : i32
        %add3A_487 = arith.addi %mul3A_485, %add3A_486 : i32
        %slice3A_488 = vector.extract_strided_slice %exp3A {offsets = [5], sizes = [1], strides = [1]} : vector<16xf32> to vector<1xf32>
        %squeeze3A_489 = vector.extract %slice3A_488[0] : f32 from vector<1xf32>
        %broadcast_in_dim3A_490 = vector.broadcast %squeeze3A_489 : f32 to vector<16xf32>
        %slice3A_491 = vector.extract_strided_slice %exp3A_106 {offsets = [5], sizes = [1], strides = [1]} : vector<16xf32> to vector<1xf32>
        %squeeze3A_492 = vector.extract %slice3A_491[0] : f32 from vector<1xf32>
        %broadcast_in_dim3A_493 = vector.broadcast %squeeze3A_492 : f32 to vector<16xf32>
        %get3A_494 = arith.index_cast %add3A_487 : i32 to index
        %get3A_495 = arith.constant 0 : index
        %get3A_496 = tpu.vector_load %arg8[%get3A_494, %get3A_495] {strides = array<i32>} : memref<128x144xf32, #tpu.memory_space<vmem>>, vector<16xf32>,
        %mul3A_497 = arith.mulf %get3A_496, %broadcast_in_dim3A_490 : vector<16xf32>
        %swap3A_498 = arith.index_cast %add3A_487 : i32 to index
        %swap3A_499 = arith.constant 0 : index
        %swap3A_500 = tpu.vector_load %arg8[%swap3A_498, %swap3A_499] {strides = array<i32>} : memref<128x144xf32, #tpu.memory_space<vmem>>, vector<16xf32>,
        tpu.vector_store %arg8[%swap3A_498, %swap3A_499], %mul3A_497 {strides = array<i32>} : memref<128x144xf32, #tpu.memory_space<vmem>>, vector<16xf32>,
        %get3A_501 = arith.index_cast %add3A_487 : i32 to index
        %get3A_502 = arith.constant 16 : index
        %get3A_503 = tpu.vector_load %arg8[%get3A_501, %get3A_502] {strides = array<i32>} : memref<128x144xf32, #tpu.memory_space<vmem>>, vector<16xf32>,
        %mul3A_504 = arith.mulf %get3A_503, %broadcast_in_dim3A_490 : vector<16xf32>
        %swap3A_505 = arith.index_cast %add3A_487 : i32 to index
        %swap3A_506 = arith.constant 16 : index
        %swap3A_507 = tpu.vector_load %arg8[%swap3A_505, %swap3A_506] {strides = array<i32>} : memref<128x144xf32, #tpu.memory_space<vmem>>, vector<16xf32>,
        tpu.vector_store %arg8[%swap3A_505, %swap3A_506], %mul3A_504 {strides = array<i32>} : memref<128x144xf32, #tpu.memory_space<vmem>>, vector<16xf32>,
        %get3A_508 = arith.index_cast %add3A_487 : i32 to index
        %get3A_509 = arith.constant 32 : index
        %get3A_510 = tpu.vector_load %arg8[%get3A_508, %get3A_509] {strides = array<i32>} : memref<128x144xf32, #tpu.memory_space<vmem>>, vector<16xf32>,
        %mul3A_511 = arith.mulf %get3A_510, %broadcast_in_dim3A_490 : vector<16xf32>
        %swap3A_512 = arith.index_cast %add3A_487 : i32 to index
        %swap3A_513 = arith.constant 32 : index
        %swap3A_514 = tpu.vector_load %arg8[%swap3A_512, %swap3A_513] {strides = array<i32>} : memref<128x144xf32, #tpu.memory_space<vmem>>, vector<16xf32>,
        tpu.vector_store %arg8[%swap3A_512, %swap3A_513], %mul3A_511 {strides = array<i32>} : memref<128x144xf32, #tpu.memory_space<vmem>>, vector<16xf32>,
        %get3A_515 = arith.index_cast %add3A_487 : i32 to index
        %get3A_516 = arith.constant 48 : index
        %get3A_517 = tpu.vector_load %arg8[%get3A_515, %get3A_516] {strides = array<i32>} : memref<128x144xf32, #tpu.memory_space<vmem>>, vector<16xf32>,
        %mul3A_518 = arith.mulf %get3A_517, %broadcast_in_dim3A_490 : vector<16xf32>
        %swap3A_519 = arith.index_cast %add3A_487 : i32 to index
        %swap3A_520 = arith.constant 48 : index
        %swap3A_521 = tpu.vector_load %arg8[%swap3A_519, %swap3A_520] {strides = array<i32>} : memref<128x144xf32, #tpu.memory_space<vmem>>, vector<16xf32>,
        tpu.vector_store %arg8[%swap3A_519, %swap3A_520], %mul3A_518 {strides = array<i32>} : memref<128x144xf32, #tpu.memory_space<vmem>>, vector<16xf32>,
        %get3A_522 = arith.index_cast %add3A_487 : i32 to index
        %get3A_523 = arith.constant 64 : index
        %get3A_524 = tpu.vector_load %arg8[%get3A_522, %get3A_523] {strides = array<i32>} : memref<128x144xf32, #tpu.memory_space<vmem>>, vector<16xf32>,
        %mul3A_525 = arith.mulf %get3A_524, %broadcast_in_dim3A_493 : vector<16xf32>
        %swap3A_526 = arith.index_cast %add3A_487 : i32 to index
        %swap3A_527 = arith.constant 64 : index
        %swap3A_528 = tpu.vector_load %arg8[%swap3A_526, %swap3A_527] {strides = array<i32>} : memref<128x144xf32, #tpu.memory_space<vmem>>, vector<16xf32>,
        tpu.vector_store %arg8[%swap3A_526, %swap3A_527], %mul3A_525 {strides = array<i32>} : memref<128x144xf32, #tpu.memory_space<vmem>>, vector<16xf32>,
        %get3A_529 = arith.index_cast %add3A_487 : i32 to index
        %get3A_530 = arith.constant 80 : index
        %get3A_531 = tpu.vector_load %arg8[%get3A_529, %get3A_530] {strides = array<i32>} : memref<128x144xf32, #tpu.memory_space<vmem>>, vector<16xf32>,
        %mul3A_532 = arith.mulf %get3A_531, %broadcast_in_dim3A_493 : vector<16xf32>
        %swap3A_533 = arith.index_cast %add3A_487 : i32 to index
        %swap3A_534 = arith.constant 80 : index
        %swap3A_535 = tpu.vector_load %arg8[%swap3A_533, %swap3A_534] {strides = array<i32>} : memref<128x144xf32, #tpu.memory_space<vmem>>, vector<16xf32>,
        tpu.vector_store %arg8[%swap3A_533, %swap3A_534], %mul3A_532 {strides = array<i32>} : memref<128x144xf32, #tpu.memory_space<vmem>>, vector<16xf32>,
        %get3A_536 = arith.index_cast %add3A_487 : i32 to index
        %get3A_537 = arith.constant 96 : index
        %get3A_538 = tpu.vector_load %arg8[%get3A_536, %get3A_537] {strides = array<i32>} : memref<128x144xf32, #tpu.memory_space<vmem>>, vector<16xf32>,
        %mul3A_539 = arith.mulf %get3A_538, %broadcast_in_dim3A_493 : vector<16xf32>
        %swap3A_540 = arith.index_cast %add3A_487 : i32 to index
        %swap3A_541 = arith.constant 96 : index
        %swap3A_542 = tpu.vector_load %arg8[%swap3A_540, %swap3A_541] {strides = array<i32>} : memref<128x144xf32, #tpu.memory_space<vmem>>, vector<16xf32>,
        tpu.vector_store %arg8[%swap3A_540, %swap3A_541], %mul3A_539 {strides = array<i32>} : memref<128x144xf32, #tpu.memory_space<vmem>>, vector<16xf32>,
        %get3A_543 = arith.index_cast %add3A_487 : i32 to index
        %get3A_544 = arith.constant 112 : index
        %get3A_545 = tpu.vector_load %arg8[%get3A_543, %get3A_544] {strides = array<i32>} : memref<128x144xf32, #tpu.memory_space<vmem>>, vector<16xf32>,
        %mul3A_546 = arith.mulf %get3A_545, %broadcast_in_dim3A_493 : vector<16xf32>
        %swap3A_547 = arith.index_cast %add3A_487 : i32 to index
        %swap3A_548 = arith.constant 112 : index
        %swap3A_549 = tpu.vector_load %arg8[%swap3A_547, %swap3A_548] {strides = array<i32>} : memref<128x144xf32, #tpu.memory_space<vmem>>, vector<16xf32>,
        tpu.vector_store %arg8[%swap3A_547, %swap3A_548], %mul3A_546 {strides = array<i32>} : memref<128x144xf32, #tpu.memory_space<vmem>>, vector<16xf32>,
        %mul3A_550 = arith.mulf %broadcast_in_dim3A_490, %select_n3A : vector<16xf32>
        %mul3A_551 = arith.mulf %broadcast_in_dim3A_493, %select_n3A_39 : vector<16xf32>
        %add3A_552 = arith.addf %mul3A_550, %mul3A_551 : vector<16xf32>
        %get3A_553 = arith.index_cast %add3A_487 : i32 to index
        %get3A_554 = arith.constant 128 : index
        %get3A_555 = tpu.vector_load %arg8[%get3A_553, %get3A_554] {strides = array<i32>} : memref<128x144xf32, #tpu.memory_space<vmem>>, vector<16xf32>,
        %mul3A_556 = arith.mulf %get3A_555, %add3A_552 : vector<16xf32>
        %swap3A_557 = arith.index_cast %add3A_487 : i32 to index
        %swap3A_558 = arith.constant 128 : index
        %swap3A_559 = tpu.vector_load %arg8[%swap3A_557, %swap3A_558] {strides = array<i32>} : memref<128x144xf32, #tpu.memory_space<vmem>>, vector<16xf32>,
        tpu.vector_store %arg8[%swap3A_557, %swap3A_558], %mul3A_556 {strides = array<i32>} : memref<128x144xf32, #tpu.memory_space<vmem>>, vector<16xf32>,
        %mul3A_560 = arith.constant 16 : i32
        %mul3A_561 = arith.muli %scan3A_67, %mul3A_560 : i32
        %add3A_562 = arith.constant 6 : i32
        %add3A_563 = arith.addi %mul3A_561, %add3A_562 : i32
        %slice3A_564 = vector.extract_strided_slice %exp3A {offsets = [6], sizes = [1], strides = [1]} : vector<16xf32> to vector<1xf32>
        %squeeze3A_565 = vector.extract %slice3A_564[0] : f32 from vector<1xf32>
        %broadcast_in_dim3A_566 = vector.broadcast %squeeze3A_565 : f32 to vector<16xf32>
        %slice3A_567 = vector.extract_strided_slice %exp3A_106 {offsets = [6], sizes = [1], strides = [1]} : vector<16xf32> to vector<1xf32>
        %squeeze3A_568 = vector.extract %slice3A_567[0] : f32 from vector<1xf32>
        %broadcast_in_dim3A_569 = vector.broadcast %squeeze3A_568 : f32 to vector<16xf32>
        %get3A_570 = arith.index_cast %add3A_563 : i32 to index
        %get3A_571 = arith.constant 0 : index
        %get3A_572 = tpu.vector_load %arg8[%get3A_570, %get3A_571] {strides = array<i32>} : memref<128x144xf32, #tpu.memory_space<vmem>>, vector<16xf32>,
        %mul3A_573 = arith.mulf %get3A_572, %broadcast_in_dim3A_566 : vector<16xf32>
        %swap3A_574 = arith.index_cast %add3A_563 : i32 to index
        %swap3A_575 = arith.constant 0 : index
        %swap3A_576 = tpu.vector_load %arg8[%swap3A_574, %swap3A_575] {strides = array<i32>} : memref<128x144xf32, #tpu.memory_space<vmem>>, vector<16xf32>,
        tpu.vector_store %arg8[%swap3A_574, %swap3A_575], %mul3A_573 {strides = array<i32>} : memref<128x144xf32, #tpu.memory_space<vmem>>, vector<16xf32>,
        %get3A_577 = arith.index_cast %add3A_563 : i32 to index
        %get3A_578 = arith.constant 16 : index
        %get3A_579 = tpu.vector_load %arg8[%get3A_577, %get3A_578] {strides = array<i32>} : memref<128x144xf32, #tpu.memory_space<vmem>>, vector<16xf32>,
        %mul3A_580 = arith.mulf %get3A_579, %broadcast_in_dim3A_566 : vector<16xf32>
        %swap3A_581 = arith.index_cast %add3A_563 : i32 to index
        %swap3A_582 = arith.constant 16 : index
        %swap3A_583 = tpu.vector_load %arg8[%swap3A_581, %swap3A_582] {strides = array<i32>} : memref<128x144xf32, #tpu.memory_space<vmem>>, vector<16xf32>,
        tpu.vector_store %arg8[%swap3A_581, %swap3A_582], %mul3A_580 {strides = array<i32>} : memref<128x144xf32, #tpu.memory_space<vmem>>, vector<16xf32>,
        %get3A_584 = arith.index_cast %add3A_563 : i32 to index
        %get3A_585 = arith.constant 32 : index
        %get3A_586 = tpu.vector_load %arg8[%get3A_584, %get3A_585] {strides = array<i32>} : memref<128x144xf32, #tpu.memory_space<vmem>>, vector<16xf32>,
        %mul3A_587 = arith.mulf %get3A_586, %broadcast_in_dim3A_566 : vector<16xf32>
        %swap3A_588 = arith.index_cast %add3A_563 : i32 to index
        %swap3A_589 = arith.constant 32 : index
        %swap3A_590 = tpu.vector_load %arg8[%swap3A_588, %swap3A_589] {strides = array<i32>} : memref<128x144xf32, #tpu.memory_space<vmem>>, vector<16xf32>,
        tpu.vector_store %arg8[%swap3A_588, %swap3A_589], %mul3A_587 {strides = array<i32>} : memref<128x144xf32, #tpu.memory_space<vmem>>, vector<16xf32>,
        %get3A_591 = arith.index_cast %add3A_563 : i32 to index
        %get3A_592 = arith.constant 48 : index
        %get3A_593 = tpu.vector_load %arg8[%get3A_591, %get3A_592] {strides = array<i32>} : memref<128x144xf32, #tpu.memory_space<vmem>>, vector<16xf32>,
        %mul3A_594 = arith.mulf %get3A_593, %broadcast_in_dim3A_566 : vector<16xf32>
        %swap3A_595 = arith.index_cast %add3A_563 : i32 to index
        %swap3A_596 = arith.constant 48 : index
        %swap3A_597 = tpu.vector_load %arg8[%swap3A_595, %swap3A_596] {strides = array<i32>} : memref<128x144xf32, #tpu.memory_space<vmem>>, vector<16xf32>,
        tpu.vector_store %arg8[%swap3A_595, %swap3A_596], %mul3A_594 {strides = array<i32>} : memref<128x144xf32, #tpu.memory_space<vmem>>, vector<16xf32>,
        %get3A_598 = arith.index_cast %add3A_563 : i32 to index
        %get3A_599 = arith.constant 64 : index
        %get3A_600 = tpu.vector_load %arg8[%get3A_598, %get3A_599] {strides = array<i32>} : memref<128x144xf32, #tpu.memory_space<vmem>>, vector<16xf32>,
        %mul3A_601 = arith.mulf %get3A_600, %broadcast_in_dim3A_569 : vector<16xf32>
        %swap3A_602 = arith.index_cast %add3A_563 : i32 to index
        %swap3A_603 = arith.constant 64 : index
        %swap3A_604 = tpu.vector_load %arg8[%swap3A_602, %swap3A_603] {strides = array<i32>} : memref<128x144xf32, #tpu.memory_space<vmem>>, vector<16xf32>,
        tpu.vector_store %arg8[%swap3A_602, %swap3A_603], %mul3A_601 {strides = array<i32>} : memref<128x144xf32, #tpu.memory_space<vmem>>, vector<16xf32>,
        %get3A_605 = arith.index_cast %add3A_563 : i32 to index
        %get3A_606 = arith.constant 80 : index
        %get3A_607 = tpu.vector_load %arg8[%get3A_605, %get3A_606] {strides = array<i32>} : memref<128x144xf32, #tpu.memory_space<vmem>>, vector<16xf32>,
        %mul3A_608 = arith.mulf %get3A_607, %broadcast_in_dim3A_569 : vector<16xf32>
        %swap3A_609 = arith.index_cast %add3A_563 : i32 to index
        %swap3A_610 = arith.constant 80 : index
        %swap3A_611 = tpu.vector_load %arg8[%swap3A_609, %swap3A_610] {strides = array<i32>} : memref<128x144xf32, #tpu.memory_space<vmem>>, vector<16xf32>,
        tpu.vector_store %arg8[%swap3A_609, %swap3A_610], %mul3A_608 {strides = array<i32>} : memref<128x144xf32, #tpu.memory_space<vmem>>, vector<16xf32>,
        %get3A_612 = arith.index_cast %add3A_563 : i32 to index
        %get3A_613 = arith.constant 96 : index
        %get3A_614 = tpu.vector_load %arg8[%get3A_612, %get3A_613] {strides = array<i32>} : memref<128x144xf32, #tpu.memory_space<vmem>>, vector<16xf32>,
        %mul3A_615 = arith.mulf %get3A_614, %broadcast_in_dim3A_569 : vector<16xf32>
        %swap3A_616 = arith.index_cast %add3A_563 : i32 to index
        %swap3A_617 = arith.constant 96 : index
        %swap3A_618 = tpu.vector_load %arg8[%swap3A_616, %swap3A_617] {strides = array<i32>} : memref<128x144xf32, #tpu.memory_space<vmem>>, vector<16xf32>,
        tpu.vector_store %arg8[%swap3A_616, %swap3A_617], %mul3A_615 {strides = array<i32>} : memref<128x144xf32, #tpu.memory_space<vmem>>, vector<16xf32>,
        %get3A_619 = arith.index_cast %add3A_563 : i32 to index
        %get3A_620 = arith.constant 112 : index
        %get3A_621 = tpu.vector_load %arg8[%get3A_619, %get3A_620] {strides = array<i32>} : memref<128x144xf32, #tpu.memory_space<vmem>>, vector<16xf32>,
        %mul3A_622 = arith.mulf %get3A_621, %broadcast_in_dim3A_569 : vector<16xf32>
        %swap3A_623 = arith.index_cast %add3A_563 : i32 to index
        %swap3A_624 = arith.constant 112 : index
        %swap3A_625 = tpu.vector_load %arg8[%swap3A_623, %swap3A_624] {strides = array<i32>} : memref<128x144xf32, #tpu.memory_space<vmem>>, vector<16xf32>,
        tpu.vector_store %arg8[%swap3A_623, %swap3A_624], %mul3A_622 {strides = array<i32>} : memref<128x144xf32, #tpu.memory_space<vmem>>, vector<16xf32>,
        %mul3A_626 = arith.mulf %broadcast_in_dim3A_566, %select_n3A : vector<16xf32>
        %mul3A_627 = arith.mulf %broadcast_in_dim3A_569, %select_n3A_39 : vector<16xf32>
        %add3A_628 = arith.addf %mul3A_626, %mul3A_627 : vector<16xf32>
        %get3A_629 = arith.index_cast %add3A_563 : i32 to index
        %get3A_630 = arith.constant 128 : index
        %get3A_631 = tpu.vector_load %arg8[%get3A_629, %get3A_630] {strides = array<i32>} : memref<128x144xf32, #tpu.memory_space<vmem>>, vector<16xf32>,
        %mul3A_632 = arith.mulf %get3A_631, %add3A_628 : vector<16xf32>
        %swap3A_633 = arith.index_cast %add3A_563 : i32 to index
        %swap3A_634 = arith.constant 128 : index
        %swap3A_635 = tpu.vector_load %arg8[%swap3A_633, %swap3A_634] {strides = array<i32>} : memref<128x144xf32, #tpu.memory_space<vmem>>, vector<16xf32>,
        tpu.vector_store %arg8[%swap3A_633, %swap3A_634], %mul3A_632 {strides = array<i32>} : memref<128x144xf32, #tpu.memory_space<vmem>>, vector<16xf32>,
        %mul3A_636 = arith.constant 16 : i32
        %mul3A_637 = arith.muli %scan3A_67, %mul3A_636 : i32
        %add3A_638 = arith.constant 7 : i32
        %add3A_639 = arith.addi %mul3A_637, %add3A_638 : i32
        %slice3A_640 = vector.extract_strided_slice %exp3A {offsets = [7], sizes = [1], strides = [1]} : vector<16xf32> to vector<1xf32>
        %squeeze3A_641 = vector.extract %slice3A_640[0] : f32 from vector<1xf32>
        %broadcast_in_dim3A_642 = vector.broadcast %squeeze3A_641 : f32 to vector<16xf32>
        %slice3A_643 = vector.extract_strided_slice %exp3A_106 {offsets = [7], sizes = [1], strides = [1]} : vector<16xf32> to vector<1xf32>
        %squeeze3A_644 = vector.extract %slice3A_643[0] : f32 from vector<1xf32>
        %broadcast_in_dim3A_645 = vector.broadcast %squeeze3A_644 : f32 to vector<16xf32>
        %get3A_646 = arith.index_cast %add3A_639 : i32 to index
        %get3A_647 = arith.constant 0 : index
        %get3A_648 = tpu.vector_load %arg8[%get3A_646, %get3A_647] {strides = array<i32>} : memref<128x144xf32, #tpu.memory_space<vmem>>, vector<16xf32>,
        %mul3A_649 = arith.mulf %get3A_648, %broadcast_in_dim3A_642 : vector<16xf32>
        %swap3A_650 = arith.index_cast %add3A_639 : i32 to index
        %swap3A_651 = arith.constant 0 : index
        %swap3A_652 = tpu.vector_load %arg8[%swap3A_650, %swap3A_651] {strides = array<i32>} : memref<128x144xf32, #tpu.memory_space<vmem>>, vector<16xf32>,
        tpu.vector_store %arg8[%swap3A_650, %swap3A_651], %mul3A_649 {strides = array<i32>} : memref<128x144xf32, #tpu.memory_space<vmem>>, vector<16xf32>,
        %get3A_653 = arith.index_cast %add3A_639 : i32 to index
        %get3A_654 = arith.constant 16 : index
        %get3A_655 = tpu.vector_load %arg8[%get3A_653, %get3A_654] {strides = array<i32>} : memref<128x144xf32, #tpu.memory_space<vmem>>, vector<16xf32>,
        %mul3A_656 = arith.mulf %get3A_655, %broadcast_in_dim3A_642 : vector<16xf32>
        %swap3A_657 = arith.index_cast %add3A_639 : i32 to index
        %swap3A_658 = arith.constant 16 : index
        %swap3A_659 = tpu.vector_load %arg8[%swap3A_657, %swap3A_658] {strides = array<i32>} : memref<128x144xf32, #tpu.memory_space<vmem>>, vector<16xf32>,
        tpu.vector_store %arg8[%swap3A_657, %swap3A_658], %mul3A_656 {strides = array<i32>} : memref<128x144xf32, #tpu.memory_space<vmem>>, vector<16xf32>,
        %get3A_660 = arith.index_cast %add3A_639 : i32 to index
        %get3A_661 = arith.constant 32 : index
        %get3A_662 = tpu.vector_load %arg8[%get3A_660, %get3A_661] {strides = array<i32>} : memref<128x144xf32, #tpu.memory_space<vmem>>, vector<16xf32>,
        %mul3A_663 = arith.mulf %get3A_662, %broadcast_in_dim3A_642 : vector<16xf32>
        %swap3A_664 = arith.index_cast %add3A_639 : i32 to index
        %swap3A_665 = arith.constant 32 : index
        %swap3A_666 = tpu.vector_load %arg8[%swap3A_664, %swap3A_665] {strides = array<i32>} : memref<128x144xf32, #tpu.memory_space<vmem>>, vector<16xf32>,
        tpu.vector_store %arg8[%swap3A_664, %swap3A_665], %mul3A_663 {strides = array<i32>} : memref<128x144xf32, #tpu.memory_space<vmem>>, vector<16xf32>,
        %get3A_667 = arith.index_cast %add3A_639 : i32 to index
        %get3A_668 = arith.constant 48 : index
        %get3A_669 = tpu.vector_load %arg8[%get3A_667, %get3A_668] {strides = array<i32>} : memref<128x144xf32, #tpu.memory_space<vmem>>, vector<16xf32>,
        %mul3A_670 = arith.mulf %get3A_669, %broadcast_in_dim3A_642 : vector<16xf32>
        %swap3A_671 = arith.index_cast %add3A_639 : i32 to index
        %swap3A_672 = arith.constant 48 : index
        %swap3A_673 = tpu.vector_load %arg8[%swap3A_671, %swap3A_672] {strides = array<i32>} : memref<128x144xf32, #tpu.memory_space<vmem>>, vector<16xf32>,
        tpu.vector_store %arg8[%swap3A_671, %swap3A_672], %mul3A_670 {strides = array<i32>} : memref<128x144xf32, #tpu.memory_space<vmem>>, vector<16xf32>,
        %get3A_674 = arith.index_cast %add3A_639 : i32 to index
        %get3A_675 = arith.constant 64 : index
        %get3A_676 = tpu.vector_load %arg8[%get3A_674, %get3A_675] {strides = array<i32>} : memref<128x144xf32, #tpu.memory_space<vmem>>, vector<16xf32>,
        %mul3A_677 = arith.mulf %get3A_676, %broadcast_in_dim3A_645 : vector<16xf32>
        %swap3A_678 = arith.index_cast %add3A_639 : i32 to index
        %swap3A_679 = arith.constant 64 : index
        %swap3A_680 = tpu.vector_load %arg8[%swap3A_678, %swap3A_679] {strides = array<i32>} : memref<128x144xf32, #tpu.memory_space<vmem>>, vector<16xf32>,
        tpu.vector_store %arg8[%swap3A_678, %swap3A_679], %mul3A_677 {strides = array<i32>} : memref<128x144xf32, #tpu.memory_space<vmem>>, vector<16xf32>,
        %get3A_681 = arith.index_cast %add3A_639 : i32 to index
        %get3A_682 = arith.constant 80 : index
        %get3A_683 = tpu.vector_load %arg8[%get3A_681, %get3A_682] {strides = array<i32>} : memref<128x144xf32, #tpu.memory_space<vmem>>, vector<16xf32>,
        %mul3A_684 = arith.mulf %get3A_683, %broadcast_in_dim3A_645 : vector<16xf32>
        %swap3A_685 = arith.index_cast %add3A_639 : i32 to index
        %swap3A_686 = arith.constant 80 : index
        %swap3A_687 = tpu.vector_load %arg8[%swap3A_685, %swap3A_686] {strides = array<i32>} : memref<128x144xf32, #tpu.memory_space<vmem>>, vector<16xf32>,
        tpu.vector_store %arg8[%swap3A_685, %swap3A_686], %mul3A_684 {strides = array<i32>} : memref<128x144xf32, #tpu.memory_space<vmem>>, vector<16xf32>,
        %get3A_688 = arith.index_cast %add3A_639 : i32 to index
        %get3A_689 = arith.constant 96 : index
        %get3A_690 = tpu.vector_load %arg8[%get3A_688, %get3A_689] {strides = array<i32>} : memref<128x144xf32, #tpu.memory_space<vmem>>, vector<16xf32>,
        %mul3A_691 = arith.mulf %get3A_690, %broadcast_in_dim3A_645 : vector<16xf32>
        %swap3A_692 = arith.index_cast %add3A_639 : i32 to index
        %swap3A_693 = arith.constant 96 : index
        %swap3A_694 = tpu.vector_load %arg8[%swap3A_692, %swap3A_693] {strides = array<i32>} : memref<128x144xf32, #tpu.memory_space<vmem>>, vector<16xf32>,
        tpu.vector_store %arg8[%swap3A_692, %swap3A_693], %mul3A_691 {strides = array<i32>} : memref<128x144xf32, #tpu.memory_space<vmem>>, vector<16xf32>,
        %get3A_695 = arith.index_cast %add3A_639 : i32 to index
        %get3A_696 = arith.constant 112 : index
        %get3A_697 = tpu.vector_load %arg8[%get3A_695, %get3A_696] {strides = array<i32>} : memref<128x144xf32, #tpu.memory_space<vmem>>, vector<16xf32>,
        %mul3A_698 = arith.mulf %get3A_697, %broadcast_in_dim3A_645 : vector<16xf32>
        %swap3A_699 = arith.index_cast %add3A_639 : i32 to index
        %swap3A_700 = arith.constant 112 : index
        %swap3A_701 = tpu.vector_load %arg8[%swap3A_699, %swap3A_700] {strides = array<i32>} : memref<128x144xf32, #tpu.memory_space<vmem>>, vector<16xf32>,
        tpu.vector_store %arg8[%swap3A_699, %swap3A_700], %mul3A_698 {strides = array<i32>} : memref<128x144xf32, #tpu.memory_space<vmem>>, vector<16xf32>,
        %mul3A_702 = arith.mulf %broadcast_in_dim3A_642, %select_n3A : vector<16xf32>
        %mul3A_703 = arith.mulf %broadcast_in_dim3A_645, %select_n3A_39 : vector<16xf32>
        %add3A_704 = arith.addf %mul3A_702, %mul3A_703 : vector<16xf32>
        %get3A_705 = arith.index_cast %add3A_639 : i32 to index
        %get3A_706 = arith.constant 128 : index
        %get3A_707 = tpu.vector_load %arg8[%get3A_705, %get3A_706] {strides = array<i32>} : memref<128x144xf32, #tpu.memory_space<vmem>>, vector<16xf32>,
        %mul3A_708 = arith.mulf %get3A_707, %add3A_704 : vector<16xf32>
        %swap3A_709 = arith.index_cast %add3A_639 : i32 to index
        %swap3A_710 = arith.constant 128 : index
        %swap3A_711 = tpu.vector_load %arg8[%swap3A_709, %swap3A_710] {strides = array<i32>} : memref<128x144xf32, #tpu.memory_space<vmem>>, vector<16xf32>,
        tpu.vector_store %arg8[%swap3A_709, %swap3A_710], %mul3A_708 {strides = array<i32>} : memref<128x144xf32, #tpu.memory_space<vmem>>, vector<16xf32>,
        %mul3A_712 = arith.constant 16 : i32
        %mul3A_713 = arith.muli %scan3A_67, %mul3A_712 : i32
        %add3A_714 = arith.constant 8 : i32
        %add3A_715 = arith.addi %mul3A_713, %add3A_714 : i32
        %slice3A_716 = vector.extract_strided_slice %exp3A {offsets = [8], sizes = [1], strides = [1]} : vector<16xf32> to vector<1xf32>
        %squeeze3A_717 = vector.extract %slice3A_716[0] : f32 from vector<1xf32>
        %broadcast_in_dim3A_718 = vector.broadcast %squeeze3A_717 : f32 to vector<16xf32>
        %slice3A_719 = vector.extract_strided_slice %exp3A_106 {offsets = [8], sizes = [1], strides = [1]} : vector<16xf32> to vector<1xf32>
        %squeeze3A_720 = vector.extract %slice3A_719[0] : f32 from vector<1xf32>
        %broadcast_in_dim3A_721 = vector.broadcast %squeeze3A_720 : f32 to vector<16xf32>
        %get3A_722 = arith.index_cast %add3A_715 : i32 to index
        %get3A_723 = arith.constant 0 : index
        %get3A_724 = tpu.vector_load %arg8[%get3A_722, %get3A_723] {strides = array<i32>} : memref<128x144xf32, #tpu.memory_space<vmem>>, vector<16xf32>,
        %mul3A_725 = arith.mulf %get3A_724, %broadcast_in_dim3A_718 : vector<16xf32>
        %swap3A_726 = arith.index_cast %add3A_715 : i32 to index
        %swap3A_727 = arith.constant 0 : index
        %swap3A_728 = tpu.vector_load %arg8[%swap3A_726, %swap3A_727] {strides = array<i32>} : memref<128x144xf32, #tpu.memory_space<vmem>>, vector<16xf32>,
        tpu.vector_store %arg8[%swap3A_726, %swap3A_727], %mul3A_725 {strides = array<i32>} : memref<128x144xf32, #tpu.memory_space<vmem>>, vector<16xf32>,
        %get3A_729 = arith.index_cast %add3A_715 : i32 to index
        %get3A_730 = arith.constant 16 : index
        %get3A_731 = tpu.vector_load %arg8[%get3A_729, %get3A_730] {strides = array<i32>} : memref<128x144xf32, #tpu.memory_space<vmem>>, vector<16xf32>,
        %mul3A_732 = arith.mulf %get3A_731, %broadcast_in_dim3A_718 : vector<16xf32>
        %swap3A_733 = arith.index_cast %add3A_715 : i32 to index
        %swap3A_734 = arith.constant 16 : index
        %swap3A_735 = tpu.vector_load %arg8[%swap3A_733, %swap3A_734] {strides = array<i32>} : memref<128x144xf32, #tpu.memory_space<vmem>>, vector<16xf32>,
        tpu.vector_store %arg8[%swap3A_733, %swap3A_734], %mul3A_732 {strides = array<i32>} : memref<128x144xf32, #tpu.memory_space<vmem>>, vector<16xf32>,
        %get3A_736 = arith.index_cast %add3A_715 : i32 to index
        %get3A_737 = arith.constant 32 : index
        %get3A_738 = tpu.vector_load %arg8[%get3A_736, %get3A_737] {strides = array<i32>} : memref<128x144xf32, #tpu.memory_space<vmem>>, vector<16xf32>,
        %mul3A_739 = arith.mulf %get3A_738, %broadcast_in_dim3A_718 : vector<16xf32>
        %swap3A_740 = arith.index_cast %add3A_715 : i32 to index
        %swap3A_741 = arith.constant 32 : index
        %swap3A_742 = tpu.vector_load %arg8[%swap3A_740, %swap3A_741] {strides = array<i32>} : memref<128x144xf32, #tpu.memory_space<vmem>>, vector<16xf32>,
        tpu.vector_store %arg8[%swap3A_740, %swap3A_741], %mul3A_739 {strides = array<i32>} : memref<128x144xf32, #tpu.memory_space<vmem>>, vector<16xf32>,
        %get3A_743 = arith.index_cast %add3A_715 : i32 to index
        %get3A_744 = arith.constant 48 : index
        %get3A_745 = tpu.vector_load %arg8[%get3A_743, %get3A_744] {strides = array<i32>} : memref<128x144xf32, #tpu.memory_space<vmem>>, vector<16xf32>,
        %mul3A_746 = arith.mulf %get3A_745, %broadcast_in_dim3A_718 : vector<16xf32>
        %swap3A_747 = arith.index_cast %add3A_715 : i32 to index
        %swap3A_748 = arith.constant 48 : index
        %swap3A_749 = tpu.vector_load %arg8[%swap3A_747, %swap3A_748] {strides = array<i32>} : memref<128x144xf32, #tpu.memory_space<vmem>>, vector<16xf32>,
        tpu.vector_store %arg8[%swap3A_747, %swap3A_748], %mul3A_746 {strides = array<i32>} : memref<128x144xf32, #tpu.memory_space<vmem>>, vector<16xf32>,
        %get3A_750 = arith.index_cast %add3A_715 : i32 to index
        %get3A_751 = arith.constant 64 : index
        %get3A_752 = tpu.vector_load %arg8[%get3A_750, %get3A_751] {strides = array<i32>} : memref<128x144xf32, #tpu.memory_space<vmem>>, vector<16xf32>,
        %mul3A_753 = arith.mulf %get3A_752, %broadcast_in_dim3A_721 : vector<16xf32>
        %swap3A_754 = arith.index_cast %add3A_715 : i32 to index
        %swap3A_755 = arith.constant 64 : index
        %swap3A_756 = tpu.vector_load %arg8[%swap3A_754, %swap3A_755] {strides = array<i32>} : memref<128x144xf32, #tpu.memory_space<vmem>>, vector<16xf32>,
        tpu.vector_store %arg8[%swap3A_754, %swap3A_755], %mul3A_753 {strides = array<i32>} : memref<128x144xf32, #tpu.memory_space<vmem>>, vector<16xf32>,
        %get3A_757 = arith.index_cast %add3A_715 : i32 to index
        %get3A_758 = arith.constant 80 : index
        %get3A_759 = tpu.vector_load %arg8[%get3A_757, %get3A_758] {strides = array<i32>} : memref<128x144xf32, #tpu.memory_space<vmem>>, vector<16xf32>,
        %mul3A_760 = arith.mulf %get3A_759, %broadcast_in_dim3A_721 : vector<16xf32>
        %swap3A_761 = arith.index_cast %add3A_715 : i32 to index
        %swap3A_762 = arith.constant 80 : index
        %swap3A_763 = tpu.vector_load %arg8[%swap3A_761, %swap3A_762] {strides = array<i32>} : memref<128x144xf32, #tpu.memory_space<vmem>>, vector<16xf32>,
        tpu.vector_store %arg8[%swap3A_761, %swap3A_762], %mul3A_760 {strides = array<i32>} : memref<128x144xf32, #tpu.memory_space<vmem>>, vector<16xf32>,
        %get3A_764 = arith.index_cast %add3A_715 : i32 to index
        %get3A_765 = arith.constant 96 : index
        %get3A_766 = tpu.vector_load %arg8[%get3A_764, %get3A_765] {strides = array<i32>} : memref<128x144xf32, #tpu.memory_space<vmem>>, vector<16xf32>,
        %mul3A_767 = arith.mulf %get3A_766, %broadcast_in_dim3A_721 : vector<16xf32>
        %swap3A_768 = arith.index_cast %add3A_715 : i32 to index
        %swap3A_769 = arith.constant 96 : index
        %swap3A_770 = tpu.vector_load %arg8[%swap3A_768, %swap3A_769] {strides = array<i32>} : memref<128x144xf32, #tpu.memory_space<vmem>>, vector<16xf32>,
        tpu.vector_store %arg8[%swap3A_768, %swap3A_769], %mul3A_767 {strides = array<i32>} : memref<128x144xf32, #tpu.memory_space<vmem>>, vector<16xf32>,
        %get3A_771 = arith.index_cast %add3A_715 : i32 to index
        %get3A_772 = arith.constant 112 : index
        %get3A_773 = tpu.vector_load %arg8[%get3A_771, %get3A_772] {strides = array<i32>} : memref<128x144xf32, #tpu.memory_space<vmem>>, vector<16xf32>,
        %mul3A_774 = arith.mulf %get3A_773, %broadcast_in_dim3A_721 : vector<16xf32>
        %swap3A_775 = arith.index_cast %add3A_715 : i32 to index
        %swap3A_776 = arith.constant 112 : index
        %swap3A_777 = tpu.vector_load %arg8[%swap3A_775, %swap3A_776] {strides = array<i32>} : memref<128x144xf32, #tpu.memory_space<vmem>>, vector<16xf32>,
        tpu.vector_store %arg8[%swap3A_775, %swap3A_776], %mul3A_774 {strides = array<i32>} : memref<128x144xf32, #tpu.memory_space<vmem>>, vector<16xf32>,
        %mul3A_778 = arith.mulf %broadcast_in_dim3A_718, %select_n3A : vector<16xf32>
        %mul3A_779 = arith.mulf %broadcast_in_dim3A_721, %select_n3A_39 : vector<16xf32>
        %add3A_780 = arith.addf %mul3A_778, %mul3A_779 : vector<16xf32>
        %get3A_781 = arith.index_cast %add3A_715 : i32 to index
        %get3A_782 = arith.constant 128 : index
        %get3A_783 = tpu.vector_load %arg8[%get3A_781, %get3A_782] {strides = array<i32>} : memref<128x144xf32, #tpu.memory_space<vmem>>, vector<16xf32>,
        %mul3A_784 = arith.mulf %get3A_783, %add3A_780 : vector<16xf32>
        %swap3A_785 = arith.index_cast %add3A_715 : i32 to index
        %swap3A_786 = arith.constant 128 : index
        %swap3A_787 = tpu.vector_load %arg8[%swap3A_785, %swap3A_786] {strides = array<i32>} : memref<128x144xf32, #tpu.memory_space<vmem>>, vector<16xf32>,
        tpu.vector_store %arg8[%swap3A_785, %swap3A_786], %mul3A_784 {strides = array<i32>} : memref<128x144xf32, #tpu.memory_space<vmem>>, vector<16xf32>,
        %mul3A_788 = arith.constant 16 : i32
        %mul3A_789 = arith.muli %scan3A_67, %mul3A_788 : i32
        %add3A_790 = arith.constant 9 : i32
        %add3A_791 = arith.addi %mul3A_789, %add3A_790 : i32
        %slice3A_792 = vector.extract_strided_slice %exp3A {offsets = [9], sizes = [1], strides = [1]} : vector<16xf32> to vector<1xf32>
        %squeeze3A_793 = vector.extract %slice3A_792[0] : f32 from vector<1xf32>
        %broadcast_in_dim3A_794 = vector.broadcast %squeeze3A_793 : f32 to vector<16xf32>
        %slice3A_795 = vector.extract_strided_slice %exp3A_106 {offsets = [9], sizes = [1], strides = [1]} : vector<16xf32> to vector<1xf32>
        %squeeze3A_796 = vector.extract %slice3A_795[0] : f32 from vector<1xf32>
        %broadcast_in_dim3A_797 = vector.broadcast %squeeze3A_796 : f32 to vector<16xf32>
        %get3A_798 = arith.index_cast %add3A_791 : i32 to index
        %get3A_799 = arith.constant 0 : index
        %get3A_800 = tpu.vector_load %arg8[%get3A_798, %get3A_799] {strides = array<i32>} : memref<128x144xf32, #tpu.memory_space<vmem>>, vector<16xf32>,
        %mul3A_801 = arith.mulf %get3A_800, %broadcast_in_dim3A_794 : vector<16xf32>
        %swap3A_802 = arith.index_cast %add3A_791 : i32 to index
        %swap3A_803 = arith.constant 0 : index
        %swap3A_804 = tpu.vector_load %arg8[%swap3A_802, %swap3A_803] {strides = array<i32>} : memref<128x144xf32, #tpu.memory_space<vmem>>, vector<16xf32>,
        tpu.vector_store %arg8[%swap3A_802, %swap3A_803], %mul3A_801 {strides = array<i32>} : memref<128x144xf32, #tpu.memory_space<vmem>>, vector<16xf32>,
        %get3A_805 = arith.index_cast %add3A_791 : i32 to index
        %get3A_806 = arith.constant 16 : index
        %get3A_807 = tpu.vector_load %arg8[%get3A_805, %get3A_806] {strides = array<i32>} : memref<128x144xf32, #tpu.memory_space<vmem>>, vector<16xf32>,
        %mul3A_808 = arith.mulf %get3A_807, %broadcast_in_dim3A_794 : vector<16xf32>
        %swap3A_809 = arith.index_cast %add3A_791 : i32 to index
        %swap3A_810 = arith.constant 16 : index
        %swap3A_811 = tpu.vector_load %arg8[%swap3A_809, %swap3A_810] {strides = array<i32>} : memref<128x144xf32, #tpu.memory_space<vmem>>, vector<16xf32>,
        tpu.vector_store %arg8[%swap3A_809, %swap3A_810], %mul3A_808 {strides = array<i32>} : memref<128x144xf32, #tpu.memory_space<vmem>>, vector<16xf32>,
        %get3A_812 = arith.index_cast %add3A_791 : i32 to index
        %get3A_813 = arith.constant 32 : index
        %get3A_814 = tpu.vector_load %arg8[%get3A_812, %get3A_813] {strides = array<i32>} : memref<128x144xf32, #tpu.memory_space<vmem>>, vector<16xf32>,
        %mul3A_815 = arith.mulf %get3A_814, %broadcast_in_dim3A_794 : vector<16xf32>
        %swap3A_816 = arith.index_cast %add3A_791 : i32 to index
        %swap3A_817 = arith.constant 32 : index
        %swap3A_818 = tpu.vector_load %arg8[%swap3A_816, %swap3A_817] {strides = array<i32>} : memref<128x144xf32, #tpu.memory_space<vmem>>, vector<16xf32>,
        tpu.vector_store %arg8[%swap3A_816, %swap3A_817], %mul3A_815 {strides = array<i32>} : memref<128x144xf32, #tpu.memory_space<vmem>>, vector<16xf32>,
        %get3A_819 = arith.index_cast %add3A_791 : i32 to index
        %get3A_820 = arith.constant 48 : index
        %get3A_821 = tpu.vector_load %arg8[%get3A_819, %get3A_820] {strides = array<i32>} : memref<128x144xf32, #tpu.memory_space<vmem>>, vector<16xf32>,
        %mul3A_822 = arith.mulf %get3A_821, %broadcast_in_dim3A_794 : vector<16xf32>
        %swap3A_823 = arith.index_cast %add3A_791 : i32 to index
        %swap3A_824 = arith.constant 48 : index
        %swap3A_825 = tpu.vector_load %arg8[%swap3A_823, %swap3A_824] {strides = array<i32>} : memref<128x144xf32, #tpu.memory_space<vmem>>, vector<16xf32>,
        tpu.vector_store %arg8[%swap3A_823, %swap3A_824], %mul3A_822 {strides = array<i32>} : memref<128x144xf32, #tpu.memory_space<vmem>>, vector<16xf32>,
        %get3A_826 = arith.index_cast %add3A_791 : i32 to index
        %get3A_827 = arith.constant 64 : index
        %get3A_828 = tpu.vector_load %arg8[%get3A_826, %get3A_827] {strides = array<i32>} : memref<128x144xf32, #tpu.memory_space<vmem>>, vector<16xf32>,
        %mul3A_829 = arith.mulf %get3A_828, %broadcast_in_dim3A_797 : vector<16xf32>
        %swap3A_830 = arith.index_cast %add3A_791 : i32 to index
        %swap3A_831 = arith.constant 64 : index
        %swap3A_832 = tpu.vector_load %arg8[%swap3A_830, %swap3A_831] {strides = array<i32>} : memref<128x144xf32, #tpu.memory_space<vmem>>, vector<16xf32>,
        tpu.vector_store %arg8[%swap3A_830, %swap3A_831], %mul3A_829 {strides = array<i32>} : memref<128x144xf32, #tpu.memory_space<vmem>>, vector<16xf32>,
        %get3A_833 = arith.index_cast %add3A_791 : i32 to index
        %get3A_834 = arith.constant 80 : index
        %get3A_835 = tpu.vector_load %arg8[%get3A_833, %get3A_834] {strides = array<i32>} : memref<128x144xf32, #tpu.memory_space<vmem>>, vector<16xf32>,
        %mul3A_836 = arith.mulf %get3A_835, %broadcast_in_dim3A_797 : vector<16xf32>
        %swap3A_837 = arith.index_cast %add3A_791 : i32 to index
        %swap3A_838 = arith.constant 80 : index
        %swap3A_839 = tpu.vector_load %arg8[%swap3A_837, %swap3A_838] {strides = array<i32>} : memref<128x144xf32, #tpu.memory_space<vmem>>, vector<16xf32>,
        tpu.vector_store %arg8[%swap3A_837, %swap3A_838], %mul3A_836 {strides = array<i32>} : memref<128x144xf32, #tpu.memory_space<vmem>>, vector<16xf32>,
        %get3A_840 = arith.index_cast %add3A_791 : i32 to index
        %get3A_841 = arith.constant 96 : index
        %get3A_842 = tpu.vector_load %arg8[%get3A_840, %get3A_841] {strides = array<i32>} : memref<128x144xf32, #tpu.memory_space<vmem>>, vector<16xf32>,
        %mul3A_843 = arith.mulf %get3A_842, %broadcast_in_dim3A_797 : vector<16xf32>
        %swap3A_844 = arith.index_cast %add3A_791 : i32 to index
        %swap3A_845 = arith.constant 96 : index
        %swap3A_846 = tpu.vector_load %arg8[%swap3A_844, %swap3A_845] {strides = array<i32>} : memref<128x144xf32, #tpu.memory_space<vmem>>, vector<16xf32>,
        tpu.vector_store %arg8[%swap3A_844, %swap3A_845], %mul3A_843 {strides = array<i32>} : memref<128x144xf32, #tpu.memory_space<vmem>>, vector<16xf32>,
        %get3A_847 = arith.index_cast %add3A_791 : i32 to index
        %get3A_848 = arith.constant 112 : index
        %get3A_849 = tpu.vector_load %arg8[%get3A_847, %get3A_848] {strides = array<i32>} : memref<128x144xf32, #tpu.memory_space<vmem>>, vector<16xf32>,
        %mul3A_850 = arith.mulf %get3A_849, %broadcast_in_dim3A_797 : vector<16xf32>
        %swap3A_851 = arith.index_cast %add3A_791 : i32 to index
        %swap3A_852 = arith.constant 112 : index
        %swap3A_853 = tpu.vector_load %arg8[%swap3A_851, %swap3A_852] {strides = array<i32>} : memref<128x144xf32, #tpu.memory_space<vmem>>, vector<16xf32>,
        tpu.vector_store %arg8[%swap3A_851, %swap3A_852], %mul3A_850 {strides = array<i32>} : memref<128x144xf32, #tpu.memory_space<vmem>>, vector<16xf32>,
        %mul3A_854 = arith.mulf %broadcast_in_dim3A_794, %select_n3A : vector<16xf32>
        %mul3A_855 = arith.mulf %broadcast_in_dim3A_797, %select_n3A_39 : vector<16xf32>
        %add3A_856 = arith.addf %mul3A_854, %mul3A_855 : vector<16xf32>
        %get3A_857 = arith.index_cast %add3A_791 : i32 to index
        %get3A_858 = arith.constant 128 : index
        %get3A_859 = tpu.vector_load %arg8[%get3A_857, %get3A_858] {strides = array<i32>} : memref<128x144xf32, #tpu.memory_space<vmem>>, vector<16xf32>,
        %mul3A_860 = arith.mulf %get3A_859, %add3A_856 : vector<16xf32>
        %swap3A_861 = arith.index_cast %add3A_791 : i32 to index
        %swap3A_862 = arith.constant 128 : index
        %swap3A_863 = tpu.vector_load %arg8[%swap3A_861, %swap3A_862] {strides = array<i32>} : memref<128x144xf32, #tpu.memory_space<vmem>>, vector<16xf32>,
        tpu.vector_store %arg8[%swap3A_861, %swap3A_862], %mul3A_860 {strides = array<i32>} : memref<128x144xf32, #tpu.memory_space<vmem>>, vector<16xf32>,
        %mul3A_864 = arith.constant 16 : i32
        %mul3A_865 = arith.muli %scan3A_67, %mul3A_864 : i32
        %add3A_866 = arith.constant 10 : i32
        %add3A_867 = arith.addi %mul3A_865, %add3A_866 : i32
        %slice3A_868 = vector.extract_strided_slice %exp3A {offsets = [10], sizes = [1], strides = [1]} : vector<16xf32> to vector<1xf32>
        %squeeze3A_869 = vector.extract %slice3A_868[0] : f32 from vector<1xf32>
        %broadcast_in_dim3A_870 = vector.broadcast %squeeze3A_869 : f32 to vector<16xf32>
        %slice3A_871 = vector.extract_strided_slice %exp3A_106 {offsets = [10], sizes = [1], strides = [1]} : vector<16xf32> to vector<1xf32>
        %squeeze3A_872 = vector.extract %slice3A_871[0] : f32 from vector<1xf32>
        %broadcast_in_dim3A_873 = vector.broadcast %squeeze3A_872 : f32 to vector<16xf32>
        %get3A_874 = arith.index_cast %add3A_867 : i32 to index
        %get3A_875 = arith.constant 0 : index
        %get3A_876 = tpu.vector_load %arg8[%get3A_874, %get3A_875] {strides = array<i32>} : memref<128x144xf32, #tpu.memory_space<vmem>>, vector<16xf32>,
        %mul3A_877 = arith.mulf %get3A_876, %broadcast_in_dim3A_870 : vector<16xf32>
        %swap3A_878 = arith.index_cast %add3A_867 : i32 to index
        %swap3A_879 = arith.constant 0 : index
        %swap3A_880 = tpu.vector_load %arg8[%swap3A_878, %swap3A_879] {strides = array<i32>} : memref<128x144xf32, #tpu.memory_space<vmem>>, vector<16xf32>,
        tpu.vector_store %arg8[%swap3A_878, %swap3A_879], %mul3A_877 {strides = array<i32>} : memref<128x144xf32, #tpu.memory_space<vmem>>, vector<16xf32>,
        %get3A_881 = arith.index_cast %add3A_867 : i32 to index
        %get3A_882 = arith.constant 16 : index
        %get3A_883 = tpu.vector_load %arg8[%get3A_881, %get3A_882] {strides = array<i32>} : memref<128x144xf32, #tpu.memory_space<vmem>>, vector<16xf32>,
        %mul3A_884 = arith.mulf %get3A_883, %broadcast_in_dim3A_870 : vector<16xf32>
        %swap3A_885 = arith.index_cast %add3A_867 : i32 to index
        %swap3A_886 = arith.constant 16 : index
        %swap3A_887 = tpu.vector_load %arg8[%swap3A_885, %swap3A_886] {strides = array<i32>} : memref<128x144xf32, #tpu.memory_space<vmem>>, vector<16xf32>,
        tpu.vector_store %arg8[%swap3A_885, %swap3A_886], %mul3A_884 {strides = array<i32>} : memref<128x144xf32, #tpu.memory_space<vmem>>, vector<16xf32>,
        %get3A_888 = arith.index_cast %add3A_867 : i32 to index
        %get3A_889 = arith.constant 32 : index
        %get3A_890 = tpu.vector_load %arg8[%get3A_888, %get3A_889] {strides = array<i32>} : memref<128x144xf32, #tpu.memory_space<vmem>>, vector<16xf32>,
        %mul3A_891 = arith.mulf %get3A_890, %broadcast_in_dim3A_870 : vector<16xf32>
        %swap3A_892 = arith.index_cast %add3A_867 : i32 to index
        %swap3A_893 = arith.constant 32 : index
        %swap3A_894 = tpu.vector_load %arg8[%swap3A_892, %swap3A_893] {strides = array<i32>} : memref<128x144xf32, #tpu.memory_space<vmem>>, vector<16xf32>,
        tpu.vector_store %arg8[%swap3A_892, %swap3A_893], %mul3A_891 {strides = array<i32>} : memref<128x144xf32, #tpu.memory_space<vmem>>, vector<16xf32>,
        %get3A_895 = arith.index_cast %add3A_867 : i32 to index
        %get3A_896 = arith.constant 48 : index
        %get3A_897 = tpu.vector_load %arg8[%get3A_895, %get3A_896] {strides = array<i32>} : memref<128x144xf32, #tpu.memory_space<vmem>>, vector<16xf32>,
        %mul3A_898 = arith.mulf %get3A_897, %broadcast_in_dim3A_870 : vector<16xf32>
        %swap3A_899 = arith.index_cast %add3A_867 : i32 to index
        %swap3A_900 = arith.constant 48 : index
        %swap3A_901 = tpu.vector_load %arg8[%swap3A_899, %swap3A_900] {strides = array<i32>} : memref<128x144xf32, #tpu.memory_space<vmem>>, vector<16xf32>,
        tpu.vector_store %arg8[%swap3A_899, %swap3A_900], %mul3A_898 {strides = array<i32>} : memref<128x144xf32, #tpu.memory_space<vmem>>, vector<16xf32>,
        %get3A_902 = arith.index_cast %add3A_867 : i32 to index
        %get3A_903 = arith.constant 64 : index
        %get3A_904 = tpu.vector_load %arg8[%get3A_902, %get3A_903] {strides = array<i32>} : memref<128x144xf32, #tpu.memory_space<vmem>>, vector<16xf32>,
        %mul3A_905 = arith.mulf %get3A_904, %broadcast_in_dim3A_873 : vector<16xf32>
        %swap3A_906 = arith.index_cast %add3A_867 : i32 to index
        %swap3A_907 = arith.constant 64 : index
        %swap3A_908 = tpu.vector_load %arg8[%swap3A_906, %swap3A_907] {strides = array<i32>} : memref<128x144xf32, #tpu.memory_space<vmem>>, vector<16xf32>,
        tpu.vector_store %arg8[%swap3A_906, %swap3A_907], %mul3A_905 {strides = array<i32>} : memref<128x144xf32, #tpu.memory_space<vmem>>, vector<16xf32>,
        %get3A_909 = arith.index_cast %add3A_867 : i32 to index
        %get3A_910 = arith.constant 80 : index
        %get3A_911 = tpu.vector_load %arg8[%get3A_909, %get3A_910] {strides = array<i32>} : memref<128x144xf32, #tpu.memory_space<vmem>>, vector<16xf32>,
        %mul3A_912 = arith.mulf %get3A_911, %broadcast_in_dim3A_873 : vector<16xf32>
        %swap3A_913 = arith.index_cast %add3A_867 : i32 to index
        %swap3A_914 = arith.constant 80 : index
        %swap3A_915 = tpu.vector_load %arg8[%swap3A_913, %swap3A_914] {strides = array<i32>} : memref<128x144xf32, #tpu.memory_space<vmem>>, vector<16xf32>,
        tpu.vector_store %arg8[%swap3A_913, %swap3A_914], %mul3A_912 {strides = array<i32>} : memref<128x144xf32, #tpu.memory_space<vmem>>, vector<16xf32>,
        %get3A_916 = arith.index_cast %add3A_867 : i32 to index
        %get3A_917 = arith.constant 96 : index
        %get3A_918 = tpu.vector_load %arg8[%get3A_916, %get3A_917] {strides = array<i32>} : memref<128x144xf32, #tpu.memory_space<vmem>>, vector<16xf32>,
        %mul3A_919 = arith.mulf %get3A_918, %broadcast_in_dim3A_873 : vector<16xf32>
        %swap3A_920 = arith.index_cast %add3A_867 : i32 to index
        %swap3A_921 = arith.constant 96 : index
        %swap3A_922 = tpu.vector_load %arg8[%swap3A_920, %swap3A_921] {strides = array<i32>} : memref<128x144xf32, #tpu.memory_space<vmem>>, vector<16xf32>,
        tpu.vector_store %arg8[%swap3A_920, %swap3A_921], %mul3A_919 {strides = array<i32>} : memref<128x144xf32, #tpu.memory_space<vmem>>, vector<16xf32>,
        %get3A_923 = arith.index_cast %add3A_867 : i32 to index
        %get3A_924 = arith.constant 112 : index
        %get3A_925 = tpu.vector_load %arg8[%get3A_923, %get3A_924] {strides = array<i32>} : memref<128x144xf32, #tpu.memory_space<vmem>>, vector<16xf32>,
        %mul3A_926 = arith.mulf %get3A_925, %broadcast_in_dim3A_873 : vector<16xf32>
        %swap3A_927 = arith.index_cast %add3A_867 : i32 to index
        %swap3A_928 = arith.constant 112 : index
        %swap3A_929 = tpu.vector_load %arg8[%swap3A_927, %swap3A_928] {strides = array<i32>} : memref<128x144xf32, #tpu.memory_space<vmem>>, vector<16xf32>,
        tpu.vector_store %arg8[%swap3A_927, %swap3A_928], %mul3A_926 {strides = array<i32>} : memref<128x144xf32, #tpu.memory_space<vmem>>, vector<16xf32>,
        %mul3A_930 = arith.mulf %broadcast_in_dim3A_870, %select_n3A : vector<16xf32>
        %mul3A_931 = arith.mulf %broadcast_in_dim3A_873, %select_n3A_39 : vector<16xf32>
        %add3A_932 = arith.addf %mul3A_930, %mul3A_931 : vector<16xf32>
        %get3A_933 = arith.index_cast %add3A_867 : i32 to index
        %get3A_934 = arith.constant 128 : index
        %get3A_935 = tpu.vector_load %arg8[%get3A_933, %get3A_934] {strides = array<i32>} : memref<128x144xf32, #tpu.memory_space<vmem>>, vector<16xf32>,
        %mul3A_936 = arith.mulf %get3A_935, %add3A_932 : vector<16xf32>
        %swap3A_937 = arith.index_cast %add3A_867 : i32 to index
        %swap3A_938 = arith.constant 128 : index
        %swap3A_939 = tpu.vector_load %arg8[%swap3A_937, %swap3A_938] {strides = array<i32>} : memref<128x144xf32, #tpu.memory_space<vmem>>, vector<16xf32>,
        tpu.vector_store %arg8[%swap3A_937, %swap3A_938], %mul3A_936 {strides = array<i32>} : memref<128x144xf32, #tpu.memory_space<vmem>>, vector<16xf32>,
        %mul3A_940 = arith.constant 16 : i32
        %mul3A_941 = arith.muli %scan3A_67, %mul3A_940 : i32
        %add3A_942 = arith.constant 11 : i32
        %add3A_943 = arith.addi %mul3A_941, %add3A_942 : i32
        %slice3A_944 = vector.extract_strided_slice %exp3A {offsets = [11], sizes = [1], strides = [1]} : vector<16xf32> to vector<1xf32>
        %squeeze3A_945 = vector.extract %slice3A_944[0] : f32 from vector<1xf32>
        %broadcast_in_dim3A_946 = vector.broadcast %squeeze3A_945 : f32 to vector<16xf32>
        %slice3A_947 = vector.extract_strided_slice %exp3A_106 {offsets = [11], sizes = [1], strides = [1]} : vector<16xf32> to vector<1xf32>
        %squeeze3A_948 = vector.extract %slice3A_947[0] : f32 from vector<1xf32>
        %broadcast_in_dim3A_949 = vector.broadcast %squeeze3A_948 : f32 to vector<16xf32>
        %get3A_950 = arith.index_cast %add3A_943 : i32 to index
        %get3A_951 = arith.constant 0 : index
        %get3A_952 = tpu.vector_load %arg8[%get3A_950, %get3A_951] {strides = array<i32>} : memref<128x144xf32, #tpu.memory_space<vmem>>, vector<16xf32>,
        %mul3A_953 = arith.mulf %get3A_952, %broadcast_in_dim3A_946 : vector<16xf32>
        %swap3A_954 = arith.index_cast %add3A_943 : i32 to index
        %swap3A_955 = arith.constant 0 : index
        %swap3A_956 = tpu.vector_load %arg8[%swap3A_954, %swap3A_955] {strides = array<i32>} : memref<128x144xf32, #tpu.memory_space<vmem>>, vector<16xf32>,
        tpu.vector_store %arg8[%swap3A_954, %swap3A_955], %mul3A_953 {strides = array<i32>} : memref<128x144xf32, #tpu.memory_space<vmem>>, vector<16xf32>,
        %get3A_957 = arith.index_cast %add3A_943 : i32 to index
        %get3A_958 = arith.constant 16 : index
        %get3A_959 = tpu.vector_load %arg8[%get3A_957, %get3A_958] {strides = array<i32>} : memref<128x144xf32, #tpu.memory_space<vmem>>, vector<16xf32>,
        %mul3A_960 = arith.mulf %get3A_959, %broadcast_in_dim3A_946 : vector<16xf32>
        %swap3A_961 = arith.index_cast %add3A_943 : i32 to index
        %swap3A_962 = arith.constant 16 : index
        %swap3A_963 = tpu.vector_load %arg8[%swap3A_961, %swap3A_962] {strides = array<i32>} : memref<128x144xf32, #tpu.memory_space<vmem>>, vector<16xf32>,
        tpu.vector_store %arg8[%swap3A_961, %swap3A_962], %mul3A_960 {strides = array<i32>} : memref<128x144xf32, #tpu.memory_space<vmem>>, vector<16xf32>,
        %get3A_964 = arith.index_cast %add3A_943 : i32 to index
        %get3A_965 = arith.constant 32 : index
        %get3A_966 = tpu.vector_load %arg8[%get3A_964, %get3A_965] {strides = array<i32>} : memref<128x144xf32, #tpu.memory_space<vmem>>, vector<16xf32>,
        %mul3A_967 = arith.mulf %get3A_966, %broadcast_in_dim3A_946 : vector<16xf32>
        %swap3A_968 = arith.index_cast %add3A_943 : i32 to index
        %swap3A_969 = arith.constant 32 : index
        %swap3A_970 = tpu.vector_load %arg8[%swap3A_968, %swap3A_969] {strides = array<i32>} : memref<128x144xf32, #tpu.memory_space<vmem>>, vector<16xf32>,
        tpu.vector_store %arg8[%swap3A_968, %swap3A_969], %mul3A_967 {strides = array<i32>} : memref<128x144xf32, #tpu.memory_space<vmem>>, vector<16xf32>,
        %get3A_971 = arith.index_cast %add3A_943 : i32 to index
        %get3A_972 = arith.constant 48 : index
        %get3A_973 = tpu.vector_load %arg8[%get3A_971, %get3A_972] {strides = array<i32>} : memref<128x144xf32, #tpu.memory_space<vmem>>, vector<16xf32>,
        %mul3A_974 = arith.mulf %get3A_973, %broadcast_in_dim3A_946 : vector<16xf32>
        %swap3A_975 = arith.index_cast %add3A_943 : i32 to index
        %swap3A_976 = arith.constant 48 : index
        %swap3A_977 = tpu.vector_load %arg8[%swap3A_975, %swap3A_976] {strides = array<i32>} : memref<128x144xf32, #tpu.memory_space<vmem>>, vector<16xf32>,
        tpu.vector_store %arg8[%swap3A_975, %swap3A_976], %mul3A_974 {strides = array<i32>} : memref<128x144xf32, #tpu.memory_space<vmem>>, vector<16xf32>,
        %get3A_978 = arith.index_cast %add3A_943 : i32 to index
        %get3A_979 = arith.constant 64 : index
        %get3A_980 = tpu.vector_load %arg8[%get3A_978, %get3A_979] {strides = array<i32>} : memref<128x144xf32, #tpu.memory_space<vmem>>, vector<16xf32>,
        %mul3A_981 = arith.mulf %get3A_980, %broadcast_in_dim3A_949 : vector<16xf32>
        %swap3A_982 = arith.index_cast %add3A_943 : i32 to index
        %swap3A_983 = arith.constant 64 : index
        %swap3A_984 = tpu.vector_load %arg8[%swap3A_982, %swap3A_983] {strides = array<i32>} : memref<128x144xf32, #tpu.memory_space<vmem>>, vector<16xf32>,
        tpu.vector_store %arg8[%swap3A_982, %swap3A_983], %mul3A_981 {strides = array<i32>} : memref<128x144xf32, #tpu.memory_space<vmem>>, vector<16xf32>,
        %get3A_985 = arith.index_cast %add3A_943 : i32 to index
        %get3A_986 = arith.constant 80 : index
        %get3A_987 = tpu.vector_load %arg8[%get3A_985, %get3A_986] {strides = array<i32>} : memref<128x144xf32, #tpu.memory_space<vmem>>, vector<16xf32>,
        %mul3A_988 = arith.mulf %get3A_987, %broadcast_in_dim3A_949 : vector<16xf32>
        %swap3A_989 = arith.index_cast %add3A_943 : i32 to index
        %swap3A_990 = arith.constant 80 : index
        %swap3A_991 = tpu.vector_load %arg8[%swap3A_989, %swap3A_990] {strides = array<i32>} : memref<128x144xf32, #tpu.memory_space<vmem>>, vector<16xf32>,
        tpu.vector_store %arg8[%swap3A_989, %swap3A_990], %mul3A_988 {strides = array<i32>} : memref<128x144xf32, #tpu.memory_space<vmem>>, vector<16xf32>,
        %get3A_992 = arith.index_cast %add3A_943 : i32 to index
        %get3A_993 = arith.constant 96 : index
        %get3A_994 = tpu.vector_load %arg8[%get3A_992, %get3A_993] {strides = array<i32>} : memref<128x144xf32, #tpu.memory_space<vmem>>, vector<16xf32>,
        %mul3A_995 = arith.mulf %get3A_994, %broadcast_in_dim3A_949 : vector<16xf32>
        %swap3A_996 = arith.index_cast %add3A_943 : i32 to index
        %swap3A_997 = arith.constant 96 : index
        %swap3A_998 = tpu.vector_load %arg8[%swap3A_996, %swap3A_997] {strides = array<i32>} : memref<128x144xf32, #tpu.memory_space<vmem>>, vector<16xf32>,
        tpu.vector_store %arg8[%swap3A_996, %swap3A_997], %mul3A_995 {strides = array<i32>} : memref<128x144xf32, #tpu.memory_space<vmem>>, vector<16xf32>,
        %get3A_999 = arith.index_cast %add3A_943 : i32 to index
        %get3A_1000 = arith.constant 112 : index
        %get3A_1001 = tpu.vector_load %arg8[%get3A_999, %get3A_1000] {strides = array<i32>} : memref<128x144xf32, #tpu.memory_space<vmem>>, vector<16xf32>,
        %mul3A_1002 = arith.mulf %get3A_1001, %broadcast_in_dim3A_949 : vector<16xf32>
        %swap3A_1003 = arith.index_cast %add3A_943 : i32 to index
        %swap3A_1004 = arith.constant 112 : index
        %swap3A_1005 = tpu.vector_load %arg8[%swap3A_1003, %swap3A_1004] {strides = array<i32>} : memref<128x144xf32, #tpu.memory_space<vmem>>, vector<16xf32>,
        tpu.vector_store %arg8[%swap3A_1003, %swap3A_1004], %mul3A_1002 {strides = array<i32>} : memref<128x144xf32, #tpu.memory_space<vmem>>, vector<16xf32>,
        %mul3A_1006 = arith.mulf %broadcast_in_dim3A_946, %select_n3A : vector<16xf32>
        %mul3A_1007 = arith.mulf %broadcast_in_dim3A_949, %select_n3A_39 : vector<16xf32>
        %add3A_1008 = arith.addf %mul3A_1006, %mul3A_1007 : vector<16xf32>
        %get3A_1009 = arith.index_cast %add3A_943 : i32 to index
        %get3A_1010 = arith.constant 128 : index
        %get3A_1011 = tpu.vector_load %arg8[%get3A_1009, %get3A_1010] {strides = array<i32>} : memref<128x144xf32, #tpu.memory_space<vmem>>, vector<16xf32>,
        %mul3A_1012 = arith.mulf %get3A_1011, %add3A_1008 : vector<16xf32>
        %swap3A_1013 = arith.index_cast %add3A_943 : i32 to index
        %swap3A_1014 = arith.constant 128 : index
        %swap3A_1015 = tpu.vector_load %arg8[%swap3A_1013, %swap3A_1014] {strides = array<i32>} : memref<128x144xf32, #tpu.memory_space<vmem>>, vector<16xf32>,
        tpu.vector_store %arg8[%swap3A_1013, %swap3A_1014], %mul3A_1012 {strides = array<i32>} : memref<128x144xf32, #tpu.memory_space<vmem>>, vector<16xf32>,
        %mul3A_1016 = arith.constant 16 : i32
        %mul3A_1017 = arith.muli %scan3A_67, %mul3A_1016 : i32
        %add3A_1018 = arith.constant 12 : i32
        %add3A_1019 = arith.addi %mul3A_1017, %add3A_1018 : i32
        %slice3A_1020 = vector.extract_strided_slice %exp3A {offsets = [12], sizes = [1], strides = [1]} : vector<16xf32> to vector<1xf32>
        %squeeze3A_1021 = vector.extract %slice3A_1020[0] : f32 from vector<1xf32>
        %broadcast_in_dim3A_1022 = vector.broadcast %squeeze3A_1021 : f32 to vector<16xf32>
        %slice3A_1023 = vector.extract_strided_slice %exp3A_106 {offsets = [12], sizes = [1], strides = [1]} : vector<16xf32> to vector<1xf32>
        %squeeze3A_1024 = vector.extract %slice3A_1023[0] : f32 from vector<1xf32>
        %broadcast_in_dim3A_1025 = vector.broadcast %squeeze3A_1024 : f32 to vector<16xf32>
        %get3A_1026 = arith.index_cast %add3A_1019 : i32 to index
        %get3A_1027 = arith.constant 0 : index
        %get3A_1028 = tpu.vector_load %arg8[%get3A_1026, %get3A_1027] {strides = array<i32>} : memref<128x144xf32, #tpu.memory_space<vmem>>, vector<16xf32>,
        %mul3A_1029 = arith.mulf %get3A_1028, %broadcast_in_dim3A_1022 : vector<16xf32>
        %swap3A_1030 = arith.index_cast %add3A_1019 : i32 to index
        %swap3A_1031 = arith.constant 0 : index
        %swap3A_1032 = tpu.vector_load %arg8[%swap3A_1030, %swap3A_1031] {strides = array<i32>} : memref<128x144xf32, #tpu.memory_space<vmem>>, vector<16xf32>,
        tpu.vector_store %arg8[%swap3A_1030, %swap3A_1031], %mul3A_1029 {strides = array<i32>} : memref<128x144xf32, #tpu.memory_space<vmem>>, vector<16xf32>,
        %get3A_1033 = arith.index_cast %add3A_1019 : i32 to index
        %get3A_1034 = arith.constant 16 : index
        %get3A_1035 = tpu.vector_load %arg8[%get3A_1033, %get3A_1034] {strides = array<i32>} : memref<128x144xf32, #tpu.memory_space<vmem>>, vector<16xf32>,
        %mul3A_1036 = arith.mulf %get3A_1035, %broadcast_in_dim3A_1022 : vector<16xf32>
        %swap3A_1037 = arith.index_cast %add3A_1019 : i32 to index
        %swap3A_1038 = arith.constant 16 : index
        %swap3A_1039 = tpu.vector_load %arg8[%swap3A_1037, %swap3A_1038] {strides = array<i32>} : memref<128x144xf32, #tpu.memory_space<vmem>>, vector<16xf32>,
        tpu.vector_store %arg8[%swap3A_1037, %swap3A_1038], %mul3A_1036 {strides = array<i32>} : memref<128x144xf32, #tpu.memory_space<vmem>>, vector<16xf32>,
        %get3A_1040 = arith.index_cast %add3A_1019 : i32 to index
        %get3A_1041 = arith.constant 32 : index
        %get3A_1042 = tpu.vector_load %arg8[%get3A_1040, %get3A_1041] {strides = array<i32>} : memref<128x144xf32, #tpu.memory_space<vmem>>, vector<16xf32>,
        %mul3A_1043 = arith.mulf %get3A_1042, %broadcast_in_dim3A_1022 : vector<16xf32>
        %swap3A_1044 = arith.index_cast %add3A_1019 : i32 to index
        %swap3A_1045 = arith.constant 32 : index
        %swap3A_1046 = tpu.vector_load %arg8[%swap3A_1044, %swap3A_1045] {strides = array<i32>} : memref<128x144xf32, #tpu.memory_space<vmem>>, vector<16xf32>,
        tpu.vector_store %arg8[%swap3A_1044, %swap3A_1045], %mul3A_1043 {strides = array<i32>} : memref<128x144xf32, #tpu.memory_space<vmem>>, vector<16xf32>,
        %get3A_1047 = arith.index_cast %add3A_1019 : i32 to index
        %get3A_1048 = arith.constant 48 : index
        %get3A_1049 = tpu.vector_load %arg8[%get3A_1047, %get3A_1048] {strides = array<i32>} : memref<128x144xf32, #tpu.memory_space<vmem>>, vector<16xf32>,
        %mul3A_1050 = arith.mulf %get3A_1049, %broadcast_in_dim3A_1022 : vector<16xf32>
        %swap3A_1051 = arith.index_cast %add3A_1019 : i32 to index
        %swap3A_1052 = arith.constant 48 : index
        %swap3A_1053 = tpu.vector_load %arg8[%swap3A_1051, %swap3A_1052] {strides = array<i32>} : memref<128x144xf32, #tpu.memory_space<vmem>>, vector<16xf32>,
        tpu.vector_store %arg8[%swap3A_1051, %swap3A_1052], %mul3A_1050 {strides = array<i32>} : memref<128x144xf32, #tpu.memory_space<vmem>>, vector<16xf32>,
        %get3A_1054 = arith.index_cast %add3A_1019 : i32 to index
        %get3A_1055 = arith.constant 64 : index
        %get3A_1056 = tpu.vector_load %arg8[%get3A_1054, %get3A_1055] {strides = array<i32>} : memref<128x144xf32, #tpu.memory_space<vmem>>, vector<16xf32>,
        %mul3A_1057 = arith.mulf %get3A_1056, %broadcast_in_dim3A_1025 : vector<16xf32>
        %swap3A_1058 = arith.index_cast %add3A_1019 : i32 to index
        %swap3A_1059 = arith.constant 64 : index
        %swap3A_1060 = tpu.vector_load %arg8[%swap3A_1058, %swap3A_1059] {strides = array<i32>} : memref<128x144xf32, #tpu.memory_space<vmem>>, vector<16xf32>,
        tpu.vector_store %arg8[%swap3A_1058, %swap3A_1059], %mul3A_1057 {strides = array<i32>} : memref<128x144xf32, #tpu.memory_space<vmem>>, vector<16xf32>,
        %get3A_1061 = arith.index_cast %add3A_1019 : i32 to index
        %get3A_1062 = arith.constant 80 : index
        %get3A_1063 = tpu.vector_load %arg8[%get3A_1061, %get3A_1062] {strides = array<i32>} : memref<128x144xf32, #tpu.memory_space<vmem>>, vector<16xf32>,
        %mul3A_1064 = arith.mulf %get3A_1063, %broadcast_in_dim3A_1025 : vector<16xf32>
        %swap3A_1065 = arith.index_cast %add3A_1019 : i32 to index
        %swap3A_1066 = arith.constant 80 : index
        %swap3A_1067 = tpu.vector_load %arg8[%swap3A_1065, %swap3A_1066] {strides = array<i32>} : memref<128x144xf32, #tpu.memory_space<vmem>>, vector<16xf32>,
        tpu.vector_store %arg8[%swap3A_1065, %swap3A_1066], %mul3A_1064 {strides = array<i32>} : memref<128x144xf32, #tpu.memory_space<vmem>>, vector<16xf32>,
        %get3A_1068 = arith.index_cast %add3A_1019 : i32 to index
        %get3A_1069 = arith.constant 96 : index
        %get3A_1070 = tpu.vector_load %arg8[%get3A_1068, %get3A_1069] {strides = array<i32>} : memref<128x144xf32, #tpu.memory_space<vmem>>, vector<16xf32>,
        %mul3A_1071 = arith.mulf %get3A_1070, %broadcast_in_dim3A_1025 : vector<16xf32>
        %swap3A_1072 = arith.index_cast %add3A_1019 : i32 to index
        %swap3A_1073 = arith.constant 96 : index
        %swap3A_1074 = tpu.vector_load %arg8[%swap3A_1072, %swap3A_1073] {strides = array<i32>} : memref<128x144xf32, #tpu.memory_space<vmem>>, vector<16xf32>,
        tpu.vector_store %arg8[%swap3A_1072, %swap3A_1073], %mul3A_1071 {strides = array<i32>} : memref<128x144xf32, #tpu.memory_space<vmem>>, vector<16xf32>,
        %get3A_1075 = arith.index_cast %add3A_1019 : i32 to index
        %get3A_1076 = arith.constant 112 : index
        %get3A_1077 = tpu.vector_load %arg8[%get3A_1075, %get3A_1076] {strides = array<i32>} : memref<128x144xf32, #tpu.memory_space<vmem>>, vector<16xf32>,
        %mul3A_1078 = arith.mulf %get3A_1077, %broadcast_in_dim3A_1025 : vector<16xf32>
        %swap3A_1079 = arith.index_cast %add3A_1019 : i32 to index
        %swap3A_1080 = arith.constant 112 : index
        %swap3A_1081 = tpu.vector_load %arg8[%swap3A_1079, %swap3A_1080] {strides = array<i32>} : memref<128x144xf32, #tpu.memory_space<vmem>>, vector<16xf32>,
        tpu.vector_store %arg8[%swap3A_1079, %swap3A_1080], %mul3A_1078 {strides = array<i32>} : memref<128x144xf32, #tpu.memory_space<vmem>>, vector<16xf32>,
        %mul3A_1082 = arith.mulf %broadcast_in_dim3A_1022, %select_n3A : vector<16xf32>
        %mul3A_1083 = arith.mulf %broadcast_in_dim3A_1025, %select_n3A_39 : vector<16xf32>
        %add3A_1084 = arith.addf %mul3A_1082, %mul3A_1083 : vector<16xf32>
        %get3A_1085 = arith.index_cast %add3A_1019 : i32 to index
        %get3A_1086 = arith.constant 128 : index
        %get3A_1087 = tpu.vector_load %arg8[%get3A_1085, %get3A_1086] {strides = array<i32>} : memref<128x144xf32, #tpu.memory_space<vmem>>, vector<16xf32>,
        %mul3A_1088 = arith.mulf %get3A_1087, %add3A_1084 : vector<16xf32>
        %swap3A_1089 = arith.index_cast %add3A_1019 : i32 to index
        %swap3A_1090 = arith.constant 128 : index
        %swap3A_1091 = tpu.vector_load %arg8[%swap3A_1089, %swap3A_1090] {strides = array<i32>} : memref<128x144xf32, #tpu.memory_space<vmem>>, vector<16xf32>,
        tpu.vector_store %arg8[%swap3A_1089, %swap3A_1090], %mul3A_1088 {strides = array<i32>} : memref<128x144xf32, #tpu.memory_space<vmem>>, vector<16xf32>,
        %mul3A_1092 = arith.constant 16 : i32
        %mul3A_1093 = arith.muli %scan3A_67, %mul3A_1092 : i32
        %add3A_1094 = arith.constant 13 : i32
        %add3A_1095 = arith.addi %mul3A_1093, %add3A_1094 : i32
        %slice3A_1096 = vector.extract_strided_slice %exp3A {offsets = [13], sizes = [1], strides = [1]} : vector<16xf32> to vector<1xf32>
        %squeeze3A_1097 = vector.extract %slice3A_1096[0] : f32 from vector<1xf32>
        %broadcast_in_dim3A_1098 = vector.broadcast %squeeze3A_1097 : f32 to vector<16xf32>
        %slice3A_1099 = vector.extract_strided_slice %exp3A_106 {offsets = [13], sizes = [1], strides = [1]} : vector<16xf32> to vector<1xf32>
        %squeeze3A_1100 = vector.extract %slice3A_1099[0] : f32 from vector<1xf32>
        %broadcast_in_dim3A_1101 = vector.broadcast %squeeze3A_1100 : f32 to vector<16xf32>
        %get3A_1102 = arith.index_cast %add3A_1095 : i32 to index
        %get3A_1103 = arith.constant 0 : index
        %get3A_1104 = tpu.vector_load %arg8[%get3A_1102, %get3A_1103] {strides = array<i32>} : memref<128x144xf32, #tpu.memory_space<vmem>>, vector<16xf32>,
        %mul3A_1105 = arith.mulf %get3A_1104, %broadcast_in_dim3A_1098 : vector<16xf32>
        %swap3A_1106 = arith.index_cast %add3A_1095 : i32 to index
        %swap3A_1107 = arith.constant 0 : index
        %swap3A_1108 = tpu.vector_load %arg8[%swap3A_1106, %swap3A_1107] {strides = array<i32>} : memref<128x144xf32, #tpu.memory_space<vmem>>, vector<16xf32>,
        tpu.vector_store %arg8[%swap3A_1106, %swap3A_1107], %mul3A_1105 {strides = array<i32>} : memref<128x144xf32, #tpu.memory_space<vmem>>, vector<16xf32>,
        %get3A_1109 = arith.index_cast %add3A_1095 : i32 to index
        %get3A_1110 = arith.constant 16 : index
        %get3A_1111 = tpu.vector_load %arg8[%get3A_1109, %get3A_1110] {strides = array<i32>} : memref<128x144xf32, #tpu.memory_space<vmem>>, vector<16xf32>,
        %mul3A_1112 = arith.mulf %get3A_1111, %broadcast_in_dim3A_1098 : vector<16xf32>
        %swap3A_1113 = arith.index_cast %add3A_1095 : i32 to index
        %swap3A_1114 = arith.constant 16 : index
        %swap3A_1115 = tpu.vector_load %arg8[%swap3A_1113, %swap3A_1114] {strides = array<i32>} : memref<128x144xf32, #tpu.memory_space<vmem>>, vector<16xf32>,
        tpu.vector_store %arg8[%swap3A_1113, %swap3A_1114], %mul3A_1112 {strides = array<i32>} : memref<128x144xf32, #tpu.memory_space<vmem>>, vector<16xf32>,
        %get3A_1116 = arith.index_cast %add3A_1095 : i32 to index
        %get3A_1117 = arith.constant 32 : index
        %get3A_1118 = tpu.vector_load %arg8[%get3A_1116, %get3A_1117] {strides = array<i32>} : memref<128x144xf32, #tpu.memory_space<vmem>>, vector<16xf32>,
        %mul3A_1119 = arith.mulf %get3A_1118, %broadcast_in_dim3A_1098 : vector<16xf32>
        %swap3A_1120 = arith.index_cast %add3A_1095 : i32 to index
        %swap3A_1121 = arith.constant 32 : index
        %swap3A_1122 = tpu.vector_load %arg8[%swap3A_1120, %swap3A_1121] {strides = array<i32>} : memref<128x144xf32, #tpu.memory_space<vmem>>, vector<16xf32>,
        tpu.vector_store %arg8[%swap3A_1120, %swap3A_1121], %mul3A_1119 {strides = array<i32>} : memref<128x144xf32, #tpu.memory_space<vmem>>, vector<16xf32>,
        %get3A_1123 = arith.index_cast %add3A_1095 : i32 to index
        %get3A_1124 = arith.constant 48 : index
        %get3A_1125 = tpu.vector_load %arg8[%get3A_1123, %get3A_1124] {strides = array<i32>} : memref<128x144xf32, #tpu.memory_space<vmem>>, vector<16xf32>,
        %mul3A_1126 = arith.mulf %get3A_1125, %broadcast_in_dim3A_1098 : vector<16xf32>
        %swap3A_1127 = arith.index_cast %add3A_1095 : i32 to index
        %swap3A_1128 = arith.constant 48 : index
        %swap3A_1129 = tpu.vector_load %arg8[%swap3A_1127, %swap3A_1128] {strides = array<i32>} : memref<128x144xf32, #tpu.memory_space<vmem>>, vector<16xf32>,
        tpu.vector_store %arg8[%swap3A_1127, %swap3A_1128], %mul3A_1126 {strides = array<i32>} : memref<128x144xf32, #tpu.memory_space<vmem>>, vector<16xf32>,
        %get3A_1130 = arith.index_cast %add3A_1095 : i32 to index
        %get3A_1131 = arith.constant 64 : index
        %get3A_1132 = tpu.vector_load %arg8[%get3A_1130, %get3A_1131] {strides = array<i32>} : memref<128x144xf32, #tpu.memory_space<vmem>>, vector<16xf32>,
        %mul3A_1133 = arith.mulf %get3A_1132, %broadcast_in_dim3A_1101 : vector<16xf32>
        %swap3A_1134 = arith.index_cast %add3A_1095 : i32 to index
        %swap3A_1135 = arith.constant 64 : index
        %swap3A_1136 = tpu.vector_load %arg8[%swap3A_1134, %swap3A_1135] {strides = array<i32>} : memref<128x144xf32, #tpu.memory_space<vmem>>, vector<16xf32>,
        tpu.vector_store %arg8[%swap3A_1134, %swap3A_1135], %mul3A_1133 {strides = array<i32>} : memref<128x144xf32, #tpu.memory_space<vmem>>, vector<16xf32>,
        %get3A_1137 = arith.index_cast %add3A_1095 : i32 to index
        %get3A_1138 = arith.constant 80 : index
        %get3A_1139 = tpu.vector_load %arg8[%get3A_1137, %get3A_1138] {strides = array<i32>} : memref<128x144xf32, #tpu.memory_space<vmem>>, vector<16xf32>,
        %mul3A_1140 = arith.mulf %get3A_1139, %broadcast_in_dim3A_1101 : vector<16xf32>
        %swap3A_1141 = arith.index_cast %add3A_1095 : i32 to index
        %swap3A_1142 = arith.constant 80 : index
        %swap3A_1143 = tpu.vector_load %arg8[%swap3A_1141, %swap3A_1142] {strides = array<i32>} : memref<128x144xf32, #tpu.memory_space<vmem>>, vector<16xf32>,
        tpu.vector_store %arg8[%swap3A_1141, %swap3A_1142], %mul3A_1140 {strides = array<i32>} : memref<128x144xf32, #tpu.memory_space<vmem>>, vector<16xf32>,
        %get3A_1144 = arith.index_cast %add3A_1095 : i32 to index
        %get3A_1145 = arith.constant 96 : index
        %get3A_1146 = tpu.vector_load %arg8[%get3A_1144, %get3A_1145] {strides = array<i32>} : memref<128x144xf32, #tpu.memory_space<vmem>>, vector<16xf32>,
        %mul3A_1147 = arith.mulf %get3A_1146, %broadcast_in_dim3A_1101 : vector<16xf32>
        %swap3A_1148 = arith.index_cast %add3A_1095 : i32 to index
        %swap3A_1149 = arith.constant 96 : index
        %swap3A_1150 = tpu.vector_load %arg8[%swap3A_1148, %swap3A_1149] {strides = array<i32>} : memref<128x144xf32, #tpu.memory_space<vmem>>, vector<16xf32>,
        tpu.vector_store %arg8[%swap3A_1148, %swap3A_1149], %mul3A_1147 {strides = array<i32>} : memref<128x144xf32, #tpu.memory_space<vmem>>, vector<16xf32>,
        %get3A_1151 = arith.index_cast %add3A_1095 : i32 to index
        %get3A_1152 = arith.constant 112 : index
        %get3A_1153 = tpu.vector_load %arg8[%get3A_1151, %get3A_1152] {strides = array<i32>} : memref<128x144xf32, #tpu.memory_space<vmem>>, vector<16xf32>,
        %mul3A_1154 = arith.mulf %get3A_1153, %broadcast_in_dim3A_1101 : vector<16xf32>
        %swap3A_1155 = arith.index_cast %add3A_1095 : i32 to index
        %swap3A_1156 = arith.constant 112 : index
        %swap3A_1157 = tpu.vector_load %arg8[%swap3A_1155, %swap3A_1156] {strides = array<i32>} : memref<128x144xf32, #tpu.memory_space<vmem>>, vector<16xf32>,
        tpu.vector_store %arg8[%swap3A_1155, %swap3A_1156], %mul3A_1154 {strides = array<i32>} : memref<128x144xf32, #tpu.memory_space<vmem>>, vector<16xf32>,
        %mul3A_1158 = arith.mulf %broadcast_in_dim3A_1098, %select_n3A : vector<16xf32>
        %mul3A_1159 = arith.mulf %broadcast_in_dim3A_1101, %select_n3A_39 : vector<16xf32>
        %add3A_1160 = arith.addf %mul3A_1158, %mul3A_1159 : vector<16xf32>
        %get3A_1161 = arith.index_cast %add3A_1095 : i32 to index
        %get3A_1162 = arith.constant 128 : index
        %get3A_1163 = tpu.vector_load %arg8[%get3A_1161, %get3A_1162] {strides = array<i32>} : memref<128x144xf32, #tpu.memory_space<vmem>>, vector<16xf32>,
        %mul3A_1164 = arith.mulf %get3A_1163, %add3A_1160 : vector<16xf32>
        %swap3A_1165 = arith.index_cast %add3A_1095 : i32 to index
        %swap3A_1166 = arith.constant 128 : index
        %swap3A_1167 = tpu.vector_load %arg8[%swap3A_1165, %swap3A_1166] {strides = array<i32>} : memref<128x144xf32, #tpu.memory_space<vmem>>, vector<16xf32>,
        tpu.vector_store %arg8[%swap3A_1165, %swap3A_1166], %mul3A_1164 {strides = array<i32>} : memref<128x144xf32, #tpu.memory_space<vmem>>, vector<16xf32>,
        %mul3A_1168 = arith.constant 16 : i32
        %mul3A_1169 = arith.muli %scan3A_67, %mul3A_1168 : i32
        %add3A_1170 = arith.constant 14 : i32
        %add3A_1171 = arith.addi %mul3A_1169, %add3A_1170 : i32
        %slice3A_1172 = vector.extract_strided_slice %exp3A {offsets = [14], sizes = [1], strides = [1]} : vector<16xf32> to vector<1xf32>
        %squeeze3A_1173 = vector.extract %slice3A_1172[0] : f32 from vector<1xf32>
        %broadcast_in_dim3A_1174 = vector.broadcast %squeeze3A_1173 : f32 to vector<16xf32>
        %slice3A_1175 = vector.extract_strided_slice %exp3A_106 {offsets = [14], sizes = [1], strides = [1]} : vector<16xf32> to vector<1xf32>
        %squeeze3A_1176 = vector.extract %slice3A_1175[0] : f32 from vector<1xf32>
        %broadcast_in_dim3A_1177 = vector.broadcast %squeeze3A_1176 : f32 to vector<16xf32>
        %get3A_1178 = arith.index_cast %add3A_1171 : i32 to index
        %get3A_1179 = arith.constant 0 : index
        %get3A_1180 = tpu.vector_load %arg8[%get3A_1178, %get3A_1179] {strides = array<i32>} : memref<128x144xf32, #tpu.memory_space<vmem>>, vector<16xf32>,
        %mul3A_1181 = arith.mulf %get3A_1180, %broadcast_in_dim3A_1174 : vector<16xf32>
        %swap3A_1182 = arith.index_cast %add3A_1171 : i32 to index
        %swap3A_1183 = arith.constant 0 : index
        %swap3A_1184 = tpu.vector_load %arg8[%swap3A_1182, %swap3A_1183] {strides = array<i32>} : memref<128x144xf32, #tpu.memory_space<vmem>>, vector<16xf32>,
        tpu.vector_store %arg8[%swap3A_1182, %swap3A_1183], %mul3A_1181 {strides = array<i32>} : memref<128x144xf32, #tpu.memory_space<vmem>>, vector<16xf32>,
        %get3A_1185 = arith.index_cast %add3A_1171 : i32 to index
        %get3A_1186 = arith.constant 16 : index
        %get3A_1187 = tpu.vector_load %arg8[%get3A_1185, %get3A_1186] {strides = array<i32>} : memref<128x144xf32, #tpu.memory_space<vmem>>, vector<16xf32>,
        %mul3A_1188 = arith.mulf %get3A_1187, %broadcast_in_dim3A_1174 : vector<16xf32>
        %swap3A_1189 = arith.index_cast %add3A_1171 : i32 to index
        %swap3A_1190 = arith.constant 16 : index
        %swap3A_1191 = tpu.vector_load %arg8[%swap3A_1189, %swap3A_1190] {strides = array<i32>} : memref<128x144xf32, #tpu.memory_space<vmem>>, vector<16xf32>,
        tpu.vector_store %arg8[%swap3A_1189, %swap3A_1190], %mul3A_1188 {strides = array<i32>} : memref<128x144xf32, #tpu.memory_space<vmem>>, vector<16xf32>,
        %get3A_1192 = arith.index_cast %add3A_1171 : i32 to index
        %get3A_1193 = arith.constant 32 : index
        %get3A_1194 = tpu.vector_load %arg8[%get3A_1192, %get3A_1193] {strides = array<i32>} : memref<128x144xf32, #tpu.memory_space<vmem>>, vector<16xf32>,
        %mul3A_1195 = arith.mulf %get3A_1194, %broadcast_in_dim3A_1174 : vector<16xf32>
        %swap3A_1196 = arith.index_cast %add3A_1171 : i32 to index
        %swap3A_1197 = arith.constant 32 : index
        %swap3A_1198 = tpu.vector_load %arg8[%swap3A_1196, %swap3A_1197] {strides = array<i32>} : memref<128x144xf32, #tpu.memory_space<vmem>>, vector<16xf32>,
        tpu.vector_store %arg8[%swap3A_1196, %swap3A_1197], %mul3A_1195 {strides = array<i32>} : memref<128x144xf32, #tpu.memory_space<vmem>>, vector<16xf32>,
        %get3A_1199 = arith.index_cast %add3A_1171 : i32 to index
        %get3A_1200 = arith.constant 48 : index
        %get3A_1201 = tpu.vector_load %arg8[%get3A_1199, %get3A_1200] {strides = array<i32>} : memref<128x144xf32, #tpu.memory_space<vmem>>, vector<16xf32>,
        %mul3A_1202 = arith.mulf %get3A_1201, %broadcast_in_dim3A_1174 : vector<16xf32>
        %swap3A_1203 = arith.index_cast %add3A_1171 : i32 to index
        %swap3A_1204 = arith.constant 48 : index
        %swap3A_1205 = tpu.vector_load %arg8[%swap3A_1203, %swap3A_1204] {strides = array<i32>} : memref<128x144xf32, #tpu.memory_space<vmem>>, vector<16xf32>,
        tpu.vector_store %arg8[%swap3A_1203, %swap3A_1204], %mul3A_1202 {strides = array<i32>} : memref<128x144xf32, #tpu.memory_space<vmem>>, vector<16xf32>,
        %get3A_1206 = arith.index_cast %add3A_1171 : i32 to index
        %get3A_1207 = arith.constant 64 : index
        %get3A_1208 = tpu.vector_load %arg8[%get3A_1206, %get3A_1207] {strides = array<i32>} : memref<128x144xf32, #tpu.memory_space<vmem>>, vector<16xf32>,
        %mul3A_1209 = arith.mulf %get3A_1208, %broadcast_in_dim3A_1177 : vector<16xf32>
        %swap3A_1210 = arith.index_cast %add3A_1171 : i32 to index
        %swap3A_1211 = arith.constant 64 : index
        %swap3A_1212 = tpu.vector_load %arg8[%swap3A_1210, %swap3A_1211] {strides = array<i32>} : memref<128x144xf32, #tpu.memory_space<vmem>>, vector<16xf32>,
        tpu.vector_store %arg8[%swap3A_1210, %swap3A_1211], %mul3A_1209 {strides = array<i32>} : memref<128x144xf32, #tpu.memory_space<vmem>>, vector<16xf32>,
        %get3A_1213 = arith.index_cast %add3A_1171 : i32 to index
        %get3A_1214 = arith.constant 80 : index
        %get3A_1215 = tpu.vector_load %arg8[%get3A_1213, %get3A_1214] {strides = array<i32>} : memref<128x144xf32, #tpu.memory_space<vmem>>, vector<16xf32>,
        %mul3A_1216 = arith.mulf %get3A_1215, %broadcast_in_dim3A_1177 : vector<16xf32>
        %swap3A_1217 = arith.index_cast %add3A_1171 : i32 to index
        %swap3A_1218 = arith.constant 80 : index
        %swap3A_1219 = tpu.vector_load %arg8[%swap3A_1217, %swap3A_1218] {strides = array<i32>} : memref<128x144xf32, #tpu.memory_space<vmem>>, vector<16xf32>,
        tpu.vector_store %arg8[%swap3A_1217, %swap3A_1218], %mul3A_1216 {strides = array<i32>} : memref<128x144xf32, #tpu.memory_space<vmem>>, vector<16xf32>,
        %get3A_1220 = arith.index_cast %add3A_1171 : i32 to index
        %get3A_1221 = arith.constant 96 : index
        %get3A_1222 = tpu.vector_load %arg8[%get3A_1220, %get3A_1221] {strides = array<i32>} : memref<128x144xf32, #tpu.memory_space<vmem>>, vector<16xf32>,
        %mul3A_1223 = arith.mulf %get3A_1222, %broadcast_in_dim3A_1177 : vector<16xf32>
        %swap3A_1224 = arith.index_cast %add3A_1171 : i32 to index
        %swap3A_1225 = arith.constant 96 : index
        %swap3A_1226 = tpu.vector_load %arg8[%swap3A_1224, %swap3A_1225] {strides = array<i32>} : memref<128x144xf32, #tpu.memory_space<vmem>>, vector<16xf32>,
        tpu.vector_store %arg8[%swap3A_1224, %swap3A_1225], %mul3A_1223 {strides = array<i32>} : memref<128x144xf32, #tpu.memory_space<vmem>>, vector<16xf32>,
        %get3A_1227 = arith.index_cast %add3A_1171 : i32 to index
        %get3A_1228 = arith.constant 112 : index
        %get3A_1229 = tpu.vector_load %arg8[%get3A_1227, %get3A_1228] {strides = array<i32>} : memref<128x144xf32, #tpu.memory_space<vmem>>, vector<16xf32>,
        %mul3A_1230 = arith.mulf %get3A_1229, %broadcast_in_dim3A_1177 : vector<16xf32>
        %swap3A_1231 = arith.index_cast %add3A_1171 : i32 to index
        %swap3A_1232 = arith.constant 112 : index
        %swap3A_1233 = tpu.vector_load %arg8[%swap3A_1231, %swap3A_1232] {strides = array<i32>} : memref<128x144xf32, #tpu.memory_space<vmem>>, vector<16xf32>,
        tpu.vector_store %arg8[%swap3A_1231, %swap3A_1232], %mul3A_1230 {strides = array<i32>} : memref<128x144xf32, #tpu.memory_space<vmem>>, vector<16xf32>,
        %mul3A_1234 = arith.mulf %broadcast_in_dim3A_1174, %select_n3A : vector<16xf32>
        %mul3A_1235 = arith.mulf %broadcast_in_dim3A_1177, %select_n3A_39 : vector<16xf32>
        %add3A_1236 = arith.addf %mul3A_1234, %mul3A_1235 : vector<16xf32>
        %get3A_1237 = arith.index_cast %add3A_1171 : i32 to index
        %get3A_1238 = arith.constant 128 : index
        %get3A_1239 = tpu.vector_load %arg8[%get3A_1237, %get3A_1238] {strides = array<i32>} : memref<128x144xf32, #tpu.memory_space<vmem>>, vector<16xf32>,
        %mul3A_1240 = arith.mulf %get3A_1239, %add3A_1236 : vector<16xf32>
        %swap3A_1241 = arith.index_cast %add3A_1171 : i32 to index
        %swap3A_1242 = arith.constant 128 : index
        %swap3A_1243 = tpu.vector_load %arg8[%swap3A_1241, %swap3A_1242] {strides = array<i32>} : memref<128x144xf32, #tpu.memory_space<vmem>>, vector<16xf32>,
        tpu.vector_store %arg8[%swap3A_1241, %swap3A_1242], %mul3A_1240 {strides = array<i32>} : memref<128x144xf32, #tpu.memory_space<vmem>>, vector<16xf32>,
        %mul3A_1244 = arith.constant 16 : i32
        %mul3A_1245 = arith.muli %scan3A_67, %mul3A_1244 : i32
        %add3A_1246 = arith.constant 15 : i32
        %add3A_1247 = arith.addi %mul3A_1245, %add3A_1246 : i32
        %slice3A_1248 = vector.extract_strided_slice %exp3A {offsets = [15], sizes = [1], strides = [1]} : vector<16xf32> to vector<1xf32>
        %squeeze3A_1249 = vector.extract %slice3A_1248[0] : f32 from vector<1xf32>
        %broadcast_in_dim3A_1250 = vector.broadcast %squeeze3A_1249 : f32 to vector<16xf32>
        %slice3A_1251 = vector.extract_strided_slice %exp3A_106 {offsets = [15], sizes = [1], strides = [1]} : vector<16xf32> to vector<1xf32>
        %squeeze3A_1252 = vector.extract %slice3A_1251[0] : f32 from vector<1xf32>
        %broadcast_in_dim3A_1253 = vector.broadcast %squeeze3A_1252 : f32 to vector<16xf32>
        %get3A_1254 = arith.index_cast %add3A_1247 : i32 to index
        %get3A_1255 = arith.constant 0 : index
        %get3A_1256 = tpu.vector_load %arg8[%get3A_1254, %get3A_1255] {strides = array<i32>} : memref<128x144xf32, #tpu.memory_space<vmem>>, vector<16xf32>,
        %mul3A_1257 = arith.mulf %get3A_1256, %broadcast_in_dim3A_1250 : vector<16xf32>
        %swap3A_1258 = arith.index_cast %add3A_1247 : i32 to index
        %swap3A_1259 = arith.constant 0 : index
        %swap3A_1260 = tpu.vector_load %arg8[%swap3A_1258, %swap3A_1259] {strides = array<i32>} : memref<128x144xf32, #tpu.memory_space<vmem>>, vector<16xf32>,
        tpu.vector_store %arg8[%swap3A_1258, %swap3A_1259], %mul3A_1257 {strides = array<i32>} : memref<128x144xf32, #tpu.memory_space<vmem>>, vector<16xf32>,
        %get3A_1261 = arith.index_cast %add3A_1247 : i32 to index
        %get3A_1262 = arith.constant 16 : index
        %get3A_1263 = tpu.vector_load %arg8[%get3A_1261, %get3A_1262] {strides = array<i32>} : memref<128x144xf32, #tpu.memory_space<vmem>>, vector<16xf32>,
        %mul3A_1264 = arith.mulf %get3A_1263, %broadcast_in_dim3A_1250 : vector<16xf32>
        %swap3A_1265 = arith.index_cast %add3A_1247 : i32 to index
        %swap3A_1266 = arith.constant 16 : index
        %swap3A_1267 = tpu.vector_load %arg8[%swap3A_1265, %swap3A_1266] {strides = array<i32>} : memref<128x144xf32, #tpu.memory_space<vmem>>, vector<16xf32>,
        tpu.vector_store %arg8[%swap3A_1265, %swap3A_1266], %mul3A_1264 {strides = array<i32>} : memref<128x144xf32, #tpu.memory_space<vmem>>, vector<16xf32>,
        %get3A_1268 = arith.index_cast %add3A_1247 : i32 to index
        %get3A_1269 = arith.constant 32 : index
        %get3A_1270 = tpu.vector_load %arg8[%get3A_1268, %get3A_1269] {strides = array<i32>} : memref<128x144xf32, #tpu.memory_space<vmem>>, vector<16xf32>,
        %mul3A_1271 = arith.mulf %get3A_1270, %broadcast_in_dim3A_1250 : vector<16xf32>
        %swap3A_1272 = arith.index_cast %add3A_1247 : i32 to index
        %swap3A_1273 = arith.constant 32 : index
        %swap3A_1274 = tpu.vector_load %arg8[%swap3A_1272, %swap3A_1273] {strides = array<i32>} : memref<128x144xf32, #tpu.memory_space<vmem>>, vector<16xf32>,
        tpu.vector_store %arg8[%swap3A_1272, %swap3A_1273], %mul3A_1271 {strides = array<i32>} : memref<128x144xf32, #tpu.memory_space<vmem>>, vector<16xf32>,
        %get3A_1275 = arith.index_cast %add3A_1247 : i32 to index
        %get3A_1276 = arith.constant 48 : index
        %get3A_1277 = tpu.vector_load %arg8[%get3A_1275, %get3A_1276] {strides = array<i32>} : memref<128x144xf32, #tpu.memory_space<vmem>>, vector<16xf32>,
        %mul3A_1278 = arith.mulf %get3A_1277, %broadcast_in_dim3A_1250 : vector<16xf32>
        %swap3A_1279 = arith.index_cast %add3A_1247 : i32 to index
        %swap3A_1280 = arith.constant 48 : index
        %swap3A_1281 = tpu.vector_load %arg8[%swap3A_1279, %swap3A_1280] {strides = array<i32>} : memref<128x144xf32, #tpu.memory_space<vmem>>, vector<16xf32>,
        tpu.vector_store %arg8[%swap3A_1279, %swap3A_1280], %mul3A_1278 {strides = array<i32>} : memref<128x144xf32, #tpu.memory_space<vmem>>, vector<16xf32>,
        %get3A_1282 = arith.index_cast %add3A_1247 : i32 to index
        %get3A_1283 = arith.constant 64 : index
        %get3A_1284 = tpu.vector_load %arg8[%get3A_1282, %get3A_1283] {strides = array<i32>} : memref<128x144xf32, #tpu.memory_space<vmem>>, vector<16xf32>,
        %mul3A_1285 = arith.mulf %get3A_1284, %broadcast_in_dim3A_1253 : vector<16xf32>
        %swap3A_1286 = arith.index_cast %add3A_1247 : i32 to index
        %swap3A_1287 = arith.constant 64 : index
        %swap3A_1288 = tpu.vector_load %arg8[%swap3A_1286, %swap3A_1287] {strides = array<i32>} : memref<128x144xf32, #tpu.memory_space<vmem>>, vector<16xf32>,
        tpu.vector_store %arg8[%swap3A_1286, %swap3A_1287], %mul3A_1285 {strides = array<i32>} : memref<128x144xf32, #tpu.memory_space<vmem>>, vector<16xf32>,
        %get3A_1289 = arith.index_cast %add3A_1247 : i32 to index
        %get3A_1290 = arith.constant 80 : index
        %get3A_1291 = tpu.vector_load %arg8[%get3A_1289, %get3A_1290] {strides = array<i32>} : memref<128x144xf32, #tpu.memory_space<vmem>>, vector<16xf32>,
        %mul3A_1292 = arith.mulf %get3A_1291, %broadcast_in_dim3A_1253 : vector<16xf32>
        %swap3A_1293 = arith.index_cast %add3A_1247 : i32 to index
        %swap3A_1294 = arith.constant 80 : index
        %swap3A_1295 = tpu.vector_load %arg8[%swap3A_1293, %swap3A_1294] {strides = array<i32>} : memref<128x144xf32, #tpu.memory_space<vmem>>, vector<16xf32>,
        tpu.vector_store %arg8[%swap3A_1293, %swap3A_1294], %mul3A_1292 {strides = array<i32>} : memref<128x144xf32, #tpu.memory_space<vmem>>, vector<16xf32>,
        %get3A_1296 = arith.index_cast %add3A_1247 : i32 to index
        %get3A_1297 = arith.constant 96 : index
        %get3A_1298 = tpu.vector_load %arg8[%get3A_1296, %get3A_1297] {strides = array<i32>} : memref<128x144xf32, #tpu.memory_space<vmem>>, vector<16xf32>,
        %mul3A_1299 = arith.mulf %get3A_1298, %broadcast_in_dim3A_1253 : vector<16xf32>
        %swap3A_1300 = arith.index_cast %add3A_1247 : i32 to index
        %swap3A_1301 = arith.constant 96 : index
        %swap3A_1302 = tpu.vector_load %arg8[%swap3A_1300, %swap3A_1301] {strides = array<i32>} : memref<128x144xf32, #tpu.memory_space<vmem>>, vector<16xf32>,
        tpu.vector_store %arg8[%swap3A_1300, %swap3A_1301], %mul3A_1299 {strides = array<i32>} : memref<128x144xf32, #tpu.memory_space<vmem>>, vector<16xf32>,
        %get3A_1303 = arith.index_cast %add3A_1247 : i32 to index
        %get3A_1304 = arith.constant 112 : index
        %get3A_1305 = tpu.vector_load %arg8[%get3A_1303, %get3A_1304] {strides = array<i32>} : memref<128x144xf32, #tpu.memory_space<vmem>>, vector<16xf32>,
        %mul3A_1306 = arith.mulf %get3A_1305, %broadcast_in_dim3A_1253 : vector<16xf32>
        %swap3A_1307 = arith.index_cast %add3A_1247 : i32 to index
        %swap3A_1308 = arith.constant 112 : index
        %swap3A_1309 = tpu.vector_load %arg8[%swap3A_1307, %swap3A_1308] {strides = array<i32>} : memref<128x144xf32, #tpu.memory_space<vmem>>, vector<16xf32>,
        tpu.vector_store %arg8[%swap3A_1307, %swap3A_1308], %mul3A_1306 {strides = array<i32>} : memref<128x144xf32, #tpu.memory_space<vmem>>, vector<16xf32>,
        %mul3A_1310 = arith.mulf %broadcast_in_dim3A_1250, %select_n3A : vector<16xf32>
        %mul3A_1311 = arith.mulf %broadcast_in_dim3A_1253, %select_n3A_39 : vector<16xf32>
        %add3A_1312 = arith.addf %mul3A_1310, %mul3A_1311 : vector<16xf32>
        %get3A_1313 = arith.index_cast %add3A_1247 : i32 to index
        %get3A_1314 = arith.constant 128 : index
        %get3A_1315 = tpu.vector_load %arg8[%get3A_1313, %get3A_1314] {strides = array<i32>} : memref<128x144xf32, #tpu.memory_space<vmem>>, vector<16xf32>,
        %mul3A_1316 = arith.mulf %get3A_1315, %add3A_1312 : vector<16xf32>
        %swap3A_1317 = arith.index_cast %add3A_1247 : i32 to index
        %swap3A_1318 = arith.constant 128 : index
        %swap3A_1319 = tpu.vector_load %arg8[%swap3A_1317, %swap3A_1318] {strides = array<i32>} : memref<128x144xf32, #tpu.memory_space<vmem>>, vector<16xf32>,
        tpu.vector_store %arg8[%swap3A_1317, %swap3A_1318], %mul3A_1316 {strides = array<i32>} : memref<128x144xf32, #tpu.memory_space<vmem>>, vector<16xf32>,
      }
      %scan3A_66 = arith.constant 8 : i32
      "tpu.region"() ({
        %run_scoped3A = tpu.sem_alloc : memref<!tpu.dma_semaphore, #tpu.memory_space<semaphore_mem>>
        %dma_start3A_67 = arith.constant 0 : i32
        %dma_start3A_68 = arith.constant 0 : i32
        %dma_start3A_69 = tpu.memref_slice %arg11[%dma_start3A_67, %dma_start3A_68] : memref<10016x144xf32, #tpu.memory_space<vmem_shared>> -> memref<10016x144xf32, #tpu.memory_space<vmem_shared>>
        tpu.enqueue_indirect_dma source(%arg8 : memref<128x144xf32, #tpu.memory_space<vmem>>) target(%dma_start3A_69 : memref<10016x144xf32, #tpu.memory_space<vmem_shared>>) offsets(%arg10 : memref<128xi32, #tpu.memory_space<vmem>>) semaphore(%run_scoped3A : memref<!tpu.dma_semaphore, #tpu.memory_space<semaphore_mem>>) {add = true}
        %dma_wait3A_70 = arith.constant 0 : i32
        %dma_wait3A_71 = arith.constant 0 : i32
        %dma_wait3A_72 = tpu.memref_slice %arg11[%dma_wait3A_70, %dma_wait3A_71] : memref<10016x144xf32, #tpu.memory_space<vmem_shared>> -> memref<10016x144xf32, #tpu.memory_space<vmem_shared>>
        tpu.wait_indirect_dma semaphore(%run_scoped3A : memref<!tpu.dma_semaphore, #tpu.memory_space<semaphore_mem>>) src(%arg8 : memref<128x144xf32, #tpu.memory_space<vmem>>) dst(%dma_wait3A_72 : memref<10016x144xf32, #tpu.memory_space<vmem_shared>>)
        tpu.yield
      }) : () -> ()
    }
    %scan3A_47 = arith.constant 81 : i32
    %barrier3A_48 = arith.constant 0 : index
    tpu.barrier barrier_id(%barrier3A_48)
    %mul3A_49 = arith.constant 626 : i32
    %mul3A_50 = arith.muli %arg1, %mul3A_49 : i32
    %mul3A_51 = arith.constant 626 : i32
    %mul3A_52 = arith.muli %arg1, %mul3A_51 : i32
    "tpu.region"() ({
      %run_scoped3A = tpu.sem_alloc : memref<!tpu.dma_semaphore, #tpu.memory_space<semaphore_mem>>
      %dma_start3A = arith.constant 0 : i32
      %dma_start3A_53 = tpu.memref_slice %arg6[%arg0, %mul3A_52, %dma_start3A] : memref<2x10016x144xf32, #tpu.memory_space<hbm>> -> memref<1x626x144xf32, #tpu.memory_space<hbm>>
      %dma_start3A_54 = tpu.memref_squeeze %dma_start3A_53 : memref<1x626x144xf32, #tpu.memory_space<hbm>> -> memref<626x144xf32, #tpu.memory_space<hbm>>
      %dma_start3A_55 = arith.constant 0 : i32
      %dma_start3A_56 = tpu.memref_slice %arg11[%mul3A_50, %dma_start3A_55] : memref<10016x144xf32, #tpu.memory_space<vmem_shared>> -> memref<626x144xf32, #tpu.memory_space<vmem_shared>>
      tpu.enqueue_dma source(%dma_start3A_56 : memref<626x144xf32, #tpu.memory_space<vmem_shared>>) target(%dma_start3A_54 : memref<626x144xf32, #tpu.memory_space<hbm>>) target_semaphore(%run_scoped3A : memref<!tpu.dma_semaphore, #tpu.memory_space<semaphore_mem>>)
      %dma_wait3A = arith.constant 0 : i32
      %dma_wait3A_57 = tpu.memref_slice %arg6[%arg0, %mul3A_52, %dma_wait3A] : memref<2x10016x144xf32, #tpu.memory_space<hbm>> -> memref<1x626x144xf32, #tpu.memory_space<hbm>>
      %dma_wait3A_58 = tpu.memref_squeeze %dma_wait3A_57 : memref<1x626x144xf32, #tpu.memory_space<hbm>> -> memref<626x144xf32, #tpu.memory_space<hbm>>
      %dma_wait3A_59 = arith.constant 0 : i32
      %dma_wait3A_60 = tpu.memref_slice %arg11[%mul3A_50, %dma_wait3A_59] : memref<10016x144xf32, #tpu.memory_space<vmem_shared>> -> memref<626x144xf32, #tpu.memory_space<vmem_shared>>
      tpu.wait_dma2 semaphore(%run_scoped3A : memref<!tpu.dma_semaphore, #tpu.memory_space<semaphore_mem>>) src(%dma_wait3A_60 : memref<626x144xf32, #tpu.memory_space<vmem_shared>>) dst(%dma_wait3A_58 : memref<626x144xf32, #tpu.memory_space<hbm>>)
      tpu.yield
    }) : () -> ()
    return
  }
}

#map = affine_map<(d0, d1) -> (0, 0)>
#map1 = affine_map<(d0, d1) -> (0)>
#map2 = affine_map<(d0, d1) -> (0, 0, 0)>
module attributes {stable_mosaic.version = 14 : i64} {
  func.func @sc_kernel(%arg0: i32, %arg1: i32, %arg2: memref<10016x80xf32, #tpu.memory_space<hbm>>, %arg3: memref<10016xf32, #tpu.memory_space<hbm>>, %arg4: memref<331776xi32, #tpu.memory_space<hbm>>, %arg5: memref<331776xi32, #tpu.memory_space<hbm>>, %arg6: memref<2x10016x80xf32, #tpu.memory_space<hbm>>, %arg7: memref<10016xf32, #tpu.memory_space<vmem>>, %arg8: memref<128x80xf32, #tpu.memory_space<vmem>>, %arg9: memref<128xi32, #tpu.memory_space<vmem>>, %arg10: memref<128xi32, #tpu.memory_space<vmem>>, %arg11: memref<10016x80xf32, #tpu.memory_space<vmem_shared>>, %arg12: memref<!tpu.dma_semaphore, #tpu.memory_space<semaphore_mem>>) attributes {dimension_semantics = [#tpu.dimension_semantics<core_parallel>, #tpu.dimension_semantics<subcore_parallel>], iteration_bounds = array<i64: 2, 16>, scalar_prefetch = 0 : i64, scratch_operands = 6 : i64, tpu.core_type = #tpu.core_type<sc_vector_subcore>, window_params = [{transform_indices = #map}, {transform_indices = #map1}, {transform_indices = #map1}, {transform_indices = #map1}, {transform_indices = #map2}]} {
    %mul3A = arith.constant 16 : i32
    %mul3A_0 = arith.muli %arg0, %mul3A : i32
    %add3A = arith.addi %mul3A_0, %arg1 : i32
    %broadcast_in_dim3A = arith.constant 0.000000e+00 : f32
    %broadcast_in_dim3A_1 = vector.broadcast %broadcast_in_dim3A : f32 to vector<16xf32>
    %scan3A = arith.constant 0 : i32
    %scan3A_2 = arith.constant 0 : i32
    %scan3A_3 = arith.constant 128 : i32
    %scan3A_4 = arith.addi %scan3A_2, %scan3A_3 : i32
    %scan3A_5 = arith.constant 1 : i32
    scf.for %scan3A_45 = %scan3A_2 to %scan3A_4 step %scan3A_5  : i32 {
      %swap3A = arith.index_cast %scan3A_45 : i32 to index
      %swap3A_46 = arith.constant 0 : index
      %swap3A_47 = tpu.vector_load %arg8[%swap3A, %swap3A_46] {strides = array<i32>} : memref<128x80xf32, #tpu.memory_space<vmem>>, vector<16xf32>,
      tpu.vector_store %arg8[%swap3A, %swap3A_46], %broadcast_in_dim3A_1 {strides = array<i32>} : memref<128x80xf32, #tpu.memory_space<vmem>>, vector<16xf32>,
      %swap3A_48 = arith.index_cast %scan3A_45 : i32 to index
      %swap3A_49 = arith.constant 16 : index
      %swap3A_50 = tpu.vector_load %arg8[%swap3A_48, %swap3A_49] {strides = array<i32>} : memref<128x80xf32, #tpu.memory_space<vmem>>, vector<16xf32>,
      tpu.vector_store %arg8[%swap3A_48, %swap3A_49], %broadcast_in_dim3A_1 {strides = array<i32>} : memref<128x80xf32, #tpu.memory_space<vmem>>, vector<16xf32>,
      %swap3A_51 = arith.index_cast %scan3A_45 : i32 to index
      %swap3A_52 = arith.constant 32 : index
      %swap3A_53 = tpu.vector_load %arg8[%swap3A_51, %swap3A_52] {strides = array<i32>} : memref<128x80xf32, #tpu.memory_space<vmem>>, vector<16xf32>,
      tpu.vector_store %arg8[%swap3A_51, %swap3A_52], %broadcast_in_dim3A_1 {strides = array<i32>} : memref<128x80xf32, #tpu.memory_space<vmem>>, vector<16xf32>,
      %swap3A_54 = arith.index_cast %scan3A_45 : i32 to index
      %swap3A_55 = arith.constant 48 : index
      %swap3A_56 = tpu.vector_load %arg8[%swap3A_54, %swap3A_55] {strides = array<i32>} : memref<128x80xf32, #tpu.memory_space<vmem>>, vector<16xf32>,
      tpu.vector_store %arg8[%swap3A_54, %swap3A_55], %broadcast_in_dim3A_1 {strides = array<i32>} : memref<128x80xf32, #tpu.memory_space<vmem>>, vector<16xf32>,
      %swap3A_57 = arith.index_cast %scan3A_45 : i32 to index
      %swap3A_58 = arith.constant 64 : index
      %swap3A_59 = tpu.vector_load %arg8[%swap3A_57, %swap3A_58] {strides = array<i32>} : memref<128x80xf32, #tpu.memory_space<vmem>>, vector<16xf32>,
      tpu.vector_store %arg8[%swap3A_57, %swap3A_58], %broadcast_in_dim3A_1 {strides = array<i32>} : memref<128x80xf32, #tpu.memory_space<vmem>>, vector<16xf32>,
    }
    %scan3A_6 = arith.constant 128 : i32
    %mul3A_7 = arith.constant 626 : i32
    %mul3A_8 = arith.muli %arg1, %mul3A_7 : i32
    %add3A_9 = arith.constant 0 : i32
    %add3A_10 = arith.addi %mul3A_8, %add3A_9 : i32
    "tpu.region"() ({
      %run_scoped3A = tpu.sem_alloc : memref<!tpu.dma_semaphore, #tpu.memory_space<semaphore_mem>>
      %dma_start3A = arith.constant 0 : i32
      %dma_start3A_45 = tpu.memref_slice %arg11[%add3A_10, %dma_start3A] : memref<10016x80xf32, #tpu.memory_space<vmem_shared>> -> memref<128x80xf32, #tpu.memory_space<vmem_shared>>
      %dma_start3A_46 = arith.constant 0 : i32
      %dma_start3A_47 = tpu.memref_slice %arg11[%add3A_10, %dma_start3A_46] : memref<10016x80xf32, #tpu.memory_space<vmem_shared>> -> memref<128x80xf32, #tpu.memory_space<vmem_shared>>
      tpu.enqueue_dma source(%arg8 : memref<128x80xf32, #tpu.memory_space<vmem>>) target(%dma_start3A_47 : memref<128x80xf32, #tpu.memory_space<vmem_shared>>) target_semaphore(%run_scoped3A : memref<!tpu.dma_semaphore, #tpu.memory_space<semaphore_mem>>)
      %dma_wait3A = arith.constant 0 : i32
      %dma_wait3A_48 = tpu.memref_slice %arg11[%add3A_10, %dma_wait3A] : memref<10016x80xf32, #tpu.memory_space<vmem_shared>> -> memref<128x80xf32, #tpu.memory_space<vmem_shared>>
      %dma_wait3A_49 = arith.constant 0 : i32
      %dma_wait3A_50 = tpu.memref_slice %arg11[%add3A_10, %dma_wait3A_49] : memref<10016x80xf32, #tpu.memory_space<vmem_shared>> -> memref<128x80xf32, #tpu.memory_space<vmem_shared>>
      tpu.wait_dma2 semaphore(%run_scoped3A : memref<!tpu.dma_semaphore, #tpu.memory_space<semaphore_mem>>) src(%arg8 : memref<128x80xf32, #tpu.memory_space<vmem>>) dst(%dma_wait3A_50 : memref<128x80xf32, #tpu.memory_space<vmem_shared>>)
      tpu.yield
    }) : () -> ()
    %mul3A_11 = arith.constant 626 : i32
    %mul3A_12 = arith.muli %arg1, %mul3A_11 : i32
    %add3A_13 = arith.constant 128 : i32
    %add3A_14 = arith.addi %mul3A_12, %add3A_13 : i32
    "tpu.region"() ({
      %run_scoped3A = tpu.sem_alloc : memref<!tpu.dma_semaphore, #tpu.memory_space<semaphore_mem>>
      %dma_start3A = arith.constant 0 : i32
      %dma_start3A_45 = tpu.memref_slice %arg11[%add3A_14, %dma_start3A] : memref<10016x80xf32, #tpu.memory_space<vmem_shared>> -> memref<128x80xf32, #tpu.memory_space<vmem_shared>>
      %dma_start3A_46 = arith.constant 0 : i32
      %dma_start3A_47 = tpu.memref_slice %arg11[%add3A_14, %dma_start3A_46] : memref<10016x80xf32, #tpu.memory_space<vmem_shared>> -> memref<128x80xf32, #tpu.memory_space<vmem_shared>>
      tpu.enqueue_dma source(%arg8 : memref<128x80xf32, #tpu.memory_space<vmem>>) target(%dma_start3A_47 : memref<128x80xf32, #tpu.memory_space<vmem_shared>>) target_semaphore(%run_scoped3A : memref<!tpu.dma_semaphore, #tpu.memory_space<semaphore_mem>>)
      %dma_wait3A = arith.constant 0 : i32
      %dma_wait3A_48 = tpu.memref_slice %arg11[%add3A_14, %dma_wait3A] : memref<10016x80xf32, #tpu.memory_space<vmem_shared>> -> memref<128x80xf32, #tpu.memory_space<vmem_shared>>
      %dma_wait3A_49 = arith.constant 0 : i32
      %dma_wait3A_50 = tpu.memref_slice %arg11[%add3A_14, %dma_wait3A_49] : memref<10016x80xf32, #tpu.memory_space<vmem_shared>> -> memref<128x80xf32, #tpu.memory_space<vmem_shared>>
      tpu.wait_dma2 semaphore(%run_scoped3A : memref<!tpu.dma_semaphore, #tpu.memory_space<semaphore_mem>>) src(%arg8 : memref<128x80xf32, #tpu.memory_space<vmem>>) dst(%dma_wait3A_50 : memref<128x80xf32, #tpu.memory_space<vmem_shared>>)
      tpu.yield
    }) : () -> ()
    %mul3A_15 = arith.constant 626 : i32
    %mul3A_16 = arith.muli %arg1, %mul3A_15 : i32
    %add3A_17 = arith.constant 256 : i32
    %add3A_18 = arith.addi %mul3A_16, %add3A_17 : i32
    "tpu.region"() ({
      %run_scoped3A = tpu.sem_alloc : memref<!tpu.dma_semaphore, #tpu.memory_space<semaphore_mem>>
      %dma_start3A = arith.constant 0 : i32
      %dma_start3A_45 = tpu.memref_slice %arg11[%add3A_18, %dma_start3A] : memref<10016x80xf32, #tpu.memory_space<vmem_shared>> -> memref<128x80xf32, #tpu.memory_space<vmem_shared>>
      %dma_start3A_46 = arith.constant 0 : i32
      %dma_start3A_47 = tpu.memref_slice %arg11[%add3A_18, %dma_start3A_46] : memref<10016x80xf32, #tpu.memory_space<vmem_shared>> -> memref<128x80xf32, #tpu.memory_space<vmem_shared>>
      tpu.enqueue_dma source(%arg8 : memref<128x80xf32, #tpu.memory_space<vmem>>) target(%dma_start3A_47 : memref<128x80xf32, #tpu.memory_space<vmem_shared>>) target_semaphore(%run_scoped3A : memref<!tpu.dma_semaphore, #tpu.memory_space<semaphore_mem>>)
      %dma_wait3A = arith.constant 0 : i32
      %dma_wait3A_48 = tpu.memref_slice %arg11[%add3A_18, %dma_wait3A] : memref<10016x80xf32, #tpu.memory_space<vmem_shared>> -> memref<128x80xf32, #tpu.memory_space<vmem_shared>>
      %dma_wait3A_49 = arith.constant 0 : i32
      %dma_wait3A_50 = tpu.memref_slice %arg11[%add3A_18, %dma_wait3A_49] : memref<10016x80xf32, #tpu.memory_space<vmem_shared>> -> memref<128x80xf32, #tpu.memory_space<vmem_shared>>
      tpu.wait_dma2 semaphore(%run_scoped3A : memref<!tpu.dma_semaphore, #tpu.memory_space<semaphore_mem>>) src(%arg8 : memref<128x80xf32, #tpu.memory_space<vmem>>) dst(%dma_wait3A_50 : memref<128x80xf32, #tpu.memory_space<vmem_shared>>)
      tpu.yield
    }) : () -> ()
    %mul3A_19 = arith.constant 626 : i32
    %mul3A_20 = arith.muli %arg1, %mul3A_19 : i32
    %add3A_21 = arith.constant 384 : i32
    %add3A_22 = arith.addi %mul3A_20, %add3A_21 : i32
    "tpu.region"() ({
      %run_scoped3A = tpu.sem_alloc : memref<!tpu.dma_semaphore, #tpu.memory_space<semaphore_mem>>
      %dma_start3A = arith.constant 0 : i32
      %dma_start3A_45 = tpu.memref_slice %arg11[%add3A_22, %dma_start3A] : memref<10016x80xf32, #tpu.memory_space<vmem_shared>> -> memref<128x80xf32, #tpu.memory_space<vmem_shared>>
      %dma_start3A_46 = arith.constant 0 : i32
      %dma_start3A_47 = tpu.memref_slice %arg11[%add3A_22, %dma_start3A_46] : memref<10016x80xf32, #tpu.memory_space<vmem_shared>> -> memref<128x80xf32, #tpu.memory_space<vmem_shared>>
      tpu.enqueue_dma source(%arg8 : memref<128x80xf32, #tpu.memory_space<vmem>>) target(%dma_start3A_47 : memref<128x80xf32, #tpu.memory_space<vmem_shared>>) target_semaphore(%run_scoped3A : memref<!tpu.dma_semaphore, #tpu.memory_space<semaphore_mem>>)
      %dma_wait3A = arith.constant 0 : i32
      %dma_wait3A_48 = tpu.memref_slice %arg11[%add3A_22, %dma_wait3A] : memref<10016x80xf32, #tpu.memory_space<vmem_shared>> -> memref<128x80xf32, #tpu.memory_space<vmem_shared>>
      %dma_wait3A_49 = arith.constant 0 : i32
      %dma_wait3A_50 = tpu.memref_slice %arg11[%add3A_22, %dma_wait3A_49] : memref<10016x80xf32, #tpu.memory_space<vmem_shared>> -> memref<128x80xf32, #tpu.memory_space<vmem_shared>>
      tpu.wait_dma2 semaphore(%run_scoped3A : memref<!tpu.dma_semaphore, #tpu.memory_space<semaphore_mem>>) src(%arg8 : memref<128x80xf32, #tpu.memory_space<vmem>>) dst(%dma_wait3A_50 : memref<128x80xf32, #tpu.memory_space<vmem_shared>>)
      tpu.yield
    }) : () -> ()
    %mul3A_23 = arith.constant 626 : i32
    %mul3A_24 = arith.muli %arg1, %mul3A_23 : i32
    %add3A_25 = arith.constant 512 : i32
    %add3A_26 = arith.addi %mul3A_24, %add3A_25 : i32
    "tpu.region"() ({
      %run_scoped3A = tpu.sem_alloc : memref<!tpu.dma_semaphore, #tpu.memory_space<semaphore_mem>>
      %dma_start3A = arith.constant 0 : i32
      %dma_start3A_45 = arith.constant 0 : i32
      %dma_start3A_46 = tpu.memref_slice %arg8[%dma_start3A, %dma_start3A_45] : memref<128x80xf32, #tpu.memory_space<vmem>> -> memref<114x80xf32, #tpu.memory_space<vmem>>
      %dma_start3A_47 = arith.constant 0 : i32
      %dma_start3A_48 = tpu.memref_slice %arg11[%add3A_26, %dma_start3A_47] : memref<10016x80xf32, #tpu.memory_space<vmem_shared>> -> memref<114x80xf32, #tpu.memory_space<vmem_shared>>
      %dma_start3A_49 = arith.constant 0 : i32
      %dma_start3A_50 = tpu.memref_slice %arg11[%add3A_26, %dma_start3A_49] : memref<10016x80xf32, #tpu.memory_space<vmem_shared>> -> memref<114x80xf32, #tpu.memory_space<vmem_shared>>
      %dma_start3A_51 = arith.constant 0 : i32
      %dma_start3A_52 = arith.constant 0 : i32
      %dma_start3A_53 = tpu.memref_slice %arg8[%dma_start3A_51, %dma_start3A_52] : memref<128x80xf32, #tpu.memory_space<vmem>> -> memref<114x80xf32, #tpu.memory_space<vmem>>
      tpu.enqueue_dma source(%dma_start3A_53 : memref<114x80xf32, #tpu.memory_space<vmem>>) target(%dma_start3A_50 : memref<114x80xf32, #tpu.memory_space<vmem_shared>>) target_semaphore(%run_scoped3A : memref<!tpu.dma_semaphore, #tpu.memory_space<semaphore_mem>>)
      %dma_wait3A = arith.constant 0 : i32
      %dma_wait3A_54 = arith.constant 0 : i32
      %dma_wait3A_55 = tpu.memref_slice %arg8[%dma_wait3A, %dma_wait3A_54] : memref<128x80xf32, #tpu.memory_space<vmem>> -> memref<114x80xf32, #tpu.memory_space<vmem>>
      %dma_wait3A_56 = arith.constant 0 : i32
      %dma_wait3A_57 = tpu.memref_slice %arg11[%add3A_26, %dma_wait3A_56] : memref<10016x80xf32, #tpu.memory_space<vmem_shared>> -> memref<114x80xf32, #tpu.memory_space<vmem_shared>>
      %dma_wait3A_58 = arith.constant 0 : i32
      %dma_wait3A_59 = tpu.memref_slice %arg11[%add3A_26, %dma_wait3A_58] : memref<10016x80xf32, #tpu.memory_space<vmem_shared>> -> memref<114x80xf32, #tpu.memory_space<vmem_shared>>
      %dma_wait3A_60 = arith.constant 0 : i32
      %dma_wait3A_61 = arith.constant 0 : i32
      %dma_wait3A_62 = tpu.memref_slice %arg8[%dma_wait3A_60, %dma_wait3A_61] : memref<128x80xf32, #tpu.memory_space<vmem>> -> memref<114x80xf32, #tpu.memory_space<vmem>>
      tpu.wait_dma2 semaphore(%run_scoped3A : memref<!tpu.dma_semaphore, #tpu.memory_space<semaphore_mem>>) src(%dma_wait3A_62 : memref<114x80xf32, #tpu.memory_space<vmem>>) dst(%dma_wait3A_59 : memref<114x80xf32, #tpu.memory_space<vmem_shared>>)
      tpu.yield
    }) : () -> ()
    "tpu.region"() ({
      %run_scoped3A = tpu.sem_alloc : memref<!tpu.dma_semaphore, #tpu.memory_space<semaphore_mem>>
      tpu.enqueue_dma source(%arg3 : memref<10016xf32, #tpu.memory_space<hbm>>) target(%arg7 : memref<10016xf32, #tpu.memory_space<vmem>>) target_semaphore(%run_scoped3A : memref<!tpu.dma_semaphore, #tpu.memory_space<semaphore_mem>>)
      tpu.wait_dma2 semaphore(%run_scoped3A : memref<!tpu.dma_semaphore, #tpu.memory_space<semaphore_mem>>) src(%arg3 : memref<10016xf32, #tpu.memory_space<hbm>>) dst(%arg7 : memref<10016xf32, #tpu.memory_space<vmem>>)
      tpu.yield
    }) : () -> ()
    %barrier3A = arith.constant 0 : index
    tpu.barrier barrier_id(%barrier3A)
    %iota3A = tpu.iota {dimensions = array<i32: 0>} : vector<16xi32>
    %eq3A = arith.constant 0 : i32
    %eq3A_27 = vector.broadcast %eq3A : i32 to vector<16xi32>
    %eq3A_28 = arith.cmpi eq, %iota3A, %eq3A_27 : vector<16xi32>
    %jit3A = arith.constant 1.000000e+00 : f32
    %jit3A_29 = arith.constant 0.000000e+00 : f32
    %broadcast_in_dim3A_30 = vector.broadcast %jit3A : f32 to vector<16xf32>
    %broadcast_in_dim3A_31 = vector.broadcast %jit3A_29 : f32 to vector<16xf32>
    %select_n3A = arith.select %eq3A_28, %broadcast_in_dim3A_30, %broadcast_in_dim3A_31 : vector<16xi1>, vector<16xf32>
    %mul3A_32 = arith.constant 10368 : i32
    %mul3A_33 = arith.muli %add3A, %mul3A_32 : i32
    %scan3A_34 = arith.constant 0 : i32
    %scan3A_35 = arith.constant 0 : i32
    %scan3A_36 = arith.constant 81 : i32
    %scan3A_37 = arith.addi %scan3A_35, %scan3A_36 : i32
    %scan3A_38 = arith.constant 1 : i32
    scf.for %scan3A_45 = %scan3A_35 to %scan3A_37 step %scan3A_38  : i32 {
      %mul3A_46 = arith.constant 128 : i32
      %mul3A_47 = arith.muli %scan3A_45, %mul3A_46 : i32
      %add3A_48 = arith.addi %mul3A_33, %mul3A_47 : i32
      "tpu.region"() ({
        %run_scoped3A = tpu.sem_alloc : memref<!tpu.dma_semaphore, #tpu.memory_space<semaphore_mem>>
        %dma_start3A_59 = tpu.memref_slice %arg4[%add3A_48] : memref<331776xi32, #tpu.memory_space<hbm>> -> memref<128xi32, #tpu.memory_space<hbm>>
        %dma_start3A_60 = tpu.memref_slice %arg4[%add3A_48] : memref<331776xi32, #tpu.memory_space<hbm>> -> memref<128xi32, #tpu.memory_space<hbm>>
        tpu.enqueue_dma source(%dma_start3A_60 : memref<128xi32, #tpu.memory_space<hbm>>) target(%arg9 : memref<128xi32, #tpu.memory_space<vmem>>) target_semaphore(%run_scoped3A : memref<!tpu.dma_semaphore, #tpu.memory_space<semaphore_mem>>)
        %dma_wait3A_61 = tpu.memref_slice %arg4[%add3A_48] : memref<331776xi32, #tpu.memory_space<hbm>> -> memref<128xi32, #tpu.memory_space<hbm>>
        %dma_wait3A_62 = tpu.memref_slice %arg4[%add3A_48] : memref<331776xi32, #tpu.memory_space<hbm>> -> memref<128xi32, #tpu.memory_space<hbm>>
        tpu.wait_dma2 semaphore(%run_scoped3A : memref<!tpu.dma_semaphore, #tpu.memory_space<semaphore_mem>>) src(%dma_wait3A_62 : memref<128xi32, #tpu.memory_space<hbm>>) dst(%arg9 : memref<128xi32, #tpu.memory_space<vmem>>)
        tpu.yield
      }) : () -> ()
      "tpu.region"() ({
        %run_scoped3A = tpu.sem_alloc : memref<!tpu.dma_semaphore, #tpu.memory_space<semaphore_mem>>
        %dma_start3A_59 = tpu.memref_slice %arg5[%add3A_48] : memref<331776xi32, #tpu.memory_space<hbm>> -> memref<128xi32, #tpu.memory_space<hbm>>
        %dma_start3A_60 = tpu.memref_slice %arg5[%add3A_48] : memref<331776xi32, #tpu.memory_space<hbm>> -> memref<128xi32, #tpu.memory_space<hbm>>
        tpu.enqueue_dma source(%dma_start3A_60 : memref<128xi32, #tpu.memory_space<hbm>>) target(%arg10 : memref<128xi32, #tpu.memory_space<vmem>>) target_semaphore(%run_scoped3A : memref<!tpu.dma_semaphore, #tpu.memory_space<semaphore_mem>>)
        %dma_wait3A_61 = tpu.memref_slice %arg5[%add3A_48] : memref<331776xi32, #tpu.memory_space<hbm>> -> memref<128xi32, #tpu.memory_space<hbm>>
        %dma_wait3A_62 = tpu.memref_slice %arg5[%add3A_48] : memref<331776xi32, #tpu.memory_space<hbm>> -> memref<128xi32, #tpu.memory_space<hbm>>
        tpu.wait_dma2 semaphore(%run_scoped3A : memref<!tpu.dma_semaphore, #tpu.memory_space<semaphore_mem>>) src(%dma_wait3A_62 : memref<128xi32, #tpu.memory_space<hbm>>) dst(%arg10 : memref<128xi32, #tpu.memory_space<vmem>>)
        tpu.yield
      }) : () -> ()
      %dma_start3A = arith.constant 0 : i32
      %dma_start3A_49 = arith.constant 0 : i32
      %dma_start3A_50 = tpu.memref_slice %arg2[%dma_start3A, %dma_start3A_49] : memref<10016x80xf32, #tpu.memory_space<hbm>> -> memref<10016x80xf32, #tpu.memory_space<hbm>>
      tpu.enqueue_indirect_dma source(%dma_start3A_50 : memref<10016x80xf32, #tpu.memory_space<hbm>>) target(%arg8 : memref<128x80xf32, #tpu.memory_space<vmem>>) offsets(%arg9 : memref<128xi32, #tpu.memory_space<vmem>>) semaphore(%arg12 : memref<!tpu.dma_semaphore, #tpu.memory_space<semaphore_mem>>)
      %dma_wait3A = arith.constant 0 : i32
      %dma_wait3A_51 = arith.constant 0 : i32
      %dma_wait3A_52 = tpu.memref_slice %arg2[%dma_wait3A, %dma_wait3A_51] : memref<10016x80xf32, #tpu.memory_space<hbm>> -> memref<10016x80xf32, #tpu.memory_space<hbm>>
      tpu.wait_indirect_dma semaphore(%arg12 : memref<!tpu.dma_semaphore, #tpu.memory_space<semaphore_mem>>) src(%dma_wait3A_52 : memref<10016x80xf32, #tpu.memory_space<hbm>>) dst(%arg8 : memref<128x80xf32, #tpu.memory_space<vmem>>)
      %scan3A_53 = arith.constant 0 : i32
      %scan3A_54 = arith.constant 0 : i32
      %scan3A_55 = arith.constant 8 : i32
      %scan3A_56 = arith.addi %scan3A_54, %scan3A_55 : i32
      %scan3A_57 = arith.constant 1 : i32
      scf.for %scan3A_59 = %scan3A_54 to %scan3A_56 step %scan3A_57  : i32 {
        %mul3A_60 = arith.constant 16 : i32
        %mul3A_61 = arith.muli %scan3A_59, %mul3A_60 : i32
        %broadcast_in_dim3A_62 = vector.broadcast %mul3A_61 : i32 to vector<16xi32>
        %add3A_63 = arith.addi %broadcast_in_dim3A_62, %iota3A : vector<16xi32>
        %mul3A_64 = arith.constant 16 : i32
        %mul3A_65 = arith.muli %scan3A_59, %mul3A_64 : i32
        %get3A = arith.index_cast %mul3A_65 : i32 to index
        %get3A_66 = tpu.vector_load %arg10[%get3A] {strides = array<i32>} : memref<128xi32, #tpu.memory_space<vmem>>, vector<16xi32>,
        %mul3A_67 = arith.constant 1 : i32
        %mul3A_68 = vector.broadcast %mul3A_67 : i32 to vector<16xi32>
        %mul3A_69 = arith.muli %get3A_66, %mul3A_68 : vector<16xi32>
        %broadcast_in_dim3A_70 = arith.constant 65 : i32
        %broadcast_in_dim3A_71 = vector.broadcast %broadcast_in_dim3A_70 : i32 to vector<16xi32>
        %gather3A = tpu.vector_load_idx %arg8[%add3A_63, %broadcast_in_dim3A_71] : memref<128x80xf32, #tpu.memory_space<vmem>>[vector<16xi32>, vector<16xi32>], vector<16xf32>,
        %add3A_72 = arith.constant 0 : i32
        %add3A_73 = vector.broadcast %add3A_72 : i32 to vector<16xi32>
        %add3A_74 = arith.addi %mul3A_69, %add3A_73 : vector<16xi32>
        %gather3A_75 = tpu.vector_load_idx %arg7[%add3A_74] : memref<10016xf32, #tpu.memory_space<vmem>>[vector<16xi32>], vector<16xf32>,
        %add3A_76 = arith.addf %gather3A, %gather3A_75 : vector<16xf32>
        %ge3A = arith.constant 0.000000e+00 : f32
        %ge3A_77 = vector.broadcast %ge3A : f32 to vector<16xf32>
        %ge3A_78 = arith.cmpf oge, %add3A_76, %ge3A_77 : vector<16xf32>
        %mul3A_79 = arith.constant 2.000000e-01 : f32
        %mul3A_80 = vector.broadcast %mul3A_79 : f32 to vector<16xf32>
        %mul3A_81 = arith.mulf %mul3A_80, %add3A_76 : vector<16xf32>
        %select_n3A_82 = arith.select %ge3A_78, %add3A_76, %mul3A_81 : vector<16xi1>, vector<16xf32>
        %exp3A = math.exp %select_n3A_82 : vector<16xf32>
        %mul3A_83 = arith.constant 16 : i32
        %mul3A_84 = arith.muli %scan3A_59, %mul3A_83 : i32
        %add3A_85 = arith.constant 0 : i32
        %add3A_86 = arith.addi %mul3A_84, %add3A_85 : i32
        %slice3A = vector.extract_strided_slice %exp3A {offsets = [0], sizes = [1], strides = [1]} : vector<16xf32> to vector<1xf32>
        %squeeze3A = vector.extract %slice3A[0] : f32 from vector<1xf32>
        %broadcast_in_dim3A_87 = vector.broadcast %squeeze3A : f32 to vector<16xf32>
        %get3A_88 = arith.index_cast %add3A_86 : i32 to index
        %get3A_89 = arith.constant 0 : index
        %get3A_90 = tpu.vector_load %arg8[%get3A_88, %get3A_89] {strides = array<i32>} : memref<128x80xf32, #tpu.memory_space<vmem>>, vector<16xf32>,
        %mul3A_91 = arith.mulf %get3A_90, %broadcast_in_dim3A_87 : vector<16xf32>
        %swap3A = arith.index_cast %add3A_86 : i32 to index
        %swap3A_92 = arith.constant 0 : index
        %swap3A_93 = tpu.vector_load %arg8[%swap3A, %swap3A_92] {strides = array<i32>} : memref<128x80xf32, #tpu.memory_space<vmem>>, vector<16xf32>,
        tpu.vector_store %arg8[%swap3A, %swap3A_92], %mul3A_91 {strides = array<i32>} : memref<128x80xf32, #tpu.memory_space<vmem>>, vector<16xf32>,
        %get3A_94 = arith.index_cast %add3A_86 : i32 to index
        %get3A_95 = arith.constant 16 : index
        %get3A_96 = tpu.vector_load %arg8[%get3A_94, %get3A_95] {strides = array<i32>} : memref<128x80xf32, #tpu.memory_space<vmem>>, vector<16xf32>,
        %mul3A_97 = arith.mulf %get3A_96, %broadcast_in_dim3A_87 : vector<16xf32>
        %swap3A_98 = arith.index_cast %add3A_86 : i32 to index
        %swap3A_99 = arith.constant 16 : index
        %swap3A_100 = tpu.vector_load %arg8[%swap3A_98, %swap3A_99] {strides = array<i32>} : memref<128x80xf32, #tpu.memory_space<vmem>>, vector<16xf32>,
        tpu.vector_store %arg8[%swap3A_98, %swap3A_99], %mul3A_97 {strides = array<i32>} : memref<128x80xf32, #tpu.memory_space<vmem>>, vector<16xf32>,
        %get3A_101 = arith.index_cast %add3A_86 : i32 to index
        %get3A_102 = arith.constant 32 : index
        %get3A_103 = tpu.vector_load %arg8[%get3A_101, %get3A_102] {strides = array<i32>} : memref<128x80xf32, #tpu.memory_space<vmem>>, vector<16xf32>,
        %mul3A_104 = arith.mulf %get3A_103, %broadcast_in_dim3A_87 : vector<16xf32>
        %swap3A_105 = arith.index_cast %add3A_86 : i32 to index
        %swap3A_106 = arith.constant 32 : index
        %swap3A_107 = tpu.vector_load %arg8[%swap3A_105, %swap3A_106] {strides = array<i32>} : memref<128x80xf32, #tpu.memory_space<vmem>>, vector<16xf32>,
        tpu.vector_store %arg8[%swap3A_105, %swap3A_106], %mul3A_104 {strides = array<i32>} : memref<128x80xf32, #tpu.memory_space<vmem>>, vector<16xf32>,
        %get3A_108 = arith.index_cast %add3A_86 : i32 to index
        %get3A_109 = arith.constant 48 : index
        %get3A_110 = tpu.vector_load %arg8[%get3A_108, %get3A_109] {strides = array<i32>} : memref<128x80xf32, #tpu.memory_space<vmem>>, vector<16xf32>,
        %mul3A_111 = arith.mulf %get3A_110, %broadcast_in_dim3A_87 : vector<16xf32>
        %swap3A_112 = arith.index_cast %add3A_86 : i32 to index
        %swap3A_113 = arith.constant 48 : index
        %swap3A_114 = tpu.vector_load %arg8[%swap3A_112, %swap3A_113] {strides = array<i32>} : memref<128x80xf32, #tpu.memory_space<vmem>>, vector<16xf32>,
        tpu.vector_store %arg8[%swap3A_112, %swap3A_113], %mul3A_111 {strides = array<i32>} : memref<128x80xf32, #tpu.memory_space<vmem>>, vector<16xf32>,
        %mul3A_115 = arith.mulf %broadcast_in_dim3A_87, %select_n3A : vector<16xf32>
        %get3A_116 = arith.index_cast %add3A_86 : i32 to index
        %get3A_117 = arith.constant 64 : index
        %get3A_118 = tpu.vector_load %arg8[%get3A_116, %get3A_117] {strides = array<i32>} : memref<128x80xf32, #tpu.memory_space<vmem>>, vector<16xf32>,
        %mul3A_119 = arith.mulf %get3A_118, %mul3A_115 : vector<16xf32>
        %swap3A_120 = arith.index_cast %add3A_86 : i32 to index
        %swap3A_121 = arith.constant 64 : index
        %swap3A_122 = tpu.vector_load %arg8[%swap3A_120, %swap3A_121] {strides = array<i32>} : memref<128x80xf32, #tpu.memory_space<vmem>>, vector<16xf32>,
        tpu.vector_store %arg8[%swap3A_120, %swap3A_121], %mul3A_119 {strides = array<i32>} : memref<128x80xf32, #tpu.memory_space<vmem>>, vector<16xf32>,
        %mul3A_123 = arith.constant 16 : i32
        %mul3A_124 = arith.muli %scan3A_59, %mul3A_123 : i32
        %add3A_125 = arith.constant 1 : i32
        %add3A_126 = arith.addi %mul3A_124, %add3A_125 : i32
        %slice3A_127 = vector.extract_strided_slice %exp3A {offsets = [1], sizes = [1], strides = [1]} : vector<16xf32> to vector<1xf32>
        %squeeze3A_128 = vector.extract %slice3A_127[0] : f32 from vector<1xf32>
        %broadcast_in_dim3A_129 = vector.broadcast %squeeze3A_128 : f32 to vector<16xf32>
        %get3A_130 = arith.index_cast %add3A_126 : i32 to index
        %get3A_131 = arith.constant 0 : index
        %get3A_132 = tpu.vector_load %arg8[%get3A_130, %get3A_131] {strides = array<i32>} : memref<128x80xf32, #tpu.memory_space<vmem>>, vector<16xf32>,
        %mul3A_133 = arith.mulf %get3A_132, %broadcast_in_dim3A_129 : vector<16xf32>
        %swap3A_134 = arith.index_cast %add3A_126 : i32 to index
        %swap3A_135 = arith.constant 0 : index
        %swap3A_136 = tpu.vector_load %arg8[%swap3A_134, %swap3A_135] {strides = array<i32>} : memref<128x80xf32, #tpu.memory_space<vmem>>, vector<16xf32>,
        tpu.vector_store %arg8[%swap3A_134, %swap3A_135], %mul3A_133 {strides = array<i32>} : memref<128x80xf32, #tpu.memory_space<vmem>>, vector<16xf32>,
        %get3A_137 = arith.index_cast %add3A_126 : i32 to index
        %get3A_138 = arith.constant 16 : index
        %get3A_139 = tpu.vector_load %arg8[%get3A_137, %get3A_138] {strides = array<i32>} : memref<128x80xf32, #tpu.memory_space<vmem>>, vector<16xf32>,
        %mul3A_140 = arith.mulf %get3A_139, %broadcast_in_dim3A_129 : vector<16xf32>
        %swap3A_141 = arith.index_cast %add3A_126 : i32 to index
        %swap3A_142 = arith.constant 16 : index
        %swap3A_143 = tpu.vector_load %arg8[%swap3A_141, %swap3A_142] {strides = array<i32>} : memref<128x80xf32, #tpu.memory_space<vmem>>, vector<16xf32>,
        tpu.vector_store %arg8[%swap3A_141, %swap3A_142], %mul3A_140 {strides = array<i32>} : memref<128x80xf32, #tpu.memory_space<vmem>>, vector<16xf32>,
        %get3A_144 = arith.index_cast %add3A_126 : i32 to index
        %get3A_145 = arith.constant 32 : index
        %get3A_146 = tpu.vector_load %arg8[%get3A_144, %get3A_145] {strides = array<i32>} : memref<128x80xf32, #tpu.memory_space<vmem>>, vector<16xf32>,
        %mul3A_147 = arith.mulf %get3A_146, %broadcast_in_dim3A_129 : vector<16xf32>
        %swap3A_148 = arith.index_cast %add3A_126 : i32 to index
        %swap3A_149 = arith.constant 32 : index
        %swap3A_150 = tpu.vector_load %arg8[%swap3A_148, %swap3A_149] {strides = array<i32>} : memref<128x80xf32, #tpu.memory_space<vmem>>, vector<16xf32>,
        tpu.vector_store %arg8[%swap3A_148, %swap3A_149], %mul3A_147 {strides = array<i32>} : memref<128x80xf32, #tpu.memory_space<vmem>>, vector<16xf32>,
        %get3A_151 = arith.index_cast %add3A_126 : i32 to index
        %get3A_152 = arith.constant 48 : index
        %get3A_153 = tpu.vector_load %arg8[%get3A_151, %get3A_152] {strides = array<i32>} : memref<128x80xf32, #tpu.memory_space<vmem>>, vector<16xf32>,
        %mul3A_154 = arith.mulf %get3A_153, %broadcast_in_dim3A_129 : vector<16xf32>
        %swap3A_155 = arith.index_cast %add3A_126 : i32 to index
        %swap3A_156 = arith.constant 48 : index
        %swap3A_157 = tpu.vector_load %arg8[%swap3A_155, %swap3A_156] {strides = array<i32>} : memref<128x80xf32, #tpu.memory_space<vmem>>, vector<16xf32>,
        tpu.vector_store %arg8[%swap3A_155, %swap3A_156], %mul3A_154 {strides = array<i32>} : memref<128x80xf32, #tpu.memory_space<vmem>>, vector<16xf32>,
        %mul3A_158 = arith.mulf %broadcast_in_dim3A_129, %select_n3A : vector<16xf32>
        %get3A_159 = arith.index_cast %add3A_126 : i32 to index
        %get3A_160 = arith.constant 64 : index
        %get3A_161 = tpu.vector_load %arg8[%get3A_159, %get3A_160] {strides = array<i32>} : memref<128x80xf32, #tpu.memory_space<vmem>>, vector<16xf32>,
        %mul3A_162 = arith.mulf %get3A_161, %mul3A_158 : vector<16xf32>
        %swap3A_163 = arith.index_cast %add3A_126 : i32 to index
        %swap3A_164 = arith.constant 64 : index
        %swap3A_165 = tpu.vector_load %arg8[%swap3A_163, %swap3A_164] {strides = array<i32>} : memref<128x80xf32, #tpu.memory_space<vmem>>, vector<16xf32>,
        tpu.vector_store %arg8[%swap3A_163, %swap3A_164], %mul3A_162 {strides = array<i32>} : memref<128x80xf32, #tpu.memory_space<vmem>>, vector<16xf32>,
        %mul3A_166 = arith.constant 16 : i32
        %mul3A_167 = arith.muli %scan3A_59, %mul3A_166 : i32
        %add3A_168 = arith.constant 2 : i32
        %add3A_169 = arith.addi %mul3A_167, %add3A_168 : i32
        %slice3A_170 = vector.extract_strided_slice %exp3A {offsets = [2], sizes = [1], strides = [1]} : vector<16xf32> to vector<1xf32>
        %squeeze3A_171 = vector.extract %slice3A_170[0] : f32 from vector<1xf32>
        %broadcast_in_dim3A_172 = vector.broadcast %squeeze3A_171 : f32 to vector<16xf32>
        %get3A_173 = arith.index_cast %add3A_169 : i32 to index
        %get3A_174 = arith.constant 0 : index
        %get3A_175 = tpu.vector_load %arg8[%get3A_173, %get3A_174] {strides = array<i32>} : memref<128x80xf32, #tpu.memory_space<vmem>>, vector<16xf32>,
        %mul3A_176 = arith.mulf %get3A_175, %broadcast_in_dim3A_172 : vector<16xf32>
        %swap3A_177 = arith.index_cast %add3A_169 : i32 to index
        %swap3A_178 = arith.constant 0 : index
        %swap3A_179 = tpu.vector_load %arg8[%swap3A_177, %swap3A_178] {strides = array<i32>} : memref<128x80xf32, #tpu.memory_space<vmem>>, vector<16xf32>,
        tpu.vector_store %arg8[%swap3A_177, %swap3A_178], %mul3A_176 {strides = array<i32>} : memref<128x80xf32, #tpu.memory_space<vmem>>, vector<16xf32>,
        %get3A_180 = arith.index_cast %add3A_169 : i32 to index
        %get3A_181 = arith.constant 16 : index
        %get3A_182 = tpu.vector_load %arg8[%get3A_180, %get3A_181] {strides = array<i32>} : memref<128x80xf32, #tpu.memory_space<vmem>>, vector<16xf32>,
        %mul3A_183 = arith.mulf %get3A_182, %broadcast_in_dim3A_172 : vector<16xf32>
        %swap3A_184 = arith.index_cast %add3A_169 : i32 to index
        %swap3A_185 = arith.constant 16 : index
        %swap3A_186 = tpu.vector_load %arg8[%swap3A_184, %swap3A_185] {strides = array<i32>} : memref<128x80xf32, #tpu.memory_space<vmem>>, vector<16xf32>,
        tpu.vector_store %arg8[%swap3A_184, %swap3A_185], %mul3A_183 {strides = array<i32>} : memref<128x80xf32, #tpu.memory_space<vmem>>, vector<16xf32>,
        %get3A_187 = arith.index_cast %add3A_169 : i32 to index
        %get3A_188 = arith.constant 32 : index
        %get3A_189 = tpu.vector_load %arg8[%get3A_187, %get3A_188] {strides = array<i32>} : memref<128x80xf32, #tpu.memory_space<vmem>>, vector<16xf32>,
        %mul3A_190 = arith.mulf %get3A_189, %broadcast_in_dim3A_172 : vector<16xf32>
        %swap3A_191 = arith.index_cast %add3A_169 : i32 to index
        %swap3A_192 = arith.constant 32 : index
        %swap3A_193 = tpu.vector_load %arg8[%swap3A_191, %swap3A_192] {strides = array<i32>} : memref<128x80xf32, #tpu.memory_space<vmem>>, vector<16xf32>,
        tpu.vector_store %arg8[%swap3A_191, %swap3A_192], %mul3A_190 {strides = array<i32>} : memref<128x80xf32, #tpu.memory_space<vmem>>, vector<16xf32>,
        %get3A_194 = arith.index_cast %add3A_169 : i32 to index
        %get3A_195 = arith.constant 48 : index
        %get3A_196 = tpu.vector_load %arg8[%get3A_194, %get3A_195] {strides = array<i32>} : memref<128x80xf32, #tpu.memory_space<vmem>>, vector<16xf32>,
        %mul3A_197 = arith.mulf %get3A_196, %broadcast_in_dim3A_172 : vector<16xf32>
        %swap3A_198 = arith.index_cast %add3A_169 : i32 to index
        %swap3A_199 = arith.constant 48 : index
        %swap3A_200 = tpu.vector_load %arg8[%swap3A_198, %swap3A_199] {strides = array<i32>} : memref<128x80xf32, #tpu.memory_space<vmem>>, vector<16xf32>,
        tpu.vector_store %arg8[%swap3A_198, %swap3A_199], %mul3A_197 {strides = array<i32>} : memref<128x80xf32, #tpu.memory_space<vmem>>, vector<16xf32>,
        %mul3A_201 = arith.mulf %broadcast_in_dim3A_172, %select_n3A : vector<16xf32>
        %get3A_202 = arith.index_cast %add3A_169 : i32 to index
        %get3A_203 = arith.constant 64 : index
        %get3A_204 = tpu.vector_load %arg8[%get3A_202, %get3A_203] {strides = array<i32>} : memref<128x80xf32, #tpu.memory_space<vmem>>, vector<16xf32>,
        %mul3A_205 = arith.mulf %get3A_204, %mul3A_201 : vector<16xf32>
        %swap3A_206 = arith.index_cast %add3A_169 : i32 to index
        %swap3A_207 = arith.constant 64 : index
        %swap3A_208 = tpu.vector_load %arg8[%swap3A_206, %swap3A_207] {strides = array<i32>} : memref<128x80xf32, #tpu.memory_space<vmem>>, vector<16xf32>,
        tpu.vector_store %arg8[%swap3A_206, %swap3A_207], %mul3A_205 {strides = array<i32>} : memref<128x80xf32, #tpu.memory_space<vmem>>, vector<16xf32>,
        %mul3A_209 = arith.constant 16 : i32
        %mul3A_210 = arith.muli %scan3A_59, %mul3A_209 : i32
        %add3A_211 = arith.constant 3 : i32
        %add3A_212 = arith.addi %mul3A_210, %add3A_211 : i32
        %slice3A_213 = vector.extract_strided_slice %exp3A {offsets = [3], sizes = [1], strides = [1]} : vector<16xf32> to vector<1xf32>
        %squeeze3A_214 = vector.extract %slice3A_213[0] : f32 from vector<1xf32>
        %broadcast_in_dim3A_215 = vector.broadcast %squeeze3A_214 : f32 to vector<16xf32>
        %get3A_216 = arith.index_cast %add3A_212 : i32 to index
        %get3A_217 = arith.constant 0 : index
        %get3A_218 = tpu.vector_load %arg8[%get3A_216, %get3A_217] {strides = array<i32>} : memref<128x80xf32, #tpu.memory_space<vmem>>, vector<16xf32>,
        %mul3A_219 = arith.mulf %get3A_218, %broadcast_in_dim3A_215 : vector<16xf32>
        %swap3A_220 = arith.index_cast %add3A_212 : i32 to index
        %swap3A_221 = arith.constant 0 : index
        %swap3A_222 = tpu.vector_load %arg8[%swap3A_220, %swap3A_221] {strides = array<i32>} : memref<128x80xf32, #tpu.memory_space<vmem>>, vector<16xf32>,
        tpu.vector_store %arg8[%swap3A_220, %swap3A_221], %mul3A_219 {strides = array<i32>} : memref<128x80xf32, #tpu.memory_space<vmem>>, vector<16xf32>,
        %get3A_223 = arith.index_cast %add3A_212 : i32 to index
        %get3A_224 = arith.constant 16 : index
        %get3A_225 = tpu.vector_load %arg8[%get3A_223, %get3A_224] {strides = array<i32>} : memref<128x80xf32, #tpu.memory_space<vmem>>, vector<16xf32>,
        %mul3A_226 = arith.mulf %get3A_225, %broadcast_in_dim3A_215 : vector<16xf32>
        %swap3A_227 = arith.index_cast %add3A_212 : i32 to index
        %swap3A_228 = arith.constant 16 : index
        %swap3A_229 = tpu.vector_load %arg8[%swap3A_227, %swap3A_228] {strides = array<i32>} : memref<128x80xf32, #tpu.memory_space<vmem>>, vector<16xf32>,
        tpu.vector_store %arg8[%swap3A_227, %swap3A_228], %mul3A_226 {strides = array<i32>} : memref<128x80xf32, #tpu.memory_space<vmem>>, vector<16xf32>,
        %get3A_230 = arith.index_cast %add3A_212 : i32 to index
        %get3A_231 = arith.constant 32 : index
        %get3A_232 = tpu.vector_load %arg8[%get3A_230, %get3A_231] {strides = array<i32>} : memref<128x80xf32, #tpu.memory_space<vmem>>, vector<16xf32>,
        %mul3A_233 = arith.mulf %get3A_232, %broadcast_in_dim3A_215 : vector<16xf32>
        %swap3A_234 = arith.index_cast %add3A_212 : i32 to index
        %swap3A_235 = arith.constant 32 : index
        %swap3A_236 = tpu.vector_load %arg8[%swap3A_234, %swap3A_235] {strides = array<i32>} : memref<128x80xf32, #tpu.memory_space<vmem>>, vector<16xf32>,
        tpu.vector_store %arg8[%swap3A_234, %swap3A_235], %mul3A_233 {strides = array<i32>} : memref<128x80xf32, #tpu.memory_space<vmem>>, vector<16xf32>,
        %get3A_237 = arith.index_cast %add3A_212 : i32 to index
        %get3A_238 = arith.constant 48 : index
        %get3A_239 = tpu.vector_load %arg8[%get3A_237, %get3A_238] {strides = array<i32>} : memref<128x80xf32, #tpu.memory_space<vmem>>, vector<16xf32>,
        %mul3A_240 = arith.mulf %get3A_239, %broadcast_in_dim3A_215 : vector<16xf32>
        %swap3A_241 = arith.index_cast %add3A_212 : i32 to index
        %swap3A_242 = arith.constant 48 : index
        %swap3A_243 = tpu.vector_load %arg8[%swap3A_241, %swap3A_242] {strides = array<i32>} : memref<128x80xf32, #tpu.memory_space<vmem>>, vector<16xf32>,
        tpu.vector_store %arg8[%swap3A_241, %swap3A_242], %mul3A_240 {strides = array<i32>} : memref<128x80xf32, #tpu.memory_space<vmem>>, vector<16xf32>,
        %mul3A_244 = arith.mulf %broadcast_in_dim3A_215, %select_n3A : vector<16xf32>
        %get3A_245 = arith.index_cast %add3A_212 : i32 to index
        %get3A_246 = arith.constant 64 : index
        %get3A_247 = tpu.vector_load %arg8[%get3A_245, %get3A_246] {strides = array<i32>} : memref<128x80xf32, #tpu.memory_space<vmem>>, vector<16xf32>,
        %mul3A_248 = arith.mulf %get3A_247, %mul3A_244 : vector<16xf32>
        %swap3A_249 = arith.index_cast %add3A_212 : i32 to index
        %swap3A_250 = arith.constant 64 : index
        %swap3A_251 = tpu.vector_load %arg8[%swap3A_249, %swap3A_250] {strides = array<i32>} : memref<128x80xf32, #tpu.memory_space<vmem>>, vector<16xf32>,
        tpu.vector_store %arg8[%swap3A_249, %swap3A_250], %mul3A_248 {strides = array<i32>} : memref<128x80xf32, #tpu.memory_space<vmem>>, vector<16xf32>,
        %mul3A_252 = arith.constant 16 : i32
        %mul3A_253 = arith.muli %scan3A_59, %mul3A_252 : i32
        %add3A_254 = arith.constant 4 : i32
        %add3A_255 = arith.addi %mul3A_253, %add3A_254 : i32
        %slice3A_256 = vector.extract_strided_slice %exp3A {offsets = [4], sizes = [1], strides = [1]} : vector<16xf32> to vector<1xf32>
        %squeeze3A_257 = vector.extract %slice3A_256[0] : f32 from vector<1xf32>
        %broadcast_in_dim3A_258 = vector.broadcast %squeeze3A_257 : f32 to vector<16xf32>
        %get3A_259 = arith.index_cast %add3A_255 : i32 to index
        %get3A_260 = arith.constant 0 : index
        %get3A_261 = tpu.vector_load %arg8[%get3A_259, %get3A_260] {strides = array<i32>} : memref<128x80xf32, #tpu.memory_space<vmem>>, vector<16xf32>,
        %mul3A_262 = arith.mulf %get3A_261, %broadcast_in_dim3A_258 : vector<16xf32>
        %swap3A_263 = arith.index_cast %add3A_255 : i32 to index
        %swap3A_264 = arith.constant 0 : index
        %swap3A_265 = tpu.vector_load %arg8[%swap3A_263, %swap3A_264] {strides = array<i32>} : memref<128x80xf32, #tpu.memory_space<vmem>>, vector<16xf32>,
        tpu.vector_store %arg8[%swap3A_263, %swap3A_264], %mul3A_262 {strides = array<i32>} : memref<128x80xf32, #tpu.memory_space<vmem>>, vector<16xf32>,
        %get3A_266 = arith.index_cast %add3A_255 : i32 to index
        %get3A_267 = arith.constant 16 : index
        %get3A_268 = tpu.vector_load %arg8[%get3A_266, %get3A_267] {strides = array<i32>} : memref<128x80xf32, #tpu.memory_space<vmem>>, vector<16xf32>,
        %mul3A_269 = arith.mulf %get3A_268, %broadcast_in_dim3A_258 : vector<16xf32>
        %swap3A_270 = arith.index_cast %add3A_255 : i32 to index
        %swap3A_271 = arith.constant 16 : index
        %swap3A_272 = tpu.vector_load %arg8[%swap3A_270, %swap3A_271] {strides = array<i32>} : memref<128x80xf32, #tpu.memory_space<vmem>>, vector<16xf32>,
        tpu.vector_store %arg8[%swap3A_270, %swap3A_271], %mul3A_269 {strides = array<i32>} : memref<128x80xf32, #tpu.memory_space<vmem>>, vector<16xf32>,
        %get3A_273 = arith.index_cast %add3A_255 : i32 to index
        %get3A_274 = arith.constant 32 : index
        %get3A_275 = tpu.vector_load %arg8[%get3A_273, %get3A_274] {strides = array<i32>} : memref<128x80xf32, #tpu.memory_space<vmem>>, vector<16xf32>,
        %mul3A_276 = arith.mulf %get3A_275, %broadcast_in_dim3A_258 : vector<16xf32>
        %swap3A_277 = arith.index_cast %add3A_255 : i32 to index
        %swap3A_278 = arith.constant 32 : index
        %swap3A_279 = tpu.vector_load %arg8[%swap3A_277, %swap3A_278] {strides = array<i32>} : memref<128x80xf32, #tpu.memory_space<vmem>>, vector<16xf32>,
        tpu.vector_store %arg8[%swap3A_277, %swap3A_278], %mul3A_276 {strides = array<i32>} : memref<128x80xf32, #tpu.memory_space<vmem>>, vector<16xf32>,
        %get3A_280 = arith.index_cast %add3A_255 : i32 to index
        %get3A_281 = arith.constant 48 : index
        %get3A_282 = tpu.vector_load %arg8[%get3A_280, %get3A_281] {strides = array<i32>} : memref<128x80xf32, #tpu.memory_space<vmem>>, vector<16xf32>,
        %mul3A_283 = arith.mulf %get3A_282, %broadcast_in_dim3A_258 : vector<16xf32>
        %swap3A_284 = arith.index_cast %add3A_255 : i32 to index
        %swap3A_285 = arith.constant 48 : index
        %swap3A_286 = tpu.vector_load %arg8[%swap3A_284, %swap3A_285] {strides = array<i32>} : memref<128x80xf32, #tpu.memory_space<vmem>>, vector<16xf32>,
        tpu.vector_store %arg8[%swap3A_284, %swap3A_285], %mul3A_283 {strides = array<i32>} : memref<128x80xf32, #tpu.memory_space<vmem>>, vector<16xf32>,
        %mul3A_287 = arith.mulf %broadcast_in_dim3A_258, %select_n3A : vector<16xf32>
        %get3A_288 = arith.index_cast %add3A_255 : i32 to index
        %get3A_289 = arith.constant 64 : index
        %get3A_290 = tpu.vector_load %arg8[%get3A_288, %get3A_289] {strides = array<i32>} : memref<128x80xf32, #tpu.memory_space<vmem>>, vector<16xf32>,
        %mul3A_291 = arith.mulf %get3A_290, %mul3A_287 : vector<16xf32>
        %swap3A_292 = arith.index_cast %add3A_255 : i32 to index
        %swap3A_293 = arith.constant 64 : index
        %swap3A_294 = tpu.vector_load %arg8[%swap3A_292, %swap3A_293] {strides = array<i32>} : memref<128x80xf32, #tpu.memory_space<vmem>>, vector<16xf32>,
        tpu.vector_store %arg8[%swap3A_292, %swap3A_293], %mul3A_291 {strides = array<i32>} : memref<128x80xf32, #tpu.memory_space<vmem>>, vector<16xf32>,
        %mul3A_295 = arith.constant 16 : i32
        %mul3A_296 = arith.muli %scan3A_59, %mul3A_295 : i32
        %add3A_297 = arith.constant 5 : i32
        %add3A_298 = arith.addi %mul3A_296, %add3A_297 : i32
        %slice3A_299 = vector.extract_strided_slice %exp3A {offsets = [5], sizes = [1], strides = [1]} : vector<16xf32> to vector<1xf32>
        %squeeze3A_300 = vector.extract %slice3A_299[0] : f32 from vector<1xf32>
        %broadcast_in_dim3A_301 = vector.broadcast %squeeze3A_300 : f32 to vector<16xf32>
        %get3A_302 = arith.index_cast %add3A_298 : i32 to index
        %get3A_303 = arith.constant 0 : index
        %get3A_304 = tpu.vector_load %arg8[%get3A_302, %get3A_303] {strides = array<i32>} : memref<128x80xf32, #tpu.memory_space<vmem>>, vector<16xf32>,
        %mul3A_305 = arith.mulf %get3A_304, %broadcast_in_dim3A_301 : vector<16xf32>
        %swap3A_306 = arith.index_cast %add3A_298 : i32 to index
        %swap3A_307 = arith.constant 0 : index
        %swap3A_308 = tpu.vector_load %arg8[%swap3A_306, %swap3A_307] {strides = array<i32>} : memref<128x80xf32, #tpu.memory_space<vmem>>, vector<16xf32>,
        tpu.vector_store %arg8[%swap3A_306, %swap3A_307], %mul3A_305 {strides = array<i32>} : memref<128x80xf32, #tpu.memory_space<vmem>>, vector<16xf32>,
        %get3A_309 = arith.index_cast %add3A_298 : i32 to index
        %get3A_310 = arith.constant 16 : index
        %get3A_311 = tpu.vector_load %arg8[%get3A_309, %get3A_310] {strides = array<i32>} : memref<128x80xf32, #tpu.memory_space<vmem>>, vector<16xf32>,
        %mul3A_312 = arith.mulf %get3A_311, %broadcast_in_dim3A_301 : vector<16xf32>
        %swap3A_313 = arith.index_cast %add3A_298 : i32 to index
        %swap3A_314 = arith.constant 16 : index
        %swap3A_315 = tpu.vector_load %arg8[%swap3A_313, %swap3A_314] {strides = array<i32>} : memref<128x80xf32, #tpu.memory_space<vmem>>, vector<16xf32>,
        tpu.vector_store %arg8[%swap3A_313, %swap3A_314], %mul3A_312 {strides = array<i32>} : memref<128x80xf32, #tpu.memory_space<vmem>>, vector<16xf32>,
        %get3A_316 = arith.index_cast %add3A_298 : i32 to index
        %get3A_317 = arith.constant 32 : index
        %get3A_318 = tpu.vector_load %arg8[%get3A_316, %get3A_317] {strides = array<i32>} : memref<128x80xf32, #tpu.memory_space<vmem>>, vector<16xf32>,
        %mul3A_319 = arith.mulf %get3A_318, %broadcast_in_dim3A_301 : vector<16xf32>
        %swap3A_320 = arith.index_cast %add3A_298 : i32 to index
        %swap3A_321 = arith.constant 32 : index
        %swap3A_322 = tpu.vector_load %arg8[%swap3A_320, %swap3A_321] {strides = array<i32>} : memref<128x80xf32, #tpu.memory_space<vmem>>, vector<16xf32>,
        tpu.vector_store %arg8[%swap3A_320, %swap3A_321], %mul3A_319 {strides = array<i32>} : memref<128x80xf32, #tpu.memory_space<vmem>>, vector<16xf32>,
        %get3A_323 = arith.index_cast %add3A_298 : i32 to index
        %get3A_324 = arith.constant 48 : index
        %get3A_325 = tpu.vector_load %arg8[%get3A_323, %get3A_324] {strides = array<i32>} : memref<128x80xf32, #tpu.memory_space<vmem>>, vector<16xf32>,
        %mul3A_326 = arith.mulf %get3A_325, %broadcast_in_dim3A_301 : vector<16xf32>
        %swap3A_327 = arith.index_cast %add3A_298 : i32 to index
        %swap3A_328 = arith.constant 48 : index
        %swap3A_329 = tpu.vector_load %arg8[%swap3A_327, %swap3A_328] {strides = array<i32>} : memref<128x80xf32, #tpu.memory_space<vmem>>, vector<16xf32>,
        tpu.vector_store %arg8[%swap3A_327, %swap3A_328], %mul3A_326 {strides = array<i32>} : memref<128x80xf32, #tpu.memory_space<vmem>>, vector<16xf32>,
        %mul3A_330 = arith.mulf %broadcast_in_dim3A_301, %select_n3A : vector<16xf32>
        %get3A_331 = arith.index_cast %add3A_298 : i32 to index
        %get3A_332 = arith.constant 64 : index
        %get3A_333 = tpu.vector_load %arg8[%get3A_331, %get3A_332] {strides = array<i32>} : memref<128x80xf32, #tpu.memory_space<vmem>>, vector<16xf32>,
        %mul3A_334 = arith.mulf %get3A_333, %mul3A_330 : vector<16xf32>
        %swap3A_335 = arith.index_cast %add3A_298 : i32 to index
        %swap3A_336 = arith.constant 64 : index
        %swap3A_337 = tpu.vector_load %arg8[%swap3A_335, %swap3A_336] {strides = array<i32>} : memref<128x80xf32, #tpu.memory_space<vmem>>, vector<16xf32>,
        tpu.vector_store %arg8[%swap3A_335, %swap3A_336], %mul3A_334 {strides = array<i32>} : memref<128x80xf32, #tpu.memory_space<vmem>>, vector<16xf32>,
        %mul3A_338 = arith.constant 16 : i32
        %mul3A_339 = arith.muli %scan3A_59, %mul3A_338 : i32
        %add3A_340 = arith.constant 6 : i32
        %add3A_341 = arith.addi %mul3A_339, %add3A_340 : i32
        %slice3A_342 = vector.extract_strided_slice %exp3A {offsets = [6], sizes = [1], strides = [1]} : vector<16xf32> to vector<1xf32>
        %squeeze3A_343 = vector.extract %slice3A_342[0] : f32 from vector<1xf32>
        %broadcast_in_dim3A_344 = vector.broadcast %squeeze3A_343 : f32 to vector<16xf32>
        %get3A_345 = arith.index_cast %add3A_341 : i32 to index
        %get3A_346 = arith.constant 0 : index
        %get3A_347 = tpu.vector_load %arg8[%get3A_345, %get3A_346] {strides = array<i32>} : memref<128x80xf32, #tpu.memory_space<vmem>>, vector<16xf32>,
        %mul3A_348 = arith.mulf %get3A_347, %broadcast_in_dim3A_344 : vector<16xf32>
        %swap3A_349 = arith.index_cast %add3A_341 : i32 to index
        %swap3A_350 = arith.constant 0 : index
        %swap3A_351 = tpu.vector_load %arg8[%swap3A_349, %swap3A_350] {strides = array<i32>} : memref<128x80xf32, #tpu.memory_space<vmem>>, vector<16xf32>,
        tpu.vector_store %arg8[%swap3A_349, %swap3A_350], %mul3A_348 {strides = array<i32>} : memref<128x80xf32, #tpu.memory_space<vmem>>, vector<16xf32>,
        %get3A_352 = arith.index_cast %add3A_341 : i32 to index
        %get3A_353 = arith.constant 16 : index
        %get3A_354 = tpu.vector_load %arg8[%get3A_352, %get3A_353] {strides = array<i32>} : memref<128x80xf32, #tpu.memory_space<vmem>>, vector<16xf32>,
        %mul3A_355 = arith.mulf %get3A_354, %broadcast_in_dim3A_344 : vector<16xf32>
        %swap3A_356 = arith.index_cast %add3A_341 : i32 to index
        %swap3A_357 = arith.constant 16 : index
        %swap3A_358 = tpu.vector_load %arg8[%swap3A_356, %swap3A_357] {strides = array<i32>} : memref<128x80xf32, #tpu.memory_space<vmem>>, vector<16xf32>,
        tpu.vector_store %arg8[%swap3A_356, %swap3A_357], %mul3A_355 {strides = array<i32>} : memref<128x80xf32, #tpu.memory_space<vmem>>, vector<16xf32>,
        %get3A_359 = arith.index_cast %add3A_341 : i32 to index
        %get3A_360 = arith.constant 32 : index
        %get3A_361 = tpu.vector_load %arg8[%get3A_359, %get3A_360] {strides = array<i32>} : memref<128x80xf32, #tpu.memory_space<vmem>>, vector<16xf32>,
        %mul3A_362 = arith.mulf %get3A_361, %broadcast_in_dim3A_344 : vector<16xf32>
        %swap3A_363 = arith.index_cast %add3A_341 : i32 to index
        %swap3A_364 = arith.constant 32 : index
        %swap3A_365 = tpu.vector_load %arg8[%swap3A_363, %swap3A_364] {strides = array<i32>} : memref<128x80xf32, #tpu.memory_space<vmem>>, vector<16xf32>,
        tpu.vector_store %arg8[%swap3A_363, %swap3A_364], %mul3A_362 {strides = array<i32>} : memref<128x80xf32, #tpu.memory_space<vmem>>, vector<16xf32>,
        %get3A_366 = arith.index_cast %add3A_341 : i32 to index
        %get3A_367 = arith.constant 48 : index
        %get3A_368 = tpu.vector_load %arg8[%get3A_366, %get3A_367] {strides = array<i32>} : memref<128x80xf32, #tpu.memory_space<vmem>>, vector<16xf32>,
        %mul3A_369 = arith.mulf %get3A_368, %broadcast_in_dim3A_344 : vector<16xf32>
        %swap3A_370 = arith.index_cast %add3A_341 : i32 to index
        %swap3A_371 = arith.constant 48 : index
        %swap3A_372 = tpu.vector_load %arg8[%swap3A_370, %swap3A_371] {strides = array<i32>} : memref<128x80xf32, #tpu.memory_space<vmem>>, vector<16xf32>,
        tpu.vector_store %arg8[%swap3A_370, %swap3A_371], %mul3A_369 {strides = array<i32>} : memref<128x80xf32, #tpu.memory_space<vmem>>, vector<16xf32>,
        %mul3A_373 = arith.mulf %broadcast_in_dim3A_344, %select_n3A : vector<16xf32>
        %get3A_374 = arith.index_cast %add3A_341 : i32 to index
        %get3A_375 = arith.constant 64 : index
        %get3A_376 = tpu.vector_load %arg8[%get3A_374, %get3A_375] {strides = array<i32>} : memref<128x80xf32, #tpu.memory_space<vmem>>, vector<16xf32>,
        %mul3A_377 = arith.mulf %get3A_376, %mul3A_373 : vector<16xf32>
        %swap3A_378 = arith.index_cast %add3A_341 : i32 to index
        %swap3A_379 = arith.constant 64 : index
        %swap3A_380 = tpu.vector_load %arg8[%swap3A_378, %swap3A_379] {strides = array<i32>} : memref<128x80xf32, #tpu.memory_space<vmem>>, vector<16xf32>,
        tpu.vector_store %arg8[%swap3A_378, %swap3A_379], %mul3A_377 {strides = array<i32>} : memref<128x80xf32, #tpu.memory_space<vmem>>, vector<16xf32>,
        %mul3A_381 = arith.constant 16 : i32
        %mul3A_382 = arith.muli %scan3A_59, %mul3A_381 : i32
        %add3A_383 = arith.constant 7 : i32
        %add3A_384 = arith.addi %mul3A_382, %add3A_383 : i32
        %slice3A_385 = vector.extract_strided_slice %exp3A {offsets = [7], sizes = [1], strides = [1]} : vector<16xf32> to vector<1xf32>
        %squeeze3A_386 = vector.extract %slice3A_385[0] : f32 from vector<1xf32>
        %broadcast_in_dim3A_387 = vector.broadcast %squeeze3A_386 : f32 to vector<16xf32>
        %get3A_388 = arith.index_cast %add3A_384 : i32 to index
        %get3A_389 = arith.constant 0 : index
        %get3A_390 = tpu.vector_load %arg8[%get3A_388, %get3A_389] {strides = array<i32>} : memref<128x80xf32, #tpu.memory_space<vmem>>, vector<16xf32>,
        %mul3A_391 = arith.mulf %get3A_390, %broadcast_in_dim3A_387 : vector<16xf32>
        %swap3A_392 = arith.index_cast %add3A_384 : i32 to index
        %swap3A_393 = arith.constant 0 : index
        %swap3A_394 = tpu.vector_load %arg8[%swap3A_392, %swap3A_393] {strides = array<i32>} : memref<128x80xf32, #tpu.memory_space<vmem>>, vector<16xf32>,
        tpu.vector_store %arg8[%swap3A_392, %swap3A_393], %mul3A_391 {strides = array<i32>} : memref<128x80xf32, #tpu.memory_space<vmem>>, vector<16xf32>,
        %get3A_395 = arith.index_cast %add3A_384 : i32 to index
        %get3A_396 = arith.constant 16 : index
        %get3A_397 = tpu.vector_load %arg8[%get3A_395, %get3A_396] {strides = array<i32>} : memref<128x80xf32, #tpu.memory_space<vmem>>, vector<16xf32>,
        %mul3A_398 = arith.mulf %get3A_397, %broadcast_in_dim3A_387 : vector<16xf32>
        %swap3A_399 = arith.index_cast %add3A_384 : i32 to index
        %swap3A_400 = arith.constant 16 : index
        %swap3A_401 = tpu.vector_load %arg8[%swap3A_399, %swap3A_400] {strides = array<i32>} : memref<128x80xf32, #tpu.memory_space<vmem>>, vector<16xf32>,
        tpu.vector_store %arg8[%swap3A_399, %swap3A_400], %mul3A_398 {strides = array<i32>} : memref<128x80xf32, #tpu.memory_space<vmem>>, vector<16xf32>,
        %get3A_402 = arith.index_cast %add3A_384 : i32 to index
        %get3A_403 = arith.constant 32 : index
        %get3A_404 = tpu.vector_load %arg8[%get3A_402, %get3A_403] {strides = array<i32>} : memref<128x80xf32, #tpu.memory_space<vmem>>, vector<16xf32>,
        %mul3A_405 = arith.mulf %get3A_404, %broadcast_in_dim3A_387 : vector<16xf32>
        %swap3A_406 = arith.index_cast %add3A_384 : i32 to index
        %swap3A_407 = arith.constant 32 : index
        %swap3A_408 = tpu.vector_load %arg8[%swap3A_406, %swap3A_407] {strides = array<i32>} : memref<128x80xf32, #tpu.memory_space<vmem>>, vector<16xf32>,
        tpu.vector_store %arg8[%swap3A_406, %swap3A_407], %mul3A_405 {strides = array<i32>} : memref<128x80xf32, #tpu.memory_space<vmem>>, vector<16xf32>,
        %get3A_409 = arith.index_cast %add3A_384 : i32 to index
        %get3A_410 = arith.constant 48 : index
        %get3A_411 = tpu.vector_load %arg8[%get3A_409, %get3A_410] {strides = array<i32>} : memref<128x80xf32, #tpu.memory_space<vmem>>, vector<16xf32>,
        %mul3A_412 = arith.mulf %get3A_411, %broadcast_in_dim3A_387 : vector<16xf32>
        %swap3A_413 = arith.index_cast %add3A_384 : i32 to index
        %swap3A_414 = arith.constant 48 : index
        %swap3A_415 = tpu.vector_load %arg8[%swap3A_413, %swap3A_414] {strides = array<i32>} : memref<128x80xf32, #tpu.memory_space<vmem>>, vector<16xf32>,
        tpu.vector_store %arg8[%swap3A_413, %swap3A_414], %mul3A_412 {strides = array<i32>} : memref<128x80xf32, #tpu.memory_space<vmem>>, vector<16xf32>,
        %mul3A_416 = arith.mulf %broadcast_in_dim3A_387, %select_n3A : vector<16xf32>
        %get3A_417 = arith.index_cast %add3A_384 : i32 to index
        %get3A_418 = arith.constant 64 : index
        %get3A_419 = tpu.vector_load %arg8[%get3A_417, %get3A_418] {strides = array<i32>} : memref<128x80xf32, #tpu.memory_space<vmem>>, vector<16xf32>,
        %mul3A_420 = arith.mulf %get3A_419, %mul3A_416 : vector<16xf32>
        %swap3A_421 = arith.index_cast %add3A_384 : i32 to index
        %swap3A_422 = arith.constant 64 : index
        %swap3A_423 = tpu.vector_load %arg8[%swap3A_421, %swap3A_422] {strides = array<i32>} : memref<128x80xf32, #tpu.memory_space<vmem>>, vector<16xf32>,
        tpu.vector_store %arg8[%swap3A_421, %swap3A_422], %mul3A_420 {strides = array<i32>} : memref<128x80xf32, #tpu.memory_space<vmem>>, vector<16xf32>,
        %mul3A_424 = arith.constant 16 : i32
        %mul3A_425 = arith.muli %scan3A_59, %mul3A_424 : i32
        %add3A_426 = arith.constant 8 : i32
        %add3A_427 = arith.addi %mul3A_425, %add3A_426 : i32
        %slice3A_428 = vector.extract_strided_slice %exp3A {offsets = [8], sizes = [1], strides = [1]} : vector<16xf32> to vector<1xf32>
        %squeeze3A_429 = vector.extract %slice3A_428[0] : f32 from vector<1xf32>
        %broadcast_in_dim3A_430 = vector.broadcast %squeeze3A_429 : f32 to vector<16xf32>
        %get3A_431 = arith.index_cast %add3A_427 : i32 to index
        %get3A_432 = arith.constant 0 : index
        %get3A_433 = tpu.vector_load %arg8[%get3A_431, %get3A_432] {strides = array<i32>} : memref<128x80xf32, #tpu.memory_space<vmem>>, vector<16xf32>,
        %mul3A_434 = arith.mulf %get3A_433, %broadcast_in_dim3A_430 : vector<16xf32>
        %swap3A_435 = arith.index_cast %add3A_427 : i32 to index
        %swap3A_436 = arith.constant 0 : index
        %swap3A_437 = tpu.vector_load %arg8[%swap3A_435, %swap3A_436] {strides = array<i32>} : memref<128x80xf32, #tpu.memory_space<vmem>>, vector<16xf32>,
        tpu.vector_store %arg8[%swap3A_435, %swap3A_436], %mul3A_434 {strides = array<i32>} : memref<128x80xf32, #tpu.memory_space<vmem>>, vector<16xf32>,
        %get3A_438 = arith.index_cast %add3A_427 : i32 to index
        %get3A_439 = arith.constant 16 : index
        %get3A_440 = tpu.vector_load %arg8[%get3A_438, %get3A_439] {strides = array<i32>} : memref<128x80xf32, #tpu.memory_space<vmem>>, vector<16xf32>,
        %mul3A_441 = arith.mulf %get3A_440, %broadcast_in_dim3A_430 : vector<16xf32>
        %swap3A_442 = arith.index_cast %add3A_427 : i32 to index
        %swap3A_443 = arith.constant 16 : index
        %swap3A_444 = tpu.vector_load %arg8[%swap3A_442, %swap3A_443] {strides = array<i32>} : memref<128x80xf32, #tpu.memory_space<vmem>>, vector<16xf32>,
        tpu.vector_store %arg8[%swap3A_442, %swap3A_443], %mul3A_441 {strides = array<i32>} : memref<128x80xf32, #tpu.memory_space<vmem>>, vector<16xf32>,
        %get3A_445 = arith.index_cast %add3A_427 : i32 to index
        %get3A_446 = arith.constant 32 : index
        %get3A_447 = tpu.vector_load %arg8[%get3A_445, %get3A_446] {strides = array<i32>} : memref<128x80xf32, #tpu.memory_space<vmem>>, vector<16xf32>,
        %mul3A_448 = arith.mulf %get3A_447, %broadcast_in_dim3A_430 : vector<16xf32>
        %swap3A_449 = arith.index_cast %add3A_427 : i32 to index
        %swap3A_450 = arith.constant 32 : index
        %swap3A_451 = tpu.vector_load %arg8[%swap3A_449, %swap3A_450] {strides = array<i32>} : memref<128x80xf32, #tpu.memory_space<vmem>>, vector<16xf32>,
        tpu.vector_store %arg8[%swap3A_449, %swap3A_450], %mul3A_448 {strides = array<i32>} : memref<128x80xf32, #tpu.memory_space<vmem>>, vector<16xf32>,
        %get3A_452 = arith.index_cast %add3A_427 : i32 to index
        %get3A_453 = arith.constant 48 : index
        %get3A_454 = tpu.vector_load %arg8[%get3A_452, %get3A_453] {strides = array<i32>} : memref<128x80xf32, #tpu.memory_space<vmem>>, vector<16xf32>,
        %mul3A_455 = arith.mulf %get3A_454, %broadcast_in_dim3A_430 : vector<16xf32>
        %swap3A_456 = arith.index_cast %add3A_427 : i32 to index
        %swap3A_457 = arith.constant 48 : index
        %swap3A_458 = tpu.vector_load %arg8[%swap3A_456, %swap3A_457] {strides = array<i32>} : memref<128x80xf32, #tpu.memory_space<vmem>>, vector<16xf32>,
        tpu.vector_store %arg8[%swap3A_456, %swap3A_457], %mul3A_455 {strides = array<i32>} : memref<128x80xf32, #tpu.memory_space<vmem>>, vector<16xf32>,
        %mul3A_459 = arith.mulf %broadcast_in_dim3A_430, %select_n3A : vector<16xf32>
        %get3A_460 = arith.index_cast %add3A_427 : i32 to index
        %get3A_461 = arith.constant 64 : index
        %get3A_462 = tpu.vector_load %arg8[%get3A_460, %get3A_461] {strides = array<i32>} : memref<128x80xf32, #tpu.memory_space<vmem>>, vector<16xf32>,
        %mul3A_463 = arith.mulf %get3A_462, %mul3A_459 : vector<16xf32>
        %swap3A_464 = arith.index_cast %add3A_427 : i32 to index
        %swap3A_465 = arith.constant 64 : index
        %swap3A_466 = tpu.vector_load %arg8[%swap3A_464, %swap3A_465] {strides = array<i32>} : memref<128x80xf32, #tpu.memory_space<vmem>>, vector<16xf32>,
        tpu.vector_store %arg8[%swap3A_464, %swap3A_465], %mul3A_463 {strides = array<i32>} : memref<128x80xf32, #tpu.memory_space<vmem>>, vector<16xf32>,
        %mul3A_467 = arith.constant 16 : i32
        %mul3A_468 = arith.muli %scan3A_59, %mul3A_467 : i32
        %add3A_469 = arith.constant 9 : i32
        %add3A_470 = arith.addi %mul3A_468, %add3A_469 : i32
        %slice3A_471 = vector.extract_strided_slice %exp3A {offsets = [9], sizes = [1], strides = [1]} : vector<16xf32> to vector<1xf32>
        %squeeze3A_472 = vector.extract %slice3A_471[0] : f32 from vector<1xf32>
        %broadcast_in_dim3A_473 = vector.broadcast %squeeze3A_472 : f32 to vector<16xf32>
        %get3A_474 = arith.index_cast %add3A_470 : i32 to index
        %get3A_475 = arith.constant 0 : index
        %get3A_476 = tpu.vector_load %arg8[%get3A_474, %get3A_475] {strides = array<i32>} : memref<128x80xf32, #tpu.memory_space<vmem>>, vector<16xf32>,
        %mul3A_477 = arith.mulf %get3A_476, %broadcast_in_dim3A_473 : vector<16xf32>
        %swap3A_478 = arith.index_cast %add3A_470 : i32 to index
        %swap3A_479 = arith.constant 0 : index
        %swap3A_480 = tpu.vector_load %arg8[%swap3A_478, %swap3A_479] {strides = array<i32>} : memref<128x80xf32, #tpu.memory_space<vmem>>, vector<16xf32>,
        tpu.vector_store %arg8[%swap3A_478, %swap3A_479], %mul3A_477 {strides = array<i32>} : memref<128x80xf32, #tpu.memory_space<vmem>>, vector<16xf32>,
        %get3A_481 = arith.index_cast %add3A_470 : i32 to index
        %get3A_482 = arith.constant 16 : index
        %get3A_483 = tpu.vector_load %arg8[%get3A_481, %get3A_482] {strides = array<i32>} : memref<128x80xf32, #tpu.memory_space<vmem>>, vector<16xf32>,
        %mul3A_484 = arith.mulf %get3A_483, %broadcast_in_dim3A_473 : vector<16xf32>
        %swap3A_485 = arith.index_cast %add3A_470 : i32 to index
        %swap3A_486 = arith.constant 16 : index
        %swap3A_487 = tpu.vector_load %arg8[%swap3A_485, %swap3A_486] {strides = array<i32>} : memref<128x80xf32, #tpu.memory_space<vmem>>, vector<16xf32>,
        tpu.vector_store %arg8[%swap3A_485, %swap3A_486], %mul3A_484 {strides = array<i32>} : memref<128x80xf32, #tpu.memory_space<vmem>>, vector<16xf32>,
        %get3A_488 = arith.index_cast %add3A_470 : i32 to index
        %get3A_489 = arith.constant 32 : index
        %get3A_490 = tpu.vector_load %arg8[%get3A_488, %get3A_489] {strides = array<i32>} : memref<128x80xf32, #tpu.memory_space<vmem>>, vector<16xf32>,
        %mul3A_491 = arith.mulf %get3A_490, %broadcast_in_dim3A_473 : vector<16xf32>
        %swap3A_492 = arith.index_cast %add3A_470 : i32 to index
        %swap3A_493 = arith.constant 32 : index
        %swap3A_494 = tpu.vector_load %arg8[%swap3A_492, %swap3A_493] {strides = array<i32>} : memref<128x80xf32, #tpu.memory_space<vmem>>, vector<16xf32>,
        tpu.vector_store %arg8[%swap3A_492, %swap3A_493], %mul3A_491 {strides = array<i32>} : memref<128x80xf32, #tpu.memory_space<vmem>>, vector<16xf32>,
        %get3A_495 = arith.index_cast %add3A_470 : i32 to index
        %get3A_496 = arith.constant 48 : index
        %get3A_497 = tpu.vector_load %arg8[%get3A_495, %get3A_496] {strides = array<i32>} : memref<128x80xf32, #tpu.memory_space<vmem>>, vector<16xf32>,
        %mul3A_498 = arith.mulf %get3A_497, %broadcast_in_dim3A_473 : vector<16xf32>
        %swap3A_499 = arith.index_cast %add3A_470 : i32 to index
        %swap3A_500 = arith.constant 48 : index
        %swap3A_501 = tpu.vector_load %arg8[%swap3A_499, %swap3A_500] {strides = array<i32>} : memref<128x80xf32, #tpu.memory_space<vmem>>, vector<16xf32>,
        tpu.vector_store %arg8[%swap3A_499, %swap3A_500], %mul3A_498 {strides = array<i32>} : memref<128x80xf32, #tpu.memory_space<vmem>>, vector<16xf32>,
        %mul3A_502 = arith.mulf %broadcast_in_dim3A_473, %select_n3A : vector<16xf32>
        %get3A_503 = arith.index_cast %add3A_470 : i32 to index
        %get3A_504 = arith.constant 64 : index
        %get3A_505 = tpu.vector_load %arg8[%get3A_503, %get3A_504] {strides = array<i32>} : memref<128x80xf32, #tpu.memory_space<vmem>>, vector<16xf32>,
        %mul3A_506 = arith.mulf %get3A_505, %mul3A_502 : vector<16xf32>
        %swap3A_507 = arith.index_cast %add3A_470 : i32 to index
        %swap3A_508 = arith.constant 64 : index
        %swap3A_509 = tpu.vector_load %arg8[%swap3A_507, %swap3A_508] {strides = array<i32>} : memref<128x80xf32, #tpu.memory_space<vmem>>, vector<16xf32>,
        tpu.vector_store %arg8[%swap3A_507, %swap3A_508], %mul3A_506 {strides = array<i32>} : memref<128x80xf32, #tpu.memory_space<vmem>>, vector<16xf32>,
        %mul3A_510 = arith.constant 16 : i32
        %mul3A_511 = arith.muli %scan3A_59, %mul3A_510 : i32
        %add3A_512 = arith.constant 10 : i32
        %add3A_513 = arith.addi %mul3A_511, %add3A_512 : i32
        %slice3A_514 = vector.extract_strided_slice %exp3A {offsets = [10], sizes = [1], strides = [1]} : vector<16xf32> to vector<1xf32>
        %squeeze3A_515 = vector.extract %slice3A_514[0] : f32 from vector<1xf32>
        %broadcast_in_dim3A_516 = vector.broadcast %squeeze3A_515 : f32 to vector<16xf32>
        %get3A_517 = arith.index_cast %add3A_513 : i32 to index
        %get3A_518 = arith.constant 0 : index
        %get3A_519 = tpu.vector_load %arg8[%get3A_517, %get3A_518] {strides = array<i32>} : memref<128x80xf32, #tpu.memory_space<vmem>>, vector<16xf32>,
        %mul3A_520 = arith.mulf %get3A_519, %broadcast_in_dim3A_516 : vector<16xf32>
        %swap3A_521 = arith.index_cast %add3A_513 : i32 to index
        %swap3A_522 = arith.constant 0 : index
        %swap3A_523 = tpu.vector_load %arg8[%swap3A_521, %swap3A_522] {strides = array<i32>} : memref<128x80xf32, #tpu.memory_space<vmem>>, vector<16xf32>,
        tpu.vector_store %arg8[%swap3A_521, %swap3A_522], %mul3A_520 {strides = array<i32>} : memref<128x80xf32, #tpu.memory_space<vmem>>, vector<16xf32>,
        %get3A_524 = arith.index_cast %add3A_513 : i32 to index
        %get3A_525 = arith.constant 16 : index
        %get3A_526 = tpu.vector_load %arg8[%get3A_524, %get3A_525] {strides = array<i32>} : memref<128x80xf32, #tpu.memory_space<vmem>>, vector<16xf32>,
        %mul3A_527 = arith.mulf %get3A_526, %broadcast_in_dim3A_516 : vector<16xf32>
        %swap3A_528 = arith.index_cast %add3A_513 : i32 to index
        %swap3A_529 = arith.constant 16 : index
        %swap3A_530 = tpu.vector_load %arg8[%swap3A_528, %swap3A_529] {strides = array<i32>} : memref<128x80xf32, #tpu.memory_space<vmem>>, vector<16xf32>,
        tpu.vector_store %arg8[%swap3A_528, %swap3A_529], %mul3A_527 {strides = array<i32>} : memref<128x80xf32, #tpu.memory_space<vmem>>, vector<16xf32>,
        %get3A_531 = arith.index_cast %add3A_513 : i32 to index
        %get3A_532 = arith.constant 32 : index
        %get3A_533 = tpu.vector_load %arg8[%get3A_531, %get3A_532] {strides = array<i32>} : memref<128x80xf32, #tpu.memory_space<vmem>>, vector<16xf32>,
        %mul3A_534 = arith.mulf %get3A_533, %broadcast_in_dim3A_516 : vector<16xf32>
        %swap3A_535 = arith.index_cast %add3A_513 : i32 to index
        %swap3A_536 = arith.constant 32 : index
        %swap3A_537 = tpu.vector_load %arg8[%swap3A_535, %swap3A_536] {strides = array<i32>} : memref<128x80xf32, #tpu.memory_space<vmem>>, vector<16xf32>,
        tpu.vector_store %arg8[%swap3A_535, %swap3A_536], %mul3A_534 {strides = array<i32>} : memref<128x80xf32, #tpu.memory_space<vmem>>, vector<16xf32>,
        %get3A_538 = arith.index_cast %add3A_513 : i32 to index
        %get3A_539 = arith.constant 48 : index
        %get3A_540 = tpu.vector_load %arg8[%get3A_538, %get3A_539] {strides = array<i32>} : memref<128x80xf32, #tpu.memory_space<vmem>>, vector<16xf32>,
        %mul3A_541 = arith.mulf %get3A_540, %broadcast_in_dim3A_516 : vector<16xf32>
        %swap3A_542 = arith.index_cast %add3A_513 : i32 to index
        %swap3A_543 = arith.constant 48 : index
        %swap3A_544 = tpu.vector_load %arg8[%swap3A_542, %swap3A_543] {strides = array<i32>} : memref<128x80xf32, #tpu.memory_space<vmem>>, vector<16xf32>,
        tpu.vector_store %arg8[%swap3A_542, %swap3A_543], %mul3A_541 {strides = array<i32>} : memref<128x80xf32, #tpu.memory_space<vmem>>, vector<16xf32>,
        %mul3A_545 = arith.mulf %broadcast_in_dim3A_516, %select_n3A : vector<16xf32>
        %get3A_546 = arith.index_cast %add3A_513 : i32 to index
        %get3A_547 = arith.constant 64 : index
        %get3A_548 = tpu.vector_load %arg8[%get3A_546, %get3A_547] {strides = array<i32>} : memref<128x80xf32, #tpu.memory_space<vmem>>, vector<16xf32>,
        %mul3A_549 = arith.mulf %get3A_548, %mul3A_545 : vector<16xf32>
        %swap3A_550 = arith.index_cast %add3A_513 : i32 to index
        %swap3A_551 = arith.constant 64 : index
        %swap3A_552 = tpu.vector_load %arg8[%swap3A_550, %swap3A_551] {strides = array<i32>} : memref<128x80xf32, #tpu.memory_space<vmem>>, vector<16xf32>,
        tpu.vector_store %arg8[%swap3A_550, %swap3A_551], %mul3A_549 {strides = array<i32>} : memref<128x80xf32, #tpu.memory_space<vmem>>, vector<16xf32>,
        %mul3A_553 = arith.constant 16 : i32
        %mul3A_554 = arith.muli %scan3A_59, %mul3A_553 : i32
        %add3A_555 = arith.constant 11 : i32
        %add3A_556 = arith.addi %mul3A_554, %add3A_555 : i32
        %slice3A_557 = vector.extract_strided_slice %exp3A {offsets = [11], sizes = [1], strides = [1]} : vector<16xf32> to vector<1xf32>
        %squeeze3A_558 = vector.extract %slice3A_557[0] : f32 from vector<1xf32>
        %broadcast_in_dim3A_559 = vector.broadcast %squeeze3A_558 : f32 to vector<16xf32>
        %get3A_560 = arith.index_cast %add3A_556 : i32 to index
        %get3A_561 = arith.constant 0 : index
        %get3A_562 = tpu.vector_load %arg8[%get3A_560, %get3A_561] {strides = array<i32>} : memref<128x80xf32, #tpu.memory_space<vmem>>, vector<16xf32>,
        %mul3A_563 = arith.mulf %get3A_562, %broadcast_in_dim3A_559 : vector<16xf32>
        %swap3A_564 = arith.index_cast %add3A_556 : i32 to index
        %swap3A_565 = arith.constant 0 : index
        %swap3A_566 = tpu.vector_load %arg8[%swap3A_564, %swap3A_565] {strides = array<i32>} : memref<128x80xf32, #tpu.memory_space<vmem>>, vector<16xf32>,
        tpu.vector_store %arg8[%swap3A_564, %swap3A_565], %mul3A_563 {strides = array<i32>} : memref<128x80xf32, #tpu.memory_space<vmem>>, vector<16xf32>,
        %get3A_567 = arith.index_cast %add3A_556 : i32 to index
        %get3A_568 = arith.constant 16 : index
        %get3A_569 = tpu.vector_load %arg8[%get3A_567, %get3A_568] {strides = array<i32>} : memref<128x80xf32, #tpu.memory_space<vmem>>, vector<16xf32>,
        %mul3A_570 = arith.mulf %get3A_569, %broadcast_in_dim3A_559 : vector<16xf32>
        %swap3A_571 = arith.index_cast %add3A_556 : i32 to index
        %swap3A_572 = arith.constant 16 : index
        %swap3A_573 = tpu.vector_load %arg8[%swap3A_571, %swap3A_572] {strides = array<i32>} : memref<128x80xf32, #tpu.memory_space<vmem>>, vector<16xf32>,
        tpu.vector_store %arg8[%swap3A_571, %swap3A_572], %mul3A_570 {strides = array<i32>} : memref<128x80xf32, #tpu.memory_space<vmem>>, vector<16xf32>,
        %get3A_574 = arith.index_cast %add3A_556 : i32 to index
        %get3A_575 = arith.constant 32 : index
        %get3A_576 = tpu.vector_load %arg8[%get3A_574, %get3A_575] {strides = array<i32>} : memref<128x80xf32, #tpu.memory_space<vmem>>, vector<16xf32>,
        %mul3A_577 = arith.mulf %get3A_576, %broadcast_in_dim3A_559 : vector<16xf32>
        %swap3A_578 = arith.index_cast %add3A_556 : i32 to index
        %swap3A_579 = arith.constant 32 : index
        %swap3A_580 = tpu.vector_load %arg8[%swap3A_578, %swap3A_579] {strides = array<i32>} : memref<128x80xf32, #tpu.memory_space<vmem>>, vector<16xf32>,
        tpu.vector_store %arg8[%swap3A_578, %swap3A_579], %mul3A_577 {strides = array<i32>} : memref<128x80xf32, #tpu.memory_space<vmem>>, vector<16xf32>,
        %get3A_581 = arith.index_cast %add3A_556 : i32 to index
        %get3A_582 = arith.constant 48 : index
        %get3A_583 = tpu.vector_load %arg8[%get3A_581, %get3A_582] {strides = array<i32>} : memref<128x80xf32, #tpu.memory_space<vmem>>, vector<16xf32>,
        %mul3A_584 = arith.mulf %get3A_583, %broadcast_in_dim3A_559 : vector<16xf32>
        %swap3A_585 = arith.index_cast %add3A_556 : i32 to index
        %swap3A_586 = arith.constant 48 : index
        %swap3A_587 = tpu.vector_load %arg8[%swap3A_585, %swap3A_586] {strides = array<i32>} : memref<128x80xf32, #tpu.memory_space<vmem>>, vector<16xf32>,
        tpu.vector_store %arg8[%swap3A_585, %swap3A_586], %mul3A_584 {strides = array<i32>} : memref<128x80xf32, #tpu.memory_space<vmem>>, vector<16xf32>,
        %mul3A_588 = arith.mulf %broadcast_in_dim3A_559, %select_n3A : vector<16xf32>
        %get3A_589 = arith.index_cast %add3A_556 : i32 to index
        %get3A_590 = arith.constant 64 : index
        %get3A_591 = tpu.vector_load %arg8[%get3A_589, %get3A_590] {strides = array<i32>} : memref<128x80xf32, #tpu.memory_space<vmem>>, vector<16xf32>,
        %mul3A_592 = arith.mulf %get3A_591, %mul3A_588 : vector<16xf32>
        %swap3A_593 = arith.index_cast %add3A_556 : i32 to index
        %swap3A_594 = arith.constant 64 : index
        %swap3A_595 = tpu.vector_load %arg8[%swap3A_593, %swap3A_594] {strides = array<i32>} : memref<128x80xf32, #tpu.memory_space<vmem>>, vector<16xf32>,
        tpu.vector_store %arg8[%swap3A_593, %swap3A_594], %mul3A_592 {strides = array<i32>} : memref<128x80xf32, #tpu.memory_space<vmem>>, vector<16xf32>,
        %mul3A_596 = arith.constant 16 : i32
        %mul3A_597 = arith.muli %scan3A_59, %mul3A_596 : i32
        %add3A_598 = arith.constant 12 : i32
        %add3A_599 = arith.addi %mul3A_597, %add3A_598 : i32
        %slice3A_600 = vector.extract_strided_slice %exp3A {offsets = [12], sizes = [1], strides = [1]} : vector<16xf32> to vector<1xf32>
        %squeeze3A_601 = vector.extract %slice3A_600[0] : f32 from vector<1xf32>
        %broadcast_in_dim3A_602 = vector.broadcast %squeeze3A_601 : f32 to vector<16xf32>
        %get3A_603 = arith.index_cast %add3A_599 : i32 to index
        %get3A_604 = arith.constant 0 : index
        %get3A_605 = tpu.vector_load %arg8[%get3A_603, %get3A_604] {strides = array<i32>} : memref<128x80xf32, #tpu.memory_space<vmem>>, vector<16xf32>,
        %mul3A_606 = arith.mulf %get3A_605, %broadcast_in_dim3A_602 : vector<16xf32>
        %swap3A_607 = arith.index_cast %add3A_599 : i32 to index
        %swap3A_608 = arith.constant 0 : index
        %swap3A_609 = tpu.vector_load %arg8[%swap3A_607, %swap3A_608] {strides = array<i32>} : memref<128x80xf32, #tpu.memory_space<vmem>>, vector<16xf32>,
        tpu.vector_store %arg8[%swap3A_607, %swap3A_608], %mul3A_606 {strides = array<i32>} : memref<128x80xf32, #tpu.memory_space<vmem>>, vector<16xf32>,
        %get3A_610 = arith.index_cast %add3A_599 : i32 to index
        %get3A_611 = arith.constant 16 : index
        %get3A_612 = tpu.vector_load %arg8[%get3A_610, %get3A_611] {strides = array<i32>} : memref<128x80xf32, #tpu.memory_space<vmem>>, vector<16xf32>,
        %mul3A_613 = arith.mulf %get3A_612, %broadcast_in_dim3A_602 : vector<16xf32>
        %swap3A_614 = arith.index_cast %add3A_599 : i32 to index
        %swap3A_615 = arith.constant 16 : index
        %swap3A_616 = tpu.vector_load %arg8[%swap3A_614, %swap3A_615] {strides = array<i32>} : memref<128x80xf32, #tpu.memory_space<vmem>>, vector<16xf32>,
        tpu.vector_store %arg8[%swap3A_614, %swap3A_615], %mul3A_613 {strides = array<i32>} : memref<128x80xf32, #tpu.memory_space<vmem>>, vector<16xf32>,
        %get3A_617 = arith.index_cast %add3A_599 : i32 to index
        %get3A_618 = arith.constant 32 : index
        %get3A_619 = tpu.vector_load %arg8[%get3A_617, %get3A_618] {strides = array<i32>} : memref<128x80xf32, #tpu.memory_space<vmem>>, vector<16xf32>,
        %mul3A_620 = arith.mulf %get3A_619, %broadcast_in_dim3A_602 : vector<16xf32>
        %swap3A_621 = arith.index_cast %add3A_599 : i32 to index
        %swap3A_622 = arith.constant 32 : index
        %swap3A_623 = tpu.vector_load %arg8[%swap3A_621, %swap3A_622] {strides = array<i32>} : memref<128x80xf32, #tpu.memory_space<vmem>>, vector<16xf32>,
        tpu.vector_store %arg8[%swap3A_621, %swap3A_622], %mul3A_620 {strides = array<i32>} : memref<128x80xf32, #tpu.memory_space<vmem>>, vector<16xf32>,
        %get3A_624 = arith.index_cast %add3A_599 : i32 to index
        %get3A_625 = arith.constant 48 : index
        %get3A_626 = tpu.vector_load %arg8[%get3A_624, %get3A_625] {strides = array<i32>} : memref<128x80xf32, #tpu.memory_space<vmem>>, vector<16xf32>,
        %mul3A_627 = arith.mulf %get3A_626, %broadcast_in_dim3A_602 : vector<16xf32>
        %swap3A_628 = arith.index_cast %add3A_599 : i32 to index
        %swap3A_629 = arith.constant 48 : index
        %swap3A_630 = tpu.vector_load %arg8[%swap3A_628, %swap3A_629] {strides = array<i32>} : memref<128x80xf32, #tpu.memory_space<vmem>>, vector<16xf32>,
        tpu.vector_store %arg8[%swap3A_628, %swap3A_629], %mul3A_627 {strides = array<i32>} : memref<128x80xf32, #tpu.memory_space<vmem>>, vector<16xf32>,
        %mul3A_631 = arith.mulf %broadcast_in_dim3A_602, %select_n3A : vector<16xf32>
        %get3A_632 = arith.index_cast %add3A_599 : i32 to index
        %get3A_633 = arith.constant 64 : index
        %get3A_634 = tpu.vector_load %arg8[%get3A_632, %get3A_633] {strides = array<i32>} : memref<128x80xf32, #tpu.memory_space<vmem>>, vector<16xf32>,
        %mul3A_635 = arith.mulf %get3A_634, %mul3A_631 : vector<16xf32>
        %swap3A_636 = arith.index_cast %add3A_599 : i32 to index
        %swap3A_637 = arith.constant 64 : index
        %swap3A_638 = tpu.vector_load %arg8[%swap3A_636, %swap3A_637] {strides = array<i32>} : memref<128x80xf32, #tpu.memory_space<vmem>>, vector<16xf32>,
        tpu.vector_store %arg8[%swap3A_636, %swap3A_637], %mul3A_635 {strides = array<i32>} : memref<128x80xf32, #tpu.memory_space<vmem>>, vector<16xf32>,
        %mul3A_639 = arith.constant 16 : i32
        %mul3A_640 = arith.muli %scan3A_59, %mul3A_639 : i32
        %add3A_641 = arith.constant 13 : i32
        %add3A_642 = arith.addi %mul3A_640, %add3A_641 : i32
        %slice3A_643 = vector.extract_strided_slice %exp3A {offsets = [13], sizes = [1], strides = [1]} : vector<16xf32> to vector<1xf32>
        %squeeze3A_644 = vector.extract %slice3A_643[0] : f32 from vector<1xf32>
        %broadcast_in_dim3A_645 = vector.broadcast %squeeze3A_644 : f32 to vector<16xf32>
        %get3A_646 = arith.index_cast %add3A_642 : i32 to index
        %get3A_647 = arith.constant 0 : index
        %get3A_648 = tpu.vector_load %arg8[%get3A_646, %get3A_647] {strides = array<i32>} : memref<128x80xf32, #tpu.memory_space<vmem>>, vector<16xf32>,
        %mul3A_649 = arith.mulf %get3A_648, %broadcast_in_dim3A_645 : vector<16xf32>
        %swap3A_650 = arith.index_cast %add3A_642 : i32 to index
        %swap3A_651 = arith.constant 0 : index
        %swap3A_652 = tpu.vector_load %arg8[%swap3A_650, %swap3A_651] {strides = array<i32>} : memref<128x80xf32, #tpu.memory_space<vmem>>, vector<16xf32>,
        tpu.vector_store %arg8[%swap3A_650, %swap3A_651], %mul3A_649 {strides = array<i32>} : memref<128x80xf32, #tpu.memory_space<vmem>>, vector<16xf32>,
        %get3A_653 = arith.index_cast %add3A_642 : i32 to index
        %get3A_654 = arith.constant 16 : index
        %get3A_655 = tpu.vector_load %arg8[%get3A_653, %get3A_654] {strides = array<i32>} : memref<128x80xf32, #tpu.memory_space<vmem>>, vector<16xf32>,
        %mul3A_656 = arith.mulf %get3A_655, %broadcast_in_dim3A_645 : vector<16xf32>
        %swap3A_657 = arith.index_cast %add3A_642 : i32 to index
        %swap3A_658 = arith.constant 16 : index
        %swap3A_659 = tpu.vector_load %arg8[%swap3A_657, %swap3A_658] {strides = array<i32>} : memref<128x80xf32, #tpu.memory_space<vmem>>, vector<16xf32>,
        tpu.vector_store %arg8[%swap3A_657, %swap3A_658], %mul3A_656 {strides = array<i32>} : memref<128x80xf32, #tpu.memory_space<vmem>>, vector<16xf32>,
        %get3A_660 = arith.index_cast %add3A_642 : i32 to index
        %get3A_661 = arith.constant 32 : index
        %get3A_662 = tpu.vector_load %arg8[%get3A_660, %get3A_661] {strides = array<i32>} : memref<128x80xf32, #tpu.memory_space<vmem>>, vector<16xf32>,
        %mul3A_663 = arith.mulf %get3A_662, %broadcast_in_dim3A_645 : vector<16xf32>
        %swap3A_664 = arith.index_cast %add3A_642 : i32 to index
        %swap3A_665 = arith.constant 32 : index
        %swap3A_666 = tpu.vector_load %arg8[%swap3A_664, %swap3A_665] {strides = array<i32>} : memref<128x80xf32, #tpu.memory_space<vmem>>, vector<16xf32>,
        tpu.vector_store %arg8[%swap3A_664, %swap3A_665], %mul3A_663 {strides = array<i32>} : memref<128x80xf32, #tpu.memory_space<vmem>>, vector<16xf32>,
        %get3A_667 = arith.index_cast %add3A_642 : i32 to index
        %get3A_668 = arith.constant 48 : index
        %get3A_669 = tpu.vector_load %arg8[%get3A_667, %get3A_668] {strides = array<i32>} : memref<128x80xf32, #tpu.memory_space<vmem>>, vector<16xf32>,
        %mul3A_670 = arith.mulf %get3A_669, %broadcast_in_dim3A_645 : vector<16xf32>
        %swap3A_671 = arith.index_cast %add3A_642 : i32 to index
        %swap3A_672 = arith.constant 48 : index
        %swap3A_673 = tpu.vector_load %arg8[%swap3A_671, %swap3A_672] {strides = array<i32>} : memref<128x80xf32, #tpu.memory_space<vmem>>, vector<16xf32>,
        tpu.vector_store %arg8[%swap3A_671, %swap3A_672], %mul3A_670 {strides = array<i32>} : memref<128x80xf32, #tpu.memory_space<vmem>>, vector<16xf32>,
        %mul3A_674 = arith.mulf %broadcast_in_dim3A_645, %select_n3A : vector<16xf32>
        %get3A_675 = arith.index_cast %add3A_642 : i32 to index
        %get3A_676 = arith.constant 64 : index
        %get3A_677 = tpu.vector_load %arg8[%get3A_675, %get3A_676] {strides = array<i32>} : memref<128x80xf32, #tpu.memory_space<vmem>>, vector<16xf32>,
        %mul3A_678 = arith.mulf %get3A_677, %mul3A_674 : vector<16xf32>
        %swap3A_679 = arith.index_cast %add3A_642 : i32 to index
        %swap3A_680 = arith.constant 64 : index
        %swap3A_681 = tpu.vector_load %arg8[%swap3A_679, %swap3A_680] {strides = array<i32>} : memref<128x80xf32, #tpu.memory_space<vmem>>, vector<16xf32>,
        tpu.vector_store %arg8[%swap3A_679, %swap3A_680], %mul3A_678 {strides = array<i32>} : memref<128x80xf32, #tpu.memory_space<vmem>>, vector<16xf32>,
        %mul3A_682 = arith.constant 16 : i32
        %mul3A_683 = arith.muli %scan3A_59, %mul3A_682 : i32
        %add3A_684 = arith.constant 14 : i32
        %add3A_685 = arith.addi %mul3A_683, %add3A_684 : i32
        %slice3A_686 = vector.extract_strided_slice %exp3A {offsets = [14], sizes = [1], strides = [1]} : vector<16xf32> to vector<1xf32>
        %squeeze3A_687 = vector.extract %slice3A_686[0] : f32 from vector<1xf32>
        %broadcast_in_dim3A_688 = vector.broadcast %squeeze3A_687 : f32 to vector<16xf32>
        %get3A_689 = arith.index_cast %add3A_685 : i32 to index
        %get3A_690 = arith.constant 0 : index
        %get3A_691 = tpu.vector_load %arg8[%get3A_689, %get3A_690] {strides = array<i32>} : memref<128x80xf32, #tpu.memory_space<vmem>>, vector<16xf32>,
        %mul3A_692 = arith.mulf %get3A_691, %broadcast_in_dim3A_688 : vector<16xf32>
        %swap3A_693 = arith.index_cast %add3A_685 : i32 to index
        %swap3A_694 = arith.constant 0 : index
        %swap3A_695 = tpu.vector_load %arg8[%swap3A_693, %swap3A_694] {strides = array<i32>} : memref<128x80xf32, #tpu.memory_space<vmem>>, vector<16xf32>,
        tpu.vector_store %arg8[%swap3A_693, %swap3A_694], %mul3A_692 {strides = array<i32>} : memref<128x80xf32, #tpu.memory_space<vmem>>, vector<16xf32>,
        %get3A_696 = arith.index_cast %add3A_685 : i32 to index
        %get3A_697 = arith.constant 16 : index
        %get3A_698 = tpu.vector_load %arg8[%get3A_696, %get3A_697] {strides = array<i32>} : memref<128x80xf32, #tpu.memory_space<vmem>>, vector<16xf32>,
        %mul3A_699 = arith.mulf %get3A_698, %broadcast_in_dim3A_688 : vector<16xf32>
        %swap3A_700 = arith.index_cast %add3A_685 : i32 to index
        %swap3A_701 = arith.constant 16 : index
        %swap3A_702 = tpu.vector_load %arg8[%swap3A_700, %swap3A_701] {strides = array<i32>} : memref<128x80xf32, #tpu.memory_space<vmem>>, vector<16xf32>,
        tpu.vector_store %arg8[%swap3A_700, %swap3A_701], %mul3A_699 {strides = array<i32>} : memref<128x80xf32, #tpu.memory_space<vmem>>, vector<16xf32>,
        %get3A_703 = arith.index_cast %add3A_685 : i32 to index
        %get3A_704 = arith.constant 32 : index
        %get3A_705 = tpu.vector_load %arg8[%get3A_703, %get3A_704] {strides = array<i32>} : memref<128x80xf32, #tpu.memory_space<vmem>>, vector<16xf32>,
        %mul3A_706 = arith.mulf %get3A_705, %broadcast_in_dim3A_688 : vector<16xf32>
        %swap3A_707 = arith.index_cast %add3A_685 : i32 to index
        %swap3A_708 = arith.constant 32 : index
        %swap3A_709 = tpu.vector_load %arg8[%swap3A_707, %swap3A_708] {strides = array<i32>} : memref<128x80xf32, #tpu.memory_space<vmem>>, vector<16xf32>,
        tpu.vector_store %arg8[%swap3A_707, %swap3A_708], %mul3A_706 {strides = array<i32>} : memref<128x80xf32, #tpu.memory_space<vmem>>, vector<16xf32>,
        %get3A_710 = arith.index_cast %add3A_685 : i32 to index
        %get3A_711 = arith.constant 48 : index
        %get3A_712 = tpu.vector_load %arg8[%get3A_710, %get3A_711] {strides = array<i32>} : memref<128x80xf32, #tpu.memory_space<vmem>>, vector<16xf32>,
        %mul3A_713 = arith.mulf %get3A_712, %broadcast_in_dim3A_688 : vector<16xf32>
        %swap3A_714 = arith.index_cast %add3A_685 : i32 to index
        %swap3A_715 = arith.constant 48 : index
        %swap3A_716 = tpu.vector_load %arg8[%swap3A_714, %swap3A_715] {strides = array<i32>} : memref<128x80xf32, #tpu.memory_space<vmem>>, vector<16xf32>,
        tpu.vector_store %arg8[%swap3A_714, %swap3A_715], %mul3A_713 {strides = array<i32>} : memref<128x80xf32, #tpu.memory_space<vmem>>, vector<16xf32>,
        %mul3A_717 = arith.mulf %broadcast_in_dim3A_688, %select_n3A : vector<16xf32>
        %get3A_718 = arith.index_cast %add3A_685 : i32 to index
        %get3A_719 = arith.constant 64 : index
        %get3A_720 = tpu.vector_load %arg8[%get3A_718, %get3A_719] {strides = array<i32>} : memref<128x80xf32, #tpu.memory_space<vmem>>, vector<16xf32>,
        %mul3A_721 = arith.mulf %get3A_720, %mul3A_717 : vector<16xf32>
        %swap3A_722 = arith.index_cast %add3A_685 : i32 to index
        %swap3A_723 = arith.constant 64 : index
        %swap3A_724 = tpu.vector_load %arg8[%swap3A_722, %swap3A_723] {strides = array<i32>} : memref<128x80xf32, #tpu.memory_space<vmem>>, vector<16xf32>,
        tpu.vector_store %arg8[%swap3A_722, %swap3A_723], %mul3A_721 {strides = array<i32>} : memref<128x80xf32, #tpu.memory_space<vmem>>, vector<16xf32>,
        %mul3A_725 = arith.constant 16 : i32
        %mul3A_726 = arith.muli %scan3A_59, %mul3A_725 : i32
        %add3A_727 = arith.constant 15 : i32
        %add3A_728 = arith.addi %mul3A_726, %add3A_727 : i32
        %slice3A_729 = vector.extract_strided_slice %exp3A {offsets = [15], sizes = [1], strides = [1]} : vector<16xf32> to vector<1xf32>
        %squeeze3A_730 = vector.extract %slice3A_729[0] : f32 from vector<1xf32>
        %broadcast_in_dim3A_731 = vector.broadcast %squeeze3A_730 : f32 to vector<16xf32>
        %get3A_732 = arith.index_cast %add3A_728 : i32 to index
        %get3A_733 = arith.constant 0 : index
        %get3A_734 = tpu.vector_load %arg8[%get3A_732, %get3A_733] {strides = array<i32>} : memref<128x80xf32, #tpu.memory_space<vmem>>, vector<16xf32>,
        %mul3A_735 = arith.mulf %get3A_734, %broadcast_in_dim3A_731 : vector<16xf32>
        %swap3A_736 = arith.index_cast %add3A_728 : i32 to index
        %swap3A_737 = arith.constant 0 : index
        %swap3A_738 = tpu.vector_load %arg8[%swap3A_736, %swap3A_737] {strides = array<i32>} : memref<128x80xf32, #tpu.memory_space<vmem>>, vector<16xf32>,
        tpu.vector_store %arg8[%swap3A_736, %swap3A_737], %mul3A_735 {strides = array<i32>} : memref<128x80xf32, #tpu.memory_space<vmem>>, vector<16xf32>,
        %get3A_739 = arith.index_cast %add3A_728 : i32 to index
        %get3A_740 = arith.constant 16 : index
        %get3A_741 = tpu.vector_load %arg8[%get3A_739, %get3A_740] {strides = array<i32>} : memref<128x80xf32, #tpu.memory_space<vmem>>, vector<16xf32>,
        %mul3A_742 = arith.mulf %get3A_741, %broadcast_in_dim3A_731 : vector<16xf32>
        %swap3A_743 = arith.index_cast %add3A_728 : i32 to index
        %swap3A_744 = arith.constant 16 : index
        %swap3A_745 = tpu.vector_load %arg8[%swap3A_743, %swap3A_744] {strides = array<i32>} : memref<128x80xf32, #tpu.memory_space<vmem>>, vector<16xf32>,
        tpu.vector_store %arg8[%swap3A_743, %swap3A_744], %mul3A_742 {strides = array<i32>} : memref<128x80xf32, #tpu.memory_space<vmem>>, vector<16xf32>,
        %get3A_746 = arith.index_cast %add3A_728 : i32 to index
        %get3A_747 = arith.constant 32 : index
        %get3A_748 = tpu.vector_load %arg8[%get3A_746, %get3A_747] {strides = array<i32>} : memref<128x80xf32, #tpu.memory_space<vmem>>, vector<16xf32>,
        %mul3A_749 = arith.mulf %get3A_748, %broadcast_in_dim3A_731 : vector<16xf32>
        %swap3A_750 = arith.index_cast %add3A_728 : i32 to index
        %swap3A_751 = arith.constant 32 : index
        %swap3A_752 = tpu.vector_load %arg8[%swap3A_750, %swap3A_751] {strides = array<i32>} : memref<128x80xf32, #tpu.memory_space<vmem>>, vector<16xf32>,
        tpu.vector_store %arg8[%swap3A_750, %swap3A_751], %mul3A_749 {strides = array<i32>} : memref<128x80xf32, #tpu.memory_space<vmem>>, vector<16xf32>,
        %get3A_753 = arith.index_cast %add3A_728 : i32 to index
        %get3A_754 = arith.constant 48 : index
        %get3A_755 = tpu.vector_load %arg8[%get3A_753, %get3A_754] {strides = array<i32>} : memref<128x80xf32, #tpu.memory_space<vmem>>, vector<16xf32>,
        %mul3A_756 = arith.mulf %get3A_755, %broadcast_in_dim3A_731 : vector<16xf32>
        %swap3A_757 = arith.index_cast %add3A_728 : i32 to index
        %swap3A_758 = arith.constant 48 : index
        %swap3A_759 = tpu.vector_load %arg8[%swap3A_757, %swap3A_758] {strides = array<i32>} : memref<128x80xf32, #tpu.memory_space<vmem>>, vector<16xf32>,
        tpu.vector_store %arg8[%swap3A_757, %swap3A_758], %mul3A_756 {strides = array<i32>} : memref<128x80xf32, #tpu.memory_space<vmem>>, vector<16xf32>,
        %mul3A_760 = arith.mulf %broadcast_in_dim3A_731, %select_n3A : vector<16xf32>
        %get3A_761 = arith.index_cast %add3A_728 : i32 to index
        %get3A_762 = arith.constant 64 : index
        %get3A_763 = tpu.vector_load %arg8[%get3A_761, %get3A_762] {strides = array<i32>} : memref<128x80xf32, #tpu.memory_space<vmem>>, vector<16xf32>,
        %mul3A_764 = arith.mulf %get3A_763, %mul3A_760 : vector<16xf32>
        %swap3A_765 = arith.index_cast %add3A_728 : i32 to index
        %swap3A_766 = arith.constant 64 : index
        %swap3A_767 = tpu.vector_load %arg8[%swap3A_765, %swap3A_766] {strides = array<i32>} : memref<128x80xf32, #tpu.memory_space<vmem>>, vector<16xf32>,
        tpu.vector_store %arg8[%swap3A_765, %swap3A_766], %mul3A_764 {strides = array<i32>} : memref<128x80xf32, #tpu.memory_space<vmem>>, vector<16xf32>,
      }
      %scan3A_58 = arith.constant 8 : i32
      "tpu.region"() ({
        %run_scoped3A = tpu.sem_alloc : memref<!tpu.dma_semaphore, #tpu.memory_space<semaphore_mem>>
        %dma_start3A_59 = arith.constant 0 : i32
        %dma_start3A_60 = arith.constant 0 : i32
        %dma_start3A_61 = tpu.memref_slice %arg11[%dma_start3A_59, %dma_start3A_60] : memref<10016x80xf32, #tpu.memory_space<vmem_shared>> -> memref<10016x80xf32, #tpu.memory_space<vmem_shared>>
        tpu.enqueue_indirect_dma source(%arg8 : memref<128x80xf32, #tpu.memory_space<vmem>>) target(%dma_start3A_61 : memref<10016x80xf32, #tpu.memory_space<vmem_shared>>) offsets(%arg10 : memref<128xi32, #tpu.memory_space<vmem>>) semaphore(%run_scoped3A : memref<!tpu.dma_semaphore, #tpu.memory_space<semaphore_mem>>) {add = true}
        %dma_wait3A_62 = arith.constant 0 : i32
        %dma_wait3A_63 = arith.constant 0 : i32
        %dma_wait3A_64 = tpu.memref_slice %arg11[%dma_wait3A_62, %dma_wait3A_63] : memref<10016x80xf32, #tpu.memory_space<vmem_shared>> -> memref<10016x80xf32, #tpu.memory_space<vmem_shared>>
        tpu.wait_indirect_dma semaphore(%run_scoped3A : memref<!tpu.dma_semaphore, #tpu.memory_space<semaphore_mem>>) src(%arg8 : memref<128x80xf32, #tpu.memory_space<vmem>>) dst(%dma_wait3A_64 : memref<10016x80xf32, #tpu.memory_space<vmem_shared>>)
        tpu.yield
      }) : () -> ()
    }
    %scan3A_39 = arith.constant 81 : i32
    %barrier3A_40 = arith.constant 0 : index
    tpu.barrier barrier_id(%barrier3A_40)
    %mul3A_41 = arith.constant 626 : i32
    %mul3A_42 = arith.muli %arg1, %mul3A_41 : i32
    %mul3A_43 = arith.constant 626 : i32
    %mul3A_44 = arith.muli %arg1, %mul3A_43 : i32
    "tpu.region"() ({
      %run_scoped3A = tpu.sem_alloc : memref<!tpu.dma_semaphore, #tpu.memory_space<semaphore_mem>>
      %dma_start3A = arith.constant 0 : i32
      %dma_start3A_45 = tpu.memref_slice %arg6[%arg0, %mul3A_44, %dma_start3A] : memref<2x10016x80xf32, #tpu.memory_space<hbm>> -> memref<1x626x80xf32, #tpu.memory_space<hbm>>
      %dma_start3A_46 = tpu.memref_squeeze %dma_start3A_45 : memref<1x626x80xf32, #tpu.memory_space<hbm>> -> memref<626x80xf32, #tpu.memory_space<hbm>>
      %dma_start3A_47 = arith.constant 0 : i32
      %dma_start3A_48 = tpu.memref_slice %arg11[%mul3A_42, %dma_start3A_47] : memref<10016x80xf32, #tpu.memory_space<vmem_shared>> -> memref<626x80xf32, #tpu.memory_space<vmem_shared>>
      tpu.enqueue_dma source(%dma_start3A_48 : memref<626x80xf32, #tpu.memory_space<vmem_shared>>) target(%dma_start3A_46 : memref<626x80xf32, #tpu.memory_space<hbm>>) target_semaphore(%run_scoped3A : memref<!tpu.dma_semaphore, #tpu.memory_space<semaphore_mem>>)
      %dma_wait3A = arith.constant 0 : i32
      %dma_wait3A_49 = tpu.memref_slice %arg6[%arg0, %mul3A_44, %dma_wait3A] : memref<2x10016x80xf32, #tpu.memory_space<hbm>> -> memref<1x626x80xf32, #tpu.memory_space<hbm>>
      %dma_wait3A_50 = tpu.memref_squeeze %dma_wait3A_49 : memref<1x626x80xf32, #tpu.memory_space<hbm>> -> memref<626x80xf32, #tpu.memory_space<hbm>>
      %dma_wait3A_51 = arith.constant 0 : i32
      %dma_wait3A_52 = tpu.memref_slice %arg11[%mul3A_42, %dma_wait3A_51] : memref<10016x80xf32, #tpu.memory_space<vmem_shared>> -> memref<626x80xf32, #tpu.memory_space<vmem_shared>>
      tpu.wait_dma2 semaphore(%run_scoped3A : memref<!tpu.dma_semaphore, #tpu.memory_space<semaphore_mem>>) src(%dma_wait3A_52 : memref<626x80xf32, #tpu.memory_space<vmem_shared>>) dst(%dma_wait3A_50 : memref<626x80xf32, #tpu.memory_space<hbm>>)
      tpu.yield
    }) : () -> ()
    return
  }
}

module attributes {stable_mosaic.version = 14 : i64} {
  func.func @_tc1_body(%arg0: i32, %arg1: memref<2504x128xf32, #tpu.memory_space<vmem>>, %arg2: memref<128x128xf32, #tpu.memory_space<vmem>>, %arg3: memref<128x4xf32, #tpu.memory_space<vmem>>, %arg4: memref<2504x144xf32, #tpu.memory_space<vmem>>, %arg5: memref<2504x2xf32, #tpu.memory_space<vmem>>) attributes {dimension_semantics = [#tpu.dimension_semantics<arbitrary>], iteration_bounds = array<i64: 4>, scalar_prefetch = 0 : i64, scratch_operands = 0 : i64, tpu.core_type = #tpu.core_type<tc>, window_params = [{transform_indices = @transform_0, window_bounds = array<i64: 2504, 128>}, {pipeline_mode = #tpu.pipeline_mode<synchronous>, transform_indices = @transform_1, window_bounds = array<i64: 128, 128>}, {pipeline_mode = #tpu.pipeline_mode<synchronous>, transform_indices = @transform_2, window_bounds = array<i64: 128, 4>}, {transform_indices = @transform_3, window_bounds = array<i64: 2504, 144>}, {transform_indices = @transform_4, window_bounds = array<i64: 2504, 2>}]} {
    %get3A = arith.constant 0 : index
    %get3A_0 = arith.constant 0 : index
    %get3A_1 = vector.load %arg1[%get3A, %get3A_0] : memref<2504x128xf32, #tpu.memory_space<vmem>>, vector<2504x128xf32>
    %get3A_2 = arith.constant 0 : index
    %get3A_3 = arith.constant 0 : index
    %get3A_4 = vector.load %arg2[%get3A_2, %get3A_3] : memref<128x128xf32, #tpu.memory_space<vmem>>, vector<128x128xf32>
    %dot_general3A = arith.constant dense<0.000000e+00> : vector<2504x128xf32>
    %dot_general3A_5 = tpu.matmul %get3A_1, %get3A_4, %dot_general3A {dimension_numbers = #tpu.dot_dimension_numbers<[1], [0], [0], [1], [0, 0, 1, 1], [], []>, transpose_lhs_hint = false} : vector<2504x128xf32>, vector<128x128xf32>, vector<2504x128xf32> -> vector<2504x128xf32>
    %get3A_6 = arith.constant 0 : index
    %get3A_7 = arith.constant 0 : index
    %get3A_8 = vector.load %arg3[%get3A_6, %get3A_7] : memref<128x4xf32, #tpu.memory_space<vmem>>, vector<128x4xf32>
    %dot_general3A_9 = arith.constant dense<0.000000e+00> : vector<2504x4xf32>
    %dot_general3A_10 = tpu.matmul %dot_general3A_5, %get3A_8, %dot_general3A_9 {dimension_numbers = #tpu.dot_dimension_numbers<[1], [0], [0], [1], [0, 0, 1, 1], [], []>, transpose_lhs_hint = false} : vector<2504x128xf32>, vector<128x4xf32>, vector<2504x4xf32> -> vector<2504x4xf32>
    %iota3A = tpu.iota {dimensions = array<i32: 1>} : vector<2504x16xi32>
    %lt3A = arith.constant 2 : i32
    %lt3A_11 = vector.broadcast %lt3A : i32 to vector<2504x16xi32>
    %lt3A_12 = arith.cmpi slt, %iota3A, %lt3A_11 : vector<2504x16xi32>
    %jit3A = arith.constant 1.000000e+00 : f32
    %jit3A_13 = arith.constant 0.000000e+00 : f32
    %broadcast_in_dim3A = vector.broadcast %jit3A : f32 to vector<2504x16xf32>
    %broadcast_in_dim3A_14 = vector.broadcast %jit3A_13 : f32 to vector<2504x16xf32>
    %select_n3A = arith.select %lt3A_12, %broadcast_in_dim3A, %broadcast_in_dim3A_14 : vector<2504x16xi1>, vector<2504x16xf32>
    %eq3A = arith.constant 2 : i32
    %eq3A_15 = vector.broadcast %eq3A : i32 to vector<2504x16xi32>
    %eq3A_16 = arith.cmpi eq, %iota3A, %eq3A_15 : vector<2504x16xi32>
    %slice3A = vector.extract_strided_slice %dot_general3A_10 {offsets = [0, 0], sizes = [2504, 1], strides = [1, 1]} : vector<2504x4xf32> to vector<2504x1xf32>
    %broadcast_in_dim3A_17 = vector.shape_cast %slice3A : vector<2504x1xf32> to vector<2504x1xf32>
    %broadcast_in_dim3A_18 = vector.broadcast %broadcast_in_dim3A_17 : vector<2504x1xf32> to vector<2504x16xf32>
    %select_n3A_19 = arith.select %eq3A_16, %broadcast_in_dim3A_18, %select_n3A : vector<2504x16xi1>, vector<2504x16xf32>
    %eq3A_20 = arith.constant 3 : i32
    %eq3A_21 = vector.broadcast %eq3A_20 : i32 to vector<2504x16xi32>
    %eq3A_22 = arith.cmpi eq, %iota3A, %eq3A_21 : vector<2504x16xi32>
    %slice3A_23 = vector.extract_strided_slice %dot_general3A_10 {offsets = [0, 1], sizes = [2504, 1], strides = [1, 1]} : vector<2504x4xf32> to vector<2504x1xf32>
    %broadcast_in_dim3A_24 = vector.shape_cast %slice3A_23 : vector<2504x1xf32> to vector<2504x1xf32>
    %broadcast_in_dim3A_25 = vector.broadcast %broadcast_in_dim3A_24 : vector<2504x1xf32> to vector<2504x16xf32>
    %select_n3A_26 = arith.select %eq3A_22, %broadcast_in_dim3A_25, %select_n3A_19 : vector<2504x16xi1>, vector<2504x16xf32>
    %concatenate3A = tpu.concatenate %dot_general3A_5, %select_n3A_26 in 1 : vector<2504x128xf32>, vector<2504x16xf32> -> vector<2504x144xf32>
    %swap3A = arith.constant 0 : index
    %swap3A_27 = arith.constant 0 : index
    %swap3A_28 = vector.load %arg4[%swap3A, %swap3A_27] : memref<2504x144xf32, #tpu.memory_space<vmem>>, vector<2504x144xf32>
    tpu.vector_store %arg4[%swap3A, %swap3A_27], %concatenate3A {strides = array<i32>} : memref<2504x144xf32, #tpu.memory_space<vmem>>, vector<2504x144xf32>,
    %slice3A_29 = vector.extract_strided_slice %dot_general3A_10 {offsets = [0, 2], sizes = [2504, 2], strides = [1, 1]} : vector<2504x4xf32> to vector<2504x2xf32>
    %swap3A_30 = arith.constant 0 : index
    %swap3A_31 = arith.constant 0 : index
    %swap3A_32 = vector.load %arg5[%swap3A_30, %swap3A_31] : memref<2504x2xf32, #tpu.memory_space<vmem>>, vector<2504x2xf32>
    tpu.vector_store %arg5[%swap3A_30, %swap3A_31], %slice3A_29 {strides = array<i32>} : memref<2504x2xf32, #tpu.memory_space<vmem>>, vector<2504x2xf32>,
    return
  }
  func.func @transform_0(%arg0: i32) -> (i32, i32) {
    %c0_i32 = arith.constant 0 : i32
    %c0_i32_0 = arith.constant 0 : i32
    return %arg0, %c0_i32 : i32, i32
  }
  func.func @transform_1(%arg0: i32) -> (i32, i32) {
    %c0_i32 = arith.constant 0 : i32
    %c0_i32_0 = arith.constant 0 : i32
    %c0_i32_1 = arith.constant 0 : i32
    return %c0_i32, %c0_i32_0 : i32, i32
  }
  func.func @transform_2(%arg0: i32) -> (i32, i32) {
    %c0_i32 = arith.constant 0 : i32
    %c0_i32_0 = arith.constant 0 : i32
    %c0_i32_1 = arith.constant 0 : i32
    return %c0_i32, %c0_i32_0 : i32, i32
  }
  func.func @transform_3(%arg0: i32) -> (i32, i32) {
    %c0_i32 = arith.constant 0 : i32
    %c0_i32_0 = arith.constant 0 : i32
    return %arg0, %c0_i32 : i32, i32
  }
  func.func @transform_4(%arg0: i32) -> (i32, i32) {
    %c0_i32 = arith.constant 0 : i32
    %c0_i32_0 = arith.constant 0 : i32
    return %arg0, %c0_i32 : i32, i32
  }
}

module attributes {stable_mosaic.version = 14 : i64} {
  func.func @_tc2_body(%arg0: i32, %arg1: memref<2x2504x144xf32, #tpu.memory_space<vmem>>, %arg2: memref<1x128xf32, #tpu.memory_space<vmem>>, %arg3: memref<128x64xf32, #tpu.memory_space<vmem>>, %arg4: memref<64x2xf32, #tpu.memory_space<vmem>>, %arg5: memref<2504x80xf32, #tpu.memory_space<vmem>>, %arg6: memref<2504x1xf32, #tpu.memory_space<vmem>>) attributes {dimension_semantics = [#tpu.dimension_semantics<arbitrary>], iteration_bounds = array<i64: 4>, scalar_prefetch = 0 : i64, scratch_operands = 0 : i64, tpu.core_type = #tpu.core_type<tc>, window_params = [{transform_indices = @transform_0, window_bounds = array<i64: 2, 2504, 144>}, {pipeline_mode = #tpu.pipeline_mode<synchronous>, transform_indices = @transform_1, window_bounds = array<i64: 1, 128>}, {pipeline_mode = #tpu.pipeline_mode<synchronous>, transform_indices = @transform_2, window_bounds = array<i64: 128, 64>}, {pipeline_mode = #tpu.pipeline_mode<synchronous>, transform_indices = @transform_3, window_bounds = array<i64: 64, 2>}, {transform_indices = @transform_4, window_bounds = array<i64: 2504, 80>}, {transform_indices = @transform_5, window_bounds = array<i64: 2504, 1>}]} {
    %get3A = arith.constant 0 : index
    %get3A_0 = arith.constant 0 : index
    %get3A_1 = arith.constant 0 : index
    %get3A_2 = vector.load %arg1[%get3A, %get3A_0, %get3A_1] : memref<2x2504x144xf32, #tpu.memory_space<vmem>>, vector<1x2504x144xf32>
    %get3A_3 = vector.shape_cast %get3A_2 : vector<1x2504x144xf32> to vector<2504x144xf32>
    %get3A_4 = arith.constant 1 : index
    %get3A_5 = arith.constant 0 : index
    %get3A_6 = arith.constant 0 : index
    %get3A_7 = vector.load %arg1[%get3A_4, %get3A_5, %get3A_6] : memref<2x2504x144xf32, #tpu.memory_space<vmem>>, vector<1x2504x144xf32>
    %get3A_8 = vector.shape_cast %get3A_7 : vector<1x2504x144xf32> to vector<2504x144xf32>
    %add3A = arith.addf %get3A_3, %get3A_8 : vector<2504x144xf32>
    %slice3A = vector.extract_strided_slice %add3A {offsets = [0, 128], sizes = [2504, 1], strides = [1, 1]} : vector<2504x144xf32> to vector<2504x1xf32>
    %slice3A_9 = vector.extract_strided_slice %add3A {offsets = [0, 129], sizes = [2504, 1], strides = [1, 1]} : vector<2504x144xf32> to vector<2504x1xf32>
    %slice3A_10 = vector.extract_strided_slice %add3A {offsets = [0, 0], sizes = [2504, 64], strides = [1, 1]} : vector<2504x144xf32> to vector<2504x64xf32>
    %add3A_11 = arith.constant 1.000000e-16 : f32
    %add3A_12 = vector.broadcast %add3A_11 : f32 to vector<2504x1xf32>
    %add3A_13 = arith.addf %slice3A, %add3A_12 : vector<2504x1xf32>
    %div3A = vector.broadcast %add3A_13 : vector<2504x1xf32> to vector<2504x64xf32>
    %div3A_14 = arith.divf %slice3A_10, %div3A : vector<2504x64xf32>
    %slice3A_15 = vector.extract_strided_slice %add3A {offsets = [0, 64], sizes = [2504, 64], strides = [1, 1]} : vector<2504x144xf32> to vector<2504x64xf32>
    %add3A_16 = arith.constant 1.000000e-16 : f32
    %add3A_17 = vector.broadcast %add3A_16 : f32 to vector<2504x1xf32>
    %add3A_18 = arith.addf %slice3A_9, %add3A_17 : vector<2504x1xf32>
    %div3A_19 = vector.broadcast %add3A_18 : vector<2504x1xf32> to vector<2504x64xf32>
    %div3A_20 = arith.divf %slice3A_15, %div3A_19 : vector<2504x64xf32>
    %concatenate3A = tpu.concatenate %div3A_14, %div3A_20 in 1 : vector<2504x64xf32>, vector<2504x64xf32> -> vector<2504x128xf32>
    %get3A_21 = arith.constant 0 : index
    %get3A_22 = arith.constant 0 : index
    %get3A_23 = vector.load %arg2[%get3A_21, %get3A_22] : memref<1x128xf32, #tpu.memory_space<vmem>>, vector<1x128xf32>
    %add3A_24 = vector.broadcast %get3A_23 : vector<1x128xf32> to vector<2504x128xf32>
    %add3A_25 = arith.addf %concatenate3A, %add3A_24 : vector<2504x128xf32>
    %max3A = arith.constant 0.000000e+00 : f32
    %max3A_26 = vector.broadcast %max3A : f32 to vector<2504x128xf32>
    %max3A_27 = arith.maximumf %add3A_25, %max3A_26 : vector<2504x128xf32>
    %get3A_28 = arith.constant 0 : index
    %get3A_29 = arith.constant 0 : index
    %get3A_30 = vector.load %arg3[%get3A_28, %get3A_29] : memref<128x64xf32, #tpu.memory_space<vmem>>, vector<128x64xf32>
    %dot_general3A = arith.constant dense<0.000000e+00> : vector<2504x64xf32>
    %dot_general3A_31 = tpu.matmul %max3A_27, %get3A_30, %dot_general3A {dimension_numbers = #tpu.dot_dimension_numbers<[1], [0], [0], [1], [0, 0, 1, 1], [], []>, transpose_lhs_hint = false} : vector<2504x128xf32>, vector<128x64xf32>, vector<2504x64xf32> -> vector<2504x64xf32>
    %get3A_32 = arith.constant 0 : index
    %get3A_33 = arith.constant 0 : index
    %get3A_34 = vector.load %arg4[%get3A_32, %get3A_33] : memref<64x2xf32, #tpu.memory_space<vmem>>, vector<64x2xf32>
    %dot_general3A_35 = arith.constant dense<0.000000e+00> : vector<2504x2xf32>
    %dot_general3A_36 = tpu.matmul %dot_general3A_31, %get3A_34, %dot_general3A_35 {dimension_numbers = #tpu.dot_dimension_numbers<[1], [0], [0], [1], [0, 0, 1, 1], [], []>, transpose_lhs_hint = false} : vector<2504x64xf32>, vector<64x2xf32>, vector<2504x2xf32> -> vector<2504x2xf32>
    %iota3A = tpu.iota {dimensions = array<i32: 1>} : vector<2504x16xi32>
    %lt3A = arith.constant 1 : i32
    %lt3A_37 = vector.broadcast %lt3A : i32 to vector<2504x16xi32>
    %lt3A_38 = arith.cmpi slt, %iota3A, %lt3A_37 : vector<2504x16xi32>
    %jit3A = arith.constant 1.000000e+00 : f32
    %jit3A_39 = arith.constant 0.000000e+00 : f32
    %broadcast_in_dim3A = vector.broadcast %jit3A : f32 to vector<2504x16xf32>
    %broadcast_in_dim3A_40 = vector.broadcast %jit3A_39 : f32 to vector<2504x16xf32>
    %select_n3A = arith.select %lt3A_38, %broadcast_in_dim3A, %broadcast_in_dim3A_40 : vector<2504x16xi1>, vector<2504x16xf32>
    %eq3A = arith.constant 1 : i32
    %eq3A_41 = vector.broadcast %eq3A : i32 to vector<2504x16xi32>
    %eq3A_42 = arith.cmpi eq, %iota3A, %eq3A_41 : vector<2504x16xi32>
    %slice3A_43 = vector.extract_strided_slice %dot_general3A_36 {offsets = [0, 0], sizes = [2504, 1], strides = [1, 1]} : vector<2504x2xf32> to vector<2504x1xf32>
    %broadcast_in_dim3A_44 = vector.shape_cast %slice3A_43 : vector<2504x1xf32> to vector<2504x1xf32>
    %broadcast_in_dim3A_45 = vector.broadcast %broadcast_in_dim3A_44 : vector<2504x1xf32> to vector<2504x16xf32>
    %select_n3A_46 = arith.select %eq3A_42, %broadcast_in_dim3A_45, %select_n3A : vector<2504x16xi1>, vector<2504x16xf32>
    %concatenate3A_47 = tpu.concatenate %dot_general3A_31, %select_n3A_46 in 1 : vector<2504x64xf32>, vector<2504x16xf32> -> vector<2504x80xf32>
    %swap3A = arith.constant 0 : index
    %swap3A_48 = arith.constant 0 : index
    %swap3A_49 = vector.load %arg5[%swap3A, %swap3A_48] : memref<2504x80xf32, #tpu.memory_space<vmem>>, vector<2504x80xf32>
    tpu.vector_store %arg5[%swap3A, %swap3A_48], %concatenate3A_47 {strides = array<i32>} : memref<2504x80xf32, #tpu.memory_space<vmem>>, vector<2504x80xf32>,
    %slice3A_50 = vector.extract_strided_slice %dot_general3A_36 {offsets = [0, 1], sizes = [2504, 1], strides = [1, 1]} : vector<2504x2xf32> to vector<2504x1xf32>
    %swap3A_51 = arith.constant 0 : index
    %swap3A_52 = arith.constant 0 : index
    %swap3A_53 = vector.load %arg6[%swap3A_51, %swap3A_52] : memref<2504x1xf32, #tpu.memory_space<vmem>>, vector<2504x1xf32>
    tpu.vector_store %arg6[%swap3A_51, %swap3A_52], %slice3A_50 {strides = array<i32>} : memref<2504x1xf32, #tpu.memory_space<vmem>>, vector<2504x1xf32>,
    return
  }
  func.func @transform_0(%arg0: i32) -> (i32, i32, i32) {
    %c0_i32 = arith.constant 0 : i32
    %c0_i32_0 = arith.constant 0 : i32
    %c0_i32_1 = arith.constant 0 : i32
    return %c0_i32, %arg0, %c0_i32_0 : i32, i32, i32
  }
  func.func @transform_1(%arg0: i32) -> (i32, i32) {
    %c0_i32 = arith.constant 0 : i32
    %c0_i32_0 = arith.constant 0 : i32
    %c0_i32_1 = arith.constant 0 : i32
    return %c0_i32, %c0_i32_0 : i32, i32
  }
  func.func @transform_2(%arg0: i32) -> (i32, i32) {
    %c0_i32 = arith.constant 0 : i32
    %c0_i32_0 = arith.constant 0 : i32
    %c0_i32_1 = arith.constant 0 : i32
    return %c0_i32, %c0_i32_0 : i32, i32
  }
  func.func @transform_3(%arg0: i32) -> (i32, i32) {
    %c0_i32 = arith.constant 0 : i32
    %c0_i32_0 = arith.constant 0 : i32
    %c0_i32_1 = arith.constant 0 : i32
    return %c0_i32, %c0_i32_0 : i32, i32
  }
  func.func @transform_4(%arg0: i32) -> (i32, i32) {
    %c0_i32 = arith.constant 0 : i32
    %c0_i32_0 = arith.constant 0 : i32
    return %arg0, %c0_i32 : i32, i32
  }
  func.func @transform_5(%arg0: i32) -> (i32, i32) {
    %c0_i32 = arith.constant 0 : i32
    %c0_i32_0 = arith.constant 0 : i32
    return %arg0, %c0_i32 : i32, i32
  }
}

module attributes {stable_mosaic.version = 14 : i64} {
  func.func @_tc3_body(%arg0: i32, %arg1: memref<2x2000x80xf32, #tpu.memory_space<vmem>>, %arg2: memref<1x64xf32, #tpu.memory_space<vmem>>, %arg3: memref<2000x64xf32, #tpu.memory_space<vmem>>) attributes {dimension_semantics = [#tpu.dimension_semantics<arbitrary>], iteration_bounds = array<i64: 5>, scalar_prefetch = 0 : i64, scratch_operands = 0 : i64, tpu.core_type = #tpu.core_type<tc>, window_params = [{transform_indices = @transform_0, window_bounds = array<i64: 2, 2000, 80>}, {pipeline_mode = #tpu.pipeline_mode<synchronous>, transform_indices = @transform_1, window_bounds = array<i64: 1, 64>}, {transform_indices = @transform_2, window_bounds = array<i64: 2000, 64>}]} {
    %get3A = arith.constant 0 : index
    %get3A_0 = arith.constant 0 : index
    %get3A_1 = arith.constant 0 : index
    %get3A_2 = vector.load %arg1[%get3A, %get3A_0, %get3A_1] : memref<2x2000x80xf32, #tpu.memory_space<vmem>>, vector<1x2000x80xf32>
    %get3A_3 = vector.shape_cast %get3A_2 : vector<1x2000x80xf32> to vector<2000x80xf32>
    %get3A_4 = arith.constant 1 : index
    %get3A_5 = arith.constant 0 : index
    %get3A_6 = arith.constant 0 : index
    %get3A_7 = vector.load %arg1[%get3A_4, %get3A_5, %get3A_6] : memref<2x2000x80xf32, #tpu.memory_space<vmem>>, vector<1x2000x80xf32>
    %get3A_8 = vector.shape_cast %get3A_7 : vector<1x2000x80xf32> to vector<2000x80xf32>
    %add3A = arith.addf %get3A_3, %get3A_8 : vector<2000x80xf32>
    %slice3A = vector.extract_strided_slice %add3A {offsets = [0, 64], sizes = [2000, 1], strides = [1, 1]} : vector<2000x80xf32> to vector<2000x1xf32>
    %slice3A_9 = vector.extract_strided_slice %add3A {offsets = [0, 0], sizes = [2000, 64], strides = [1, 1]} : vector<2000x80xf32> to vector<2000x64xf32>
    %add3A_10 = arith.constant 1.000000e-16 : f32
    %add3A_11 = vector.broadcast %add3A_10 : f32 to vector<2000x1xf32>
    %add3A_12 = arith.addf %slice3A, %add3A_11 : vector<2000x1xf32>
    %div3A = vector.broadcast %add3A_12 : vector<2000x1xf32> to vector<2000x64xf32>
    %div3A_13 = arith.divf %slice3A_9, %div3A : vector<2000x64xf32>
    %get3A_14 = arith.constant 0 : index
    %get3A_15 = arith.constant 0 : index
    %get3A_16 = vector.load %arg2[%get3A_14, %get3A_15] : memref<1x64xf32, #tpu.memory_space<vmem>>, vector<1x64xf32>
    %add3A_17 = vector.broadcast %get3A_16 : vector<1x64xf32> to vector<2000x64xf32>
    %add3A_18 = arith.addf %div3A_13, %add3A_17 : vector<2000x64xf32>
    %swap3A = arith.constant 0 : index
    %swap3A_19 = arith.constant 0 : index
    %swap3A_20 = vector.load %arg3[%swap3A, %swap3A_19] : memref<2000x64xf32, #tpu.memory_space<vmem>>, vector<2000x64xf32>
    tpu.vector_store %arg3[%swap3A, %swap3A_19], %add3A_18 {strides = array<i32>} : memref<2000x64xf32, #tpu.memory_space<vmem>>, vector<2000x64xf32>,
    return
  }
  func.func @transform_0(%arg0: i32) -> (i32, i32, i32) {
    %c0_i32 = arith.constant 0 : i32
    %c0_i32_0 = arith.constant 0 : i32
    %c0_i32_1 = arith.constant 0 : i32
    return %c0_i32, %arg0, %c0_i32_0 : i32, i32, i32
  }
  func.func @transform_1(%arg0: i32) -> (i32, i32) {
    %c0_i32 = arith.constant 0 : i32
    %c0_i32_0 = arith.constant 0 : i32
    %c0_i32_1 = arith.constant 0 : i32
    return %c0_i32, %c0_i32_0 : i32, i32
  }
  func.func @transform_2(%arg0: i32) -> (i32, i32) {
    %c0_i32 = arith.constant 0 : i32
    %c0_i32_0 = arith.constant 0 : i32
    return %arg0, %c0_i32 : i32, i32
  }
}

</mosaic_0001>

<sc_bundles>
// kernel: kernel.10.cloned.1.call-start
scs
__scs_entry_jumppad:
0x0: {  	(pc) =	sbr.rel $0x88, $3  }
0x1: {  	(tag) =	ssettag $0x0;
	lr =	simm.s32 $0x1  }
0x2: {  	[smem:$0x3F97] =	sst lr;
	_ =	strace $0xD0000000  }
0x3: {  	_ = 	snop  }
0x4: {  	_ = 	snop  }
0x5: {  	_ = 	snop  }
0x6: {  	_ = 	snop  }
0x7: {  	_ = 	snop  }
__scs_overlays_trampoline_lowered:
0x8: {  	[smem:$0x3FA6] =	sst s0  }
0x9: {  	[smem:$0x3FA7] =	sst s1  }
0xa: {  	[smem:$0x3FA8] =	sst s2  }
0xb: {  	[smem:$0x3FA9] =	sst s3  }
0xc: {  	[smem:$0x3FAA] =	sst s4  }
0xd: {  	[smem:$0x3FAB] =	sst s5  }
0xe: {  	[smem:$0x3FAC] =	sst s6  }
0xf: {  	[smem:$0x3FAD] =	sst s7  }
0x10: {  	[smem:$0x3FAE] =	sst s8  }
0x11: {  	[smem:$0x3FAF] =	sst s9;
	s0 =	simm.s32 @!p0 $0x0  }
0x12: {  	s1 =	sld [smem:$0x3F95];
	s0 =	simm.s32 @p0 $0x1  }
0x13: {  	[smem:$0x3FB0] =	sst s0;
	s0 =	simm.s32 @!p1 $0x0  }
0x14: {  	s2 =	sld [smem:$0x3F94];
	s0 =	simm.s32 @p1 $0x1  }
0x15: {  	[smem:$0x3FB1] =	sst s0;
	s0 =	simm.s32 @!p2 $0x0  }
0x16: {  	s3 =	sld [smem:$0x3FDB];
	s0 =	simm.s32 @p2 $0x1  }
0x17: {  	s4 =	simm.s32 $0x1BF5;
	[smem:$0x3FB3] =	sst s0  }
0x18: {  	s0 =	sld [smem:$0x3F96];
	_ =	swait.ge [sflag:s4], $0x0  }
0x19: {  	s7 =	sld [smem:$0x3F97]  }
0x1a: {  	s8 =	sadd.s32 $0xFFFFE003, lr  }
0x1b: {  	s9 =	sadd.s32 $0xFFFFFEF7, lr;
	s5 =	simm.s32 $0xFFFFFFFF;
	p2 =	slt.u32 s8, $0xFFFFF086  }
0x1c: {  	p1 =	slt.u32 s9, $0xF7A;
	s5 =	simm.s32 @!p2 $0x0  }
0x1d: {  	s5 =	simm.s32 @p1 $0x1;
	p0 =	seq.s32 s7, s2  }
0x1e: {  	s7 =	smul.u32 @!p0 $0xF7A, s2;
	p2 =	seq.s32 @!p0 s5, $0x0  }
0x1f: {  	s9 =	smul.u32 $0xF7A, s1;
	s8 =	simm.s32 @!p0 $0x1BF5;
	p2 =	por !p2, p0  }
0x20: {  	[sflag:s8] =	ssyncset.s32 @!p0 $0xFFFFF086;
	s6 =	sadd.s32 @!p0 s3, s7;
	s7 =	simm.s32 @!p0 $0x108  }
0x21: {  	s3 =	sadd.s32 s3, s9;
	s6 =	sadd.s32 @!p0 $0x88, s6;
	s7 =	simm.s32 @p2 $0x1082  }
0x22: {  	[simem:s7], [sflag:s8] =	dma.local @!p0 [hbm:s6], $0xF7A  }
0x23: {  	s9 =	sor.u32 $0xD0000000, s2;
	s6 =	simm.s32 $0x108;
	_ =	swait.ge @!p0 [sflag:s8], $0x0  }
0x24: {  	s3 =	sadd.s32 $0x88, s3;
	s6 =	simm.s32 @!p1 $0x1082;
	[sflag:s4] =	ssyncset.s32 $0xFFFFF086  }
0x25: {  	[simem:s6], [sflag:s4] =	dma.local [hbm:s3], $0xF7A  }
0x26: {  	[smem:$0x3F97] =	sst s1;
	(tag) =	ssettag s2;
	_ =	strace s9  }
0x27: {  	s1 =	sld [smem:$0x3FA7]  }
0x28: {  	s2 =	sld [smem:$0x3FA8]  }
0x29: {  	s4 =	sld [smem:$0x3FAA]  }
0x2a: {  	p0 =	seq.s32 s5, $0x0;
	s5 =	sld [smem:$0x3FAB]  }
0x2b: {  	s6 =	sld [smem:$0x3FAC]  }
0x2c: {  	s7 =	sld [smem:$0x3FAD]  }
0x2d: {  	s3 =	simm.s32 $0x108;
	s8 =	sld [smem:$0x3FAE]  }
0x2e: {  	s3 =	simm.s32 @!p0 $0x1082;
	s9 =	sld [smem:$0x3FAF]  }
0x2f: {  	lr =	sadd.s32 s0, s3;
	s0 =	sld [smem:$0x3FA6]  }
0x30: {  	s3 =	sld [smem:$0x3FA9]  }
0x31: {  	[smem:$0x3FB2] =	sst s10  }
0x32: {  	s10 =	sld [smem:$0x3FB0];
	_ =	sdelay $0x3  }
0x33: {  	p0 =	seq.s32 s10, $0x1;
	s10 =	sld [smem:$0x3FB2];
	_ =	sdelay $0x3  }
0x34: {  	[smem:$0x3FB2] =	sst s10  }
0x35: {  	s10 =	sld [smem:$0x3FB1];
	_ =	sdelay $0x3  }
0x36: {  	p1 =	seq.s32 s10, $0x1;
	s10 =	sld [smem:$0x3FB2];
	_ =	sdelay $0x3  }
0x37: {  	[smem:$0x3FB2] =	sst s10  }
0x38: {  	s10 =	sld [smem:$0x3FB3]  }
0x39: {  	_ = 	snop;
	(pc) =	sbr.ind lr, $3  }
0x3a: {  	_ = 	snop  }
0x3b: {  	_ = 	snop  }
0x3c: {  	p2 =	seq.s32 s10, $0x1;
	s10 =	sld [smem:$0x3FB2]  }
0x3d: {  	_ =	shalt  }
0x3e: {  	_ =	shalt  }
0x3f: {  	_ =	shalt  }
0x40: {  	_ =	shalt  }
0x41: {  	_ =	shalt  }
0x42: {  	_ =	shalt  }
0x43: {  	_ =	shalt  }
0x44: {  	_ =	shalt  }
0x45: {  	_ =	shalt  }
0x46: {  	_ =	shalt  }
0x47: {  	_ =	shalt  }
0x48: {  	_ =	shalt  }
0x49: {  	_ =	shalt  }
0x4a: {  	_ =	shalt  }
0x4b: {  	_ =	shalt  }
0x4c: {  	_ =	shalt  }
0x4d: {  	_ =	shalt  }
0x4e: {  	_ =	shalt  }
0x4f: {  	_ =	shalt  }
0x50: {  	_ =	shalt  }
0x51: {  	_ =	shalt  }
0x52: {  	_ =	shalt  }
0x53: {  	_ =	shalt  }
0x54: {  	_ =	shalt  }
0x55: {  	_ =	shalt  }
0x56: {  	_ =	shalt  }
0x57: {  	_ =	shalt  }
0x58: {  	_ =	shalt  }
0x59: {  	_ =	shalt  }
0x5a: {  	_ =	shalt  }
0x5b: {  	_ =	shalt  }
0x5c: {  	_ =	shalt  }
0x5d: {  	_ =	shalt  }
0x5e: {  	_ =	shalt  }
0x5f: {  	_ =	shalt  }
0x60: {  	_ =	shalt  }
0x61: {  	_ =	shalt  }
0x62: {  	_ =	shalt  }
0x63: {  	_ =	shalt  }
0x64: {  	_ =	shalt  }
0x65: {  	_ =	shalt  }
0x66: {  	_ =	shalt  }
0x67: {  	_ =	shalt  }
0x68: {  	_ =	shalt  }
0x69: {  	_ =	shalt  }
0x6a: {  	_ =	shalt  }
0x6b: {  	_ =	shalt  }
0x6c: {  	_ =	shalt  }
0x6d: {  	_ =	shalt  }
0x6e: {  	_ =	shalt  }
0x6f: {  	_ =	shalt  }
0x70: {  	_ =	shalt  }
0x71: {  	_ =	shalt  }
0x72: {  	_ =	shalt  }
0x73: {  	_ =	shalt  }
0x74: {  	_ =	shalt  }
0x75: {  	_ =	shalt  }
0x76: {  	_ =	shalt  }
0x77: {  	_ =	shalt  }
0x78: {  	_ =	shalt  }
0x79: {  	_ =	shalt  }
0x7a: {  	_ =	shalt  }
0x7b: {  	_ =	shalt  }
0x7c: {  	_ =	shalt  }
0x7d: {  	_ =	shalt  }
0x7e: {  	_ =	shalt  }
0x7f: {  	_ =	shalt  }
0x80: {  	_ =	shalt  }
0x81: {  	_ =	shalt  }
0x82: {  	_ =	shalt  }
0x83: {  	_ =	shalt  }
0x84: {  	_ =	shalt  }
0x85: {  	_ =	shalt  }
0x86: {  	_ =	shalt  }
0x87: {  	_ =	shalt  }
.Lfunc_end0:
.L_simem_size_0:
called_computation.1_lowered:
.L_overlay_start_0:
0x88: {  	s2 =	sld [smem:$0x3FD9]  }
0x89: {  	s3 =	sld [smem:$0x3FFE];
	_ =	sdelay $0x1  }
0x8a: {  	s1 =	srdreg.scid  }
0x8b: {  	s0 =	sand.u32 $0x1, s1  }
0x8c: {  	s17 =	sshll.u32 s0, $0xA;
	s2 =	sadd.s32 s3, s2  }
0x8d: {  	s2 =	sadd.s32 s2, s17  }
0x8e: {  	[smem:$0x3FBE] =	sst s2  }
0x8f: {  	_ = 	snop  }
0x90: {  	s2 =	sld [smem:$0x3FD0];
	(tm) =	ssettm $0x1  }
0x91: {  	s18 =	sld [smem:$0x3FFB];
	_ =	sdelay $0x3  }
0x92: {  	_ =	strace s18  }
0x93: {  	s3 =	sld [smem:$0x3FFC];
	_ =	sdelay $0x3  }
0x94: {  	_ =	strace s3  }
0x95: {  	s3 =	sld [smem:$0x3FFD];
	_ =	sdelay $0x3  }
0x96: {  	_ =	strace s3  }
0x97: {  	_ =	strace $0x8FFFFFFF  }
0x98: {  	s19 =	sld [smem:$0x3FDB];
	_ =	sdelay $0x1  }
0x99: {  	s4 =	simm.s32 $_scs_section_size  }
0x9a: {  	s5 =	simm.s32 $_size__tile_overlayer_lowered;
	s6 =	simm.s32 $_tile_overlayer_lowered  }
0x9b: {  	s22 =	simm.s32 $0x1BFF;
	s21 =	sshll.u32 s6, $0x1;
	s3 =	sadd.s32 s4, s19  }
0x9c: {  	s7 =	simm.s32 $0x0;
	s20 =	sshll.u32 s5, $0x1;
	s5 =	sadd.s32 s21, s3  }
0x9d: {  	[timem:s7], [sflag:s22] =	dma.local [hbm:s5], s20  }
0x9e: {  	_ =	swait.ge [sflag:s22], s20  }
0x9f: {  	s4 =	ssub.s32 $0x0, s20;
	[sflag:s22] =	ssyncset.done $0x0  }
0xa0: {  	[sflag:s22] =	ssyncadd.s32 s4;
	_ =	sdelay $0x1  }
0xa1: {  	s23 =	simm.s32 $0x1B8B  }
0xa2: {  	_ =	swait.ge [sflag:s23], $0x1  }
0xa3: {  	[sflag:s23] =	ssyncset.done $0x0  }
0xa4: {  	s25 =	simm.s32 $0x1B8E;
	s24 =	sld [smem:$0x3FFE];
	[sflag:s23] =	ssyncadd.s32 $0xFFFFFFFF  }
0xa5: {  	s26 =	simm.s32 $execute0_lowered;
	[smem:$0x3FD2] =	sst s25  }
0xa6: {  	s5 =	sshll.u32 s26, $0x1;
	_ =	strace $0x80000049;
	[dreg:$0x1] =	wrdreg $0xFFFFFFFF  }
0xa7: {  	s28 =	simm.s32 $_size_execute0_lowered;
	s3 =	sadd.s32 s3, s5;
	[dreg:$0x0] =	wrdreg $0x0  }
0xa8: {  	s5 =	sshll.u32 s28, $0x1;
	[dreg:$0x2] =	wrdreg s3  }
0xa9: {  	[dreg:$0x3] =	wrdreg s5  }
0xaa: {  	[dreg:$0x4] =	wrdreg $0xC0  }
0xab: {  	_ =	task [dreg:s7], $0x5FFFF  }
0xac: {  	[dreg:$0x1] =	wrdreg $0xFFFFFFFF  }
0xad: {  	[dreg:$0x0] =	wrdreg $0x60  }
0xae: {  	[dreg:$0x2] =	wrdreg s24  }
0xaf: {  	[dreg:$0x3] =	wrdreg s2  }
0xb0: {  	[dreg:$0x4] =	wrdreg $0x50200  }
0xb1: {  	[dreg:$0x5] =	wrdreg $0x9  }
0xb2: {  	_ =	task.clear_ibuf [dreg:s7], $0x6FFFF;
	_ =	strace $0x90000049  }
0xb3: {  	s29 =	simm.s32 $0x9;
	_ =	strace $0x8000004B  }
0xb4: {  	_ =	swait.ge [sflag:s29], $0x1  }
0xb5: {  	[sflag:s29] =	ssyncadd.s32 $0xFFFFFFFF  }
0xb6: {  	_ =	strace $0x9000004B  }
0xb7: {  	_ =	sfence  }
0xb8: {  	s30 =	sld [smem:$0x0];
	_ =	sdelay $0x2  }
0xb9: {  	s31 =	sshll.u32 s1, $0xD;
	s1 =	sshrl.u32 s1, $0x2  }
0xba: {  	s3 =	sand.u32 $0x4000, s31;
	s1 =	sadd.s32 s1, s30  }
0xbb: {  	s0 =	sor.u32 s3, s0;
	s1 =	sshll.u32 s1, $0x11  }
0xbc: {  	s0 =	sor.u32 s1, s0  }
0xbd: {  	s0 =	sadd.s32 $0x8F2B, s0  }
0xbe: {  	[sflag:s0] =	ssyncadd.remote.s32 $0x1  }
0xbf: {  	_ =	sfence.sel $0xFFFF  }
0xc0: {  	[dreg:$0x0] =	wrdreg $0xFFFFFFFF;
	(pc) =	sbr.abs _section_cstart, $3  }
0xc1: {  	[dreg:$0x1] =	wrdreg $0xFFFFFFFF  }
0xc2: {  	_ =	task.clear_ibuf [dreg:s7], $0x2FFFF;
	_ =	strace $0x9FFFFFFF  }
0xc3: {  	(tm) =	ssettm $0x7FFFFFFF  }
tec
execute0_lowered:
.L_overlay_start_1:
0x0: {  	(tag) =	ssettag $0x1  }
0x1: {  	s8 =	rddreg [dreg:$0x0]  }
0x2: {  	s2 =	rddreg [dreg:$0x1];
	s1 =	srdreg.scid  }
0x3: {  	s0 =	stileid.u32;
	s3 =	rddreg [dreg:$0x2]  }
0x4: {  	s4 =	simm.s32 $0x0;
	s16 =	simm.s32 $0x2720;
	s17 =	simm.s32 $0x2  }
0x5: {  	s18 =	simm.s32 $0x4F20;
	s19 =	simm.s32 $0x80;
	s20 =	simm.s32 $0x1  }
0x6: {  	s21 =	simm.s32 $0x4FA0;
	s22 =	simm.s32 $0x0;
	s10 =	smul.u32 $0xC3A0, s0  }
0x7: {  	s9 =	sand.u32 $0x1, s1;
	s1 =	rddreg [dreg:$0x3];
	s12 =	smul.u32 $0x30E80, s0  }
0x8: {  	[smem:$0x7FF] =	sst s4;
	s5 =	sadd.s32 $0x1400, s8;
	s6 =	smul.u32 $0xC3A00, s9  }
0x9: {  	_ =	strace $0x8000004A;
	s30 =	ssub.s32 $0x2, s9;
	s9 =	sshll.u32 s9, $0x4  }
0xa: {  	s31 =	sshrl.u32 s30, $0x1;
	s12 =	sshrl.u32 s12, $0x2;
	s13 =	sor.u32 s0, s9  }
0xb: {  	s7 =	sadd.s32 s10, s6;
	s6 =	sadd.s32 $0x19C00, s8;
	s15 =	ssub.s32 s30, s31  }
0xc: {  	v0 =	vlaneseq.u32;
	s12 =	sadd.s32 s12, s3;
	s13 =	smul.u32 $0x2880, s13;
	s11 =	sshrl.u32 s7, $0x3  }
0xd: {  	v1 =	vmul.u32 $0x50, v0;
	s7 =	sadd.s32 $0x2E000, s8;
	s9 =	sadd.s32 $0x2800, s12;
	s15 =	smax.u32 s15, $0x1  }
0xe: {  	vm0 =	vcmask $0x300;
	v0 =	vimm.f32 $0.0e+00;
	s14 =	sadd.s32 s11, s8;
	s8 =	sadd.s32 s10, s3;
	s10 =	sadd.s32 $0x5000, s12  }
0xf: {  	v2 =	vsel vm0, $0x3F800000, v0;
	v1 =	vadd.s32 $0x41, v1;
	s11 =	sadd.s32 $0x7800, s12;
	s12 =	sadd.s32 $0xA000, s12;
	s14 =	sadd.s32 $0x38200, s14  }
.LBB2_1:
0x10: {  	s24 =	simm.s32 $0x140;
	s23 =	simm.s32 $0x0  }
.LBB2_2:
0x11: {  	p0 =	sne.s32 s24, $0x9EC0;
	[tilespmem:s23+$0x2760] =	vst v0;
	s25 =	smov.u32 s24;
	s24 =	sadd.s32 $0x140, s24  }
.Ltmp0:
0x12: {  	[tilespmem:s23+$0x2750] =	vst v0;
	(pc) =	sbr.rel @p0 .LBB2_2-.Ltmp0, $4  }
0x13: {  	[tilespmem:s23+$0x2740] =	vst v0  }
0x14: {  	[tilespmem:s23+$0x2720] =	vst v0  }
0x15: {  	[tilespmem:s23+$0x2730] =	vst v0  }
0x16: {  	s23 =	sshra.s32 s25, $0x2  }
0x17: {  	[tilespmem:s23+$0x2760] =	vst v0  }
0x18: {  	[tilespmem:s23+$0x2750] =	vst v0  }
0x19: {  	[tilespmem:s23+$0x2740] =	vst v0  }
0x1a: {  	[tilespmem:s23+$0x2720] =	vst v0  }
0x1b: {  	[tilespmem:s23+$0x2730] =	vst v0  }
0x1c: {  	[spmem:s8] =	stream.linear.scatter [tilespmem:s16], [sflag:$0x2], $0x2800, $0x38;
	[tilespmem:$0x113C0] =	vst v63  }
0x1d: {  	_ =	swait.ge [sflag:s17], $0x2800  }
0x1e: {  	[sflag:s17] =	ssyncset.done $0x0  }
0x1f: {  	[sflag:s17] =	ssyncadd.s32 $0xFFFFD800  }
0x20: {  	[spmem:s9] =	stream.linear.scatter [tilespmem:s16], [sflag:$0x2], $0x2800, $0x38;
	[tilespmem:$0x113C0] =	vst v63  }
0x21: {  	_ =	swait.ge [sflag:s17], $0x2800  }
0x22: {  	[sflag:s17] =	ssyncset.done $0x0  }
0x23: {  	[sflag:s17] =	ssyncadd.s32 $0xFFFFD800  }
0x24: {  	[spmem:s10] =	stream.linear.scatter [tilespmem:s16], [sflag:$0x2], $0x2800, $0x38;
	[tilespmem:$0x113C0] =	vst v63  }
0x25: {  	_ =	swait.ge [sflag:s17], $0x2800  }
0x26: {  	[sflag:s17] =	ssyncset.done $0x0  }
0x27: {  	[sflag:s17] =	ssyncadd.s32 $0xFFFFD800  }
0x28: {  	[spmem:s11] =	stream.linear.scatter [tilespmem:s16], [sflag:$0x2], $0x2800, $0x38;
	[tilespmem:$0x113C0] =	vst v63  }
0x29: {  	_ =	swait.ge [sflag:s17], $0x2800  }
0x2a: {  	[sflag:s17] =	ssyncset.done $0x0  }
0x2b: {  	[sflag:s17] =	ssyncadd.s32 $0xFFFFD800  }
0x2c: {  	[spmem:s12] =	stream.linear.scatter [tilespmem:s16], [sflag:$0x2], $0x23A0, $0x38;
	[tilespmem:$0x113C0] =	vst v63  }
0x2d: {  	_ =	swait.ge [sflag:s17], $0x23A0  }
0x2e: {  	[sflag:s17] =	ssyncset.done $0x0  }
0x2f: {  	s23 =	simm.s32 $0x0;
	[sflag:s17] =	ssyncadd.s32 $0xFFFFDC60  }
0x30: {  	[tilespmem:s23], [sflag:$0x2] =	stream.linear.gather [hbm4b:s6+s23], $0x2720, $0x38;
	[tilespmem:$0x113C0] =	vst v63  }
0x31: {  	_ =	swait.ge [sflag:s17], $0x2720  }
0x32: {  	[sflag:s17] =	ssyncset.done $0x0  }
0x33: {  	[sflag:s17] =	ssyncadd.s32 $0xFFFFD8E0  }
0x34: {  	s24 =	simm.s32 $0x0;
	[bflag:$0x0] =	sbarrier.arrive $0xFFFF  }
.LBB2_4:
0x35: {  	s25 =	sshll.u32 s24, $0x7  }
0x36: {  	s25 =	sadd.s32 s13, s25  }
0x37: {  	s25 =	sshrl.u32 s25, $0x3  }
0x38: {  	s26 =	sadd.s32 s2, s25  }
0x39: {  	[tilespmem:s18], [sflag:$0x2] =	stream.linear.gather [hbm4b:s26+s23], $0x80, $0x38;
	[tilespmem:$0x113C0] =	vst v63  }
0x3a: {  	_ =	swait.ge [sflag:s17], $0x80  }
0x3b: {  	[sflag:s17] =	ssyncset.done $0x0  }
0x3c: {  	s31 =	sadd.s32 s7, s25;
	s25 =	simm.s32 $0x4FA0;
	[sflag:s17] =	ssyncadd.s32 $0xFFFFFF80  }
0x3d: {  	[tilespmem:s25], [sflag:$0x2] =	stream.linear.gather [hbm4b:s31+s23], $0x80, $0x38;
	[tilespmem:$0x113C0] =	vst v63  }
0x3e: {  	_ =	swait.ge [sflag:s17], $0x80  }
0x3f: {  	[sflag:s17] =	ssyncset.done $0x0  }
0x40: {  	[sflag:s17] =	ssyncadd.s32 $0xFFFFFF80  }
0x41: {  	[tilespmem:s16], [sflag:$0x1] =	stream.indirect.gather [hbm4b:s5+s19], $0x50, s18, s19, $0xb8;
	[tilespmem:$0x113C0] =	vst v63  }
0x42: {  	_ =	swait.ge [sflag:s20], $0x2800  }
0x43: {  	[sflag:s20] =	ssyncset.done $0x0  }
0x44: {  	s28 =	simm.s32 $0x0;
	s26 =	simm.s32 $0x29A0;
	[sflag:s20] =	ssyncadd.s32 $0xFFFFD800  }
.LBB2_5:
0x45: {  	v3 =	vmov s28  }
0x46: {  	v4 =	vld [tilespmem:s25+$0x0];
	v3 =	vmul.u32 $0x50, v3;
	_ =	sdelay $0x1  }
0x47: {  	v3 =	vbroadcast v3, $0x0;
	_ =	sdelay $0x1  }
0x48: {  	v3 =	vadd.s32 v1, v3;
	_ =	sdelay $0x3  }
0x49: {  	v4 =	vld.idx.msk [tilespmem:v4+s4+$0x0], $0xffff  }
0x4a: {  	v3 =	vld.idx.msk [tilespmem:v3+s16+$0x0], $0xffff;
	_ =	sdelay $0x4  }
0x4b: {  	v3 =	vadd.f32 v4, v3;
	_ =	sdelay $0x1  }
0x4c: {  	v4 =	vmul.f32 $2.000000030e-01, v3  }
0x4d: {  	vm0 =	vge.f32 v3, $0.0e+00  }
0x4e: {  	v3 =	vsel vm0, v3, v4  }
0x4f: {  	v3 =	vmul.f32 $1.442695020e+00, v3;
	_ =	sdelay $0x1  }
0x50: {  	(erf) = vpow2.f32 v3;
	_ =	sdelay $0x6  }
0x51: {  	v26 =	vld [tilespmem:s26+$0xFFFFFD80];
	_ =	sdelay $0x1  }
0x52: {  	v27 =	vld [tilespmem:s26+$0xFFFFFD90];
	v3 =	vpop (erf)  }
0x53: {  	v5 =	vbroadcast v3, $0x0  }
0x54: {  	v28 =	vld [tilespmem:s26+$0xFFFFFDA0]  }
0x55: {  	v4 =	vmul.f32 v5, v26  }
0x56: {  	v29 =	vld [tilespmem:s26+$0xFFFFFDB0]  }
0x57: {  	[tilespmem:s26+$0xFFFFFD80] =	vst v4;
	v4 =	vmul.f32 v5, v27  }
0x58: {  	v30 =	vld [tilespmem:s26+$0xFFFFFDC0]  }
0x59: {  	[tilespmem:s26+$0xFFFFFD90] =	vst v4;
	v4 =	vmul.f32 v5, v28  }
0x5a: {  	v31 =	vld [tilespmem:s26+$0xFFFFFDD0]  }
0x5b: {  	[tilespmem:s26+$0xFFFFFDA0] =	vst v4;
	v4 =	vmul.f32 v29, v5;
	v5 =	vmul.f32 v2, v5  }
0x5c: {  	v33 =	vld [tilespmem:s26+$0xFFFFFDE0]  }
0x5d: {  	v32 =	vbroadcast v3, $0x1;
	[tilespmem:s26+$0xFFFFFDB0] =	vst v4;
	v4 =	vmul.f32 v30, v5  }
0x5e: {  	v34 =	vld [tilespmem:s26+$0xFFFFFDF0]  }
0x5f: {  	[tilespmem:s26+$0xFFFFFDC0] =	vst v4;
	v4 =	vmul.f32 v31, v32  }
0x60: {  	v35 =	vld [tilespmem:s26+$0xFFFFFE00]  }
0x61: {  	[tilespmem:s26+$0xFFFFFDD0] =	vst v4;
	v4 =	vmul.f32 v33, v32  }
0x62: {  	v36 =	vld [tilespmem:s26+$0xFFFFFE10]  }
0x63: {  	[tilespmem:s26+$0xFFFFFDE0] =	vst v4;
	v4 =	vmul.f32 v34, v32  }
0x64: {  	v37 =	vld [tilespmem:s26+$0xFFFFFE20]  }
0x65: {  	v5 =	vmul.f32 v2, v32;
	[tilespmem:s26+$0xFFFFFDF0] =	vst v4;
	v4 =	vmul.f32 v35, v32  }
0x66: {  	v39 =	vld [tilespmem:s26+$0xFFFFFE30]  }
0x67: {  	v38 =	vbroadcast v3, $0x2;
	[tilespmem:s26+$0xFFFFFE00] =	vst v4;
	v4 =	vmul.f32 v36, v5  }
0x68: {  	v40 =	vld [tilespmem:s26+$0xFFFFFE40]  }
0x69: {  	[tilespmem:s26+$0xFFFFFE10] =	vst v4;
	v4 =	vmul.f32 v37, v38  }
0x6a: {  	v41 =	vld [tilespmem:s26+$0xFFFFFE50]  }
0x6b: {  	[tilespmem:s26+$0xFFFFFE20] =	vst v4;
	v4 =	vmul.f32 v39, v38  }
0x6c: {  	v42 =	vld [tilespmem:s26+$0xFFFFFE60]  }
0x6d: {  	[tilespmem:s26+$0xFFFFFE30] =	vst v4;
	v4 =	vmul.f32 v40, v38  }
0x6e: {  	v43 =	vld [tilespmem:s26+$0xFFFFFE70]  }
0x6f: {  	v5 =	vmul.f32 v2, v38;
	[tilespmem:s26+$0xFFFFFE40] =	vst v4;
	v4 =	vmul.f32 v41, v38  }
0x70: {  	v45 =	vld [tilespmem:s26+$0xFFFFFE80]  }
0x71: {  	v44 =	vbroadcast v3, $0x3;
	[tilespmem:s26+$0xFFFFFE50] =	vst v4;
	v4 =	vmul.f32 v42, v5  }
0x72: {  	v46 =	vld [tilespmem:s26+$0xFFFFFE90]  }
0x73: {  	[tilespmem:s26+$0xFFFFFE60] =	vst v4;
	v4 =	vmul.f32 v43, v44  }
0x74: {  	v47 =	vld [tilespmem:s26+$0xFFFFFEA0]  }
0x75: {  	[tilespmem:s26+$0xFFFFFE70] =	vst v4;
	v4 =	vmul.f32 v45, v44  }
0x76: {  	v48 =	vld [tilespmem:s26+$0xFFFFFEB0]  }
0x77: {  	[tilespmem:s26+$0xFFFFFE80] =	vst v4;
	v4 =	vmul.f32 v46, v44  }
0x78: {  	v49 =	vld [tilespmem:s26+$0xFFFFFEC0]  }
0x79: {  	v5 =	vmul.f32 v2, v44;
	[tilespmem:s26+$0xFFFFFE90] =	vst v4;
	v4 =	vmul.f32 v47, v44  }
0x7a: {  	v51 =	vld [tilespmem:s26+$0xFFFFFED0]  }
0x7b: {  	v50 =	vbroadcast v3, $0x4;
	[tilespmem:s26+$0xFFFFFEA0] =	vst v4;
	v4 =	vmul.f32 v48, v5  }
0x7c: {  	v52 =	vld [tilespmem:s26+$0xFFFFFEE0]  }
0x7d: {  	[tilespmem:s26+$0xFFFFFEB0] =	vst v4;
	v4 =	vmul.f32 v49, v50  }
0x7e: {  	v53 =	vld [tilespmem:s26+$0xFFFFFEF0]  }
0x7f: {  	[tilespmem:s26+$0xFFFFFEC0] =	vst v4;
	v4 =	vmul.f32 v51, v50  }
0x80: {  	v54 =	vld [tilespmem:s26+$0xFFFFFF00]  }
0x81: {  	[tilespmem:s26+$0xFFFFFED0] =	vst v4;
	v4 =	vmul.f32 v52, v50  }
0x82: {  	v55 =	vld [tilespmem:s26+$0xFFFFFF10]  }
0x83: {  	v5 =	vmul.f32 v2, v50;
	[tilespmem:s26+$0xFFFFFEE0] =	vst v4;
	v4 =	vmul.f32 v53, v50  }
0x84: {  	v57 =	vld [tilespmem:s26+$0xFFFFFF20]  }
0x85: {  	v56 =	vbroadcast v3, $0x5;
	[tilespmem:s26+$0xFFFFFEF0] =	vst v4;
	v4 =	vmul.f32 v54, v5  }
0x86: {  	v58 =	vld [tilespmem:s26+$0xFFFFFF30]  }
0x87: {  	[tilespmem:s26+$0xFFFFFF00] =	vst v4;
	v4 =	vmul.f32 v55, v56  }
0x88: {  	v59 =	vld [tilespmem:s26+$0xFFFFFF40]  }
0x89: {  	[tilespmem:s26+$0xFFFFFF10] =	vst v4;
	v4 =	vmul.f32 v57, v56  }
0x8a: {  	v60 =	vld [tilespmem:s26+$0xFFFFFF50]  }
0x8b: {  	[tilespmem:s26+$0xFFFFFF20] =	vst v4;
	v4 =	vmul.f32 v58, v56  }
0x8c: {  	v61 =	vld [tilespmem:s26+$0xFFFFFF60]  }
0x8d: {  	v5 =	vmul.f32 v2, v56;
	[tilespmem:s26+$0xFFFFFF30] =	vst v4;
	v4 =	vmul.f32 v59, v56  }
0x8e: {  	v63 =	vld [tilespmem:s26+$0xFFFFFF70]  }
0x8f: {  	v62 =	vbroadcast v3, $0x6;
	[tilespmem:s26+$0xFFFFFF40] =	vst v4;
	v4 =	vmul.f32 v60, v5  }
0x90: {  	v8 =	vld [tilespmem:s26+$0xFFFFFF80]  }
0x91: {  	[tilespmem:s26+$0xFFFFFF50] =	vst v4;
	v4 =	vmul.f32 v61, v62  }
0x92: {  	v9 =	vld [tilespmem:s26+$0xFFFFFF90]  }
0x93: {  	[tilespmem:s26+$0xFFFFFF60] =	vst v4;
	v4 =	vmul.f32 v63, v62  }
0x94: {  	v10 =	vld [tilespmem:s26+$0xFFFFFFA0]  }
0x95: {  	[tilespmem:s26+$0xFFFFFF70] =	vst v4;
	v4 =	vmul.f32 v8, v62  }
0x96: {  	v11 =	vld [tilespmem:s26+$0xFFFFFFB0]  }
0x97: {  	v5 =	vmul.f32 v2, v62;
	[tilespmem:s26+$0xFFFFFF80] =	vst v4;
	v4 =	vmul.f32 v9, v62  }
0x98: {  	v13 =	vld [tilespmem:s26+$0xFFFFFFC0]  }
0x99: {  	v12 =	vbroadcast v3, $0x7;
	[tilespmem:s26+$0xFFFFFF90] =	vst v4;
	v4 =	vmul.f32 v10, v5  }
0x9a: {  	v14 =	vld [tilespmem:s26+$0xFFFFFFD0]  }
0x9b: {  	[tilespmem:s26+$0xFFFFFFA0] =	vst v4;
	v4 =	vmul.f32 v11, v12  }
0x9c: {  	v15 =	vld [tilespmem:s26+$0xFFFFFFE0]  }
0x9d: {  	[tilespmem:s26+$0xFFFFFFB0] =	vst v4;
	v4 =	vmul.f32 v13, v12  }
0x9e: {  	v16 =	vld [tilespmem:s26+$0xFFFFFFF0]  }
0x9f: {  	[tilespmem:s26+$0xFFFFFFC0] =	vst v4;
	v4 =	vmul.f32 v14, v12  }
0xa0: {  	v17 =	vld [tilespmem:s26+$0x0]  }
0xa1: {  	v5 =	vmul.f32 v2, v12;
	[tilespmem:s26+$0xFFFFFFD0] =	vst v4;
	v4 =	vmul.f32 v15, v12  }
0xa2: {  	v19 =	vld [tilespmem:s26+$0x10]  }
0xa3: {  	v18 =	vbroadcast v3, $0x8;
	[tilespmem:s26+$0xFFFFFFE0] =	vst v4;
	v4 =	vmul.f32 v16, v5  }
0xa4: {  	v20 =	vld [tilespmem:s26+$0x20]  }
0xa5: {  	[tilespmem:s26+$0xFFFFFFF0] =	vst v4;
	v4 =	vmul.f32 v17, v18  }
0xa6: {  	v21 =	vld [tilespmem:s26+$0x30]  }
0xa7: {  	[tilespmem:s26+$0x0] =	vst v4;
	v4 =	vmul.f32 v19, v18  }
0xa8: {  	v22 =	vld [tilespmem:s26+$0x40]  }
0xa9: {  	[tilespmem:s26+$0x10] =	vst v4;
	v4 =	vmul.f32 v20, v18  }
0xaa: {  	v23 =	vld [tilespmem:s26+$0x50]  }
0xab: {  	v5 =	vmul.f32 v2, v18;
	[tilespmem:s26+$0x20] =	vst v4;
	v4 =	vmul.f32 v21, v18  }
0xac: {  	v25 =	vld [tilespmem:s26+$0x60]  }
0xad: {  	v24 =	vbroadcast v3, $0x9;
	[tilespmem:s26+$0x30] =	vst v4;
	v4 =	vmul.f32 v22, v5  }
0xae: {  	v26 =	vld [tilespmem:s26+$0x70]  }
0xaf: {  	[tilespmem:s26+$0x40] =	vst v4;
	v4 =	vmul.f32 v23, v24  }
0xb0: {  	v27 =	vld [tilespmem:s26+$0x80]  }
0xb1: {  	[tilespmem:s26+$0x50] =	vst v4;
	v4 =	vmul.f32 v25, v24  }
0xb2: {  	v28 =	vld [tilespmem:s26+$0x90]  }
0xb3: {  	[tilespmem:s26+$0x60] =	vst v4;
	v4 =	vmul.f32 v26, v24  }
0xb4: {  	v29 =	vld [tilespmem:s26+$0xA0]  }
0xb5: {  	v5 =	vmul.f32 v2, v24;
	[tilespmem:s26+$0x70] =	vst v4;
	v4 =	vmul.f32 v27, v24  }
0xb6: {  	v31 =	vld [tilespmem:s26+$0xB0]  }
0xb7: {  	v30 =	vbroadcast v3, $0xA;
	[tilespmem:s26+$0x80] =	vst v4;
	v4 =	vmul.f32 v28, v5  }
0xb8: {  	v32 =	vld [tilespmem:s26+$0xC0]  }
0xb9: {  	[tilespmem:s26+$0x90] =	vst v4;
	v4 =	vmul.f32 v29, v30  }
0xba: {  	v33 =	vld [tilespmem:s26+$0xD0]  }
0xbb: {  	[tilespmem:s26+$0xA0] =	vst v4;
	v4 =	vmul.f32 v31, v30  }
0xbc: {  	v34 =	vld [tilespmem:s26+$0xE0]  }
0xbd: {  	[tilespmem:s26+$0xB0] =	vst v4;
	v4 =	vmul.f32 v32, v30  }
0xbe: {  	v35 =	vld [tilespmem:s26+$0xF0]  }
0xbf: {  	v5 =	vmul.f32 v2, v30;
	[tilespmem:s26+$0xC0] =	vst v4;
	v4 =	vmul.f32 v33, v30  }
0xc0: {  	v37 =	vld [tilespmem:s26+$0x100]  }
0xc1: {  	v36 =	vbroadcast v3, $0xB;
	[tilespmem:s26+$0xD0] =	vst v4;
	v4 =	vmul.f32 v34, v5  }
0xc2: {  	v38 =	vld [tilespmem:s26+$0x110]  }
0xc3: {  	[tilespmem:s26+$0xE0] =	vst v4;
	v4 =	vmul.f32 v35, v36  }
0xc4: {  	v39 =	vld [tilespmem:s26+$0x120]  }
0xc5: {  	[tilespmem:s26+$0xF0] =	vst v4;
	v4 =	vmul.f32 v37, v36  }
0xc6: {  	v40 =	vld [tilespmem:s26+$0x130]  }
0xc7: {  	[tilespmem:s26+$0x100] =	vst v4;
	v4 =	vmul.f32 v38, v36  }
0xc8: {  	v41 =	vld [tilespmem:s26+$0x140]  }
0xc9: {  	v5 =	vmul.f32 v2, v36;
	[tilespmem:s26+$0x110] =	vst v4;
	v4 =	vmul.f32 v39, v36  }
0xca: {  	v43 =	vld [tilespmem:s26+$0x150]  }
0xcb: {  	v42 =	vbroadcast v3, $0xC;
	[tilespmem:s26+$0x120] =	vst v4;
	v4 =	vmul.f32 v40, v5  }
0xcc: {  	v44 =	vld [tilespmem:s26+$0x160]  }
0xcd: {  	[tilespmem:s26+$0x130] =	vst v4;
	v4 =	vmul.f32 v41, v42  }
0xce: {  	v45 =	vld [tilespmem:s26+$0x170]  }
0xcf: {  	[tilespmem:s26+$0x140] =	vst v4;
	v4 =	vmul.f32 v43, v42  }
0xd0: {  	v46 =	vld [tilespmem:s26+$0x180]  }
0xd1: {  	[tilespmem:s26+$0x150] =	vst v4;
	v4 =	vmul.f32 v44, v42  }
0xd2: {  	v47 =	vld [tilespmem:s26+$0x190]  }
0xd3: {  	v5 =	vmul.f32 v2, v42;
	[tilespmem:s26+$0x160] =	vst v4;
	v4 =	vmul.f32 v45, v42  }
0xd4: {  	v49 =	vld [tilespmem:s26+$0x1A0]  }
0xd5: {  	v48 =	vbroadcast v3, $0xD;
	[tilespmem:s26+$0x170] =	vst v4;
	v4 =	vmul.f32 v46, v5  }
0xd6: {  	v50 =	vld [tilespmem:s26+$0x1B0]  }
0xd7: {  	[tilespmem:s26+$0x180] =	vst v4;
	v4 =	vmul.f32 v47, v48  }
0xd8: {  	v51 =	vld [tilespmem:s26+$0x1C0]  }
0xd9: {  	[tilespmem:s26+$0x190] =	vst v4;
	v4 =	vmul.f32 v49, v48  }
0xda: {  	v52 =	vld [tilespmem:s26+$0x1D0]  }
0xdb: {  	[tilespmem:s26+$0x1A0] =	vst v4;
	v4 =	vmul.f32 v50, v48  }
0xdc: {  	v53 =	vld [tilespmem:s26+$0x1E0]  }
0xdd: {  	v5 =	vmul.f32 v2, v48;
	[tilespmem:s26+$0x1B0] =	vst v4;
	v4 =	vmul.f32 v51, v48  }
0xde: {  	v55 =	vld [tilespmem:s26+$0x1F0]  }
0xdf: {  	v54 =	vbroadcast v3, $0xE;
	[tilespmem:s26+$0x1C0] =	vst v4;
	v4 =	vmul.f32 v52, v5  }
0xe0: {  	v56 =	vld [tilespmem:s26+$0x200]  }
0xe1: {  	[tilespmem:s26+$0x1D0] =	vst v4;
	v4 =	vmul.f32 v53, v54  }
0xe2: {  	v57 =	vld [tilespmem:s26+$0x210]  }
0xe3: {  	[tilespmem:s26+$0x1E0] =	vst v4;
	v4 =	vmul.f32 v55, v54  }
0xe4: {  	v58 =	vld [tilespmem:s26+$0x220]  }
0xe5: {  	[tilespmem:s26+$0x1F0] =	vst v4;
	v4 =	vmul.f32 v56, v54  }
0xe6: {  	v59 =	vld [tilespmem:s26+$0x230]  }
0xe7: {  	v5 =	vmul.f32 v2, v54;
	[tilespmem:s26+$0x200] =	vst v4;
	v4 =	vmul.f32 v57, v54  }
0xe8: {  	v60 =	vld [tilespmem:s26+$0x240]  }
0xe9: {  	v3 =	vbroadcast v3, $0xF;
	[tilespmem:s26+$0x210] =	vst v4;
	v4 =	vmul.f32 v58, v5  }
0xea: {  	v61 =	vld [tilespmem:s26+$0x250]  }
0xeb: {  	[tilespmem:s26+$0x220] =	vst v4;
	v4 =	vmul.f32 v59, v3  }
0xec: {  	v62 =	vld [tilespmem:s26+$0x260]  }
0xed: {  	[tilespmem:s26+$0x230] =	vst v4;
	v4 =	vmul.f32 v60, v3  }
0xee: {  	v63 =	vld [tilespmem:s26+$0x270]  }
0xef: {  	[tilespmem:s26+$0x240] =	vst v4;
	v4 =	vmul.f32 v61, v3  }
0xf0: {  	p0 =	sne.s32 s28, $0x70  }
.Ltmp1:
0xf1: {  	[tilespmem:s26+$0x250] =	vst v4;
	v4 =	vmul.f32 v62, v3;
	v3 =	vmul.f32 v2, v3;
	(pc) =	sbr.rel @p0 .LBB2_5-.Ltmp1, $4  }
0xf2: {  	_ = 	snop  }
0xf3: {  	v3 =	vmul.f32 v63, v3  }
0xf4: {  	[tilespmem:s26+$0x260] =	vst v4  }
0xf5: {  	s25 =	sadd.s32 $0x10, s25;
	s28 =	sadd.s32 $0x10, s28;
	[tilespmem:s26+$0x270] =	vst v3;
	s26 =	sadd.s32 $0x500, s26  }
0xf6: {  	s24 =	sadd.s32 $0x1, s24  }
0xf7: {  	p0 =	sne.s32 s24, $0x51  }
.Ltmp2:
0xf8: {  	_ = 	snop;
	(pc) =	sbr.rel @p0 .LBB2_4-.Ltmp2, $4  }
0xf9: {  	[spmem:s3] =	stream.indirect.scatter.add.f32 [tilespmem:s16], [sflag:$0x2], $0x50, s21, s19, $0xb8;
	[tilespmem:$0x113C0] =	vst v63  }
0xfa: {  	_ =	swait.ge [sflag:s17], $0x2800  }
0xfb: {  	[sflag:s17] =	ssyncset.done $0x0  }
0xfc: {  	[sflag:s17] =	ssyncadd.s32 $0xFFFFD800  }
0xfd: {  	s22 =	sadd.s32 $0x1, s22  }
0xfe: {  	s23 =	sshll.u32 s0, $0x6;
	[bflag:$0x0] =	sbarrier.arrive $0xFFFF;
	p0 =	sne.s32 s22, s15  }
.Ltmp3:
0xff: {  	s24 =	sshrl.u32 s8, $0x3;
	s23 =	sor.u32 $0x1C02, s23;
	(pc) =	sbr.rel @p0 .LBB2_1-.Ltmp3, $4  }
0x100: {  	[hbm:s14], [sflag:s23] =	dma.local [spmem:s24], $0x1874  }
0x101: {  	_ =	swait.ge [sflag:s17], $0x1874  }
0x102: {  	[sflag:s17] =	ssyncset.done $0x0  }
0x103: {  	[sflag:s17] =	ssyncadd.s32 $0xFFFFE78C  }
0x104: {  	_ =	sfence.sel $0x180000  }
0x105: {  	[bflag:$0x0] =	sbarrier.arrive $0xFFFF  }
0x106: {  	p0 =	sne.s32 s0, $0x0;
	_ =	strace $0x9000004A  }
0x107: {  	s0 =	sadd.s32 @!p0 $0x100000, s1;
	[bflag:$0x2] =	sbarrier.arrive $0xFFFF  }
0x108: {  	[sflag:s0] =	ssyncadd.tile.s32 @!p0 $0x1;
	_ =	shalt  }
.Lfunc_end2:
_tile_overlayer_lowered:
.L_overlay_start_2:
0x109: {  	(tag) =	ssettag $0x2  }
0x10a: {  	s0 =	rddreg [dreg:$0x0];
	s2 =	stileid.u32  }
0x10b: {  	s1 =	rddreg [dreg:$0x1];
	p0 =	sne.s32 s2, $0x0  }
0x10c: {  	s3 =	rddreg [dreg:$0x2];
	[bflag:$0x3] =	sbarrier.arrive $0xFFFF;
	s2 =	simm.s32 @!p0 $0x1C02  }
0x10d: {  	[timem:s3], [sflag:s2] =	dma.local @!p0 [hbm:s0], s1  }
0x10e: {  	s0 =	simm.s32 @!p0 $0x2  }
0x10f: {  	_ =	swait.ge @!p0 [sflag:s0], s1  }
0x110: {  	s1 =	ssub.s32 @!p0 $0x0, s1;
	[sflag:s0] =	ssyncset.done @!p0 $0x0  }
0x111: {  	[sflag:s0] =	ssyncadd.s32 @!p0 s1  }
0x112: {  	[bflag:$0x3] =	sbarrier.arrive $0xFFFF  }
0x113: {  	_ =	shalt  }

// kernel: kernel.7.cloned.1.call-start
scs
__scs_entry_jumppad:
0x0: {  	(pc) =	sbr.rel $0x88, $3  }
0x1: {  	(tag) =	ssettag $0x0;
	lr =	simm.s32 $0x1  }
0x2: {  	[smem:$0x3F97] =	sst lr;
	_ =	strace $0xD0000000  }
0x3: {  	_ = 	snop  }
0x4: {  	_ = 	snop  }
0x5: {  	_ = 	snop  }
0x6: {  	_ = 	snop  }
0x7: {  	_ = 	snop  }
__scs_overlays_trampoline_lowered:
0x8: {  	[smem:$0x3FA6] =	sst s0  }
0x9: {  	[smem:$0x3FA7] =	sst s1  }
0xa: {  	[smem:$0x3FA8] =	sst s2  }
0xb: {  	[smem:$0x3FA9] =	sst s3  }
0xc: {  	[smem:$0x3FAA] =	sst s4  }
0xd: {  	[smem:$0x3FAB] =	sst s5  }
0xe: {  	[smem:$0x3FAC] =	sst s6  }
0xf: {  	[smem:$0x3FAD] =	sst s7  }
0x10: {  	[smem:$0x3FAE] =	sst s8  }
0x11: {  	[smem:$0x3FAF] =	sst s9;
	s0 =	simm.s32 @!p0 $0x0  }
0x12: {  	s1 =	sld [smem:$0x3F95];
	s0 =	simm.s32 @p0 $0x1  }
0x13: {  	[smem:$0x3FB0] =	sst s0;
	s0 =	simm.s32 @!p1 $0x0  }
0x14: {  	s2 =	sld [smem:$0x3F94];
	s0 =	simm.s32 @p1 $0x1  }
0x15: {  	[smem:$0x3FB1] =	sst s0;
	s0 =	simm.s32 @!p2 $0x0  }
0x16: {  	s3 =	sld [smem:$0x3FDB];
	s0 =	simm.s32 @p2 $0x1  }
0x17: {  	s4 =	simm.s32 $0x1BF5;
	[smem:$0x3FB3] =	sst s0  }
0x18: {  	s0 =	sld [smem:$0x3F96];
	_ =	swait.ge [sflag:s4], $0x0  }
0x19: {  	s7 =	sld [smem:$0x3F97]  }
0x1a: {  	s8 =	sadd.s32 $0xFFFFE003, lr  }
0x1b: {  	s9 =	sadd.s32 $0xFFFFFEF7, lr;
	s5 =	simm.s32 $0xFFFFFFFF;
	p2 =	slt.u32 s8, $0xFFFFF086  }
0x1c: {  	p1 =	slt.u32 s9, $0xF7A;
	s5 =	simm.s32 @!p2 $0x0  }
0x1d: {  	s5 =	simm.s32 @p1 $0x1;
	p0 =	seq.s32 s7, s2  }
0x1e: {  	s7 =	smul.u32 @!p0 $0xF7A, s2;
	p2 =	seq.s32 @!p0 s5, $0x0  }
0x1f: {  	s9 =	smul.u32 $0xF7A, s1;
	s8 =	simm.s32 @!p0 $0x1BF5;
	p2 =	por !p2, p0  }
0x20: {  	[sflag:s8] =	ssyncset.s32 @!p0 $0xFFFFF086;
	s6 =	sadd.s32 @!p0 s3, s7;
	s7 =	simm.s32 @!p0 $0x108  }
0x21: {  	s3 =	sadd.s32 s3, s9;
	s6 =	sadd.s32 @!p0 $0x88, s6;
	s7 =	simm.s32 @p2 $0x1082  }
0x22: {  	[simem:s7], [sflag:s8] =	dma.local @!p0 [hbm:s6], $0xF7A  }
0x23: {  	s9 =	sor.u32 $0xD0000000, s2;
	s6 =	simm.s32 $0x108;
	_ =	swait.ge @!p0 [sflag:s8], $0x0  }
0x24: {  	s3 =	sadd.s32 $0x88, s3;
	s6 =	simm.s32 @!p1 $0x1082;
	[sflag:s4] =	ssyncset.s32 $0xFFFFF086  }
0x25: {  	[simem:s6], [sflag:s4] =	dma.local [hbm:s3], $0xF7A  }
0x26: {  	[smem:$0x3F97] =	sst s1;
	(tag) =	ssettag s2;
	_ =	strace s9  }
0x27: {  	s1 =	sld [smem:$0x3FA7]  }
0x28: {  	s2 =	sld [smem:$0x3FA8]  }
0x29: {  	s4 =	sld [smem:$0x3FAA]  }
0x2a: {  	p0 =	seq.s32 s5, $0x0;
	s5 =	sld [smem:$0x3FAB]  }
0x2b: {  	s6 =	sld [smem:$0x3FAC]  }
0x2c: {  	s7 =	sld [smem:$0x3FAD]  }
0x2d: {  	s3 =	simm.s32 $0x108;
	s8 =	sld [smem:$0x3FAE]  }
0x2e: {  	s3 =	simm.s32 @!p0 $0x1082;
	s9 =	sld [smem:$0x3FAF]  }
0x2f: {  	lr =	sadd.s32 s0, s3;
	s0 =	sld [smem:$0x3FA6]  }
0x30: {  	s3 =	sld [smem:$0x3FA9]  }
0x31: {  	[smem:$0x3FB2] =	sst s10  }
0x32: {  	s10 =	sld [smem:$0x3FB0];
	_ =	sdelay $0x3  }
0x33: {  	p0 =	seq.s32 s10, $0x1;
	s10 =	sld [smem:$0x3FB2];
	_ =	sdelay $0x3  }
0x34: {  	[smem:$0x3FB2] =	sst s10  }
0x35: {  	s10 =	sld [smem:$0x3FB1];
	_ =	sdelay $0x3  }
0x36: {  	p1 =	seq.s32 s10, $0x1;
	s10 =	sld [smem:$0x3FB2];
	_ =	sdelay $0x3  }
0x37: {  	[smem:$0x3FB2] =	sst s10  }
0x38: {  	s10 =	sld [smem:$0x3FB3]  }
0x39: {  	_ = 	snop;
	(pc) =	sbr.ind lr, $3  }
0x3a: {  	_ = 	snop  }
0x3b: {  	_ = 	snop  }
0x3c: {  	p2 =	seq.s32 s10, $0x1;
	s10 =	sld [smem:$0x3FB2]  }
0x3d: {  	_ =	shalt  }
0x3e: {  	_ =	shalt  }
0x3f: {  	_ =	shalt  }
0x40: {  	_ =	shalt  }
0x41: {  	_ =	shalt  }
0x42: {  	_ =	shalt  }
0x43: {  	_ =	shalt  }
0x44: {  	_ =	shalt  }
0x45: {  	_ =	shalt  }
0x46: {  	_ =	shalt  }
0x47: {  	_ =	shalt  }
0x48: {  	_ =	shalt  }
0x49: {  	_ =	shalt  }
0x4a: {  	_ =	shalt  }
0x4b: {  	_ =	shalt  }
0x4c: {  	_ =	shalt  }
0x4d: {  	_ =	shalt  }
0x4e: {  	_ =	shalt  }
0x4f: {  	_ =	shalt  }
0x50: {  	_ =	shalt  }
0x51: {  	_ =	shalt  }
0x52: {  	_ =	shalt  }
0x53: {  	_ =	shalt  }
0x54: {  	_ =	shalt  }
0x55: {  	_ =	shalt  }
0x56: {  	_ =	shalt  }
0x57: {  	_ =	shalt  }
0x58: {  	_ =	shalt  }
0x59: {  	_ =	shalt  }
0x5a: {  	_ =	shalt  }
0x5b: {  	_ =	shalt  }
0x5c: {  	_ =	shalt  }
0x5d: {  	_ =	shalt  }
0x5e: {  	_ =	shalt  }
0x5f: {  	_ =	shalt  }
0x60: {  	_ =	shalt  }
0x61: {  	_ =	shalt  }
0x62: {  	_ =	shalt  }
0x63: {  	_ =	shalt  }
0x64: {  	_ =	shalt  }
0x65: {  	_ =	shalt  }
0x66: {  	_ =	shalt  }
0x67: {  	_ =	shalt  }
0x68: {  	_ =	shalt  }
0x69: {  	_ =	shalt  }
0x6a: {  	_ =	shalt  }
0x6b: {  	_ =	shalt  }
0x6c: {  	_ =	shalt  }
0x6d: {  	_ =	shalt  }
0x6e: {  	_ =	shalt  }
0x6f: {  	_ =	shalt  }
0x70: {  	_ =	shalt  }
0x71: {  	_ =	shalt  }
0x72: {  	_ =	shalt  }
0x73: {  	_ =	shalt  }
0x74: {  	_ =	shalt  }
0x75: {  	_ =	shalt  }
0x76: {  	_ =	shalt  }
0x77: {  	_ =	shalt  }
0x78: {  	_ =	shalt  }
0x79: {  	_ =	shalt  }
0x7a: {  	_ =	shalt  }
0x7b: {  	_ =	shalt  }
0x7c: {  	_ =	shalt  }
0x7d: {  	_ =	shalt  }
0x7e: {  	_ =	shalt  }
0x7f: {  	_ =	shalt  }
0x80: {  	_ =	shalt  }
0x81: {  	_ =	shalt  }
0x82: {  	_ =	shalt  }
0x83: {  	_ =	shalt  }
0x84: {  	_ =	shalt  }
0x85: {  	_ =	shalt  }
0x86: {  	_ =	shalt  }
0x87: {  	_ =	shalt  }
.Lfunc_end0:
.L_simem_size_0:
called_computation_lowered:
.L_overlay_start_0:
0x88: {  	s2 =	sld [smem:$0x3FD9]  }
0x89: {  	s3 =	sld [smem:$0x3FFE];
	_ =	sdelay $0x1  }
0x8a: {  	s1 =	srdreg.scid  }
0x8b: {  	s0 =	sand.u32 $0x1, s1  }
0x8c: {  	s17 =	sshll.u32 s0, $0xA;
	s2 =	sadd.s32 s3, s2  }
0x8d: {  	s2 =	sadd.s32 s2, s17  }
0x8e: {  	[smem:$0x3FBE] =	sst s2  }
0x8f: {  	_ = 	snop  }
0x90: {  	s2 =	sld [smem:$0x3FD0];
	(tm) =	ssettm $0x1  }
0x91: {  	s18 =	sld [smem:$0x3FFB];
	_ =	sdelay $0x3  }
0x92: {  	_ =	strace s18  }
0x93: {  	s3 =	sld [smem:$0x3FFC];
	_ =	sdelay $0x3  }
0x94: {  	_ =	strace s3  }
0x95: {  	s3 =	sld [smem:$0x3FFD];
	_ =	sdelay $0x3  }
0x96: {  	_ =	strace s3  }
0x97: {  	_ =	strace $0x8FFFFFFF  }
0x98: {  	s19 =	sld [smem:$0x3FDB];
	_ =	sdelay $0x1  }
0x99: {  	s4 =	simm.s32 $_scs_section_size  }
0x9a: {  	s5 =	simm.s32 $_size__tile_overlayer_lowered;
	s6 =	simm.s32 $_tile_overlayer_lowered  }
0x9b: {  	s22 =	simm.s32 $0x1BFF;
	s21 =	sshll.u32 s6, $0x1;
	s3 =	sadd.s32 s4, s19  }
0x9c: {  	s7 =	simm.s32 $0x0;
	s20 =	sshll.u32 s5, $0x1;
	s5 =	sadd.s32 s21, s3  }
0x9d: {  	[timem:s7], [sflag:s22] =	dma.local [hbm:s5], s20  }
0x9e: {  	_ =	swait.ge [sflag:s22], s20  }
0x9f: {  	s4 =	ssub.s32 $0x0, s20;
	[sflag:s22] =	ssyncset.done $0x0  }
0xa0: {  	[sflag:s22] =	ssyncadd.s32 s4;
	_ =	sdelay $0x1  }
0xa1: {  	s23 =	simm.s32 $0x1B8B  }
0xa2: {  	_ =	swait.ge [sflag:s23], $0x1  }
0xa3: {  	[sflag:s23] =	ssyncset.done $0x0  }
0xa4: {  	s25 =	simm.s32 $0x1B8E;
	s24 =	sld [smem:$0x3FFE];
	[sflag:s23] =	ssyncadd.s32 $0xFFFFFFFF  }
0xa5: {  	s26 =	simm.s32 $execute0_lowered;
	[smem:$0x3FD2] =	sst s25  }
0xa6: {  	s5 =	sshll.u32 s26, $0x1;
	_ =	strace $0x80000046;
	[dreg:$0x1] =	wrdreg $0xFFFFFFFF  }
0xa7: {  	s28 =	simm.s32 $_size_execute0_lowered;
	s3 =	sadd.s32 s3, s5;
	[dreg:$0x0] =	wrdreg $0x0  }
0xa8: {  	s5 =	sshll.u32 s28, $0x1;
	[dreg:$0x2] =	wrdreg s3  }
0xa9: {  	[dreg:$0x3] =	wrdreg s5  }
0xaa: {  	[dreg:$0x4] =	wrdreg $0xC0  }
0xab: {  	_ =	task [dreg:s7], $0x5FFFF  }
0xac: {  	[dreg:$0x1] =	wrdreg $0xFFFFFFFF  }
0xad: {  	[dreg:$0x0] =	wrdreg $0x60  }
0xae: {  	[dreg:$0x2] =	wrdreg s24  }
0xaf: {  	[dreg:$0x3] =	wrdreg s2  }
0xb0: {  	[dreg:$0x4] =	wrdreg $0x97400  }
0xb1: {  	[dreg:$0x5] =	wrdreg $0x9  }
0xb2: {  	_ =	task.clear_ibuf [dreg:s7], $0x6FFFF;
	_ =	strace $0x90000046  }
0xb3: {  	s29 =	simm.s32 $0x9;
	_ =	strace $0x80000048  }
0xb4: {  	_ =	swait.ge [sflag:s29], $0x1  }
0xb5: {  	[sflag:s29] =	ssyncadd.s32 $0xFFFFFFFF  }
0xb6: {  	_ =	strace $0x90000048  }
0xb7: {  	_ =	sfence  }
0xb8: {  	s30 =	sld [smem:$0x0];
	_ =	sdelay $0x2  }
0xb9: {  	s31 =	sshll.u32 s1, $0xD;
	s1 =	sshrl.u32 s1, $0x2  }
0xba: {  	s3 =	sand.u32 $0x4000, s31;
	s1 =	sadd.s32 s1, s30  }
0xbb: {  	s0 =	sor.u32 s3, s0;
	s1 =	sshll.u32 s1, $0x11  }
0xbc: {  	s0 =	sor.u32 s1, s0  }
0xbd: {  	s0 =	sadd.s32 $0x8F2B, s0  }
0xbe: {  	[sflag:s0] =	ssyncadd.remote.s32 $0x1  }
0xbf: {  	_ =	sfence.sel $0xFFFF  }
0xc0: {  	[dreg:$0x0] =	wrdreg $0xFFFFFFFF;
	(pc) =	sbr.abs _section_cstart, $3  }
0xc1: {  	[dreg:$0x1] =	wrdreg $0xFFFFFFFF  }
0xc2: {  	_ =	task.clear_ibuf [dreg:s7], $0x2FFFF;
	_ =	strace $0x9FFFFFFF  }
0xc3: {  	(tm) =	ssettm $0x7FFFFFFF  }
tec
execute0_lowered:
.L_overlay_start_1:
0x0: {  	(tag) =	ssettag $0x1  }
0x1: {  	s8 =	rddreg [dreg:$0x0]  }
0x2: {  	s2 =	rddreg [dreg:$0x1];
	s1 =	srdreg.scid  }
0x3: {  	s0 =	stileid.u32;
	s3 =	rddreg [dreg:$0x2]  }
0x4: {  	s4 =	simm.s32 $0x0;
	s16 =	simm.s32 $0x4E40;
	s17 =	simm.s32 $0x2  }
0x5: {  	s18 =	simm.s32 $0x9640;
	s19 =	simm.s32 $0x96C0;
	s20 =	simm.s32 $0x80  }
0x6: {  	s21 =	simm.s32 $0x1;
	s22 =	simm.s32 $0x0;
	s10 =	smul.u32 $0x16020, s0  }
0x7: {  	s9 =	sand.u32 $0x1, s1;
	s1 =	rddreg [dreg:$0x3];
	s12 =	smul.u32 $0x58080, s0  }
0x8: {  	[smem:$0x7FF] =	sst s4;
	s5 =	sadd.s32 $0x1400, s8;
	s6 =	smul.u32 $0x160200, s9  }
0x9: {  	_ =	strace $0x80000047;
	s30 =	ssub.s32 $0x2, s9;
	s9 =	sshll.u32 s9, $0x4  }
0xa: {  	s31 =	sshrl.u32 s30, $0x1;
	s12 =	sshrl.u32 s12, $0x2;
	s13 =	sor.u32 s0, s9  }
0xb: {  	s7 =	sadd.s32 s10, s6;
	s6 =	sadd.s32 $0x2D600, s8;
	s15 =	ssub.s32 s30, s31  }
0xc: {  	v1 =	vlaneseq.u32;
	s12 =	sadd.s32 s12, s3;
	s13 =	smul.u32 $0x2880, s13;
	s11 =	sshrl.u32 s7, $0x3  }
0xd: {  	v0 =	vimm.f32 $0.0e+00;
	vm0 =	vcmask $0x300;
	v3 =	vmul.u32 $0x90, v1;
	s7 =	sadd.s32 $0x2E000, s8;
	s9 =	sadd.s32 $0x4800, s12;
	s15 =	smax.u32 s15, $0x1  }
0xe: {  	vm15 =	vcmask $0x704;
	v1 =	vsel vm0, $0x3F800000, v0;
	s14 =	sadd.s32 s11, s8;
	s8 =	sadd.s32 s10, s3;
	s10 =	sadd.s32 $0x9000, s12  }
0xf: {  	v4 =	vsel vm15, $0x3F800000, v0;
	v2 =	vadd.s32 $0x82, v3;
	v3 =	vadd.s32 $0x83, v3;
	s11 =	sadd.s32 $0xD800, s12;
	s12 =	sadd.s32 $0x12000, s12;
	s14 =	sadd.s32 $0x38200, s14  }
.LBB2_1:
0x10: {  	s23 =	simm.s32 $0x0;
	s24 =	simm.s32 $0x240  }
.LBB2_2:
0x11: {  	p0 =	sne.s32 s24, $0x11DC0;
	[tilespmem:s23+$0x4EC0] =	vst v0  }
0x12: {  	[tilespmem:s23+$0x4E40] =	vst v0  }
0x13: {  	[tilespmem:s23+$0x4E50] =	vst v0  }
0x14: {  	[tilespmem:s23+$0x4E60] =	vst v0  }
.Ltmp0:
0x15: {  	[tilespmem:s23+$0x4E70] =	vst v0;
	(pc) =	sbr.rel @p0 .LBB2_2-.Ltmp0, $4  }
0x16: {  	[tilespmem:s23+$0x4E80] =	vst v0  }
0x17: {  	[tilespmem:s23+$0x4E90] =	vst v0  }
0x18: {  	[tilespmem:s23+$0x4EA0] =	vst v0  }
0x19: {  	[tilespmem:s23+$0x4EB0] =	vst v0;
	s23 =	sshra.s32 s24, $0x2;
	s24 =	sadd.s32 $0x240, s24  }
0x1a: {  	[tilespmem:s23+$0x4EC0] =	vst v0  }
0x1b: {  	[tilespmem:s23+$0x4E40] =	vst v0  }
0x1c: {  	[tilespmem:s23+$0x4E50] =	vst v0  }
0x1d: {  	[tilespmem:s23+$0x4E60] =	vst v0  }
0x1e: {  	[tilespmem:s23+$0x4E70] =	vst v0  }
0x1f: {  	[tilespmem:s23+$0x4E80] =	vst v0  }
0x20: {  	[tilespmem:s23+$0x4E90] =	vst v0  }
0x21: {  	[tilespmem:s23+$0x4EA0] =	vst v0  }
0x22: {  	[tilespmem:s23+$0x4EB0] =	vst v0  }
0x23: {  	[spmem:s8] =	stream.linear.scatter [tilespmem:s16], [sflag:$0x2], $0x4800, $0x38;
	[tilespmem:$0x1F760] =	vst v63  }
0x24: {  	_ =	swait.ge [sflag:s17], $0x4800  }
0x25: {  	[sflag:s17] =	ssyncset.done $0x0  }
0x26: {  	[sflag:s17] =	ssyncadd.s32 $0xFFFFB800  }
0x27: {  	[spmem:s9] =	stream.linear.scatter [tilespmem:s16], [sflag:$0x2], $0x4800, $0x38;
	[tilespmem:$0x1F760] =	vst v63  }
0x28: {  	_ =	swait.ge [sflag:s17], $0x4800  }
0x29: {  	[sflag:s17] =	ssyncset.done $0x0  }
0x2a: {  	[sflag:s17] =	ssyncadd.s32 $0xFFFFB800  }
0x2b: {  	[spmem:s10] =	stream.linear.scatter [tilespmem:s16], [sflag:$0x2], $0x4800, $0x38;
	[tilespmem:$0x1F760] =	vst v63  }
0x2c: {  	_ =	swait.ge [sflag:s17], $0x4800  }
0x2d: {  	[sflag:s17] =	ssyncset.done $0x0  }
0x2e: {  	[sflag:s17] =	ssyncadd.s32 $0xFFFFB800  }
0x2f: {  	[spmem:s11] =	stream.linear.scatter [tilespmem:s16], [sflag:$0x2], $0x4800, $0x38;
	[tilespmem:$0x1F760] =	vst v63  }
0x30: {  	_ =	swait.ge [sflag:s17], $0x4800  }
0x31: {  	[sflag:s17] =	ssyncset.done $0x0  }
0x32: {  	[sflag:s17] =	ssyncadd.s32 $0xFFFFB800  }
0x33: {  	[spmem:s12] =	stream.linear.scatter [tilespmem:s16], [sflag:$0x2], $0x4020, $0x38;
	[tilespmem:$0x1F760] =	vst v63  }
0x34: {  	_ =	swait.ge [sflag:s17], $0x4020  }
0x35: {  	[sflag:s17] =	ssyncset.done $0x0  }
0x36: {  	s23 =	simm.s32 $0x0;
	[sflag:s17] =	ssyncadd.s32 $0xFFFFBFE0  }
0x37: {  	[tilespmem:s23], [sflag:$0x2] =	stream.linear.gather [hbm4b:s6+s23], $0x4E40, $0x38;
	[tilespmem:$0x1F760] =	vst v63  }
0x38: {  	_ =	swait.ge [sflag:s17], $0x4E40  }
0x39: {  	[sflag:s17] =	ssyncset.done $0x0  }
0x3a: {  	[sflag:s17] =	ssyncadd.s32 $0xFFFFB1C0  }
0x3b: {  	s24 =	simm.s32 $0x0;
	[bflag:$0x0] =	sbarrier.arrive $0xFFFF  }
.LBB2_4:
0x3c: {  	s25 =	sshll.u32 s24, $0x7  }
0x3d: {  	s25 =	sadd.s32 s13, s25  }
0x3e: {  	s25 =	sshrl.u32 s25, $0x3  }
0x3f: {  	s26 =	sadd.s32 s2, s25  }
0x40: {  	[tilespmem:s18], [sflag:$0x2] =	stream.linear.gather [hbm4b:s26+s23], $0x80, $0x38;
	[tilespmem:$0x1F760] =	vst v63  }
0x41: {  	_ =	swait.ge [sflag:s17], $0x80  }
0x42: {  	[sflag:s17] =	ssyncset.done $0x0  }
0x43: {  	s25 =	sadd.s32 s7, s25;
	[sflag:s17] =	ssyncadd.s32 $0xFFFFFF80  }
0x44: {  	[tilespmem:s19], [sflag:$0x2] =	stream.linear.gather [hbm4b:s25+s23], $0x80, $0x38;
	[tilespmem:$0x1F760] =	vst v63  }
0x45: {  	_ =	swait.ge [sflag:s17], $0x80  }
0x46: {  	[sflag:s17] =	ssyncset.done $0x0  }
0x47: {  	[sflag:s17] =	ssyncadd.s32 $0xFFFFFF80  }
0x48: {  	[tilespmem:s16], [sflag:$0x1] =	stream.indirect.gather [hbm4b:s5+s20], $0x90, s18, s20, $0xb8;
	[tilespmem:$0x1F760] =	vst v63  }
0x49: {  	_ =	swait.ge [sflag:s21], $0x4800  }
0x4a: {  	[sflag:s21] =	ssyncset.done $0x0  }
0x4b: {  	s25 =	simm.s32 $0x0;
	[sflag:s21] =	ssyncadd.s32 $0xFFFFB800  }
.LBB2_5:
0x4c: {  	s26 =	sshll.u32 s25, $0x4  }
0x4d: {  	v5 =	vmov s26  }
0x4e: {  	v6 =	vld [tilespmem:s26+$0x96C0];
	v5 =	vmul.u32 $0x90, v5;
	_ =	sdelay $0x1  }
0x4f: {  	v5 =	vbroadcast v5, $0x0;
	_ =	sdelay $0x1  }
0x50: {  	v7 =	vadd.s32 v2, v5  }
0x51: {  	v6 =	vshll.u32 v6, $0x1;
	_ =	sdelay $0x3  }
0x52: {  	v7 =	vld.idx.msk [tilespmem:v7+s16+$0x0], $0xffff  }
0x53: {  	v8 =	vor.u32 $0x1, v6;
	v6 =	vld.idx.msk [tilespmem:v6+s4+$0x0], $0xffff;
	_ =	sdelay $0x3  }
0x54: {  	v5 =	vadd.s32 v3, v5  }
0x55: {  	v6 =	vadd.f32 v6, v7;
	_ =	sdelay $0x1  }
0x56: {  	v7 =	vmul.f32 $2.000000030e-01, v6  }
0x57: {  	vm0 =	vge.f32 v6, $0.0e+00  }
0x58: {  	v5 =	vld.idx.msk [tilespmem:v5+s16+$0x0], $0xffff;
	v6 =	vsel vm0, v6, v7  }
0x59: {  	v8 =	vld.idx.msk [tilespmem:v8+s4+$0x0], $0xffff;
	v6 =	vmul.f32 $1.442695020e+00, v6;
	_ =	sdelay $0x1  }
0x5a: {  	(erf) = vpow2.f32 v6  }
0x5b: {  	s31 =	smul.u32 $0x2400, s25;
	_ =	sdelay $0x1  }
0x5c: {  	s26 =	sshra.s32 s31, $0x2;
	v5 =	vadd.f32 v8, v5  }
0x5d: {  	v56 =	vld [tilespmem:s26+$0x4E50]  }
0x5e: {  	v9 =	vld [tilespmem:s26+$0x4E60];
	v7 =	vmul.f32 $2.000000030e-01, v5  }
0x5f: {  	v10 =	vld [tilespmem:s26+$0x4E70];
	vm15 =	vge.f32 v5, $0.0e+00  }
0x60: {  	v5 =	vsel vm15, v5, v7;
	v7 =	vld [tilespmem:s26+$0x4E40]  }
0x61: {  	v12 =	vld [tilespmem:s26+$0x4E80];
	v5 =	vmul.f32 $1.442695020e+00, v5  }
0x62: {  	v13 =	vld [tilespmem:s26+$0x4E90];
	v6 =	vpop (erf)  }
0x63: {  	v60 =	vld [tilespmem:s26+$0x4ED0];
	(erf) = vpow2.f32 v5;
	v11 =	vbroadcast v6, $0x0  }
0x64: {  	v17 =	vld [tilespmem:s26+$0x4EE0]  }
0x65: {  	v63 =	vld [tilespmem:s26+$0x4EF0];
	v7 =	vmul.f32 v11, v7  }
0x66: {  	v35 =	vld [tilespmem:s26+$0x4F70];
	v22 =	vbroadcast v6, $0x1;
	v8 =	vmul.f32 v11, v56  }
0x67: {  	v46 =	vld [tilespmem:s26+$0x4FF0];
	v58 =	vmul.f32 v10, v11;
	[tilespmem:s26+$0x4E40] =	vst v7  }
0x68: {  	v48 =	vld [tilespmem:s26+$0x5000];
	v25 =	vmul.f32 v60, v22;
	[tilespmem:s26+$0x4E50] =	vst v8  }
0x69: {  	v14 =	vld [tilespmem:s26+$0x4EA0];
	v38 =	vbroadcast v6, $0x2;
	v27 =	vmul.f32 v17, v22;
	[tilespmem:s26+$0x4E70] =	vst v58  }
0x6a: {  	v16 =	vld [tilespmem:s26+$0x4EB0];
	v51 =	vbroadcast v6, $0x3;
	v29 =	vmul.f32 v63, v22;
	[tilespmem:s26+$0x4ED0] =	vst v25  }
0x6b: {  	v57 =	vld [tilespmem:s26+$0x4EC0];
	v43 =	vmul.f32 v35, v38;
	[tilespmem:s26+$0x4EE0] =	vst v27  }
0x6c: {  	v20 =	vld [tilespmem:s26+$0x4F00];
	v5 =	vpop (erf);
	v54 =	vmul.f32 v46, v51;
	[tilespmem:s26+$0x4EF0] =	vst v29  }
0x6d: {  	v23 =	vld [tilespmem:s26+$0x4F10];
	v15 =	vbroadcast v5, $0x0;
	v56 =	vmul.f32 v48, v51;
	[tilespmem:s26+$0x4F70] =	vst v43  }
0x6e: {  	v37 =	vld [tilespmem:s26+$0x4F90];
	v7 =	vmul.f32 v9, v11;
	[tilespmem:s26+$0x4FF0] =	vst v54  }
0x6f: {  	v39 =	vld [tilespmem:s26+$0x4FA0];
	v59 =	vmul.f32 v12, v15;
	[tilespmem:s26+$0x5000] =	vst v56  }
0x70: {  	v24 =	vld [tilespmem:s26+$0x4F20];
	v61 =	vmul.f32 v4, v15;
	v62 =	vmul.f32 v13, v15;
	[tilespmem:s26+$0x4E60] =	vst v7  }
0x71: {  	v41 =	vld [tilespmem:s26+$0x4FC0];
	v19 =	vmul.f32 v14, v15;
	v7 =	vmul.f32 v1, v11;
	[tilespmem:s26+$0x4E80] =	vst v59  }
0x72: {  	v49 =	vld [tilespmem:s26+$0x5010];
	v42 =	vbroadcast v5, $0x2;
	v21 =	vmul.f32 v16, v15;
	[tilespmem:s26+$0x4E90] =	vst v62  }
0x73: {  	v26 =	vld [tilespmem:s26+$0x4F30];
	v12 =	vmul.f32 v37, v38;
	[tilespmem:s26+$0x4EA0] =	vst v19;
	v7 =	vadd.f32 v61, v7  }
0x74: {  	v28 =	vld [tilespmem:s26+$0x4F40];
	v14 =	vmul.f32 v39, v42;
	[tilespmem:s26+$0x4EB0] =	vst v21  }
0x75: {  	v30 =	vld [tilespmem:s26+$0x4F50];
	[tilespmem:s26+$0x4F90] =	vst v12;
	v7 =	vmul.f32 v57, v7  }
0x76: {  	v32 =	vld [tilespmem:s26+$0x4F60];
	v13 =	vmul.f32 v41, v42;
	[tilespmem:s26+$0x4FA0] =	vst v14  }
0x77: {  	v36 =	vld [tilespmem:s26+$0x4F80];
	v58 =	vmul.f32 v49, v51;
	[tilespmem:s26+$0x4EC0] =	vst v7;
	v7 =	vbroadcast v5, $0x1  }
0x78: {  	v40 =	vld [tilespmem:s26+$0x4FB0];
	v11 =	vmul.f32 v20, v22;
	[tilespmem:s26+$0x4FC0] =	vst v13  }
0x79: {  	v44 =	vld [tilespmem:s26+$0x4FD0];
	[tilespmem:s26+$0x5010] =	vst v58;
	v31 =	vmul.f32 v23, v7  }
0x7a: {  	v50 =	vld [tilespmem:s26+$0x5020];
	[tilespmem:s26+$0x4F00] =	vst v11;
	v34 =	vmul.f32 v4, v7;
	v9 =	vmul.f32 v24, v7  }
0x7b: {  	v63 =	vld [tilespmem:s26+$0x5090];
	v10 =	vmul.f32 v26, v7;
	v7 =	vmul.f32 v28, v7;
	[tilespmem:s26+$0x4F10] =	vst v31  }
0x7c: {  	v45 =	vld [tilespmem:s26+$0x4FE0];
	[tilespmem:s26+$0x4F20] =	vst v9  }
0x7d: {  	v25 =	vld [tilespmem:s26+$0x50D0];
	[tilespmem:s26+$0x4F40] =	vst v7;
	v7 =	vmul.f32 v32, v38  }
0x7e: {  	v52 =	vld [tilespmem:s26+$0x5030];
	v23 =	vbroadcast v6, $0x4;
	[tilespmem:s26+$0x4F30] =	vst v10;
	v10 =	vmul.f32 v40, v42  }
0x7f: {  	v33 =	vmul.f32 v1, v22;
	v22 =	vld [tilespmem:s26+$0x50B0];
	v9 =	vmul.f32 v50, v51;
	[tilespmem:s26+$0x4F60] =	vst v7  }
0x80: {  	v53 =	vld [tilespmem:s26+$0x5040];
	v27 =	vbroadcast v5, $0x4;
	v28 =	vmul.f32 v63, v23;
	[tilespmem:s26+$0x4FB0] =	vst v10  }
0x81: {  	v35 =	vld [tilespmem:s26+$0x5130];
	v8 =	vadd.f32 v34, v33;
	v7 =	vmul.f32 v36, v38;
	[tilespmem:s26+$0x5020] =	vst v9  }
0x82: {  	v55 =	vld [tilespmem:s26+$0x5050];
	v47 =	vmul.f32 v4, v42;
	v34 =	vmul.f32 v25, v27;
	[tilespmem:s26+$0x5090] =	vst v28  }
0x83: {  	v31 =	vld [tilespmem:s26+$0x5110];
	v8 =	vmul.f32 v30, v8;
	[tilespmem:s26+$0x4F80] =	vst v7;
	v7 =	vmul.f32 v1, v38  }
0x84: {  	v37 =	vbroadcast v6, $0x5;
	v33 =	vld [tilespmem:s26+$0x5120];
	v10 =	vmul.f32 v22, v23;
	[tilespmem:s26+$0x50D0] =	vst v34  }
0x85: {  	v36 =	vld [tilespmem:s26+$0x5140];
	[tilespmem:s26+$0x4F50] =	vst v8;
	v8 =	vmul.f32 v44, v42;
	v7 =	vadd.f32 v47, v7  }
0x86: {  	v60 =	vld [tilespmem:s26+$0x5080];
	[tilespmem:s26+$0x50B0] =	vst v10;
	v44 =	vmul.f32 v35, v37  }
0x87: {  	v46 =	vld [tilespmem:s26+$0x51A0];
	[tilespmem:s26+$0x4FD0] =	vst v8;
	v7 =	vmul.f32 v45, v7  }
0x88: {  	v57 =	vld [tilespmem:s26+$0x5060];
	v40 =	vmul.f32 v31, v37;
	[tilespmem:s26+$0x5130] =	vst v44  }
0x89: {  	v29 =	vld [tilespmem:s26+$0x50F0];
	v42 =	vmul.f32 v33, v37;
	[tilespmem:s26+$0x4FE0] =	vst v7;
	v7 =	vbroadcast v5, $0x3  }
0x8a: {  	v39 =	vld [tilespmem:s26+$0x5160];
	[tilespmem:s26+$0x5110] =	vst v40;
	v9 =	vmul.f32 v36, v37  }
0x8b: {  	v24 =	vld [tilespmem:s26+$0x50C0];
	[tilespmem:s26+$0x5120] =	vst v42;
	v14 =	vmul.f32 v52, v7  }
0x8c: {  	v26 =	vld [tilespmem:s26+$0x50E0];
	[tilespmem:s26+$0x5140] =	vst v9;
	v62 =	vmul.f32 v4, v7;
	v20 =	vmul.f32 v53, v7  }
0x8d: {  	v49 =	vld [tilespmem:s26+$0x51B0];
	v13 =	vmul.f32 v55, v7;
	v7 =	vmul.f32 v57, v7;
	[tilespmem:s26+$0x5030] =	vst v14  }
0x8e: {  	v40 =	vld [tilespmem:s26+$0x5310];
	[tilespmem:s26+$0x5040] =	vst v20  }
0x8f: {  	v21 =	vld [tilespmem:s26+$0x50A0];
	v61 =	vmul.f32 v1, v51;
	[tilespmem:s26+$0x5060] =	vst v7;
	v7 =	vmul.f32 v60, v23  }
0x90: {  	v59 =	vld [tilespmem:s26+$0x5070];
	v53 =	vbroadcast v6, $0x6;
	[tilespmem:s26+$0x5050] =	vst v13;
	v14 =	vmul.f32 v24, v27  }
0x91: {  	v42 =	vbroadcast v5, $0x8;
	v52 =	vld [tilespmem:s26+$0x51D0];
	v13 =	vmul.f32 v26, v27;
	[tilespmem:s26+$0x5080] =	vst v7  }
0x92: {  	v55 =	vld [tilespmem:s26+$0x51F0];
	v58 =	vmul.f32 v49, v53;
	[tilespmem:s26+$0x50C0] =	vst v14  }
0x93: {  	v41 =	vld [tilespmem:s26+$0x5170];
	v8 =	vadd.f32 v62, v61;
	v49 =	vmul.f32 v40, v42;
	[tilespmem:s26+$0x50E0] =	vst v13  }
0x94: {  	v32 =	vmul.f32 v4, v27;
	v63 =	vld [tilespmem:s26+$0x5240];
	v7 =	vmul.f32 v21, v23;
	[tilespmem:s26+$0x51B0] =	vst v58  }
0x95: {  	v30 =	vld [tilespmem:s26+$0x5100];
	v57 =	vbroadcast v5, $0x6;
	v8 =	vmul.f32 v59, v8;
	[tilespmem:s26+$0x5310] =	vst v49  }
0x96: {  	v61 =	vld [tilespmem:s26+$0x5230];
	v10 =	vmul.f32 v52, v53;
	[tilespmem:s26+$0x50A0] =	vst v7;
	v7 =	vmul.f32 v1, v23  }
0x97: {  	v22 =	vbroadcast v6, $0x7;
	v20 =	vld [tilespmem:s26+$0x5250];
	v19 =	vmul.f32 v55, v57;
	[tilespmem:s26+$0x5070] =	vst v8  }
0x98: {  	v21 =	vld [tilespmem:s26+$0x5260];
	v8 =	vmul.f32 v29, v27;
	[tilespmem:s26+$0x51D0] =	vst v10;
	v7 =	vadd.f32 v32, v7  }
0x99: {  	v38 =	vld [tilespmem:s26+$0x5150];
	v27 =	vmul.f32 v63, v22;
	[tilespmem:s26+$0x51F0] =	vst v19  }
0x9a: {  	v43 =	vld [tilespmem:s26+$0x5180];
	[tilespmem:s26+$0x50F0] =	vst v8;
	v7 =	vmul.f32 v30, v7  }
0x9b: {  	v54 =	vld [tilespmem:s26+$0x51E0];
	v25 =	vmul.f32 v61, v22;
	[tilespmem:s26+$0x5240] =	vst v27  }
0x9c: {  	v56 =	vld [tilespmem:s26+$0x5200];
	v29 =	vmul.f32 v20, v22;
	[tilespmem:s26+$0x5100] =	vst v7;
	v7 =	vbroadcast v5, $0x5  }
0x9d: {  	v51 =	vld [tilespmem:s26+$0x51C0];
	[tilespmem:s26+$0x5230] =	vst v25;
	v9 =	vmul.f32 v21, v22  }
0x9e: {  	v28 =	vld [tilespmem:s26+$0x52A0];
	[tilespmem:s26+$0x5250] =	vst v29;
	v14 =	vmul.f32 v38, v7  }
0x9f: {  	v34 =	vld [tilespmem:s26+$0x52D0];
	[tilespmem:s26+$0x5260] =	vst v9;
	v48 =	vmul.f32 v4, v7;
	v50 =	vmul.f32 v39, v7  }
0xa0: {  	v31 =	vld [tilespmem:s26+$0x52C0];
	v13 =	vmul.f32 v41, v7;
	v7 =	vmul.f32 v43, v7;
	[tilespmem:s26+$0x5150] =	vst v14  }
0xa1: {  	v44 =	vld [tilespmem:s26+$0x5330];
	[tilespmem:s26+$0x5160] =	vst v50  }
0xa2: {  	v45 =	vld [tilespmem:s26+$0x5190];
	[tilespmem:s26+$0x5180] =	vst v7;
	v7 =	vmul.f32 v46, v53  }
0xa3: {  	v47 =	vmul.f32 v1, v37;
	v37 =	vld [tilespmem:s26+$0x52F0];
	[tilespmem:s26+$0x5170] =	vst v13;
	v14 =	vmul.f32 v54, v57  }
0xa4: {  	v59 =	vld [tilespmem:s26+$0x5210];
	v38 =	vbroadcast v6, $0x8;
	v13 =	vmul.f32 v56, v57;
	[tilespmem:s26+$0x51A0] =	vst v7  }
0xa5: {  	v8 =	vadd.f32 v48, v47;
	v46 =	vld [tilespmem:s26+$0x5350];
	v7 =	vmul.f32 v51, v53;
	[tilespmem:s26+$0x51E0] =	vst v14  }
0xa6: {  	v60 =	vld [tilespmem:s26+$0x5220];
	v62 =	vmul.f32 v4, v57;
	v43 =	vmul.f32 v34, v38;
	[tilespmem:s26+$0x5200] =	vst v13  }
0xa7: {  	v48 =	vld [tilespmem:s26+$0x5360];
	v8 =	vmul.f32 v45, v8;
	[tilespmem:s26+$0x51C0] =	vst v7;
	v7 =	vmul.f32 v1, v53  }
0xa8: {  	v52 =	vbroadcast v6, $0x9;
	v10 =	vmul.f32 v37, v38;
	v50 =	vld [tilespmem:s26+$0x5370];
	[tilespmem:s26+$0x52D0] =	vst v43  }
0xa9: {  	v51 =	vld [tilespmem:s26+$0x5380];
	[tilespmem:s26+$0x5190] =	vst v8;
	v8 =	vmul.f32 v59, v57;
	v7 =	vadd.f32 v62, v7  }
0xaa: {  	v23 =	vld [tilespmem:s26+$0x5270];
	[tilespmem:s26+$0x52F0] =	vst v10;
	v55 =	vmul.f32 v46, v52  }
0xab: {  	v24 =	vld [tilespmem:s26+$0x5280];
	[tilespmem:s26+$0x5210] =	vst v8;
	v7 =	vmul.f32 v60, v7  }
0xac: {  	v26 =	vld [tilespmem:s26+$0x5290];
	v57 =	vmul.f32 v48, v52;
	[tilespmem:s26+$0x5350] =	vst v55  }
0xad: {  	v36 =	vld [tilespmem:s26+$0x52E0];
	v59 =	vmul.f32 v50, v52;
	[tilespmem:s26+$0x5220] =	vst v7;
	v7 =	vbroadcast v5, $0x7  }
0xae: {  	v40 =	vld [tilespmem:s26+$0x54C0];
	[tilespmem:s26+$0x5360] =	vst v57;
	v9 =	vmul.f32 v51, v52  }
0xaf: {  	v39 =	vld [tilespmem:s26+$0x5300];
	[tilespmem:s26+$0x5370] =	vst v59;
	v14 =	vmul.f32 v23, v7  }
0xb0: {  	v41 =	vld [tilespmem:s26+$0x5320];
	[tilespmem:s26+$0x5380] =	vst v9;
	v33 =	vmul.f32 v4, v7;
	v35 =	vmul.f32 v24, v7  }
0xb1: {  	v58 =	vld [tilespmem:s26+$0x53C0];
	v13 =	vmul.f32 v26, v7;
	v7 =	vmul.f32 v28, v7;
	[tilespmem:s26+$0x5270] =	vst v14  }
0xb2: {  	v20 =	vld [tilespmem:s26+$0x53F0];
	[tilespmem:s26+$0x5280] =	vst v35  }
0xb3: {  	v30 =	vld [tilespmem:s26+$0x52B0];
	[tilespmem:s26+$0x52A0] =	vst v7;
	v7 =	vmul.f32 v31, v38  }
0xb4: {  	v32 =	vmul.f32 v1, v22;
	v23 =	vld [tilespmem:s26+$0x5410];
	[tilespmem:s26+$0x5290] =	vst v13;
	v14 =	vmul.f32 v39, v42  }
0xb5: {  	v24 =	vbroadcast v6, $0xA;
	v26 =	vld [tilespmem:s26+$0x5430];
	v13 =	vmul.f32 v41, v42;
	[tilespmem:s26+$0x52C0] =	vst v7  }
0xb6: {  	v47 =	vmul.f32 v4, v42;
	v34 =	vld [tilespmem:s26+$0x5480];
	v8 =	vadd.f32 v33, v32;
	v7 =	vmul.f32 v36, v38;
	[tilespmem:s26+$0x5300] =	vst v14  }
0xb7: {  	v45 =	vld [tilespmem:s26+$0x5340];
	v28 =	vbroadcast v5, $0xA;
	v29 =	vmul.f32 v20, v24;
	[tilespmem:s26+$0x5320] =	vst v13  }
0xb8: {  	v32 =	vld [tilespmem:s26+$0x5470];
	v8 =	vmul.f32 v30, v8;
	[tilespmem:s26+$0x52E0] =	vst v7;
	v7 =	vmul.f32 v1, v38  }
0xb9: {  	v37 =	vld [tilespmem:s26+$0x54A0];
	[tilespmem:s26+$0x53F0] =	vst v29;
	v10 =	vmul.f32 v23, v24  }
0xba: {  	v53 =	vld [tilespmem:s26+$0x5390];
	v35 =	vmul.f32 v26, v28;
	[tilespmem:s26+$0x52B0] =	vst v8;
	v7 =	vadd.f32 v47, v7  }
0xbb: {  	v36 =	vld [tilespmem:s26+$0x5490];
	v8 =	vmul.f32 v44, v42;
	v38 =	vbroadcast v6, $0xB;
	[tilespmem:s26+$0x5410] =	vst v10  }
0xbc: {  	v54 =	vld [tilespmem:s26+$0x53A0];
	[tilespmem:s26+$0x5430] =	vst v35;
	v7 =	vmul.f32 v45, v7  }
0xbd: {  	v56 =	vld [tilespmem:s26+$0x53B0];
	[tilespmem:s26+$0x5330] =	vst v8;
	v41 =	vmul.f32 v32, v38  }
0xbe: {  	v61 =	vld [tilespmem:s26+$0x53E0];
	v43 =	vmul.f32 v34, v38;
	[tilespmem:s26+$0x5340] =	vst v7;
	v7 =	vbroadcast v5, $0x9  }
0xbf: {  	v27 =	vld [tilespmem:s26+$0x5440];
	v9 =	vmul.f32 v37, v38;
	[tilespmem:s26+$0x5470] =	vst v41  }
0xc0: {  	v22 =	vld [tilespmem:s26+$0x5400];
	v45 =	vmul.f32 v36, v38;
	[tilespmem:s26+$0x5480] =	vst v43;
	v14 =	vmul.f32 v53, v7  }
0xc1: {  	v25 =	vld [tilespmem:s26+$0x5420];
	[tilespmem:s26+$0x54A0] =	vst v9;
	v63 =	vmul.f32 v4, v7;
	v21 =	vmul.f32 v54, v7  }
0xc2: {  	v50 =	vld [tilespmem:s26+$0x5510];
	[tilespmem:s26+$0x5490] =	vst v45;
	v13 =	vmul.f32 v56, v7;
	v7 =	vmul.f32 v58, v7  }
0xc3: {  	v60 =	vld [tilespmem:s26+$0x53D0];
	[tilespmem:s26+$0x5390] =	vst v14  }
0xc4: {  	v31 =	vld [tilespmem:s26+$0x5460];
	[tilespmem:s26+$0x53C0] =	vst v7;
	v7 =	vmul.f32 v61, v24  }
0xc5: {  	v62 =	vmul.f32 v1, v52;
	v39 =	vld [tilespmem:s26+$0x54B0];
	[tilespmem:s26+$0x53A0] =	vst v21  }
0xc6: {  	v33 =	vmul.f32 v4, v28;
	v53 =	vld [tilespmem:s26+$0x5530];
	[tilespmem:s26+$0x53E0] =	vst v7;
	v7 =	vmul.f32 v22, v24  }
0xc7: {  	v20 =	vld [tilespmem:s26+$0x55A0];
	v54 =	vbroadcast v6, $0xC;
	[tilespmem:s26+$0x53B0] =	vst v13;
	v14 =	vmul.f32 v25, v28  }
0xc8: {  	v56 =	vld [tilespmem:s26+$0x5550];
	v8 =	vadd.f32 v63, v62;
	v13 =	vmul.f32 v27, v28;
	[tilespmem:s26+$0x5400] =	vst v7;
	v7 =	vmul.f32 v1, v24  }
0xc9: {  	v30 =	vld [tilespmem:s26+$0x5450];
	v59 =	vmul.f32 v50, v54;
	[tilespmem:s26+$0x5420] =	vst v14  }
0xca: {  	v62 =	vld [tilespmem:s26+$0x5590];
	v8 =	vmul.f32 v60, v8;
	[tilespmem:s26+$0x5440] =	vst v13;
	v7 =	vadd.f32 v33, v7  }
0xcb: {  	v23 =	vld [tilespmem:s26+$0x55C0];
	v58 =	vbroadcast v5, $0xC;
	[tilespmem:s26+$0x5510] =	vst v59;
	v10 =	vmul.f32 v53, v54  }
0xcc: {  	v42 =	vld [tilespmem:s26+$0x54D0];
	[tilespmem:s26+$0x53D0] =	vst v8;
	v7 =	vmul.f32 v31, v7  }
0xcd: {  	v44 =	vld [tilespmem:s26+$0x54E0];
	v21 =	vmul.f32 v56, v58;
	v24 =	vbroadcast v6, $0xD;
	[tilespmem:s26+$0x5530] =	vst v10  }
0xce: {  	v22 =	vld [tilespmem:s26+$0x55B0];
	v8 =	vmul.f32 v30, v28;
	[tilespmem:s26+$0x5460] =	vst v7;
	v7 =	vbroadcast v5, $0xB  }
0xcf: {  	v47 =	vld [tilespmem:s26+$0x5500];
	[tilespmem:s26+$0x5550] =	vst v21;
	v27 =	vmul.f32 v62, v24;
	v29 =	vmul.f32 v20, v24  }
0xd0: {  	v46 =	vld [tilespmem:s26+$0x54F0];
	[tilespmem:s26+$0x5450] =	vst v8;
	v9 =	vmul.f32 v23, v24;
	v14 =	vmul.f32 v39, v7  }
0xd1: {  	v52 =	vld [tilespmem:s26+$0x5520];
	[tilespmem:s26+$0x5590] =	vst v27;
	v49 =	vmul.f32 v4, v7;
	v51 =	vmul.f32 v40, v7  }
0xd2: {  	v55 =	vld [tilespmem:s26+$0x5540];
	[tilespmem:s26+$0x55A0] =	vst v29;
	v13 =	vmul.f32 v42, v7;
	v7 =	vmul.f32 v44, v7  }
0xd3: {  	v57 =	vld [tilespmem:s26+$0x5560];
	v31 =	vmul.f32 v22, v24;
	[tilespmem:s26+$0x55C0] =	vst v9  }
0xd4: {  	v26 =	vld [tilespmem:s26+$0x55E0];
	[tilespmem:s26+$0x54E0] =	vst v7;
	v7 =	vmul.f32 v47, v54  }
0xd5: {  	v36 =	vld [tilespmem:s26+$0x5630];
	[tilespmem:s26+$0x55B0] =	vst v31  }
0xd6: {  	v61 =	vld [tilespmem:s26+$0x5580];
	[tilespmem:s26+$0x5500] =	vst v7;
	v7 =	vmul.f32 v52, v54  }
0xd7: {  	v48 =	vmul.f32 v1, v38;
	v25 =	vld [tilespmem:s26+$0x55D0];
	[tilespmem:s26+$0x54B0] =	vst v14  }
0xd8: {  	v63 =	vmul.f32 v4, v58;
	v60 =	vld [tilespmem:s26+$0x5570];
	[tilespmem:s26+$0x5520] =	vst v7;
	v7 =	vmul.f32 v1, v54  }
0xd9: {  	v39 =	vld [tilespmem:s26+$0x5650];
	v40 =	vbroadcast v6, $0xE;
	[tilespmem:s26+$0x54C0] =	vst v51;
	v14 =	vmul.f32 v55, v58  }
0xda: {  	v42 =	vld [tilespmem:s26+$0x5670];
	[tilespmem:s26+$0x54D0] =	vst v13;
	v13 =	vmul.f32 v57, v58;
	v7 =	vadd.f32 v63, v7  }
0xdb: {  	v8 =	vadd.f32 v49, v48;
	v45 =	vmul.f32 v36, v40;
	v48 =	vld [tilespmem:s26+$0x56B0];
	[tilespmem:s26+$0x5540] =	vst v14  }
0xdc: {  	v28 =	vld [tilespmem:s26+$0x55F0];
	v44 =	vbroadcast v5, $0xE;
	[tilespmem:s26+$0x5560] =	vst v13;
	v7 =	vmul.f32 v61, v7  }
0xdd: {  	v30 =	vld [tilespmem:s26+$0x5600];
	v6 =	vbroadcast v6, $0xF;
	v8 =	vmul.f32 v46, v8;
	[tilespmem:s26+$0x5630] =	vst v45  }
0xde: {  	v52 =	vld [tilespmem:s26+$0x56D0];
	v10 =	vmul.f32 v39, v40;
	[tilespmem:s26+$0x5580] =	vst v7;
	v7 =	vbroadcast v5, $0xD  }
0xdf: {  	v33 =	vld [tilespmem:s26+$0x5620];
	v51 =	vmul.f32 v42, v44;
	[tilespmem:s26+$0x54F0] =	vst v8;
	v8 =	vmul.f32 v60, v58  }
0xe0: {  	[tilespmem:s26+$0x5650] =	vst v10;
	v55 =	vmul.f32 v48, v6;
	v14 =	vmul.f32 v25, v7  }
0xe1: {  	v38 =	vld [tilespmem:s26+$0x5640];
	[tilespmem:s26+$0x5670] =	vst v51;
	v35 =	vmul.f32 v4, v7;
	v37 =	vmul.f32 v26, v7  }
0xe2: {  	[tilespmem:s26+$0x5570] =	vst v8;
	v13 =	vmul.f32 v28, v7;
	v7 =	vmul.f32 v30, v7  }
0xe3: {  	[tilespmem:s26+$0x56B0] =	vst v55;
	v58 =	vmul.f32 v52, v6  }
0xe4: {  	v54 =	vld [tilespmem:s26+$0x56F0];
	[tilespmem:s26+$0x5600] =	vst v7;
	v7 =	vmul.f32 v33, v40  }
0xe5: {  	v57 =	vld [tilespmem:s26+$0x5710];
	[tilespmem:s26+$0x56D0] =	vst v58  }
0xe6: {  	v41 =	vld [tilespmem:s26+$0x5660];
	[tilespmem:s26+$0x5620] =	vst v7;
	v7 =	vmul.f32 v38, v40  }
0xe7: {  	v47 =	vld [tilespmem:s26+$0x56A0];
	v5 =	vbroadcast v5, $0xF;
	[tilespmem:s26+$0x55D0] =	vst v14  }
0xe8: {  	v43 =	vld [tilespmem:s26+$0x5680];
	v49 =	vmul.f32 v4, v44;
	[tilespmem:s26+$0x5640] =	vst v7;
	v7 =	vmul.f32 v1, v40  }
0xe9: {  	v50 =	vld [tilespmem:s26+$0x56C0];
	v60 =	vmul.f32 v54, v5;
	[tilespmem:s26+$0x55E0] =	vst v37  }
0xea: {  	v32 =	vld [tilespmem:s26+$0x5610];
	v63 =	vmul.f32 v57, v5;
	[tilespmem:s26+$0x55F0] =	vst v13;
	v7 =	vadd.f32 v49, v7  }
0xeb: {  	v53 =	vld [tilespmem:s26+$0x56E0];
	v34 =	vmul.f32 v1, v24;
	v14 =	vmul.f32 v41, v44;
	[tilespmem:s26+$0x56F0] =	vst v60  }
0xec: {  	v46 =	vld [tilespmem:s26+$0x5690];
	[tilespmem:s26+$0x5710] =	vst v63;
	v7 =	vmul.f32 v47, v7  }
0xed: {  	v56 =	vld [tilespmem:s26+$0x5700];
	v8 =	vadd.f32 v35, v34;
	v13 =	vmul.f32 v43, v44;
	[tilespmem:s26+$0x5660] =	vst v14  }
0xee: {  	v59 =	vld [tilespmem:s26+$0x5720];
	[tilespmem:s26+$0x56A0] =	vst v7;
	v7 =	vmul.f32 v50, v6  }
0xef: {  	v61 =	vld [tilespmem:s26+$0x5730];
	v62 =	vmul.f32 v4, v5;
	v8 =	vmul.f32 v32, v8;
	[tilespmem:s26+$0x5680] =	vst v13  }
0xf0: {  	[tilespmem:s26+$0x56C0] =	vst v7;
	v7 =	vmul.f32 v53, v6;
	v6 =	vmul.f32 v1, v6  }
0xf1: {  	p0 =	sne.s32 s25, $0x7;
	[tilespmem:s26+$0x5610] =	vst v8;
	v8 =	vmul.f32 v46, v44  }
.Ltmp1:
0xf2: {  	[tilespmem:s26+$0x56E0] =	vst v7;
	v7 =	vmul.f32 v56, v5;
	v6 =	vadd.f32 v62, v6;
	(pc) =	sbr.rel @p0 .LBB2_5-.Ltmp1, $4  }
0xf3: {  	[tilespmem:s26+$0x5690] =	vst v8;
	v5 =	vmul.f32 v59, v5  }
0xf4: {  	[tilespmem:s26+$0x5700] =	vst v7;
	v6 =	vmul.f32 v61, v6  }
0xf5: {  	[tilespmem:s26+$0x5720] =	vst v5  }
0xf6: {  	s25 =	sadd.s32 $0x1, s25;
	[tilespmem:s26+$0x5730] =	vst v6  }
0xf7: {  	s24 =	sadd.s32 $0x1, s24  }
0xf8: {  	p0 =	sne.s32 s24, $0x51  }
.Ltmp2:
0xf9: {  	_ = 	snop;
	(pc) =	sbr.rel @p0 .LBB2_4-.Ltmp2, $4  }
0xfa: {  	[spmem:s3] =	stream.indirect.scatter.add.f32 [tilespmem:s16], [sflag:$0x2], $0x90, s19, s20, $0xb8;
	[tilespmem:$0x1F760] =	vst v63  }
0xfb: {  	_ =	swait.ge [sflag:s17], $0x4800  }
0xfc: {  	[sflag:s17] =	ssyncset.done $0x0  }
0xfd: {  	[sflag:s17] =	ssyncadd.s32 $0xFFFFB800  }
0xfe: {  	s22 =	sadd.s32 $0x1, s22  }
0xff: {  	s23 =	sshll.u32 s0, $0x6;
	[bflag:$0x0] =	sbarrier.arrive $0xFFFF;
	p0 =	sne.s32 s22, s15  }
.Ltmp3:
0x100: {  	s24 =	sshrl.u32 s8, $0x3;
	s23 =	sor.u32 $0x1C02, s23;
	(pc) =	sbr.rel @p0 .LBB2_1-.Ltmp3, $4  }
0x101: {  	[hbm:s14], [sflag:s23] =	dma.local [spmem:s24], $0x2C04  }
0x102: {  	_ =	swait.ge [sflag:s17], $0x2C04  }
0x103: {  	[sflag:s17] =	ssyncset.done $0x0  }
0x104: {  	[sflag:s17] =	ssyncadd.s32 $0xFFFFD3FC  }
0x105: {  	_ =	sfence.sel $0x180000  }
0x106: {  	[bflag:$0x0] =	sbarrier.arrive $0xFFFF  }
0x107: {  	p0 =	sne.s32 s0, $0x0;
	_ =	strace $0x90000047  }
0x108: {  	s0 =	sadd.s32 @!p0 $0x100000, s1;
	[bflag:$0x2] =	sbarrier.arrive $0xFFFF  }
0x109: {  	[sflag:s0] =	ssyncadd.tile.s32 @!p0 $0x1;
	_ =	shalt  }
.Lfunc_end2:
_tile_overlayer_lowered:
.L_overlay_start_2:
0x10a: {  	(tag) =	ssettag $0x2  }
0x10b: {  	s0 =	rddreg [dreg:$0x0];
	s2 =	stileid.u32  }
0x10c: {  	s1 =	rddreg [dreg:$0x1];
	p0 =	sne.s32 s2, $0x0  }
0x10d: {  	s3 =	rddreg [dreg:$0x2];
	[bflag:$0x3] =	sbarrier.arrive $0xFFFF;
	s2 =	simm.s32 @!p0 $0x1C02  }
0x10e: {  	[timem:s3], [sflag:s2] =	dma.local @!p0 [hbm:s0], s1  }
0x10f: {  	s0 =	simm.s32 @!p0 $0x2  }
0x110: {  	_ =	swait.ge @!p0 [sflag:s0], s1  }
0x111: {  	s1 =	ssub.s32 @!p0 $0x0, s1;
	[sflag:s0] =	ssyncset.done @!p0 $0x0  }
0x112: {  	[sflag:s0] =	ssyncadd.s32 @!p0 s1  }
0x113: {  	[bflag:$0x3] =	sbarrier.arrive $0xFFFF  }
0x114: {  	_ =	shalt  }

</sc_bundles>
